<compile_context>
chip_gen: v7x
topology: tpu7x:2x2x1
jax: 0.10.2.dev20260603
libtpu: 0.0.44.dev20260713+nightly
codegen_flags: <defaults>
</compile_context>

<pallas_src>
import functools
import math

import jax
import jax.numpy as jnp
from jax import lax
from jax.experimental import pallas as pl
from jax.experimental.pallas import tpu as pltpu
from jax.experimental.pallas import tpu_sc as plsc

N = 50000
E = 800000
H = 64
HH = H // 2
NB = 8
NUM_ATOMS = 100
CUTOFF = 5.0

NC = 2
NS = 16
NW = NC * NS
CH = 128
NCHUNKS = E // CH
ROWS_A = 3128
ROWS_LAST = N - (NS - 1) * ROWS_A

BN = 2000
BR = 64
EP = 819200
ER = EP // 128

_SC_MESH = plsc.VectorSubcoreMesh(
    core_axis_name="c", subcore_axis_name="s", num_cores=NC, num_subcores=NS
)


def _silu(x):
    return x * (1.0 / (1.0 + jnp.exp(-x)))



_SC_PARAMS = pltpu.CompilerParams(use_tc_tiling_on_sc=False)
_D2_SLOTS = NCHUNKS // NW + 3


def _sc_edge_d2_body(ei_h, px_h, py_h, pz_h, d2_h, *sc):
    c = lax.axis_index("c")
    s = lax.axis_index("s")
    wid = s * NC + c
    names = ("rowi", "coli", "g", "d2v", "sidx", "sg", "swr")
    A = dict(zip(names, sc[0:7]))
    B = dict(zip(names, sc[7:14]))

    def valid(j):
        return jnp.logical_and(j >= 0, wid + j * NW < NCHUNKS)

    def chunk_of(j):
        cid = wid + j * NW
        return jnp.where(valid(j), cid, 0)

    def base_of(j):
        return pl.multiple_of(chunk_of(j) * CH, CH)

    def issue_idx(j, X):
        bs = base_of(j)
        pltpu.async_copy(ei_h.at[0, pl.ds(bs, CH)], X["rowi"], X["sidx"])
        pltpu.async_copy(ei_h.at[1, pl.ds(bs, CH)], X["coli"], X["sidx"])

    def wait_idx(X):
        pltpu.make_async_copy(ei_h.at[0, pl.ds(0, CH)], X["rowi"], X["sidx"]).wait()
        pltpu.make_async_copy(ei_h.at[1, pl.ds(0, CH)], X["coli"], X["sidx"]).wait()

    def issue_gathers(X):
        for k, (tb, ib) in enumerate(((px_h, "rowi"), (py_h, "rowi"),
                                      (pz_h, "rowi"), (px_h, "coli"),
                                      (py_h, "coli"), (pz_h, "coli"))):
            pltpu.async_copy(tb.at[X[ib]], X["g"].at[k], X["sg"])

    def wait_gathers(X):
        for k in range(6):
            pltpu.make_async_copy(px_h.at[X["rowi"]], X["g"].at[k],
                                  X["sg"]).wait()

    def compute_and_write(j, X):
        g = X["g"]
        d2v = X["d2v"]
        for t in range(CH // 16):
            sl = pl.ds(t * 16, 16)
            dx = g[0, sl] - g[3, sl]
            dy = g[1, sl] - g[4, sl]
            dz = g[2, sl] - g[5, sl]
            d2v[sl] = dx * dx + dy * dy + dz * dz
        pltpu.async_copy(d2v, d2_h.at[chunk_of(j)], X["swr"])

    def wait_write(X):
        pltpu.make_async_copy(X["d2v"], d2_h.at[0], X["swr"]).wait()

    def half(i, CUR, NXT):
        @pl.when(valid(i))
        def _():
            wait_idx(CUR)

        @pl.when(valid(i - 2))
        def _():
            wait_write(CUR)

        @pl.when(valid(i))
        def _():
            issue_gathers(CUR)

        @pl.when(valid(i - 1))
        def _():
            wait_gathers(NXT)
            compute_and_write(i - 1, NXT)

        @pl.when(valid(i + 1))
        def _():
            issue_idx(i + 1, NXT)

    issue_idx(0, A)

    @pl.loop(0, _D2_SLOTS // 2)
    def _pair(k):
        half(2 * k, A, B)
        half(2 * k + 1, B, A)

    @pl.when(valid(_D2_SLOTS - 2))
    def _():
        wait_write(A)

    @pl.when(valid(_D2_SLOTS - 1))
    def _():
        wait_write(B)


def _d2_scratch_set():
    return [
        pltpu.VMEM((CH,), jnp.int32),
        pltpu.VMEM((CH,), jnp.int32),
        pltpu.VMEM((6, CH), jnp.float32),
        pltpu.VMEM((CH,), jnp.float32),
        pltpu.SemaphoreType.DMA,
        pltpu.SemaphoreType.DMA,
        pltpu.SemaphoreType.DMA,
    ]


_sc_edge_d2 = functools.partial(
    pl.kernel,
    out_type=jax.ShapeDtypeStruct((ER, 128), jnp.float32),
    mesh=_SC_MESH,
    compiler_params=_SC_PARAMS,
    scratch_types=_d2_scratch_set() + _d2_scratch_set(),
)(_sc_edge_d2_body)



_MSG_SLOTS = NCHUNKS // NS + 4


def _sc_messages_body(ei_h, nf_h, rw_h, zer_h, agg_h, *sc):
    c = lax.axis_index("c")
    s = lax.axis_index("s")
    names = ("rowi", "rowsc", "coli", "nj", "rwv", "sidx", "sg", "sw", "ssc")
    A = dict(zip(names, sc[0:9]))
    B = dict(zip(names, sc[9:18]))
    agg_sh = sc[18]
    nf_c = nf_h.at[c]
    rw_c = rw_h.at[c]
    agg_c = agg_h.at[c]

    rbase = pl.multiple_of(s * ROWS_A, 8)

    @pl.when(s < NS - 1)
    def _():
        pltpu.sync_copy(zer_h, agg_sh.at[pl.ds(rbase, ROWS_A)])

    @pl.when(s == NS - 1)
    def _():
        pltpu.sync_copy(zer_h.at[pl.ds(0, ROWS_LAST)],
                        agg_sh.at[pl.ds(rbase, ROWS_LAST)])

    plsc.subcore_barrier()

    def valid(j):
        return jnp.logical_and(j >= 0, s + j * NS < NCHUNKS)

    def base_of(j):
        cid = s + j * NS
        cid = jnp.where(valid(j), cid, 0)
        return pl.multiple_of(cid * CH, CH)

    def issue_idx(j, X):
        bs = base_of(j)
        pltpu.async_copy(ei_h.at[0, pl.ds(bs, CH)], X["rowi"], X["sidx"])
        pltpu.async_copy(ei_h.at[1, pl.ds(bs, CH)], X["coli"], X["sidx"])

    def wait_idx(X):
        pltpu.make_async_copy(ei_h.at[0, pl.ds(0, CH)], X["rowi"], X["sidx"]).wait()
        pltpu.make_async_copy(ei_h.at[1, pl.ds(0, CH)], X["coli"], X["sidx"]).wait()

    def issue_loads(j, X):
        pltpu.async_copy(nf_c.at[X["coli"]], X["nj"], X["sg"])
        pltpu.async_copy(rw_c.at[pl.ds(base_of(j), CH)], X["rwv"], X["sw"])

    def wait_loads(X):
        pltpu.make_async_copy(nf_c.at[X["coli"]], X["nj"], X["sg"]).wait()
        pltpu.make_async_copy(rw_c.at[pl.ds(0, CH)], X["rwv"], X["sw"]).wait()

    def mult_scatter(X):
        nj = X["nj"]
        rwv = X["rwv"]
        lo = pl.ds(0, 16)
        hi = pl.ds(16, 16)

        @pl.loop(0, CH, unroll=8)
        def _mul(j):
            nj[j, lo] = nj[j, lo] * rwv[j, lo]
            nj[j, hi] = nj[j, hi] * rwv[j, hi]

        for t in range(CH // 16):
            sl = pl.ds(t * 16, 16)
            X["rowsc"][sl] = X["rowi"][sl]
        pltpu.async_copy(nj, agg_sh.at[X["rowsc"]], X["ssc"], add=True)

    def wait_scatter(X):
        pltpu.make_async_copy(X["nj"], agg_sh.at[X["rowsc"]], X["ssc"]).wait()

    def half(i, CUR, NXT):
        @pl.when(valid(i))
        def _():
            wait_idx(CUR)

        @pl.when(valid(i - 2))
        def _():
            wait_scatter(CUR)

        @pl.when(valid(i))
        def _():
            issue_loads(i, CUR)

        @pl.when(valid(i - 1))
        def _():
            wait_loads(NXT)
            mult_scatter(NXT)

        @pl.when(valid(i + 1))
        def _():
            issue_idx(i + 1, NXT)

    issue_idx(0, A)

    @pl.loop(0, _MSG_SLOTS // 2)
    def _pair(k):
        half(2 * k, A, B)
        half(2 * k + 1, B, A)

    plsc.subcore_barrier()

    @pl.when(s < NS - 1)
    def _():
        pltpu.sync_copy(agg_sh.at[pl.ds(rbase, ROWS_A)],
                        agg_c.at[pl.ds(rbase, ROWS_A)])

    @pl.when(s == NS - 1)
    def _():
        pltpu.sync_copy(agg_sh.at[pl.ds(rbase, ROWS_LAST)],
                        agg_c.at[pl.ds(rbase, ROWS_LAST)])


def _msg_scratch_set():
    return [
        pltpu.VMEM((CH,), jnp.int32),
        pltpu.VMEM((CH,), jnp.int32),
        pltpu.VMEM((CH,), jnp.int32),
        pltpu.VMEM((CH, HH), jnp.float32),
        pltpu.VMEM((CH, HH), jnp.float32),
        pltpu.SemaphoreType.DMA,
        pltpu.SemaphoreType.DMA,
        pltpu.SemaphoreType.DMA,
        pltpu.SemaphoreType.DMA,
    ]


_sc_messages = functools.partial(
    pl.kernel,
    out_type=jax.ShapeDtypeStruct((2, N, HH), jnp.float32),
    mesh=_SC_MESH,
    compiler_params=_SC_PARAMS,
    scratch_types=_msg_scratch_set() + _msg_scratch_set()
                  + [pltpu.VMEM_SHARED((N, HH), jnp.float32)],
)(_sc_messages_body)



def _tc_emb_body(an_ref, emb_ref, nf_ref):
    an = an_ref[...]
    ids = lax.broadcasted_iota(jnp.int32, (BN, NUM_ATOMS), 1)
    oh = (an == ids).astype(jnp.float32)
    nf = jnp.dot(oh, emb_ref[...], preferred_element_type=jnp.float32)
    nf_ref[0, :, :] = nf[:, :HH]
    nf_ref[1, :, :] = nf[:, HH:]


def _tc_radial_body(d2_ref, w0, b0, w1, b1, w2, b2, o_ref):
    d2 = d2_ref[...]
    d = jnp.sqrt(d2)
    th = d * (math.pi / CUTOFF)
    s1 = jnp.sin(th)
    c1 = jnp.cos(th)
    cut = 0.5 * (c1 + 1.0)
    cut = cut * (d < CUTOFF).astype(jnp.float32)
    g = cut / jnp.clip(d, 1e-8, None)
    two_c = 2.0 * c1
    bs = []
    sk_m1 = jnp.zeros_like(s1)
    sk = s1
    for _ in range(NB):
        bs.append(sk * g)
        sk, sk_m1 = two_c * sk - sk_m1, sk
    rbf_t = jnp.stack(bs, axis=0).reshape(NB, BR * 128)
    rbf = jnp.transpose(rbf_t, (1, 0))
    h = _silu(jnp.dot(rbf, w0[...], preferred_element_type=jnp.float32)
              + b0[...])
    h = _silu(jnp.dot(h, w1[...], preferred_element_type=jnp.float32)
              + b1[...])
    rw = jnp.dot(h, w2[...], preferred_element_type=jnp.float32) + b2[...]
    o_ref[0, :, :] = rw[:, :HH]
    o_ref[1, :, :] = rw[:, HH:]


def _tc_update_body(nf_ref, agg_ref, wn_ref, wa_ref, b_ref, lnw_ref, lnb_ref,
                    out_ref):
    nf = jnp.concatenate([nf_ref[0], nf_ref[1]], axis=-1)
    ag = jnp.concatenate([agg_ref[0], agg_ref[1]], axis=-1)
    upd = (jnp.dot(nf, wn_ref[...], preferred_element_type=jnp.float32)
           + jnp.dot(ag, wa_ref[...], preferred_element_type=jnp.float32)
           + b_ref[...])
    x = nf + upd
    m = jnp.mean(x, axis=-1, keepdims=True)
    v = jnp.mean((x - m) ** 2, axis=-1, keepdims=True)
    y = (x - m) / jnp.sqrt(v + 1e-5) * lnw_ref[...] + lnb_ref[...]
    out_ref[0, :, :] = y[:, :HH]
    out_ref[1, :, :] = y[:, HH:]


def _tc_readout_body(nf_ref, an_ref, w0_ref, b0_ref, w1_ref, b1_ref, ae_ref,
                     out_ref):
    nf = jnp.concatenate([nf_ref[0], nf_ref[1]], axis=-1)
    t = _silu(jnp.dot(nf, w0_ref[...], preferred_element_type=jnp.float32)
              + b0_ref[...])
    e = jnp.dot(t, w1_ref[...], preferred_element_type=jnp.float32) + b1_ref[...]
    an = an_ref[...]
    ids = lax.broadcasted_iota(jnp.int32, (BN, NUM_ATOMS), 1)
    oh = (an == ids).astype(jnp.float32)
    e = e + jnp.dot(oh, ae_ref[...], preferred_element_type=jnp.float32)

    @pl.when(pl.program_id(0) == 0)
    def _():
        out_ref[...] = jnp.zeros_like(out_ref)

    out_ref[...] = out_ref[...] + jnp.sum(e).reshape(1, 1)


def _full(shape):
    return pl.BlockSpec(shape, lambda i: tuple(0 for _ in shape))


def _tc_emb(an2, emb):
    return pl.pallas_call(
        _tc_emb_body,
        grid=(N // BN,),
        in_specs=[pl.BlockSpec((BN, 1), lambda i: (i, 0)),
                  _full((NUM_ATOMS, H))],
        out_specs=pl.BlockSpec((2, BN, HH), lambda i: (0, i, 0)),
        out_shape=jax.ShapeDtypeStruct((2, N, HH), jnp.float32),
    )(an2, emb)


def _tc_radial(d2, wts):
    return pl.pallas_call(
        _tc_radial_body,
        grid=(ER // BR,),
        in_specs=[pl.BlockSpec((BR, 128), lambda i: (i, 0))]
                 + [_full(w.shape) for w in wts],
        out_specs=pl.BlockSpec((2, BR * 128, HH), lambda i: (0, i, 0)),
        out_shape=jax.ShapeDtypeStruct((2, EP, HH), jnp.float32),
    )(d2, *wts)


def _tc_update(nf, agg, wts):
    return pl.pallas_call(
        _tc_update_body,
        grid=(N // BN,),
        in_specs=[pl.BlockSpec((2, BN, HH), lambda i: (0, i, 0))] * 2
                 + [_full(w.shape) for w in wts],
        out_specs=pl.BlockSpec((2, BN, HH), lambda i: (0, i, 0)),
        out_shape=jax.ShapeDtypeStruct((2, N, HH), jnp.float32),
    )(nf, agg, *wts)


def _tc_readout(nf, an2, wts):
    return pl.pallas_call(
        _tc_readout_body,
        grid=(N // BN,),
        in_specs=[pl.BlockSpec((2, BN, HH), lambda i: (0, i, 0)),
                  pl.BlockSpec((BN, 1), lambda i: (i, 0))]
                 + [_full(w.shape) for w in wts],
        out_specs=pl.BlockSpec((1, 1), lambda i: (0, 0)),
        out_shape=jax.ShapeDtypeStruct((1, 1), jnp.float32),
    )(nf, an2, *wts)



def kernel(atomic_numbers, pos, edge_index, params):
    px, py, pz = pos[:, 0], pos[:, 1], pos[:, 2]
    an2 = atomic_numbers.reshape(N, 1)

    d2 = _sc_edge_d2(edge_index, px, py, pz)
    nf = _tc_emb(an2, params["emb"])

    zer = jnp.zeros((ROWS_A, HH), jnp.float32)
    for li, lp in enumerate(params["layers"]):
        w2f = lp["rn2"]["w"].reshape(H, H, 3).sum(-1)
        b2f = lp["rn2"]["b"].reshape(H, 3).sum(-1)
        rw = _tc_radial(d2, [lp["rn0"]["w"], lp["rn0"]["b"].reshape(1, H),
                             lp["rn1"]["w"], lp["rn1"]["b"].reshape(1, H),
                             w2f, b2f.reshape(1, H)])
        agg = _sc_messages(edge_index, nf, rw, zer)
        uwts = [lp["lin"]["w"][:H], lp["lin"]["w"][H:],
                lp["lin"]["b"].reshape(1, H),
                lp["ln_w"].reshape(1, H), lp["ln_b"].reshape(1, H)]
        nf = _tc_update(nf, agg, uwts)

    owts = [params["ro0"]["w"], params["ro0"]["b"].reshape(1, H),
            params["ro1"]["w"], params["ro1"]["b"].reshape(1, 1),
            params["atomic_e"]]
    tot = _tc_readout(nf, an2, owts)
    return tot[0, 0] * params["scale"] + params["shift"]

# --- scband reference (transcript-rebuilt; emitter-appended) ---
"""Pipeline reference for scband-mace-7275674599670 (READ-ONLY COPY).

The authoritative reference and input builder live on the scoring server;
editing this copy changes nothing except your own understanding.
"""

import jax, jax.numpy as jnp
import numpy as np
import math

N = 50000
E = 800000
H = 64
NB = 8
LMAX = 2
MAX_ELL = 3
NUM_ATOMS = 100
CUTOFF = 5.0


def _lin_init(key, in_d, out_d):
    w = jax.random.normal(key, (in_d, out_d), jnp.float32) / jnp.sqrt(float(in_d))
    b = jnp.zeros((out_d,), jnp.float32)
    return {"w": w, "b": b}


def init_params(key):
    ks = jax.random.split(key, 32)
    it = iter(ks)
    layers = []
    for _ in range(2):
        layers.append({
            "rn0": _lin_init(next(it), NB, H),
            "rn1": _lin_init(next(it), H, H),
            "rn2": _lin_init(next(it), H, H * (LMAX + 1)),
            "lin": _lin_init(next(it), 2 * H, H),
            "ln_w": jnp.ones((H,), jnp.float32),
            "ln_b": jnp.zeros((H,), jnp.float32),
        })
    params = {
        "emb": jax.random.normal(next(it), (NUM_ATOMS, H), jnp.float32),
        "atomic_e": jax.random.normal(next(it), (NUM_ATOMS, 1), jnp.float32),
        "layers": layers,
        "ro0": _lin_init(next(it), H, H),
        "ro1": _lin_init(next(it), H, 1),
        "scale": jnp.array(1.0, jnp.float32),
        "shift": jnp.array(0.0, jnp.float32),
    }
    return params


def setup_inputs(seed: int = 0) -> dict:
    key = jax.random.key(seed)
    k0, k1, k2, k3 = jax.random.split(key, 4)
    atomic_numbers = jax.random.randint(k0, (N,), 0, NUM_ATOMS)
    pos = jax.random.normal(k1, (N, 3), dtype=jnp.float32)
    edge_index = jax.random.randint(k2, (2, E), 0, N)
    params = init_params(k3)
    return {"atomic_numbers": atomic_numbers, "pos": pos, "edge_index": edge_index, "params": params}


def silu(x):
    return x * jax.nn.sigmoid(x)


def linear(p, x):
    return x @ p["w"] + p["b"]


def layer_norm(x, w, b, eps=1e-5):
    m = jnp.mean(x, axis=-1, keepdims=True)
    v = jnp.mean((x - m) ** 2, axis=-1, keepdims=True)
    return (x - m) / jnp.sqrt(v + eps) * w + b


def radial_basis(d):
    cut = 0.5 * (jnp.cos(d * math.pi / CUTOFF) + 1.0)
    cut = cut * (d < CUTOFF).astype(jnp.float32)
    roots = jnp.arange(1, NB + 1, dtype=jnp.float32) * math.pi
    x = d * roots / CUTOFF
    basis = jnp.sin(x) / jnp.clip(d, 1e-8, None)
    return basis * cut


def spherical_harmonics(edge_vec):
    r = jnp.clip(jnp.linalg.norm(edge_vec, axis=-1), 1e-8, None)
    x = edge_vec[:, 0] / r
    y = edge_vec[:, 1] / r
    z = edge_vec[:, 2] / r
    sh = [jnp.ones_like(x) * 0.28209479177387814]
    sh.extend([-0.4886025119029199 * y, 0.4886025119029199 * z, -0.4886025119029199 * x])
    x2, y2, z2 = x ** 2, y ** 2, z ** 2
    xy, xz, yz = x * y, x * z, y * z
    sh.extend([1.0925484305920792 * xy, -1.0925484305920792 * yz,
               0.94617469575756 * z2 - 0.31539156525252 * (x2 + y2),
               -1.0925484305920792 * xz, 0.5462742152960396 * (x2 - y2)])
    sh.extend([0.5900435899266435 * y * (3 * x2 - y2), 2.890611442640554 * xy * z,
               0.4570457994644658 * y * (4 * z2 - x2 - y2),
               0.3731763325901154 * z * (2 * z2 - 3 * x2 - 3 * y2),
               0.4570457994644658 * x * (4 * z2 - x2 - y2),
               1.445305721320277 * z * (x2 - y2),
               0.5900435899266435 * x * (x2 - 3 * y2)])
    return jnp.stack(sh, axis=-1)


def mace_forward(atomic_numbers, pos, edge_index, params):
    row = edge_index[0]
    col = edge_index[1]
    edge_vec = pos[col] - pos[row]
    edge_length = jnp.linalg.norm(edge_vec, axis=-1, keepdims=True)
    edge_rbf = radial_basis(edge_length)
    edge_sh = spherical_harmonics(edge_vec)  # computed as in original forward (unused downstream)
    node_feats = params["emb"][atomic_numbers]
    for lp in params["layers"]:
        h = silu(linear(lp["rn0"], edge_rbf))
        h = silu(linear(lp["rn1"], h))
        radial_weights = linear(lp["rn2"], h)
        node_j = node_feats[col]
        messages = (node_j[:, :, None] * radial_weights.reshape(-1, H, LMAX + 1)).sum(axis=-1)
        aggregated = jnp.zeros_like(node_feats).at[row].add(messages)
        product_input = jnp.concatenate([node_feats, aggregated], axis=-1)
        updated = linear(lp["lin"], product_input)
        node_feats = layer_norm(node_feats + updated, lp["ln_w"], lp["ln_b"])
    ae = linear(params["ro1"], silu(linear(params["ro0"], node_feats)))
    ae = ae + params["atomic_e"][atomic_numbers]
    total_energy = ae.sum()
    return total_energy * params["scale"] + params["shift"]


def reference(atomic_numbers, pos, edge_index, params):
    return mace_forward(atomic_numbers, pos, edge_index, params)

if __name__ == "__main__":
    import jax
    _d = setup_inputs()
    print(jax.jit(kernel)(*tuple(_d.values())))

</pallas_src>

<mosaic_0001>
#map = affine_map<(d0, d1) -> (0, 0)>
#map1 = affine_map<(d0, d1) -> (0, 0, 0)>
module attributes {stable_mosaic.version = 14 : i64} {
  func.func @_sc_messages_body(%arg0: i32, %arg1: i32, %arg2: memref<2x800000xi32, #tpu.memory_space<hbm>>, %arg3: memref<2x50000x32xf32, #tpu.memory_space<hbm>>, %arg4: memref<2x819200x32xf32, #tpu.memory_space<hbm>>, %arg5: memref<3128x32xf32, #tpu.memory_space<hbm>>, %arg6: memref<2x50000x32xf32, #tpu.memory_space<hbm>>, %arg7: memref<128xi32, #tpu.memory_space<vmem>>, %arg8: memref<128xi32, #tpu.memory_space<vmem>>, %arg9: memref<128xi32, #tpu.memory_space<vmem>>, %arg10: memref<128x32xf32, #tpu.memory_space<vmem>>, %arg11: memref<128x32xf32, #tpu.memory_space<vmem>>, %arg12: memref<!tpu.dma_semaphore, #tpu.memory_space<semaphore_mem>>, %arg13: memref<!tpu.dma_semaphore, #tpu.memory_space<semaphore_mem>>, %arg14: memref<!tpu.dma_semaphore, #tpu.memory_space<semaphore_mem>>, %arg15: memref<!tpu.dma_semaphore, #tpu.memory_space<semaphore_mem>>, %arg16: memref<128xi32, #tpu.memory_space<vmem>>, %arg17: memref<128xi32, #tpu.memory_space<vmem>>, %arg18: memref<128xi32, #tpu.memory_space<vmem>>, %arg19: memref<128x32xf32, #tpu.memory_space<vmem>>, %arg20: memref<128x32xf32, #tpu.memory_space<vmem>>, %arg21: memref<!tpu.dma_semaphore, #tpu.memory_space<semaphore_mem>>, %arg22: memref<!tpu.dma_semaphore, #tpu.memory_space<semaphore_mem>>, %arg23: memref<!tpu.dma_semaphore, #tpu.memory_space<semaphore_mem>>, %arg24: memref<!tpu.dma_semaphore, #tpu.memory_space<semaphore_mem>>, %arg25: memref<50000x32xf32, #tpu.memory_space<vmem_shared>>) attributes {dimension_semantics = [#tpu.dimension_semantics<core_parallel>, #tpu.dimension_semantics<subcore_parallel>], iteration_bounds = array<i64: 2, 16>, scalar_prefetch = 0 : i64, scratch_operands = 19 : i64, tpu.core_type = #tpu.core_type<sc_vector_subcore>, window_params = [{transform_indices = #map}, {transform_indices = #map1}, {transform_indices = #map1}, {transform_indices = #map}, {transform_indices = #map1}]} {
    %mul3A = arith.constant 3128 : i32
    %mul3A_0 = arith.muli %arg1, %mul3A : i32
    %multiple_of3A = tpu.assume_multiple %mul3A_0, 8 : i32
    %lt3A = arith.constant 15 : i32
    %lt3A_1 = arith.cmpi slt, %arg1, %lt3A : i32
    %convert_element_type3A = arith.extui %lt3A_1 : i1 to i32
    %cond3A = arith.constant 0 : i32
    %cond3A_2 = arith.cmpi ne, %convert_element_type3A, %cond3A : i32
    scf.if %cond3A_2 {
      "tpu.region"() ({
        %run_scoped3A = tpu.sem_alloc : memref<!tpu.dma_semaphore, #tpu.memory_space<semaphore_mem>>
        %dma_start3A_40 = arith.constant 0 : i32
        %dma_start3A_41 = tpu.memref_slice %arg25[%multiple_of3A, %dma_start3A_40] : memref<50000x32xf32, #tpu.memory_space<vmem_shared>> -> memref<3128x32xf32, #tpu.memory_space<vmem_shared>>
        tpu.enqueue_dma source(%arg5 : memref<3128x32xf32, #tpu.memory_space<hbm>>) target(%dma_start3A_41 : memref<3128x32xf32, #tpu.memory_space<vmem_shared>>) target_semaphore(%run_scoped3A : memref<!tpu.dma_semaphore, #tpu.memory_space<semaphore_mem>>)
        %dma_wait3A = arith.constant 0 : i32
        %dma_wait3A_42 = tpu.memref_slice %arg25[%multiple_of3A, %dma_wait3A] : memref<50000x32xf32, #tpu.memory_space<vmem_shared>> -> memref<3128x32xf32, #tpu.memory_space<vmem_shared>>
        tpu.wait_dma2 semaphore(%run_scoped3A : memref<!tpu.dma_semaphore, #tpu.memory_space<semaphore_mem>>) src(%arg5 : memref<3128x32xf32, #tpu.memory_space<hbm>>) dst(%dma_wait3A_42 : memref<3128x32xf32, #tpu.memory_space<vmem_shared>>)
        tpu.yield
      }) : () -> ()
    } else {
    }
    %eq3A = arith.constant 15 : i32
    %eq3A_3 = arith.cmpi eq, %arg1, %eq3A : i32
    %convert_element_type3A_4 = arith.extui %eq3A_3 : i1 to i32
    %cond3A_5 = arith.constant 0 : i32
    %cond3A_6 = arith.cmpi ne, %convert_element_type3A_4, %cond3A_5 : i32
    scf.if %cond3A_6 {
      "tpu.region"() ({
        %run_scoped3A = tpu.sem_alloc : memref<!tpu.dma_semaphore, #tpu.memory_space<semaphore_mem>>
        %dma_start3A_40 = arith.constant 0 : i32
        %dma_start3A_41 = tpu.memref_slice %arg25[%multiple_of3A, %dma_start3A_40] : memref<50000x32xf32, #tpu.memory_space<vmem_shared>> -> memref<3080x32xf32, #tpu.memory_space<vmem_shared>>
        %dma_start3A_42 = arith.constant 0 : i32
        %dma_start3A_43 = arith.constant 0 : i32
        %dma_start3A_44 = tpu.memref_slice %arg5[%dma_start3A_42, %dma_start3A_43] : memref<3128x32xf32, #tpu.memory_space<hbm>> -> memref<3080x32xf32, #tpu.memory_space<hbm>>
        tpu.enqueue_dma source(%dma_start3A_44 : memref<3080x32xf32, #tpu.memory_space<hbm>>) target(%dma_start3A_41 : memref<3080x32xf32, #tpu.memory_space<vmem_shared>>) target_semaphore(%run_scoped3A : memref<!tpu.dma_semaphore, #tpu.memory_space<semaphore_mem>>)
        %dma_wait3A = arith.constant 0 : i32
        %dma_wait3A_45 = tpu.memref_slice %arg25[%multiple_of3A, %dma_wait3A] : memref<50000x32xf32, #tpu.memory_space<vmem_shared>> -> memref<3080x32xf32, #tpu.memory_space<vmem_shared>>
        %dma_wait3A_46 = arith.constant 0 : i32
        %dma_wait3A_47 = arith.constant 0 : i32
        %dma_wait3A_48 = tpu.memref_slice %arg5[%dma_wait3A_46, %dma_wait3A_47] : memref<3128x32xf32, #tpu.memory_space<hbm>> -> memref<3080x32xf32, #tpu.memory_space<hbm>>
        tpu.wait_dma2 semaphore(%run_scoped3A : memref<!tpu.dma_semaphore, #tpu.memory_space<semaphore_mem>>) src(%dma_wait3A_48 : memref<3080x32xf32, #tpu.memory_space<hbm>>) dst(%dma_wait3A_45 : memref<3080x32xf32, #tpu.memory_space<vmem_shared>>)
        tpu.yield
      }) : () -> ()
    } else {
    }
    %barrier3A = arith.constant 0 : index
    tpu.barrier barrier_id(%barrier3A)
    %add3A = arith.constant 0 : i32
    %add3A_7 = arith.addi %arg1, %add3A : i32
    %add3A_8 = arith.constant 0 : i32
    %add3A_9 = arith.addi %arg1, %add3A_8 : i32
    %lt3A_10 = arith.constant 6250 : i32
    %lt3A_11 = arith.cmpi slt, %add3A_9, %lt3A_10 : i32
    %and3A = arith.constant true
    %and3A_12 = arith.andi %and3A, %lt3A_11 : i1
    %jit3A = arith.constant 0 : i32
    %select_n3A = arith.select %and3A_12, %add3A_7, %jit3A : i32
    %mul3A_13 = arith.constant 128 : i32
    %mul3A_14 = arith.muli %select_n3A, %mul3A_13 : i32
    %multiple_of3A_15 = tpu.assume_multiple %mul3A_14, 128 : i32
    %dma_start3A = arith.constant 0 : i32
    %dma_start3A_16 = tpu.memref_slice %arg2[%dma_start3A, %multiple_of3A_15] : memref<2x800000xi32, #tpu.memory_space<hbm>> -> memref<1x128xi32, #tpu.memory_space<hbm>>
    %dma_start3A_17 = tpu.memref_squeeze %dma_start3A_16 : memref<1x128xi32, #tpu.memory_space<hbm>> -> memref<128xi32, #tpu.memory_space<hbm>>
    %dma_start3A_18 = tpu.memref_slice %arg2[%dma_start3A, %multiple_of3A_15] : memref<2x800000xi32, #tpu.memory_space<hbm>> -> memref<1x128xi32, #tpu.memory_space<hbm>>
    %dma_start3A_19 = tpu.memref_squeeze %dma_start3A_18 : memref<1x128xi32, #tpu.memory_space<hbm>> -> memref<128xi32, #tpu.memory_space<hbm>>
    tpu.enqueue_dma source(%dma_start3A_19 : memref<128xi32, #tpu.memory_space<hbm>>) target(%arg7 : memref<128xi32, #tpu.memory_space<vmem>>) target_semaphore(%arg12 : memref<!tpu.dma_semaphore, #tpu.memory_space<semaphore_mem>>)
    %dma_start3A_20 = arith.constant 1 : i32
    %dma_start3A_21 = tpu.memref_slice %arg2[%dma_start3A_20, %multiple_of3A_15] : memref<2x800000xi32, #tpu.memory_space<hbm>> -> memref<1x128xi32, #tpu.memory_space<hbm>>
    %dma_start3A_22 = tpu.memref_squeeze %dma_start3A_21 : memref<1x128xi32, #tpu.memory_space<hbm>> -> memref<128xi32, #tpu.memory_space<hbm>>
    %dma_start3A_23 = tpu.memref_slice %arg2[%dma_start3A_20, %multiple_of3A_15] : memref<2x800000xi32, #tpu.memory_space<hbm>> -> memref<1x128xi32, #tpu.memory_space<hbm>>
    %dma_start3A_24 = tpu.memref_squeeze %dma_start3A_23 : memref<1x128xi32, #tpu.memory_space<hbm>> -> memref<128xi32, #tpu.memory_space<hbm>>
    tpu.enqueue_dma source(%dma_start3A_24 : memref<128xi32, #tpu.memory_space<hbm>>) target(%arg9 : memref<128xi32, #tpu.memory_space<vmem>>) target_semaphore(%arg12 : memref<!tpu.dma_semaphore, #tpu.memory_space<semaphore_mem>>)
    %scan3A = arith.constant 0 : i32
    %scan3A_25 = arith.constant 197 : i32
    %scan3A_26 = arith.addi %scan3A, %scan3A_25 : i32
    %scan3A_27 = arith.constant 1 : i32
    scf.for %scan3A_40 = %scan3A to %scan3A_26 step %scan3A_27  : i32 {
      %mul3A_41 = arith.constant 1 : i32
      %mul3A_42 = arith.muli %scan3A_40, %mul3A_41 : i32
      %add3A_43 = arith.constant 0 : i32
      %add3A_44 = arith.addi %add3A_43, %mul3A_42 : i32
      %mul3A_45 = arith.constant 2 : i32
      %mul3A_46 = arith.muli %mul3A_45, %add3A_44 : i32
      %ge3A = arith.constant 0 : i32
      %ge3A_47 = arith.cmpi sge, %mul3A_46, %ge3A : i32
      %mul3A_48 = arith.constant 16 : i32
      %mul3A_49 = arith.muli %mul3A_46, %mul3A_48 : i32
      %add3A_50 = arith.addi %arg1, %mul3A_49 : i32
      %lt3A_51 = arith.constant 6250 : i32
      %lt3A_52 = arith.cmpi slt, %add3A_50, %lt3A_51 : i32
      %and3A_53 = arith.andi %ge3A_47, %lt3A_52 : i1
      %convert_element_type3A_54 = arith.extui %and3A_53 : i1 to i32
      %cond3A_55 = arith.constant 0 : i32
      %cond3A_56 = arith.cmpi ne, %convert_element_type3A_54, %cond3A_55 : i32
      scf.if %cond3A_56 {
        %dma_wait3A = arith.constant 0 : i32
        %dma_wait3A_171 = arith.constant 0 : i32
        %dma_wait3A_172 = tpu.memref_slice %arg2[%dma_wait3A, %dma_wait3A_171] : memref<2x800000xi32, #tpu.memory_space<hbm>> -> memref<1x128xi32, #tpu.memory_space<hbm>>
        %dma_wait3A_173 = tpu.memref_squeeze %dma_wait3A_172 : memref<1x128xi32, #tpu.memory_space<hbm>> -> memref<128xi32, #tpu.memory_space<hbm>>
        %dma_wait3A_174 = arith.constant 0 : i32
        %dma_wait3A_175 = tpu.memref_slice %arg2[%dma_wait3A, %dma_wait3A_174] : memref<2x800000xi32, #tpu.memory_space<hbm>> -> memref<1x128xi32, #tpu.memory_space<hbm>>
        %dma_wait3A_176 = tpu.memref_squeeze %dma_wait3A_175 : memref<1x128xi32, #tpu.memory_space<hbm>> -> memref<128xi32, #tpu.memory_space<hbm>>
        tpu.wait_dma2 semaphore(%arg12 : memref<!tpu.dma_semaphore, #tpu.memory_space<semaphore_mem>>) src(%dma_wait3A_176 : memref<128xi32, #tpu.memory_space<hbm>>) dst(%arg7 : memref<128xi32, #tpu.memory_space<vmem>>)
        %dma_wait3A_177 = arith.constant 1 : i32
        %dma_wait3A_178 = arith.constant 0 : i32
        %dma_wait3A_179 = tpu.memref_slice %arg2[%dma_wait3A_177, %dma_wait3A_178] : memref<2x800000xi32, #tpu.memory_space<hbm>> -> memref<1x128xi32, #tpu.memory_space<hbm>>
        %dma_wait3A_180 = tpu.memref_squeeze %dma_wait3A_179 : memref<1x128xi32, #tpu.memory_space<hbm>> -> memref<128xi32, #tpu.memory_space<hbm>>
        %dma_wait3A_181 = arith.constant 0 : i32
        %dma_wait3A_182 = tpu.memref_slice %arg2[%dma_wait3A_177, %dma_wait3A_181] : memref<2x800000xi32, #tpu.memory_space<hbm>> -> memref<1x128xi32, #tpu.memory_space<hbm>>
        %dma_wait3A_183 = tpu.memref_squeeze %dma_wait3A_182 : memref<1x128xi32, #tpu.memory_space<hbm>> -> memref<128xi32, #tpu.memory_space<hbm>>
        tpu.wait_dma2 semaphore(%arg12 : memref<!tpu.dma_semaphore, #tpu.memory_space<semaphore_mem>>) src(%dma_wait3A_183 : memref<128xi32, #tpu.memory_space<hbm>>) dst(%arg9 : memref<128xi32, #tpu.memory_space<vmem>>)
      } else {
      }
      %sub3A = arith.constant 2 : i32
      %sub3A_57 = arith.subi %mul3A_46, %sub3A : i32
      %ge3A_58 = arith.constant 0 : i32
      %ge3A_59 = arith.cmpi sge, %sub3A_57, %ge3A_58 : i32
      %mul3A_60 = arith.constant 16 : i32
      %mul3A_61 = arith.muli %sub3A_57, %mul3A_60 : i32
      %add3A_62 = arith.addi %arg1, %mul3A_61 : i32
      %lt3A_63 = arith.constant 6250 : i32
      %lt3A_64 = arith.cmpi slt, %add3A_62, %lt3A_63 : i32
      %and3A_65 = arith.andi %ge3A_59, %lt3A_64 : i1
      %convert_element_type3A_66 = arith.extui %and3A_65 : i1 to i32
      %cond3A_67 = arith.constant 0 : i32
      %cond3A_68 = arith.cmpi ne, %convert_element_type3A_66, %cond3A_67 : i32
      scf.if %cond3A_68 {
        %dma_wait3A = arith.constant 0 : i32
        %dma_wait3A_171 = arith.constant 0 : i32
        %dma_wait3A_172 = tpu.memref_slice %arg25[%dma_wait3A, %dma_wait3A_171] : memref<50000x32xf32, #tpu.memory_space<vmem_shared>> -> memref<50000x32xf32, #tpu.memory_space<vmem_shared>>
        tpu.wait_indirect_dma semaphore(%arg15 : memref<!tpu.dma_semaphore, #tpu.memory_space<semaphore_mem>>) src(%arg10 : memref<128x32xf32, #tpu.memory_space<vmem>>) dst(%dma_wait3A_172 : memref<50000x32xf32, #tpu.memory_space<vmem_shared>>)
      } else {
      }
      %ge3A_69 = arith.constant 0 : i32
      %ge3A_70 = arith.cmpi sge, %mul3A_46, %ge3A_69 : i32
      %mul3A_71 = arith.constant 16 : i32
      %mul3A_72 = arith.muli %mul3A_46, %mul3A_71 : i32
      %add3A_73 = arith.addi %arg1, %mul3A_72 : i32
      %lt3A_74 = arith.constant 6250 : i32
      %lt3A_75 = arith.cmpi slt, %add3A_73, %lt3A_74 : i32
      %and3A_76 = arith.andi %ge3A_70, %lt3A_75 : i1
      %convert_element_type3A_77 = arith.extui %and3A_76 : i1 to i32
      %cond3A_78 = arith.constant 0 : i32
      %cond3A_79 = arith.cmpi ne, %convert_element_type3A_77, %cond3A_78 : i32
      scf.if %cond3A_79 {
        %dma_start3A_171 = arith.constant 0 : i32
        %dma_start3A_172 = arith.constant 0 : i32
        %dma_start3A_173 = tpu.memref_slice %arg3[%arg0, %dma_start3A_171, %dma_start3A_172] : memref<2x50000x32xf32, #tpu.memory_space<hbm>> -> memref<1x50000x32xf32, #tpu.memory_space<hbm>>
        %dma_start3A_174 = tpu.memref_squeeze %dma_start3A_173 : memref<1x50000x32xf32, #tpu.memory_space<hbm>> -> memref<50000x32xf32, #tpu.memory_space<hbm>>
        %dma_start3A_175 = arith.constant 0 : i32
        %dma_start3A_176 = arith.constant 0 : i32
        %dma_start3A_177 = tpu.memref_slice %dma_start3A_174[%dma_start3A_175, %dma_start3A_176] : memref<50000x32xf32, #tpu.memory_space<hbm>> -> memref<50000x32xf32, #tpu.memory_space<hbm>>
        tpu.enqueue_indirect_dma source(%dma_start3A_177 : memref<50000x32xf32, #tpu.memory_space<hbm>>) target(%arg10 : memref<128x32xf32, #tpu.memory_space<vmem>>) offsets(%arg9 : memref<128xi32, #tpu.memory_space<vmem>>) semaphore(%arg13 : memref<!tpu.dma_semaphore, #tpu.memory_space<semaphore_mem>>)
        %mul3A_178 = arith.constant 16 : i32
        %mul3A_179 = arith.muli %mul3A_46, %mul3A_178 : i32
        %add3A_180 = arith.addi %arg1, %mul3A_179 : i32
        %ge3A_181 = arith.constant 0 : i32
        %ge3A_182 = arith.cmpi sge, %mul3A_46, %ge3A_181 : i32
        %mul3A_183 = arith.constant 16 : i32
        %mul3A_184 = arith.muli %mul3A_46, %mul3A_183 : i32
        %add3A_185 = arith.addi %arg1, %mul3A_184 : i32
        %lt3A_186 = arith.constant 6250 : i32
        %lt3A_187 = arith.cmpi slt, %add3A_185, %lt3A_186 : i32
        %and3A_188 = arith.andi %ge3A_182, %lt3A_187 : i1
        %jit3A_189 = arith.constant 0 : i32
        %select_n3A_190 = arith.select %and3A_188, %add3A_180, %jit3A_189 : i32
        %mul3A_191 = arith.constant 128 : i32
        %mul3A_192 = arith.muli %select_n3A_190, %mul3A_191 : i32
        %multiple_of3A_193 = tpu.assume_multiple %mul3A_192, 128 : i32
        %dma_start3A_194 = arith.constant 0 : i32
        %dma_start3A_195 = arith.constant 0 : i32
        %dma_start3A_196 = tpu.memref_slice %arg4[%arg0, %dma_start3A_194, %dma_start3A_195] : memref<2x819200x32xf32, #tpu.memory_space<hbm>> -> memref<1x819200x32xf32, #tpu.memory_space<hbm>>
        %dma_start3A_197 = tpu.memref_squeeze %dma_start3A_196 : memref<1x819200x32xf32, #tpu.memory_space<hbm>> -> memref<819200x32xf32, #tpu.memory_space<hbm>>
        %dma_start3A_198 = arith.constant 0 : i32
        %dma_start3A_199 = tpu.memref_slice %dma_start3A_197[%multiple_of3A_193, %dma_start3A_198] : memref<819200x32xf32, #tpu.memory_space<hbm>> -> memref<128x32xf32, #tpu.memory_space<hbm>>
        %dma_start3A_200 = arith.constant 0 : i32
        %dma_start3A_201 = arith.constant 0 : i32
        %dma_start3A_202 = tpu.memref_slice %arg4[%arg0, %dma_start3A_200, %dma_start3A_201] : memref<2x819200x32xf32, #tpu.memory_space<hbm>> -> memref<1x819200x32xf32, #tpu.memory_space<hbm>>
        %dma_start3A_203 = tpu.memref_squeeze %dma_start3A_202 : memref<1x819200x32xf32, #tpu.memory_space<hbm>> -> memref<819200x32xf32, #tpu.memory_space<hbm>>
        %dma_start3A_204 = arith.constant 0 : i32
        %dma_start3A_205 = tpu.memref_slice %dma_start3A_203[%multiple_of3A_193, %dma_start3A_204] : memref<819200x32xf32, #tpu.memory_space<hbm>> -> memref<128x32xf32, #tpu.memory_space<hbm>>
        tpu.enqueue_dma source(%dma_start3A_205 : memref<128x32xf32, #tpu.memory_space<hbm>>) target(%arg11 : memref<128x32xf32, #tpu.memory_space<vmem>>) target_semaphore(%arg14 : memref<!tpu.dma_semaphore, #tpu.memory_space<semaphore_mem>>)
      } else {
      }
      %sub3A_80 = arith.constant 1 : i32
      %sub3A_81 = arith.subi %mul3A_46, %sub3A_80 : i32
      %ge3A_82 = arith.constant 0 : i32
      %ge3A_83 = arith.cmpi sge, %sub3A_81, %ge3A_82 : i32
      %mul3A_84 = arith.constant 16 : i32
      %mul3A_85 = arith.muli %sub3A_81, %mul3A_84 : i32
      %add3A_86 = arith.addi %arg1, %mul3A_85 : i32
      %lt3A_87 = arith.constant 6250 : i32
      %lt3A_88 = arith.cmpi slt, %add3A_86, %lt3A_87 : i32
      %and3A_89 = arith.andi %ge3A_83, %lt3A_88 : i1
      %convert_element_type3A_90 = arith.extui %and3A_89 : i1 to i32
      %cond3A_91 = arith.constant 0 : i32
      %cond3A_92 = arith.cmpi ne, %convert_element_type3A_90, %cond3A_91 : i32
      scf.if %cond3A_92 {
        %dma_wait3A = arith.constant 0 : i32
        %dma_wait3A_171 = arith.constant 0 : i32
        %dma_wait3A_172 = tpu.memref_slice %arg3[%arg0, %dma_wait3A, %dma_wait3A_171] : memref<2x50000x32xf32, #tpu.memory_space<hbm>> -> memref<1x50000x32xf32, #tpu.memory_space<hbm>>
        %dma_wait3A_173 = tpu.memref_squeeze %dma_wait3A_172 : memref<1x50000x32xf32, #tpu.memory_space<hbm>> -> memref<50000x32xf32, #tpu.memory_space<hbm>>
        %dma_wait3A_174 = arith.constant 0 : i32
        %dma_wait3A_175 = arith.constant 0 : i32
        %dma_wait3A_176 = tpu.memref_slice %dma_wait3A_173[%dma_wait3A_174, %dma_wait3A_175] : memref<50000x32xf32, #tpu.memory_space<hbm>> -> memref<50000x32xf32, #tpu.memory_space<hbm>>
        tpu.wait_indirect_dma semaphore(%arg22 : memref<!tpu.dma_semaphore, #tpu.memory_space<semaphore_mem>>) src(%dma_wait3A_176 : memref<50000x32xf32, #tpu.memory_space<hbm>>) dst(%arg19 : memref<128x32xf32, #tpu.memory_space<vmem>>)
        %dma_wait3A_177 = arith.constant 0 : i32
        %dma_wait3A_178 = arith.constant 0 : i32
        %dma_wait3A_179 = tpu.memref_slice %arg4[%arg0, %dma_wait3A_177, %dma_wait3A_178] : memref<2x819200x32xf32, #tpu.memory_space<hbm>> -> memref<1x819200x32xf32, #tpu.memory_space<hbm>>
        %dma_wait3A_180 = tpu.memref_squeeze %dma_wait3A_179 : memref<1x819200x32xf32, #tpu.memory_space<hbm>> -> memref<819200x32xf32, #tpu.memory_space<hbm>>
        %dma_wait3A_181 = arith.constant 0 : i32
        %dma_wait3A_182 = arith.constant 0 : i32
        %dma_wait3A_183 = tpu.memref_slice %dma_wait3A_180[%dma_wait3A_181, %dma_wait3A_182] : memref<819200x32xf32, #tpu.memory_space<hbm>> -> memref<128x32xf32, #tpu.memory_space<hbm>>
        %dma_wait3A_184 = arith.constant 0 : i32
        %dma_wait3A_185 = arith.constant 0 : i32
        %dma_wait3A_186 = tpu.memref_slice %arg4[%arg0, %dma_wait3A_184, %dma_wait3A_185] : memref<2x819200x32xf32, #tpu.memory_space<hbm>> -> memref<1x819200x32xf32, #tpu.memory_space<hbm>>
        %dma_wait3A_187 = tpu.memref_squeeze %dma_wait3A_186 : memref<1x819200x32xf32, #tpu.memory_space<hbm>> -> memref<819200x32xf32, #tpu.memory_space<hbm>>
        %dma_wait3A_188 = arith.constant 0 : i32
        %dma_wait3A_189 = arith.constant 0 : i32
        %dma_wait3A_190 = tpu.memref_slice %dma_wait3A_187[%dma_wait3A_188, %dma_wait3A_189] : memref<819200x32xf32, #tpu.memory_space<hbm>> -> memref<128x32xf32, #tpu.memory_space<hbm>>
        tpu.wait_dma2 semaphore(%arg23 : memref<!tpu.dma_semaphore, #tpu.memory_space<semaphore_mem>>) src(%dma_wait3A_190 : memref<128x32xf32, #tpu.memory_space<hbm>>) dst(%arg20 : memref<128x32xf32, #tpu.memory_space<vmem>>)
        %scan3A_191 = arith.constant 0 : i32
        %scan3A_192 = arith.constant 128 : i32
        %scan3A_193 = arith.addi %scan3A_191, %scan3A_192 : i32
        %scan3A_194 = arith.constant 8 : i32
        scf.for %scan3A_253 = %scan3A_191 to %scan3A_193 step %scan3A_194  : i32 {
          %mul3A_254 = arith.constant 1 : i32
          %mul3A_255 = arith.muli %scan3A_253, %mul3A_254 : i32
          %add3A_256 = arith.constant 0 : i32
          %add3A_257 = arith.addi %add3A_256, %mul3A_255 : i32
          %get3A_258 = arith.index_cast %add3A_257 : i32 to index
          %get3A_259 = arith.constant 0 : index
          %get3A_260 = tpu.vector_load %arg19[%get3A_258, %get3A_259] {strides = array<i32>} : memref<128x32xf32, #tpu.memory_space<vmem>>, vector<1x16xf32>,
          %get3A_261 = vector.shape_cast %get3A_260 : vector<1x16xf32> to vector<16xf32>
          %get3A_262 = arith.index_cast %add3A_257 : i32 to index
          %get3A_263 = arith.constant 0 : index
          %get3A_264 = tpu.vector_load %arg20[%get3A_262, %get3A_263] {strides = array<i32>} : memref<128x32xf32, #tpu.memory_space<vmem>>, vector<1x16xf32>,
          %get3A_265 = vector.shape_cast %get3A_264 : vector<1x16xf32> to vector<16xf32>
          %mul3A_266 = arith.mulf %get3A_261, %get3A_265 : vector<16xf32>
          %swap3A_267 = arith.index_cast %add3A_257 : i32 to index
          %swap3A_268 = arith.constant 0 : index
          %swap3A_269 = tpu.vector_load %arg19[%swap3A_267, %swap3A_268] {strides = array<i32>} : memref<128x32xf32, #tpu.memory_space<vmem>>, vector<1x16xf32>,
          %swap3A_270 = vector.shape_cast %swap3A_269 : vector<1x16xf32> to vector<16xf32>
          %swap3A_271 = vector.shape_cast %mul3A_266 : vector<16xf32> to vector<1x16xf32>
          tpu.vector_store %arg19[%swap3A_267, %swap3A_268], %swap3A_271 {strides = array<i32>} : memref<128x32xf32, #tpu.memory_space<vmem>>, vector<1x16xf32>,
          %get3A_272 = arith.index_cast %add3A_257 : i32 to index
          %get3A_273 = arith.constant 16 : index
          %get3A_274 = tpu.vector_load %arg19[%get3A_272, %get3A_273] {strides = array<i32>} : memref<128x32xf32, #tpu.memory_space<vmem>>, vector<1x16xf32>,
          %get3A_275 = vector.shape_cast %get3A_274 : vector<1x16xf32> to vector<16xf32>
          %get3A_276 = arith.index_cast %add3A_257 : i32 to index
          %get3A_277 = arith.constant 16 : index
          %get3A_278 = tpu.vector_load %arg20[%get3A_276, %get3A_277] {strides = array<i32>} : memref<128x32xf32, #tpu.memory_space<vmem>>, vector<1x16xf32>,
          %get3A_279 = vector.shape_cast %get3A_278 : vector<1x16xf32> to vector<16xf32>
          %mul3A_280 = arith.mulf %get3A_275, %get3A_279 : vector<16xf32>
          %swap3A_281 = arith.index_cast %add3A_257 : i32 to index
          %swap3A_282 = arith.constant 16 : index
          %swap3A_283 = tpu.vector_load %arg19[%swap3A_281, %swap3A_282] {strides = array<i32>} : memref<128x32xf32, #tpu.memory_space<vmem>>, vector<1x16xf32>,
          %swap3A_284 = vector.shape_cast %swap3A_283 : vector<1x16xf32> to vector<16xf32>
          %swap3A_285 = vector.shape_cast %mul3A_280 : vector<16xf32> to vector<1x16xf32>
          tpu.vector_store %arg19[%swap3A_281, %swap3A_282], %swap3A_285 {strides = array<i32>} : memref<128x32xf32, #tpu.memory_space<vmem>>, vector<1x16xf32>,
          %scan3A_286 = arith.constant 1 : i32
          %scan3A_287 = arith.addi %scan3A_253, %scan3A_286 : i32
          %mul3A_288 = arith.constant 1 : i32
          %mul3A_289 = arith.muli %scan3A_287, %mul3A_288 : i32
          %add3A_290 = arith.constant 0 : i32
          %add3A_291 = arith.addi %add3A_290, %mul3A_289 : i32
          %get3A_292 = arith.index_cast %add3A_291 : i32 to index
          %get3A_293 = arith.constant 0 : index
          %get3A_294 = tpu.vector_load %arg19[%get3A_292, %get3A_293] {strides = array<i32>} : memref<128x32xf32, #tpu.memory_space<vmem>>, vector<1x16xf32>,
          %get3A_295 = vector.shape_cast %get3A_294 : vector<1x16xf32> to vector<16xf32>
          %get3A_296 = arith.index_cast %add3A_291 : i32 to index
          %get3A_297 = arith.constant 0 : index
          %get3A_298 = tpu.vector_load %arg20[%get3A_296, %get3A_297] {strides = array<i32>} : memref<128x32xf32, #tpu.memory_space<vmem>>, vector<1x16xf32>,
          %get3A_299 = vector.shape_cast %get3A_298 : vector<1x16xf32> to vector<16xf32>
          %mul3A_300 = arith.mulf %get3A_295, %get3A_299 : vector<16xf32>
          %swap3A_301 = arith.index_cast %add3A_291 : i32 to index
          %swap3A_302 = arith.constant 0 : index
          %swap3A_303 = tpu.vector_load %arg19[%swap3A_301, %swap3A_302] {strides = array<i32>} : memref<128x32xf32, #tpu.memory_space<vmem>>, vector<1x16xf32>,
          %swap3A_304 = vector.shape_cast %swap3A_303 : vector<1x16xf32> to vector<16xf32>
          %swap3A_305 = vector.shape_cast %mul3A_300 : vector<16xf32> to vector<1x16xf32>
          tpu.vector_store %arg19[%swap3A_301, %swap3A_302], %swap3A_305 {strides = array<i32>} : memref<128x32xf32, #tpu.memory_space<vmem>>, vector<1x16xf32>,
          %get3A_306 = arith.index_cast %add3A_291 : i32 to index
          %get3A_307 = arith.constant 16 : index
          %get3A_308 = tpu.vector_load %arg19[%get3A_306, %get3A_307] {strides = array<i32>} : memref<128x32xf32, #tpu.memory_space<vmem>>, vector<1x16xf32>,
          %get3A_309 = vector.shape_cast %get3A_308 : vector<1x16xf32> to vector<16xf32>
          %get3A_310 = arith.index_cast %add3A_291 : i32 to index
          %get3A_311 = arith.constant 16 : index
          %get3A_312 = tpu.vector_load %arg20[%get3A_310, %get3A_311] {strides = array<i32>} : memref<128x32xf32, #tpu.memory_space<vmem>>, vector<1x16xf32>,
          %get3A_313 = vector.shape_cast %get3A_312 : vector<1x16xf32> to vector<16xf32>
          %mul3A_314 = arith.mulf %get3A_309, %get3A_313 : vector<16xf32>
          %swap3A_315 = arith.index_cast %add3A_291 : i32 to index
          %swap3A_316 = arith.constant 16 : index
          %swap3A_317 = tpu.vector_load %arg19[%swap3A_315, %swap3A_316] {strides = array<i32>} : memref<128x32xf32, #tpu.memory_space<vmem>>, vector<1x16xf32>,
          %swap3A_318 = vector.shape_cast %swap3A_317 : vector<1x16xf32> to vector<16xf32>
          %swap3A_319 = vector.shape_cast %mul3A_314 : vector<16xf32> to vector<1x16xf32>
          tpu.vector_store %arg19[%swap3A_315, %swap3A_316], %swap3A_319 {strides = array<i32>} : memref<128x32xf32, #tpu.memory_space<vmem>>, vector<1x16xf32>,
          %scan3A_320 = arith.constant 2 : i32
          %scan3A_321 = arith.addi %scan3A_253, %scan3A_320 : i32
          %mul3A_322 = arith.constant 1 : i32
          %mul3A_323 = arith.muli %scan3A_321, %mul3A_322 : i32
          %add3A_324 = arith.constant 0 : i32
          %add3A_325 = arith.addi %add3A_324, %mul3A_323 : i32
          %get3A_326 = arith.index_cast %add3A_325 : i32 to index
          %get3A_327 = arith.constant 0 : index
          %get3A_328 = tpu.vector_load %arg19[%get3A_326, %get3A_327] {strides = array<i32>} : memref<128x32xf32, #tpu.memory_space<vmem>>, vector<1x16xf32>,
          %get3A_329 = vector.shape_cast %get3A_328 : vector<1x16xf32> to vector<16xf32>
          %get3A_330 = arith.index_cast %add3A_325 : i32 to index
          %get3A_331 = arith.constant 0 : index
          %get3A_332 = tpu.vector_load %arg20[%get3A_330, %get3A_331] {strides = array<i32>} : memref<128x32xf32, #tpu.memory_space<vmem>>, vector<1x16xf32>,
          %get3A_333 = vector.shape_cast %get3A_332 : vector<1x16xf32> to vector<16xf32>
          %mul3A_334 = arith.mulf %get3A_329, %get3A_333 : vector<16xf32>
          %swap3A_335 = arith.index_cast %add3A_325 : i32 to index
          %swap3A_336 = arith.constant 0 : index
          %swap3A_337 = tpu.vector_load %arg19[%swap3A_335, %swap3A_336] {strides = array<i32>} : memref<128x32xf32, #tpu.memory_space<vmem>>, vector<1x16xf32>,
          %swap3A_338 = vector.shape_cast %swap3A_337 : vector<1x16xf32> to vector<16xf32>
          %swap3A_339 = vector.shape_cast %mul3A_334 : vector<16xf32> to vector<1x16xf32>
          tpu.vector_store %arg19[%swap3A_335, %swap3A_336], %swap3A_339 {strides = array<i32>} : memref<128x32xf32, #tpu.memory_space<vmem>>, vector<1x16xf32>,
          %get3A_340 = arith.index_cast %add3A_325 : i32 to index
          %get3A_341 = arith.constant 16 : index
          %get3A_342 = tpu.vector_load %arg19[%get3A_340, %get3A_341] {strides = array<i32>} : memref<128x32xf32, #tpu.memory_space<vmem>>, vector<1x16xf32>,
          %get3A_343 = vector.shape_cast %get3A_342 : vector<1x16xf32> to vector<16xf32>
          %get3A_344 = arith.index_cast %add3A_325 : i32 to index
          %get3A_345 = arith.constant 16 : index
          %get3A_346 = tpu.vector_load %arg20[%get3A_344, %get3A_345] {strides = array<i32>} : memref<128x32xf32, #tpu.memory_space<vmem>>, vector<1x16xf32>,
          %get3A_347 = vector.shape_cast %get3A_346 : vector<1x16xf32> to vector<16xf32>
          %mul3A_348 = arith.mulf %get3A_343, %get3A_347 : vector<16xf32>
          %swap3A_349 = arith.index_cast %add3A_325 : i32 to index
          %swap3A_350 = arith.constant 16 : index
          %swap3A_351 = tpu.vector_load %arg19[%swap3A_349, %swap3A_350] {strides = array<i32>} : memref<128x32xf32, #tpu.memory_space<vmem>>, vector<1x16xf32>,
          %swap3A_352 = vector.shape_cast %swap3A_351 : vector<1x16xf32> to vector<16xf32>
          %swap3A_353 = vector.shape_cast %mul3A_348 : vector<16xf32> to vector<1x16xf32>
          tpu.vector_store %arg19[%swap3A_349, %swap3A_350], %swap3A_353 {strides = array<i32>} : memref<128x32xf32, #tpu.memory_space<vmem>>, vector<1x16xf32>,
          %scan3A_354 = arith.constant 3 : i32
          %scan3A_355 = arith.addi %scan3A_253, %scan3A_354 : i32
          %mul3A_356 = arith.constant 1 : i32
          %mul3A_357 = arith.muli %scan3A_355, %mul3A_356 : i32
          %add3A_358 = arith.constant 0 : i32
          %add3A_359 = arith.addi %add3A_358, %mul3A_357 : i32
          %get3A_360 = arith.index_cast %add3A_359 : i32 to index
          %get3A_361 = arith.constant 0 : index
          %get3A_362 = tpu.vector_load %arg19[%get3A_360, %get3A_361] {strides = array<i32>} : memref<128x32xf32, #tpu.memory_space<vmem>>, vector<1x16xf32>,
          %get3A_363 = vector.shape_cast %get3A_362 : vector<1x16xf32> to vector<16xf32>
          %get3A_364 = arith.index_cast %add3A_359 : i32 to index
          %get3A_365 = arith.constant 0 : index
          %get3A_366 = tpu.vector_load %arg20[%get3A_364, %get3A_365] {strides = array<i32>} : memref<128x32xf32, #tpu.memory_space<vmem>>, vector<1x16xf32>,
          %get3A_367 = vector.shape_cast %get3A_366 : vector<1x16xf32> to vector<16xf32>
          %mul3A_368 = arith.mulf %get3A_363, %get3A_367 : vector<16xf32>
          %swap3A_369 = arith.index_cast %add3A_359 : i32 to index
          %swap3A_370 = arith.constant 0 : index
          %swap3A_371 = tpu.vector_load %arg19[%swap3A_369, %swap3A_370] {strides = array<i32>} : memref<128x32xf32, #tpu.memory_space<vmem>>, vector<1x16xf32>,
          %swap3A_372 = vector.shape_cast %swap3A_371 : vector<1x16xf32> to vector<16xf32>
          %swap3A_373 = vector.shape_cast %mul3A_368 : vector<16xf32> to vector<1x16xf32>
          tpu.vector_store %arg19[%swap3A_369, %swap3A_370], %swap3A_373 {strides = array<i32>} : memref<128x32xf32, #tpu.memory_space<vmem>>, vector<1x16xf32>,
          %get3A_374 = arith.index_cast %add3A_359 : i32 to index
          %get3A_375 = arith.constant 16 : index
          %get3A_376 = tpu.vector_load %arg19[%get3A_374, %get3A_375] {strides = array<i32>} : memref<128x32xf32, #tpu.memory_space<vmem>>, vector<1x16xf32>,
          %get3A_377 = vector.shape_cast %get3A_376 : vector<1x16xf32> to vector<16xf32>
          %get3A_378 = arith.index_cast %add3A_359 : i32 to index
          %get3A_379 = arith.constant 16 : index
          %get3A_380 = tpu.vector_load %arg20[%get3A_378, %get3A_379] {strides = array<i32>} : memref<128x32xf32, #tpu.memory_space<vmem>>, vector<1x16xf32>,
          %get3A_381 = vector.shape_cast %get3A_380 : vector<1x16xf32> to vector<16xf32>
          %mul3A_382 = arith.mulf %get3A_377, %get3A_381 : vector<16xf32>
          %swap3A_383 = arith.index_cast %add3A_359 : i32 to index
          %swap3A_384 = arith.constant 16 : index
          %swap3A_385 = tpu.vector_load %arg19[%swap3A_383, %swap3A_384] {strides = array<i32>} : memref<128x32xf32, #tpu.memory_space<vmem>>, vector<1x16xf32>,
          %swap3A_386 = vector.shape_cast %swap3A_385 : vector<1x16xf32> to vector<16xf32>
          %swap3A_387 = vector.shape_cast %mul3A_382 : vector<16xf32> to vector<1x16xf32>
          tpu.vector_store %arg19[%swap3A_383, %swap3A_384], %swap3A_387 {strides = array<i32>} : memref<128x32xf32, #tpu.memory_space<vmem>>, vector<1x16xf32>,
          %scan3A_388 = arith.constant 4 : i32
          %scan3A_389 = arith.addi %scan3A_253, %scan3A_388 : i32
          %mul3A_390 = arith.constant 1 : i32
          %mul3A_391 = arith.muli %scan3A_389, %mul3A_390 : i32
          %add3A_392 = arith.constant 0 : i32
          %add3A_393 = arith.addi %add3A_392, %mul3A_391 : i32
          %get3A_394 = arith.index_cast %add3A_393 : i32 to index
          %get3A_395 = arith.constant 0 : index
          %get3A_396 = tpu.vector_load %arg19[%get3A_394, %get3A_395] {strides = array<i32>} : memref<128x32xf32, #tpu.memory_space<vmem>>, vector<1x16xf32>,
          %get3A_397 = vector.shape_cast %get3A_396 : vector<1x16xf32> to vector<16xf32>
          %get3A_398 = arith.index_cast %add3A_393 : i32 to index
          %get3A_399 = arith.constant 0 : index
          %get3A_400 = tpu.vector_load %arg20[%get3A_398, %get3A_399] {strides = array<i32>} : memref<128x32xf32, #tpu.memory_space<vmem>>, vector<1x16xf32>,
          %get3A_401 = vector.shape_cast %get3A_400 : vector<1x16xf32> to vector<16xf32>
          %mul3A_402 = arith.mulf %get3A_397, %get3A_401 : vector<16xf32>
          %swap3A_403 = arith.index_cast %add3A_393 : i32 to index
          %swap3A_404 = arith.constant 0 : index
          %swap3A_405 = tpu.vector_load %arg19[%swap3A_403, %swap3A_404] {strides = array<i32>} : memref<128x32xf32, #tpu.memory_space<vmem>>, vector<1x16xf32>,
          %swap3A_406 = vector.shape_cast %swap3A_405 : vector<1x16xf32> to vector<16xf32>
          %swap3A_407 = vector.shape_cast %mul3A_402 : vector<16xf32> to vector<1x16xf32>
          tpu.vector_store %arg19[%swap3A_403, %swap3A_404], %swap3A_407 {strides = array<i32>} : memref<128x32xf32, #tpu.memory_space<vmem>>, vector<1x16xf32>,
          %get3A_408 = arith.index_cast %add3A_393 : i32 to index
          %get3A_409 = arith.constant 16 : index
          %get3A_410 = tpu.vector_load %arg19[%get3A_408, %get3A_409] {strides = array<i32>} : memref<128x32xf32, #tpu.memory_space<vmem>>, vector<1x16xf32>,
          %get3A_411 = vector.shape_cast %get3A_410 : vector<1x16xf32> to vector<16xf32>
          %get3A_412 = arith.index_cast %add3A_393 : i32 to index
          %get3A_413 = arith.constant 16 : index
          %get3A_414 = tpu.vector_load %arg20[%get3A_412, %get3A_413] {strides = array<i32>} : memref<128x32xf32, #tpu.memory_space<vmem>>, vector<1x16xf32>,
          %get3A_415 = vector.shape_cast %get3A_414 : vector<1x16xf32> to vector<16xf32>
          %mul3A_416 = arith.mulf %get3A_411, %get3A_415 : vector<16xf32>
          %swap3A_417 = arith.index_cast %add3A_393 : i32 to index
          %swap3A_418 = arith.constant 16 : index
          %swap3A_419 = tpu.vector_load %arg19[%swap3A_417, %swap3A_418] {strides = array<i32>} : memref<128x32xf32, #tpu.memory_space<vmem>>, vector<1x16xf32>,
          %swap3A_420 = vector.shape_cast %swap3A_419 : vector<1x16xf32> to vector<16xf32>
          %swap3A_421 = vector.shape_cast %mul3A_416 : vector<16xf32> to vector<1x16xf32>
          tpu.vector_store %arg19[%swap3A_417, %swap3A_418], %swap3A_421 {strides = array<i32>} : memref<128x32xf32, #tpu.memory_space<vmem>>, vector<1x16xf32>,
          %scan3A_422 = arith.constant 5 : i32
          %scan3A_423 = arith.addi %scan3A_253, %scan3A_422 : i32
          %mul3A_424 = arith.constant 1 : i32
          %mul3A_425 = arith.muli %scan3A_423, %mul3A_424 : i32
          %add3A_426 = arith.constant 0 : i32
          %add3A_427 = arith.addi %add3A_426, %mul3A_425 : i32
          %get3A_428 = arith.index_cast %add3A_427 : i32 to index
          %get3A_429 = arith.constant 0 : index
          %get3A_430 = tpu.vector_load %arg19[%get3A_428, %get3A_429] {strides = array<i32>} : memref<128x32xf32, #tpu.memory_space<vmem>>, vector<1x16xf32>,
          %get3A_431 = vector.shape_cast %get3A_430 : vector<1x16xf32> to vector<16xf32>
          %get3A_432 = arith.index_cast %add3A_427 : i32 to index
          %get3A_433 = arith.constant 0 : index
          %get3A_434 = tpu.vector_load %arg20[%get3A_432, %get3A_433] {strides = array<i32>} : memref<128x32xf32, #tpu.memory_space<vmem>>, vector<1x16xf32>,
          %get3A_435 = vector.shape_cast %get3A_434 : vector<1x16xf32> to vector<16xf32>
          %mul3A_436 = arith.mulf %get3A_431, %get3A_435 : vector<16xf32>
          %swap3A_437 = arith.index_cast %add3A_427 : i32 to index
          %swap3A_438 = arith.constant 0 : index
          %swap3A_439 = tpu.vector_load %arg19[%swap3A_437, %swap3A_438] {strides = array<i32>} : memref<128x32xf32, #tpu.memory_space<vmem>>, vector<1x16xf32>,
          %swap3A_440 = vector.shape_cast %swap3A_439 : vector<1x16xf32> to vector<16xf32>
          %swap3A_441 = vector.shape_cast %mul3A_436 : vector<16xf32> to vector<1x16xf32>
          tpu.vector_store %arg19[%swap3A_437, %swap3A_438], %swap3A_441 {strides = array<i32>} : memref<128x32xf32, #tpu.memory_space<vmem>>, vector<1x16xf32>,
          %get3A_442 = arith.index_cast %add3A_427 : i32 to index
          %get3A_443 = arith.constant 16 : index
          %get3A_444 = tpu.vector_load %arg19[%get3A_442, %get3A_443] {strides = array<i32>} : memref<128x32xf32, #tpu.memory_space<vmem>>, vector<1x16xf32>,
          %get3A_445 = vector.shape_cast %get3A_444 : vector<1x16xf32> to vector<16xf32>
          %get3A_446 = arith.index_cast %add3A_427 : i32 to index
          %get3A_447 = arith.constant 16 : index
          %get3A_448 = tpu.vector_load %arg20[%get3A_446, %get3A_447] {strides = array<i32>} : memref<128x32xf32, #tpu.memory_space<vmem>>, vector<1x16xf32>,
          %get3A_449 = vector.shape_cast %get3A_448 : vector<1x16xf32> to vector<16xf32>
          %mul3A_450 = arith.mulf %get3A_445, %get3A_449 : vector<16xf32>
          %swap3A_451 = arith.index_cast %add3A_427 : i32 to index
          %swap3A_452 = arith.constant 16 : index
          %swap3A_453 = tpu.vector_load %arg19[%swap3A_451, %swap3A_452] {strides = array<i32>} : memref<128x32xf32, #tpu.memory_space<vmem>>, vector<1x16xf32>,
          %swap3A_454 = vector.shape_cast %swap3A_453 : vector<1x16xf32> to vector<16xf32>
          %swap3A_455 = vector.shape_cast %mul3A_450 : vector<16xf32> to vector<1x16xf32>
          tpu.vector_store %arg19[%swap3A_451, %swap3A_452], %swap3A_455 {strides = array<i32>} : memref<128x32xf32, #tpu.memory_space<vmem>>, vector<1x16xf32>,
          %scan3A_456 = arith.constant 6 : i32
          %scan3A_457 = arith.addi %scan3A_253, %scan3A_456 : i32
          %mul3A_458 = arith.constant 1 : i32
          %mul3A_459 = arith.muli %scan3A_457, %mul3A_458 : i32
          %add3A_460 = arith.constant 0 : i32
          %add3A_461 = arith.addi %add3A_460, %mul3A_459 : i32
          %get3A_462 = arith.index_cast %add3A_461 : i32 to index
          %get3A_463 = arith.constant 0 : index
          %get3A_464 = tpu.vector_load %arg19[%get3A_462, %get3A_463] {strides = array<i32>} : memref<128x32xf32, #tpu.memory_space<vmem>>, vector<1x16xf32>,
          %get3A_465 = vector.shape_cast %get3A_464 : vector<1x16xf32> to vector<16xf32>
          %get3A_466 = arith.index_cast %add3A_461 : i32 to index
          %get3A_467 = arith.constant 0 : index
          %get3A_468 = tpu.vector_load %arg20[%get3A_466, %get3A_467] {strides = array<i32>} : memref<128x32xf32, #tpu.memory_space<vmem>>, vector<1x16xf32>,
          %get3A_469 = vector.shape_cast %get3A_468 : vector<1x16xf32> to vector<16xf32>
          %mul3A_470 = arith.mulf %get3A_465, %get3A_469 : vector<16xf32>
          %swap3A_471 = arith.index_cast %add3A_461 : i32 to index
          %swap3A_472 = arith.constant 0 : index
          %swap3A_473 = tpu.vector_load %arg19[%swap3A_471, %swap3A_472] {strides = array<i32>} : memref<128x32xf32, #tpu.memory_space<vmem>>, vector<1x16xf32>,
          %swap3A_474 = vector.shape_cast %swap3A_473 : vector<1x16xf32> to vector<16xf32>
          %swap3A_475 = vector.shape_cast %mul3A_470 : vector<16xf32> to vector<1x16xf32>
          tpu.vector_store %arg19[%swap3A_471, %swap3A_472], %swap3A_475 {strides = array<i32>} : memref<128x32xf32, #tpu.memory_space<vmem>>, vector<1x16xf32>,
          %get3A_476 = arith.index_cast %add3A_461 : i32 to index
          %get3A_477 = arith.constant 16 : index
          %get3A_478 = tpu.vector_load %arg19[%get3A_476, %get3A_477] {strides = array<i32>} : memref<128x32xf32, #tpu.memory_space<vmem>>, vector<1x16xf32>,
          %get3A_479 = vector.shape_cast %get3A_478 : vector<1x16xf32> to vector<16xf32>
          %get3A_480 = arith.index_cast %add3A_461 : i32 to index
          %get3A_481 = arith.constant 16 : index
          %get3A_482 = tpu.vector_load %arg20[%get3A_480, %get3A_481] {strides = array<i32>} : memref<128x32xf32, #tpu.memory_space<vmem>>, vector<1x16xf32>,
          %get3A_483 = vector.shape_cast %get3A_482 : vector<1x16xf32> to vector<16xf32>
          %mul3A_484 = arith.mulf %get3A_479, %get3A_483 : vector<16xf32>
          %swap3A_485 = arith.index_cast %add3A_461 : i32 to index
          %swap3A_486 = arith.constant 16 : index
          %swap3A_487 = tpu.vector_load %arg19[%swap3A_485, %swap3A_486] {strides = array<i32>} : memref<128x32xf32, #tpu.memory_space<vmem>>, vector<1x16xf32>,
          %swap3A_488 = vector.shape_cast %swap3A_487 : vector<1x16xf32> to vector<16xf32>
          %swap3A_489 = vector.shape_cast %mul3A_484 : vector<16xf32> to vector<1x16xf32>
          tpu.vector_store %arg19[%swap3A_485, %swap3A_486], %swap3A_489 {strides = array<i32>} : memref<128x32xf32, #tpu.memory_space<vmem>>, vector<1x16xf32>,
          %scan3A_490 = arith.constant 7 : i32
          %scan3A_491 = arith.addi %scan3A_253, %scan3A_490 : i32
          %mul3A_492 = arith.constant 1 : i32
          %mul3A_493 = arith.muli %scan3A_491, %mul3A_492 : i32
          %add3A_494 = arith.constant 0 : i32
          %add3A_495 = arith.addi %add3A_494, %mul3A_493 : i32
          %get3A_496 = arith.index_cast %add3A_495 : i32 to index
          %get3A_497 = arith.constant 0 : index
          %get3A_498 = tpu.vector_load %arg19[%get3A_496, %get3A_497] {strides = array<i32>} : memref<128x32xf32, #tpu.memory_space<vmem>>, vector<1x16xf32>,
          %get3A_499 = vector.shape_cast %get3A_498 : vector<1x16xf32> to vector<16xf32>
          %get3A_500 = arith.index_cast %add3A_495 : i32 to index
          %get3A_501 = arith.constant 0 : index
          %get3A_502 = tpu.vector_load %arg20[%get3A_500, %get3A_501] {strides = array<i32>} : memref<128x32xf32, #tpu.memory_space<vmem>>, vector<1x16xf32>,
          %get3A_503 = vector.shape_cast %get3A_502 : vector<1x16xf32> to vector<16xf32>
          %mul3A_504 = arith.mulf %get3A_499, %get3A_503 : vector<16xf32>
          %swap3A_505 = arith.index_cast %add3A_495 : i32 to index
          %swap3A_506 = arith.constant 0 : index
          %swap3A_507 = tpu.vector_load %arg19[%swap3A_505, %swap3A_506] {strides = array<i32>} : memref<128x32xf32, #tpu.memory_space<vmem>>, vector<1x16xf32>,
          %swap3A_508 = vector.shape_cast %swap3A_507 : vector<1x16xf32> to vector<16xf32>
          %swap3A_509 = vector.shape_cast %mul3A_504 : vector<16xf32> to vector<1x16xf32>
          tpu.vector_store %arg19[%swap3A_505, %swap3A_506], %swap3A_509 {strides = array<i32>} : memref<128x32xf32, #tpu.memory_space<vmem>>, vector<1x16xf32>,
          %get3A_510 = arith.index_cast %add3A_495 : i32 to index
          %get3A_511 = arith.constant 16 : index
          %get3A_512 = tpu.vector_load %arg19[%get3A_510, %get3A_511] {strides = array<i32>} : memref<128x32xf32, #tpu.memory_space<vmem>>, vector<1x16xf32>,
          %get3A_513 = vector.shape_cast %get3A_512 : vector<1x16xf32> to vector<16xf32>
          %get3A_514 = arith.index_cast %add3A_495 : i32 to index
          %get3A_515 = arith.constant 16 : index
          %get3A_516 = tpu.vector_load %arg20[%get3A_514, %get3A_515] {strides = array<i32>} : memref<128x32xf32, #tpu.memory_space<vmem>>, vector<1x16xf32>,
          %get3A_517 = vector.shape_cast %get3A_516 : vector<1x16xf32> to vector<16xf32>
          %mul3A_518 = arith.mulf %get3A_513, %get3A_517 : vector<16xf32>
          %swap3A_519 = arith.index_cast %add3A_495 : i32 to index
          %swap3A_520 = arith.constant 16 : index
          %swap3A_521 = tpu.vector_load %arg19[%swap3A_519, %swap3A_520] {strides = array<i32>} : memref<128x32xf32, #tpu.memory_space<vmem>>, vector<1x16xf32>,
          %swap3A_522 = vector.shape_cast %swap3A_521 : vector<1x16xf32> to vector<16xf32>
          %swap3A_523 = vector.shape_cast %mul3A_518 : vector<16xf32> to vector<1x16xf32>
          tpu.vector_store %arg19[%swap3A_519, %swap3A_520], %swap3A_523 {strides = array<i32>} : memref<128x32xf32, #tpu.memory_space<vmem>>, vector<1x16xf32>,
        }
        %scan3A_195 = arith.constant 128 : i32
        %get3A = arith.constant 0 : index
        %get3A_196 = tpu.vector_load %arg16[%get3A] {strides = array<i32>} : memref<128xi32, #tpu.memory_space<vmem>>, vector<16xi32>,
        %get3A_197 = vector.shape_cast %get3A_196 : vector<16xi32> to vector<16xi32>
        %swap3A = arith.constant 0 : index
        %swap3A_198 = tpu.vector_load %arg17[%swap3A] {strides = array<i32>} : memref<128xi32, #tpu.memory_space<vmem>>, vector<16xi32>,
        %swap3A_199 = vector.shape_cast %swap3A_198 : vector<16xi32> to vector<16xi32>
        %swap3A_200 = vector.shape_cast %get3A_197 : vector<16xi32> to vector<16xi32>
        tpu.vector_store %arg17[%swap3A], %swap3A_200 {strides = array<i32>} : memref<128xi32, #tpu.memory_space<vmem>>, vector<16xi32>,
        %get3A_201 = arith.constant 16 : index
        %get3A_202 = tpu.vector_load %arg16[%get3A_201] {strides = array<i32>} : memref<128xi32, #tpu.memory_space<vmem>>, vector<16xi32>,
        %get3A_203 = vector.shape_cast %get3A_202 : vector<16xi32> to vector<16xi32>
        %swap3A_204 = arith.constant 16 : index
        %swap3A_205 = tpu.vector_load %arg17[%swap3A_204] {strides = array<i32>} : memref<128xi32, #tpu.memory_space<vmem>>, vector<16xi32>,
        %swap3A_206 = vector.shape_cast %swap3A_205 : vector<16xi32> to vector<16xi32>
        %swap3A_207 = vector.shape_cast %get3A_203 : vector<16xi32> to vector<16xi32>
        tpu.vector_store %arg17[%swap3A_204], %swap3A_207 {strides = array<i32>} : memref<128xi32, #tpu.memory_space<vmem>>, vector<16xi32>,
        %get3A_208 = arith.constant 32 : index
        %get3A_209 = tpu.vector_load %arg16[%get3A_208] {strides = array<i32>} : memref<128xi32, #tpu.memory_space<vmem>>, vector<16xi32>,
        %get3A_210 = vector.shape_cast %get3A_209 : vector<16xi32> to vector<16xi32>
        %swap3A_211 = arith.constant 32 : index
        %swap3A_212 = tpu.vector_load %arg17[%swap3A_211] {strides = array<i32>} : memref<128xi32, #tpu.memory_space<vmem>>, vector<16xi32>,
        %swap3A_213 = vector.shape_cast %swap3A_212 : vector<16xi32> to vector<16xi32>
        %swap3A_214 = vector.shape_cast %get3A_210 : vector<16xi32> to vector<16xi32>
        tpu.vector_store %arg17[%swap3A_211], %swap3A_214 {strides = array<i32>} : memref<128xi32, #tpu.memory_space<vmem>>, vector<16xi32>,
        %get3A_215 = arith.constant 48 : index
        %get3A_216 = tpu.vector_load %arg16[%get3A_215] {strides = array<i32>} : memref<128xi32, #tpu.memory_space<vmem>>, vector<16xi32>,
        %get3A_217 = vector.shape_cast %get3A_216 : vector<16xi32> to vector<16xi32>
        %swap3A_218 = arith.constant 48 : index
        %swap3A_219 = tpu.vector_load %arg17[%swap3A_218] {strides = array<i32>} : memref<128xi32, #tpu.memory_space<vmem>>, vector<16xi32>,
        %swap3A_220 = vector.shape_cast %swap3A_219 : vector<16xi32> to vector<16xi32>
        %swap3A_221 = vector.shape_cast %get3A_217 : vector<16xi32> to vector<16xi32>
        tpu.vector_store %arg17[%swap3A_218], %swap3A_221 {strides = array<i32>} : memref<128xi32, #tpu.memory_space<vmem>>, vector<16xi32>,
        %get3A_222 = arith.constant 64 : index
        %get3A_223 = tpu.vector_load %arg16[%get3A_222] {strides = array<i32>} : memref<128xi32, #tpu.memory_space<vmem>>, vector<16xi32>,
        %get3A_224 = vector.shape_cast %get3A_223 : vector<16xi32> to vector<16xi32>
        %swap3A_225 = arith.constant 64 : index
        %swap3A_226 = tpu.vector_load %arg17[%swap3A_225] {strides = array<i32>} : memref<128xi32, #tpu.memory_space<vmem>>, vector<16xi32>,
        %swap3A_227 = vector.shape_cast %swap3A_226 : vector<16xi32> to vector<16xi32>
        %swap3A_228 = vector.shape_cast %get3A_224 : vector<16xi32> to vector<16xi32>
        tpu.vector_store %arg17[%swap3A_225], %swap3A_228 {strides = array<i32>} : memref<128xi32, #tpu.memory_space<vmem>>, vector<16xi32>,
        %get3A_229 = arith.constant 80 : index
        %get3A_230 = tpu.vector_load %arg16[%get3A_229] {strides = array<i32>} : memref<128xi32, #tpu.memory_space<vmem>>, vector<16xi32>,
        %get3A_231 = vector.shape_cast %get3A_230 : vector<16xi32> to vector<16xi32>
        %swap3A_232 = arith.constant 80 : index
        %swap3A_233 = tpu.vector_load %arg17[%swap3A_232] {strides = array<i32>} : memref<128xi32, #tpu.memory_space<vmem>>, vector<16xi32>,
        %swap3A_234 = vector.shape_cast %swap3A_233 : vector<16xi32> to vector<16xi32>
        %swap3A_235 = vector.shape_cast %get3A_231 : vector<16xi32> to vector<16xi32>
        tpu.vector_store %arg17[%swap3A_232], %swap3A_235 {strides = array<i32>} : memref<128xi32, #tpu.memory_space<vmem>>, vector<16xi32>,
        %get3A_236 = arith.constant 96 : index
        %get3A_237 = tpu.vector_load %arg16[%get3A_236] {strides = array<i32>} : memref<128xi32, #tpu.memory_space<vmem>>, vector<16xi32>,
        %get3A_238 = vector.shape_cast %get3A_237 : vector<16xi32> to vector<16xi32>
        %swap3A_239 = arith.constant 96 : index
        %swap3A_240 = tpu.vector_load %arg17[%swap3A_239] {strides = array<i32>} : memref<128xi32, #tpu.memory_space<vmem>>, vector<16xi32>,
        %swap3A_241 = vector.shape_cast %swap3A_240 : vector<16xi32> to vector<16xi32>
        %swap3A_242 = vector.shape_cast %get3A_238 : vector<16xi32> to vector<16xi32>
        tpu.vector_store %arg17[%swap3A_239], %swap3A_242 {strides = array<i32>} : memref<128xi32, #tpu.memory_space<vmem>>, vector<16xi32>,
        %get3A_243 = arith.constant 112 : index
        %get3A_244 = tpu.vector_load %arg16[%get3A_243] {strides = array<i32>} : memref<128xi32, #tpu.memory_space<vmem>>, vector<16xi32>,
        %get3A_245 = vector.shape_cast %get3A_244 : vector<16xi32> to vector<16xi32>
        %swap3A_246 = arith.constant 112 : index
        %swap3A_247 = tpu.vector_load %arg17[%swap3A_246] {strides = array<i32>} : memref<128xi32, #tpu.memory_space<vmem>>, vector<16xi32>,
        %swap3A_248 = vector.shape_cast %swap3A_247 : vector<16xi32> to vector<16xi32>
        %swap3A_249 = vector.shape_cast %get3A_245 : vector<16xi32> to vector<16xi32>
        tpu.vector_store %arg17[%swap3A_246], %swap3A_249 {strides = array<i32>} : memref<128xi32, #tpu.memory_space<vmem>>, vector<16xi32>,
        %dma_start3A_250 = arith.constant 0 : i32
        %dma_start3A_251 = arith.constant 0 : i32
        %dma_start3A_252 = tpu.memref_slice %arg25[%dma_start3A_250, %dma_start3A_251] : memref<50000x32xf32, #tpu.memory_space<vmem_shared>> -> memref<50000x32xf32, #tpu.memory_space<vmem_shared>>
        tpu.enqueue_indirect_dma source(%arg19 : memref<128x32xf32, #tpu.memory_space<vmem>>) target(%dma_start3A_252 : memref<50000x32xf32, #tpu.memory_space<vmem_shared>>) offsets(%arg17 : memref<128xi32, #tpu.memory_space<vmem>>) semaphore(%arg24 : memref<!tpu.dma_semaphore, #tpu.memory_space<semaphore_mem>>) {add = true}
      } else {
      }
      %add3A_93 = arith.constant 1 : i32
      %add3A_94 = arith.addi %mul3A_46, %add3A_93 : i32
      %ge3A_95 = arith.constant 0 : i32
      %ge3A_96 = arith.cmpi sge, %add3A_94, %ge3A_95 : i32
      %mul3A_97 = arith.constant 16 : i32
      %mul3A_98 = arith.muli %add3A_94, %mul3A_97 : i32
      %add3A_99 = arith.addi %arg1, %mul3A_98 : i32
      %lt3A_100 = arith.constant 6250 : i32
      %lt3A_101 = arith.cmpi slt, %add3A_99, %lt3A_100 : i32
      %and3A_102 = arith.andi %ge3A_96, %lt3A_101 : i1
      %convert_element_type3A_103 = arith.extui %and3A_102 : i1 to i32
      %cond3A_104 = arith.constant 0 : i32
      %cond3A_105 = arith.cmpi ne, %convert_element_type3A_103, %cond3A_104 : i32
      scf.if %cond3A_105 {
        %add3A_171 = arith.constant 1 : i32
        %add3A_172 = arith.addi %mul3A_46, %add3A_171 : i32
        %mul3A_173 = arith.constant 16 : i32
        %mul3A_174 = arith.muli %add3A_172, %mul3A_173 : i32
        %add3A_175 = arith.addi %arg1, %mul3A_174 : i32
        %ge3A_176 = arith.constant 0 : i32
        %ge3A_177 = arith.cmpi sge, %add3A_172, %ge3A_176 : i32
        %mul3A_178 = arith.constant 16 : i32
        %mul3A_179 = arith.muli %add3A_172, %mul3A_178 : i32
        %add3A_180 = arith.addi %arg1, %mul3A_179 : i32
        %lt3A_181 = arith.constant 6250 : i32
        %lt3A_182 = arith.cmpi slt, %add3A_180, %lt3A_181 : i32
        %and3A_183 = arith.andi %ge3A_177, %lt3A_182 : i1
        %jit3A_184 = arith.constant 0 : i32
        %select_n3A_185 = arith.select %and3A_183, %add3A_175, %jit3A_184 : i32
        %mul3A_186 = arith.constant 128 : i32
        %mul3A_187 = arith.muli %select_n3A_185, %mul3A_186 : i32
        %multiple_of3A_188 = tpu.assume_multiple %mul3A_187, 128 : i32
        %dma_start3A_189 = arith.constant 0 : i32
        %dma_start3A_190 = tpu.memref_slice %arg2[%dma_start3A_189, %multiple_of3A_188] : memref<2x800000xi32, #tpu.memory_space<hbm>> -> memref<1x128xi32, #tpu.memory_space<hbm>>
        %dma_start3A_191 = tpu.memref_squeeze %dma_start3A_190 : memref<1x128xi32, #tpu.memory_space<hbm>> -> memref<128xi32, #tpu.memory_space<hbm>>
        %dma_start3A_192 = tpu.memref_slice %arg2[%dma_start3A_189, %multiple_of3A_188] : memref<2x800000xi32, #tpu.memory_space<hbm>> -> memref<1x128xi32, #tpu.memory_space<hbm>>
        %dma_start3A_193 = tpu.memref_squeeze %dma_start3A_192 : memref<1x128xi32, #tpu.memory_space<hbm>> -> memref<128xi32, #tpu.memory_space<hbm>>
        tpu.enqueue_dma source(%dma_start3A_193 : memref<128xi32, #tpu.memory_space<hbm>>) target(%arg16 : memref<128xi32, #tpu.memory_space<vmem>>) target_semaphore(%arg21 : memref<!tpu.dma_semaphore, #tpu.memory_space<semaphore_mem>>)
        %dma_start3A_194 = arith.constant 1 : i32
        %dma_start3A_195 = tpu.memref_slice %arg2[%dma_start3A_194, %multiple_of3A_188] : memref<2x800000xi32, #tpu.memory_space<hbm>> -> memref<1x128xi32, #tpu.memory_space<hbm>>
        %dma_start3A_196 = tpu.memref_squeeze %dma_start3A_195 : memref<1x128xi32, #tpu.memory_space<hbm>> -> memref<128xi32, #tpu.memory_space<hbm>>
        %dma_start3A_197 = tpu.memref_slice %arg2[%dma_start3A_194, %multiple_of3A_188] : memref<2x800000xi32, #tpu.memory_space<hbm>> -> memref<1x128xi32, #tpu.memory_space<hbm>>
        %dma_start3A_198 = tpu.memref_squeeze %dma_start3A_197 : memref<1x128xi32, #tpu.memory_space<hbm>> -> memref<128xi32, #tpu.memory_space<hbm>>
        tpu.enqueue_dma source(%dma_start3A_198 : memref<128xi32, #tpu.memory_space<hbm>>) target(%arg18 : memref<128xi32, #tpu.memory_space<vmem>>) target_semaphore(%arg21 : memref<!tpu.dma_semaphore, #tpu.memory_space<semaphore_mem>>)
      } else {
      }
      %mul3A_106 = arith.constant 2 : i32
      %mul3A_107 = arith.muli %mul3A_106, %add3A_44 : i32
      %add3A_108 = arith.constant 1 : i32
      %add3A_109 = arith.addi %mul3A_107, %add3A_108 : i32
      %ge3A_110 = arith.constant 0 : i32
      %ge3A_111 = arith.cmpi sge, %add3A_109, %ge3A_110 : i32
      %mul3A_112 = arith.constant 16 : i32
      %mul3A_113 = arith.muli %add3A_109, %mul3A_112 : i32
      %add3A_114 = arith.addi %arg1, %mul3A_113 : i32
      %lt3A_115 = arith.constant 6250 : i32
      %lt3A_116 = arith.cmpi slt, %add3A_114, %lt3A_115 : i32
      %and3A_117 = arith.andi %ge3A_111, %lt3A_116 : i1
      %convert_element_type3A_118 = arith.extui %and3A_117 : i1 to i32
      %cond3A_119 = arith.constant 0 : i32
      %cond3A_120 = arith.cmpi ne, %convert_element_type3A_118, %cond3A_119 : i32
      scf.if %cond3A_120 {
        %dma_wait3A = arith.constant 0 : i32
        %dma_wait3A_171 = arith.constant 0 : i32
        %dma_wait3A_172 = tpu.memref_slice %arg2[%dma_wait3A, %dma_wait3A_171] : memref<2x800000xi32, #tpu.memory_space<hbm>> -> memref<1x128xi32, #tpu.memory_space<hbm>>
        %dma_wait3A_173 = tpu.memref_squeeze %dma_wait3A_172 : memref<1x128xi32, #tpu.memory_space<hbm>> -> memref<128xi32, #tpu.memory_space<hbm>>
        %dma_wait3A_174 = arith.constant 0 : i32
        %dma_wait3A_175 = tpu.memref_slice %arg2[%dma_wait3A, %dma_wait3A_174] : memref<2x800000xi32, #tpu.memory_space<hbm>> -> memref<1x128xi32, #tpu.memory_space<hbm>>
        %dma_wait3A_176 = tpu.memref_squeeze %dma_wait3A_175 : memref<1x128xi32, #tpu.memory_space<hbm>> -> memref<128xi32, #tpu.memory_space<hbm>>
        tpu.wait_dma2 semaphore(%arg21 : memref<!tpu.dma_semaphore, #tpu.memory_space<semaphore_mem>>) src(%dma_wait3A_176 : memref<128xi32, #tpu.memory_space<hbm>>) dst(%arg16 : memref<128xi32, #tpu.memory_space<vmem>>)
        %dma_wait3A_177 = arith.constant 1 : i32
        %dma_wait3A_178 = arith.constant 0 : i32
        %dma_wait3A_179 = tpu.memref_slice %arg2[%dma_wait3A_177, %dma_wait3A_178] : memref<2x800000xi32, #tpu.memory_space<hbm>> -> memref<1x128xi32, #tpu.memory_space<hbm>>
        %dma_wait3A_180 = tpu.memref_squeeze %dma_wait3A_179 : memref<1x128xi32, #tpu.memory_space<hbm>> -> memref<128xi32, #tpu.memory_space<hbm>>
        %dma_wait3A_181 = arith.constant 0 : i32
        %dma_wait3A_182 = tpu.memref_slice %arg2[%dma_wait3A_177, %dma_wait3A_181] : memref<2x800000xi32, #tpu.memory_space<hbm>> -> memref<1x128xi32, #tpu.memory_space<hbm>>
        %dma_wait3A_183 = tpu.memref_squeeze %dma_wait3A_182 : memref<1x128xi32, #tpu.memory_space<hbm>> -> memref<128xi32, #tpu.memory_space<hbm>>
        tpu.wait_dma2 semaphore(%arg21 : memref<!tpu.dma_semaphore, #tpu.memory_space<semaphore_mem>>) src(%dma_wait3A_183 : memref<128xi32, #tpu.memory_space<hbm>>) dst(%arg18 : memref<128xi32, #tpu.memory_space<vmem>>)
      } else {
      }
      %sub3A_121 = arith.constant 2 : i32
      %sub3A_122 = arith.subi %add3A_109, %sub3A_121 : i32
      %ge3A_123 = arith.constant 0 : i32
      %ge3A_124 = arith.cmpi sge, %sub3A_122, %ge3A_123 : i32
      %mul3A_125 = arith.constant 16 : i32
      %mul3A_126 = arith.muli %sub3A_122, %mul3A_125 : i32
      %add3A_127 = arith.addi %arg1, %mul3A_126 : i32
      %lt3A_128 = arith.constant 6250 : i32
      %lt3A_129 = arith.cmpi slt, %add3A_127, %lt3A_128 : i32
      %and3A_130 = arith.andi %ge3A_124, %lt3A_129 : i1
      %convert_element_type3A_131 = arith.extui %and3A_130 : i1 to i32
      %cond3A_132 = arith.constant 0 : i32
      %cond3A_133 = arith.cmpi ne, %convert_element_type3A_131, %cond3A_132 : i32
      scf.if %cond3A_133 {
        %dma_wait3A = arith.constant 0 : i32
        %dma_wait3A_171 = arith.constant 0 : i32
        %dma_wait3A_172 = tpu.memref_slice %arg25[%dma_wait3A, %dma_wait3A_171] : memref<50000x32xf32, #tpu.memory_space<vmem_shared>> -> memref<50000x32xf32, #tpu.memory_space<vmem_shared>>
        tpu.wait_indirect_dma semaphore(%arg24 : memref<!tpu.dma_semaphore, #tpu.memory_space<semaphore_mem>>) src(%arg19 : memref<128x32xf32, #tpu.memory_space<vmem>>) dst(%dma_wait3A_172 : memref<50000x32xf32, #tpu.memory_space<vmem_shared>>)
      } else {
      }
      %ge3A_134 = arith.constant 0 : i32
      %ge3A_135 = arith.cmpi sge, %add3A_109, %ge3A_134 : i32
      %mul3A_136 = arith.constant 16 : i32
      %mul3A_137 = arith.muli %add3A_109, %mul3A_136 : i32
      %add3A_138 = arith.addi %arg1, %mul3A_137 : i32
      %lt3A_139 = arith.constant 6250 : i32
      %lt3A_140 = arith.cmpi slt, %add3A_138, %lt3A_139 : i32
      %and3A_141 = arith.andi %ge3A_135, %lt3A_140 : i1
      %convert_element_type3A_142 = arith.extui %and3A_141 : i1 to i32
      %cond3A_143 = arith.constant 0 : i32
      %cond3A_144 = arith.cmpi ne, %convert_element_type3A_142, %cond3A_143 : i32
      scf.if %cond3A_144 {
        %dma_start3A_171 = arith.constant 0 : i32
        %dma_start3A_172 = arith.constant 0 : i32
        %dma_start3A_173 = tpu.memref_slice %arg3[%arg0, %dma_start3A_171, %dma_start3A_172] : memref<2x50000x32xf32, #tpu.memory_space<hbm>> -> memref<1x50000x32xf32, #tpu.memory_space<hbm>>
        %dma_start3A_174 = tpu.memref_squeeze %dma_start3A_173 : memref<1x50000x32xf32, #tpu.memory_space<hbm>> -> memref<50000x32xf32, #tpu.memory_space<hbm>>
        %dma_start3A_175 = arith.constant 0 : i32
        %dma_start3A_176 = arith.constant 0 : i32
        %dma_start3A_177 = tpu.memref_slice %dma_start3A_174[%dma_start3A_175, %dma_start3A_176] : memref<50000x32xf32, #tpu.memory_space<hbm>> -> memref<50000x32xf32, #tpu.memory_space<hbm>>
        tpu.enqueue_indirect_dma source(%dma_start3A_177 : memref<50000x32xf32, #tpu.memory_space<hbm>>) target(%arg19 : memref<128x32xf32, #tpu.memory_space<vmem>>) offsets(%arg18 : memref<128xi32, #tpu.memory_space<vmem>>) semaphore(%arg22 : memref<!tpu.dma_semaphore, #tpu.memory_space<semaphore_mem>>)
        %mul3A_178 = arith.constant 16 : i32
        %mul3A_179 = arith.muli %add3A_109, %mul3A_178 : i32
        %add3A_180 = arith.addi %arg1, %mul3A_179 : i32
        %ge3A_181 = arith.constant 0 : i32
        %ge3A_182 = arith.cmpi sge, %add3A_109, %ge3A_181 : i32
        %mul3A_183 = arith.constant 16 : i32
        %mul3A_184 = arith.muli %add3A_109, %mul3A_183 : i32
        %add3A_185 = arith.addi %arg1, %mul3A_184 : i32
        %lt3A_186 = arith.constant 6250 : i32
        %lt3A_187 = arith.cmpi slt, %add3A_185, %lt3A_186 : i32
        %and3A_188 = arith.andi %ge3A_182, %lt3A_187 : i1
        %jit3A_189 = arith.constant 0 : i32
        %select_n3A_190 = arith.select %and3A_188, %add3A_180, %jit3A_189 : i32
        %mul3A_191 = arith.constant 128 : i32
        %mul3A_192 = arith.muli %select_n3A_190, %mul3A_191 : i32
        %multiple_of3A_193 = tpu.assume_multiple %mul3A_192, 128 : i32
        %dma_start3A_194 = arith.constant 0 : i32
        %dma_start3A_195 = arith.constant 0 : i32
        %dma_start3A_196 = tpu.memref_slice %arg4[%arg0, %dma_start3A_194, %dma_start3A_195] : memref<2x819200x32xf32, #tpu.memory_space<hbm>> -> memref<1x819200x32xf32, #tpu.memory_space<hbm>>
        %dma_start3A_197 = tpu.memref_squeeze %dma_start3A_196 : memref<1x819200x32xf32, #tpu.memory_space<hbm>> -> memref<819200x32xf32, #tpu.memory_space<hbm>>
        %dma_start3A_198 = arith.constant 0 : i32
        %dma_start3A_199 = tpu.memref_slice %dma_start3A_197[%multiple_of3A_193, %dma_start3A_198] : memref<819200x32xf32, #tpu.memory_space<hbm>> -> memref<128x32xf32, #tpu.memory_space<hbm>>
        %dma_start3A_200 = arith.constant 0 : i32
        %dma_start3A_201 = arith.constant 0 : i32
        %dma_start3A_202 = tpu.memref_slice %arg4[%arg0, %dma_start3A_200, %dma_start3A_201] : memref<2x819200x32xf32, #tpu.memory_space<hbm>> -> memref<1x819200x32xf32, #tpu.memory_space<hbm>>
        %dma_start3A_203 = tpu.memref_squeeze %dma_start3A_202 : memref<1x819200x32xf32, #tpu.memory_space<hbm>> -> memref<819200x32xf32, #tpu.memory_space<hbm>>
        %dma_start3A_204 = arith.constant 0 : i32
        %dma_start3A_205 = tpu.memref_slice %dma_start3A_203[%multiple_of3A_193, %dma_start3A_204] : memref<819200x32xf32, #tpu.memory_space<hbm>> -> memref<128x32xf32, #tpu.memory_space<hbm>>
        tpu.enqueue_dma source(%dma_start3A_205 : memref<128x32xf32, #tpu.memory_space<hbm>>) target(%arg20 : memref<128x32xf32, #tpu.memory_space<vmem>>) target_semaphore(%arg23 : memref<!tpu.dma_semaphore, #tpu.memory_space<semaphore_mem>>)
      } else {
      }
      %sub3A_145 = arith.constant 1 : i32
      %sub3A_146 = arith.subi %add3A_109, %sub3A_145 : i32
      %ge3A_147 = arith.constant 0 : i32
      %ge3A_148 = arith.cmpi sge, %sub3A_146, %ge3A_147 : i32
      %mul3A_149 = arith.constant 16 : i32
      %mul3A_150 = arith.muli %sub3A_146, %mul3A_149 : i32
      %add3A_151 = arith.addi %arg1, %mul3A_150 : i32
      %lt3A_152 = arith.constant 6250 : i32
      %lt3A_153 = arith.cmpi slt, %add3A_151, %lt3A_152 : i32
      %and3A_154 = arith.andi %ge3A_148, %lt3A_153 : i1
      %convert_element_type3A_155 = arith.extui %and3A_154 : i1 to i32
      %cond3A_156 = arith.constant 0 : i32
      %cond3A_157 = arith.cmpi ne, %convert_element_type3A_155, %cond3A_156 : i32
      scf.if %cond3A_157 {
        %dma_wait3A = arith.constant 0 : i32
        %dma_wait3A_171 = arith.constant 0 : i32
        %dma_wait3A_172 = tpu.memref_slice %arg3[%arg0, %dma_wait3A, %dma_wait3A_171] : memref<2x50000x32xf32, #tpu.memory_space<hbm>> -> memref<1x50000x32xf32, #tpu.memory_space<hbm>>
        %dma_wait3A_173 = tpu.memref_squeeze %dma_wait3A_172 : memref<1x50000x32xf32, #tpu.memory_space<hbm>> -> memref<50000x32xf32, #tpu.memory_space<hbm>>
        %dma_wait3A_174 = arith.constant 0 : i32
        %dma_wait3A_175 = arith.constant 0 : i32
        %dma_wait3A_176 = tpu.memref_slice %dma_wait3A_173[%dma_wait3A_174, %dma_wait3A_175] : memref<50000x32xf32, #tpu.memory_space<hbm>> -> memref<50000x32xf32, #tpu.memory_space<hbm>>
        tpu.wait_indirect_dma semaphore(%arg13 : memref<!tpu.dma_semaphore, #tpu.memory_space<semaphore_mem>>) src(%dma_wait3A_176 : memref<50000x32xf32, #tpu.memory_space<hbm>>) dst(%arg10 : memref<128x32xf32, #tpu.memory_space<vmem>>)
        %dma_wait3A_177 = arith.constant 0 : i32
        %dma_wait3A_178 = arith.constant 0 : i32
        %dma_wait3A_179 = tpu.memref_slice %arg4[%arg0, %dma_wait3A_177, %dma_wait3A_178] : memref<2x819200x32xf32, #tpu.memory_space<hbm>> -> memref<1x819200x32xf32, #tpu.memory_space<hbm>>
        %dma_wait3A_180 = tpu.memref_squeeze %dma_wait3A_179 : memref<1x819200x32xf32, #tpu.memory_space<hbm>> -> memref<819200x32xf32, #tpu.memory_space<hbm>>
        %dma_wait3A_181 = arith.constant 0 : i32
        %dma_wait3A_182 = arith.constant 0 : i32
        %dma_wait3A_183 = tpu.memref_slice %dma_wait3A_180[%dma_wait3A_181, %dma_wait3A_182] : memref<819200x32xf32, #tpu.memory_space<hbm>> -> memref<128x32xf32, #tpu.memory_space<hbm>>
        %dma_wait3A_184 = arith.constant 0 : i32
        %dma_wait3A_185 = arith.constant 0 : i32
        %dma_wait3A_186 = tpu.memref_slice %arg4[%arg0, %dma_wait3A_184, %dma_wait3A_185] : memref<2x819200x32xf32, #tpu.memory_space<hbm>> -> memref<1x819200x32xf32, #tpu.memory_space<hbm>>
        %dma_wait3A_187 = tpu.memref_squeeze %dma_wait3A_186 : memref<1x819200x32xf32, #tpu.memory_space<hbm>> -> memref<819200x32xf32, #tpu.memory_space<hbm>>
        %dma_wait3A_188 = arith.constant 0 : i32
        %dma_wait3A_189 = arith.constant 0 : i32
        %dma_wait3A_190 = tpu.memref_slice %dma_wait3A_187[%dma_wait3A_188, %dma_wait3A_189] : memref<819200x32xf32, #tpu.memory_space<hbm>> -> memref<128x32xf32, #tpu.memory_space<hbm>>
        tpu.wait_dma2 semaphore(%arg14 : memref<!tpu.dma_semaphore, #tpu.memory_space<semaphore_mem>>) src(%dma_wait3A_190 : memref<128x32xf32, #tpu.memory_space<hbm>>) dst(%arg11 : memref<128x32xf32, #tpu.memory_space<vmem>>)
        %scan3A_191 = arith.constant 0 : i32
        %scan3A_192 = arith.constant 128 : i32
        %scan3A_193 = arith.addi %scan3A_191, %scan3A_192 : i32
        %scan3A_194 = arith.constant 8 : i32
        scf.for %scan3A_253 = %scan3A_191 to %scan3A_193 step %scan3A_194  : i32 {
          %mul3A_254 = arith.constant 1 : i32
          %mul3A_255 = arith.muli %scan3A_253, %mul3A_254 : i32
          %add3A_256 = arith.constant 0 : i32
          %add3A_257 = arith.addi %add3A_256, %mul3A_255 : i32
          %get3A_258 = arith.index_cast %add3A_257 : i32 to index
          %get3A_259 = arith.constant 0 : index
          %get3A_260 = tpu.vector_load %arg10[%get3A_258, %get3A_259] {strides = array<i32>} : memref<128x32xf32, #tpu.memory_space<vmem>>, vector<1x16xf32>,
          %get3A_261 = vector.shape_cast %get3A_260 : vector<1x16xf32> to vector<16xf32>
          %get3A_262 = arith.index_cast %add3A_257 : i32 to index
          %get3A_263 = arith.constant 0 : index
          %get3A_264 = tpu.vector_load %arg11[%get3A_262, %get3A_263] {strides = array<i32>} : memref<128x32xf32, #tpu.memory_space<vmem>>, vector<1x16xf32>,
          %get3A_265 = vector.shape_cast %get3A_264 : vector<1x16xf32> to vector<16xf32>
          %mul3A_266 = arith.mulf %get3A_261, %get3A_265 : vector<16xf32>
          %swap3A_267 = arith.index_cast %add3A_257 : i32 to index
          %swap3A_268 = arith.constant 0 : index
          %swap3A_269 = tpu.vector_load %arg10[%swap3A_267, %swap3A_268] {strides = array<i32>} : memref<128x32xf32, #tpu.memory_space<vmem>>, vector<1x16xf32>,
          %swap3A_270 = vector.shape_cast %swap3A_269 : vector<1x16xf32> to vector<16xf32>
          %swap3A_271 = vector.shape_cast %mul3A_266 : vector<16xf32> to vector<1x16xf32>
          tpu.vector_store %arg10[%swap3A_267, %swap3A_268], %swap3A_271 {strides = array<i32>} : memref<128x32xf32, #tpu.memory_space<vmem>>, vector<1x16xf32>,
          %get3A_272 = arith.index_cast %add3A_257 : i32 to index
          %get3A_273 = arith.constant 16 : index
          %get3A_274 = tpu.vector_load %arg10[%get3A_272, %get3A_273] {strides = array<i32>} : memref<128x32xf32, #tpu.memory_space<vmem>>, vector<1x16xf32>,
          %get3A_275 = vector.shape_cast %get3A_274 : vector<1x16xf32> to vector<16xf32>
          %get3A_276 = arith.index_cast %add3A_257 : i32 to index
          %get3A_277 = arith.constant 16 : index
          %get3A_278 = tpu.vector_load %arg11[%get3A_276, %get3A_277] {strides = array<i32>} : memref<128x32xf32, #tpu.memory_space<vmem>>, vector<1x16xf32>,
          %get3A_279 = vector.shape_cast %get3A_278 : vector<1x16xf32> to vector<16xf32>
          %mul3A_280 = arith.mulf %get3A_275, %get3A_279 : vector<16xf32>
          %swap3A_281 = arith.index_cast %add3A_257 : i32 to index
          %swap3A_282 = arith.constant 16 : index
          %swap3A_283 = tpu.vector_load %arg10[%swap3A_281, %swap3A_282] {strides = array<i32>} : memref<128x32xf32, #tpu.memory_space<vmem>>, vector<1x16xf32>,
          %swap3A_284 = vector.shape_cast %swap3A_283 : vector<1x16xf32> to vector<16xf32>
          %swap3A_285 = vector.shape_cast %mul3A_280 : vector<16xf32> to vector<1x16xf32>
          tpu.vector_store %arg10[%swap3A_281, %swap3A_282], %swap3A_285 {strides = array<i32>} : memref<128x32xf32, #tpu.memory_space<vmem>>, vector<1x16xf32>,
          %scan3A_286 = arith.constant 1 : i32
          %scan3A_287 = arith.addi %scan3A_253, %scan3A_286 : i32
          %mul3A_288 = arith.constant 1 : i32
          %mul3A_289 = arith.muli %scan3A_287, %mul3A_288 : i32
          %add3A_290 = arith.constant 0 : i32
          %add3A_291 = arith.addi %add3A_290, %mul3A_289 : i32
          %get3A_292 = arith.index_cast %add3A_291 : i32 to index
          %get3A_293 = arith.constant 0 : index
          %get3A_294 = tpu.vector_load %arg10[%get3A_292, %get3A_293] {strides = array<i32>} : memref<128x32xf32, #tpu.memory_space<vmem>>, vector<1x16xf32>,
          %get3A_295 = vector.shape_cast %get3A_294 : vector<1x16xf32> to vector<16xf32>
          %get3A_296 = arith.index_cast %add3A_291 : i32 to index
          %get3A_297 = arith.constant 0 : index
          %get3A_298 = tpu.vector_load %arg11[%get3A_296, %get3A_297] {strides = array<i32>} : memref<128x32xf32, #tpu.memory_space<vmem>>, vector<1x16xf32>,
          %get3A_299 = vector.shape_cast %get3A_298 : vector<1x16xf32> to vector<16xf32>
          %mul3A_300 = arith.mulf %get3A_295, %get3A_299 : vector<16xf32>
          %swap3A_301 = arith.index_cast %add3A_291 : i32 to index
          %swap3A_302 = arith.constant 0 : index
          %swap3A_303 = tpu.vector_load %arg10[%swap3A_301, %swap3A_302] {strides = array<i32>} : memref<128x32xf32, #tpu.memory_space<vmem>>, vector<1x16xf32>,
          %swap3A_304 = vector.shape_cast %swap3A_303 : vector<1x16xf32> to vector<16xf32>
          %swap3A_305 = vector.shape_cast %mul3A_300 : vector<16xf32> to vector<1x16xf32>
          tpu.vector_store %arg10[%swap3A_301, %swap3A_302], %swap3A_305 {strides = array<i32>} : memref<128x32xf32, #tpu.memory_space<vmem>>, vector<1x16xf32>,
          %get3A_306 = arith.index_cast %add3A_291 : i32 to index
          %get3A_307 = arith.constant 16 : index
          %get3A_308 = tpu.vector_load %arg10[%get3A_306, %get3A_307] {strides = array<i32>} : memref<128x32xf32, #tpu.memory_space<vmem>>, vector<1x16xf32>,
          %get3A_309 = vector.shape_cast %get3A_308 : vector<1x16xf32> to vector<16xf32>
          %get3A_310 = arith.index_cast %add3A_291 : i32 to index
          %get3A_311 = arith.constant 16 : index
          %get3A_312 = tpu.vector_load %arg11[%get3A_310, %get3A_311] {strides = array<i32>} : memref<128x32xf32, #tpu.memory_space<vmem>>, vector<1x16xf32>,
          %get3A_313 = vector.shape_cast %get3A_312 : vector<1x16xf32> to vector<16xf32>
          %mul3A_314 = arith.mulf %get3A_309, %get3A_313 : vector<16xf32>
          %swap3A_315 = arith.index_cast %add3A_291 : i32 to index
          %swap3A_316 = arith.constant 16 : index
          %swap3A_317 = tpu.vector_load %arg10[%swap3A_315, %swap3A_316] {strides = array<i32>} : memref<128x32xf32, #tpu.memory_space<vmem>>, vector<1x16xf32>,
          %swap3A_318 = vector.shape_cast %swap3A_317 : vector<1x16xf32> to vector<16xf32>
          %swap3A_319 = vector.shape_cast %mul3A_314 : vector<16xf32> to vector<1x16xf32>
          tpu.vector_store %arg10[%swap3A_315, %swap3A_316], %swap3A_319 {strides = array<i32>} : memref<128x32xf32, #tpu.memory_space<vmem>>, vector<1x16xf32>,
          %scan3A_320 = arith.constant 2 : i32
          %scan3A_321 = arith.addi %scan3A_253, %scan3A_320 : i32
          %mul3A_322 = arith.constant 1 : i32
          %mul3A_323 = arith.muli %scan3A_321, %mul3A_322 : i32
          %add3A_324 = arith.constant 0 : i32
          %add3A_325 = arith.addi %add3A_324, %mul3A_323 : i32
          %get3A_326 = arith.index_cast %add3A_325 : i32 to index
          %get3A_327 = arith.constant 0 : index
          %get3A_328 = tpu.vector_load %arg10[%get3A_326, %get3A_327] {strides = array<i32>} : memref<128x32xf32, #tpu.memory_space<vmem>>, vector<1x16xf32>,
          %get3A_329 = vector.shape_cast %get3A_328 : vector<1x16xf32> to vector<16xf32>
          %get3A_330 = arith.index_cast %add3A_325 : i32 to index
          %get3A_331 = arith.constant 0 : index
          %get3A_332 = tpu.vector_load %arg11[%get3A_330, %get3A_331] {strides = array<i32>} : memref<128x32xf32, #tpu.memory_space<vmem>>, vector<1x16xf32>,
          %get3A_333 = vector.shape_cast %get3A_332 : vector<1x16xf32> to vector<16xf32>
          %mul3A_334 = arith.mulf %get3A_329, %get3A_333 : vector<16xf32>
          %swap3A_335 = arith.index_cast %add3A_325 : i32 to index
          %swap3A_336 = arith.constant 0 : index
          %swap3A_337 = tpu.vector_load %arg10[%swap3A_335, %swap3A_336] {strides = array<i32>} : memref<128x32xf32, #tpu.memory_space<vmem>>, vector<1x16xf32>,
          %swap3A_338 = vector.shape_cast %swap3A_337 : vector<1x16xf32> to vector<16xf32>
          %swap3A_339 = vector.shape_cast %mul3A_334 : vector<16xf32> to vector<1x16xf32>
          tpu.vector_store %arg10[%swap3A_335, %swap3A_336], %swap3A_339 {strides = array<i32>} : memref<128x32xf32, #tpu.memory_space<vmem>>, vector<1x16xf32>,
          %get3A_340 = arith.index_cast %add3A_325 : i32 to index
          %get3A_341 = arith.constant 16 : index
          %get3A_342 = tpu.vector_load %arg10[%get3A_340, %get3A_341] {strides = array<i32>} : memref<128x32xf32, #tpu.memory_space<vmem>>, vector<1x16xf32>,
          %get3A_343 = vector.shape_cast %get3A_342 : vector<1x16xf32> to vector<16xf32>
          %get3A_344 = arith.index_cast %add3A_325 : i32 to index
          %get3A_345 = arith.constant 16 : index
          %get3A_346 = tpu.vector_load %arg11[%get3A_344, %get3A_345] {strides = array<i32>} : memref<128x32xf32, #tpu.memory_space<vmem>>, vector<1x16xf32>,
          %get3A_347 = vector.shape_cast %get3A_346 : vector<1x16xf32> to vector<16xf32>
          %mul3A_348 = arith.mulf %get3A_343, %get3A_347 : vector<16xf32>
          %swap3A_349 = arith.index_cast %add3A_325 : i32 to index
          %swap3A_350 = arith.constant 16 : index
          %swap3A_351 = tpu.vector_load %arg10[%swap3A_349, %swap3A_350] {strides = array<i32>} : memref<128x32xf32, #tpu.memory_space<vmem>>, vector<1x16xf32>,
          %swap3A_352 = vector.shape_cast %swap3A_351 : vector<1x16xf32> to vector<16xf32>
          %swap3A_353 = vector.shape_cast %mul3A_348 : vector<16xf32> to vector<1x16xf32>
          tpu.vector_store %arg10[%swap3A_349, %swap3A_350], %swap3A_353 {strides = array<i32>} : memref<128x32xf32, #tpu.memory_space<vmem>>, vector<1x16xf32>,
          %scan3A_354 = arith.constant 3 : i32
          %scan3A_355 = arith.addi %scan3A_253, %scan3A_354 : i32
          %mul3A_356 = arith.constant 1 : i32
          %mul3A_357 = arith.muli %scan3A_355, %mul3A_356 : i32
          %add3A_358 = arith.constant 0 : i32
          %add3A_359 = arith.addi %add3A_358, %mul3A_357 : i32
          %get3A_360 = arith.index_cast %add3A_359 : i32 to index
          %get3A_361 = arith.constant 0 : index
          %get3A_362 = tpu.vector_load %arg10[%get3A_360, %get3A_361] {strides = array<i32>} : memref<128x32xf32, #tpu.memory_space<vmem>>, vector<1x16xf32>,
          %get3A_363 = vector.shape_cast %get3A_362 : vector<1x16xf32> to vector<16xf32>
          %get3A_364 = arith.index_cast %add3A_359 : i32 to index
          %get3A_365 = arith.constant 0 : index
          %get3A_366 = tpu.vector_load %arg11[%get3A_364, %get3A_365] {strides = array<i32>} : memref<128x32xf32, #tpu.memory_space<vmem>>, vector<1x16xf32>,
          %get3A_367 = vector.shape_cast %get3A_366 : vector<1x16xf32> to vector<16xf32>
          %mul3A_368 = arith.mulf %get3A_363, %get3A_367 : vector<16xf32>
          %swap3A_369 = arith.index_cast %add3A_359 : i32 to index
          %swap3A_370 = arith.constant 0 : index
          %swap3A_371 = tpu.vector_load %arg10[%swap3A_369, %swap3A_370] {strides = array<i32>} : memref<128x32xf32, #tpu.memory_space<vmem>>, vector<1x16xf32>,
          %swap3A_372 = vector.shape_cast %swap3A_371 : vector<1x16xf32> to vector<16xf32>
          %swap3A_373 = vector.shape_cast %mul3A_368 : vector<16xf32> to vector<1x16xf32>
          tpu.vector_store %arg10[%swap3A_369, %swap3A_370], %swap3A_373 {strides = array<i32>} : memref<128x32xf32, #tpu.memory_space<vmem>>, vector<1x16xf32>,
          %get3A_374 = arith.index_cast %add3A_359 : i32 to index
          %get3A_375 = arith.constant 16 : index
          %get3A_376 = tpu.vector_load %arg10[%get3A_374, %get3A_375] {strides = array<i32>} : memref<128x32xf32, #tpu.memory_space<vmem>>, vector<1x16xf32>,
          %get3A_377 = vector.shape_cast %get3A_376 : vector<1x16xf32> to vector<16xf32>
          %get3A_378 = arith.index_cast %add3A_359 : i32 to index
          %get3A_379 = arith.constant 16 : index
          %get3A_380 = tpu.vector_load %arg11[%get3A_378, %get3A_379] {strides = array<i32>} : memref<128x32xf32, #tpu.memory_space<vmem>>, vector<1x16xf32>,
          %get3A_381 = vector.shape_cast %get3A_380 : vector<1x16xf32> to vector<16xf32>
          %mul3A_382 = arith.mulf %get3A_377, %get3A_381 : vector<16xf32>
          %swap3A_383 = arith.index_cast %add3A_359 : i32 to index
          %swap3A_384 = arith.constant 16 : index
          %swap3A_385 = tpu.vector_load %arg10[%swap3A_383, %swap3A_384] {strides = array<i32>} : memref<128x32xf32, #tpu.memory_space<vmem>>, vector<1x16xf32>,
          %swap3A_386 = vector.shape_cast %swap3A_385 : vector<1x16xf32> to vector<16xf32>
          %swap3A_387 = vector.shape_cast %mul3A_382 : vector<16xf32> to vector<1x16xf32>
          tpu.vector_store %arg10[%swap3A_383, %swap3A_384], %swap3A_387 {strides = array<i32>} : memref<128x32xf32, #tpu.memory_space<vmem>>, vector<1x16xf32>,
          %scan3A_388 = arith.constant 4 : i32
          %scan3A_389 = arith.addi %scan3A_253, %scan3A_388 : i32
          %mul3A_390 = arith.constant 1 : i32
          %mul3A_391 = arith.muli %scan3A_389, %mul3A_390 : i32
          %add3A_392 = arith.constant 0 : i32
          %add3A_393 = arith.addi %add3A_392, %mul3A_391 : i32
          %get3A_394 = arith.index_cast %add3A_393 : i32 to index
          %get3A_395 = arith.constant 0 : index
          %get3A_396 = tpu.vector_load %arg10[%get3A_394, %get3A_395] {strides = array<i32>} : memref<128x32xf32, #tpu.memory_space<vmem>>, vector<1x16xf32>,
          %get3A_397 = vector.shape_cast %get3A_396 : vector<1x16xf32> to vector<16xf32>
          %get3A_398 = arith.index_cast %add3A_393 : i32 to index
          %get3A_399 = arith.constant 0 : index
          %get3A_400 = tpu.vector_load %arg11[%get3A_398, %get3A_399] {strides = array<i32>} : memref<128x32xf32, #tpu.memory_space<vmem>>, vector<1x16xf32>,
          %get3A_401 = vector.shape_cast %get3A_400 : vector<1x16xf32> to vector<16xf32>
          %mul3A_402 = arith.mulf %get3A_397, %get3A_401 : vector<16xf32>
          %swap3A_403 = arith.index_cast %add3A_393 : i32 to index
          %swap3A_404 = arith.constant 0 : index
          %swap3A_405 = tpu.vector_load %arg10[%swap3A_403, %swap3A_404] {strides = array<i32>} : memref<128x32xf32, #tpu.memory_space<vmem>>, vector<1x16xf32>,
          %swap3A_406 = vector.shape_cast %swap3A_405 : vector<1x16xf32> to vector<16xf32>
          %swap3A_407 = vector.shape_cast %mul3A_402 : vector<16xf32> to vector<1x16xf32>
          tpu.vector_store %arg10[%swap3A_403, %swap3A_404], %swap3A_407 {strides = array<i32>} : memref<128x32xf32, #tpu.memory_space<vmem>>, vector<1x16xf32>,
          %get3A_408 = arith.index_cast %add3A_393 : i32 to index
          %get3A_409 = arith.constant 16 : index
          %get3A_410 = tpu.vector_load %arg10[%get3A_408, %get3A_409] {strides = array<i32>} : memref<128x32xf32, #tpu.memory_space<vmem>>, vector<1x16xf32>,
          %get3A_411 = vector.shape_cast %get3A_410 : vector<1x16xf32> to vector<16xf32>
          %get3A_412 = arith.index_cast %add3A_393 : i32 to index
          %get3A_413 = arith.constant 16 : index
          %get3A_414 = tpu.vector_load %arg11[%get3A_412, %get3A_413] {strides = array<i32>} : memref<128x32xf32, #tpu.memory_space<vmem>>, vector<1x16xf32>,
          %get3A_415 = vector.shape_cast %get3A_414 : vector<1x16xf32> to vector<16xf32>
          %mul3A_416 = arith.mulf %get3A_411, %get3A_415 : vector<16xf32>
          %swap3A_417 = arith.index_cast %add3A_393 : i32 to index
          %swap3A_418 = arith.constant 16 : index
          %swap3A_419 = tpu.vector_load %arg10[%swap3A_417, %swap3A_418] {strides = array<i32>} : memref<128x32xf32, #tpu.memory_space<vmem>>, vector<1x16xf32>,
          %swap3A_420 = vector.shape_cast %swap3A_419 : vector<1x16xf32> to vector<16xf32>
          %swap3A_421 = vector.shape_cast %mul3A_416 : vector<16xf32> to vector<1x16xf32>
          tpu.vector_store %arg10[%swap3A_417, %swap3A_418], %swap3A_421 {strides = array<i32>} : memref<128x32xf32, #tpu.memory_space<vmem>>, vector<1x16xf32>,
          %scan3A_422 = arith.constant 5 : i32
          %scan3A_423 = arith.addi %scan3A_253, %scan3A_422 : i32
          %mul3A_424 = arith.constant 1 : i32
          %mul3A_425 = arith.muli %scan3A_423, %mul3A_424 : i32
          %add3A_426 = arith.constant 0 : i32
          %add3A_427 = arith.addi %add3A_426, %mul3A_425 : i32
          %get3A_428 = arith.index_cast %add3A_427 : i32 to index
          %get3A_429 = arith.constant 0 : index
          %get3A_430 = tpu.vector_load %arg10[%get3A_428, %get3A_429] {strides = array<i32>} : memref<128x32xf32, #tpu.memory_space<vmem>>, vector<1x16xf32>,
          %get3A_431 = vector.shape_cast %get3A_430 : vector<1x16xf32> to vector<16xf32>
          %get3A_432 = arith.index_cast %add3A_427 : i32 to index
          %get3A_433 = arith.constant 0 : index
          %get3A_434 = tpu.vector_load %arg11[%get3A_432, %get3A_433] {strides = array<i32>} : memref<128x32xf32, #tpu.memory_space<vmem>>, vector<1x16xf32>,
          %get3A_435 = vector.shape_cast %get3A_434 : vector<1x16xf32> to vector<16xf32>
          %mul3A_436 = arith.mulf %get3A_431, %get3A_435 : vector<16xf32>
          %swap3A_437 = arith.index_cast %add3A_427 : i32 to index
          %swap3A_438 = arith.constant 0 : index
          %swap3A_439 = tpu.vector_load %arg10[%swap3A_437, %swap3A_438] {strides = array<i32>} : memref<128x32xf32, #tpu.memory_space<vmem>>, vector<1x16xf32>,
          %swap3A_440 = vector.shape_cast %swap3A_439 : vector<1x16xf32> to vector<16xf32>
          %swap3A_441 = vector.shape_cast %mul3A_436 : vector<16xf32> to vector<1x16xf32>
          tpu.vector_store %arg10[%swap3A_437, %swap3A_438], %swap3A_441 {strides = array<i32>} : memref<128x32xf32, #tpu.memory_space<vmem>>, vector<1x16xf32>,
          %get3A_442 = arith.index_cast %add3A_427 : i32 to index
          %get3A_443 = arith.constant 16 : index
          %get3A_444 = tpu.vector_load %arg10[%get3A_442, %get3A_443] {strides = array<i32>} : memref<128x32xf32, #tpu.memory_space<vmem>>, vector<1x16xf32>,
          %get3A_445 = vector.shape_cast %get3A_444 : vector<1x16xf32> to vector<16xf32>
          %get3A_446 = arith.index_cast %add3A_427 : i32 to index
          %get3A_447 = arith.constant 16 : index
          %get3A_448 = tpu.vector_load %arg11[%get3A_446, %get3A_447] {strides = array<i32>} : memref<128x32xf32, #tpu.memory_space<vmem>>, vector<1x16xf32>,
          %get3A_449 = vector.shape_cast %get3A_448 : vector<1x16xf32> to vector<16xf32>
          %mul3A_450 = arith.mulf %get3A_445, %get3A_449 : vector<16xf32>
          %swap3A_451 = arith.index_cast %add3A_427 : i32 to index
          %swap3A_452 = arith.constant 16 : index
          %swap3A_453 = tpu.vector_load %arg10[%swap3A_451, %swap3A_452] {strides = array<i32>} : memref<128x32xf32, #tpu.memory_space<vmem>>, vector<1x16xf32>,
          %swap3A_454 = vector.shape_cast %swap3A_453 : vector<1x16xf32> to vector<16xf32>
          %swap3A_455 = vector.shape_cast %mul3A_450 : vector<16xf32> to vector<1x16xf32>
          tpu.vector_store %arg10[%swap3A_451, %swap3A_452], %swap3A_455 {strides = array<i32>} : memref<128x32xf32, #tpu.memory_space<vmem>>, vector<1x16xf32>,
          %scan3A_456 = arith.constant 6 : i32
          %scan3A_457 = arith.addi %scan3A_253, %scan3A_456 : i32
          %mul3A_458 = arith.constant 1 : i32
          %mul3A_459 = arith.muli %scan3A_457, %mul3A_458 : i32
          %add3A_460 = arith.constant 0 : i32
          %add3A_461 = arith.addi %add3A_460, %mul3A_459 : i32
          %get3A_462 = arith.index_cast %add3A_461 : i32 to index
          %get3A_463 = arith.constant 0 : index
          %get3A_464 = tpu.vector_load %arg10[%get3A_462, %get3A_463] {strides = array<i32>} : memref<128x32xf32, #tpu.memory_space<vmem>>, vector<1x16xf32>,
          %get3A_465 = vector.shape_cast %get3A_464 : vector<1x16xf32> to vector<16xf32>
          %get3A_466 = arith.index_cast %add3A_461 : i32 to index
          %get3A_467 = arith.constant 0 : index
          %get3A_468 = tpu.vector_load %arg11[%get3A_466, %get3A_467] {strides = array<i32>} : memref<128x32xf32, #tpu.memory_space<vmem>>, vector<1x16xf32>,
          %get3A_469 = vector.shape_cast %get3A_468 : vector<1x16xf32> to vector<16xf32>
          %mul3A_470 = arith.mulf %get3A_465, %get3A_469 : vector<16xf32>
          %swap3A_471 = arith.index_cast %add3A_461 : i32 to index
          %swap3A_472 = arith.constant 0 : index
          %swap3A_473 = tpu.vector_load %arg10[%swap3A_471, %swap3A_472] {strides = array<i32>} : memref<128x32xf32, #tpu.memory_space<vmem>>, vector<1x16xf32>,
          %swap3A_474 = vector.shape_cast %swap3A_473 : vector<1x16xf32> to vector<16xf32>
          %swap3A_475 = vector.shape_cast %mul3A_470 : vector<16xf32> to vector<1x16xf32>
          tpu.vector_store %arg10[%swap3A_471, %swap3A_472], %swap3A_475 {strides = array<i32>} : memref<128x32xf32, #tpu.memory_space<vmem>>, vector<1x16xf32>,
          %get3A_476 = arith.index_cast %add3A_461 : i32 to index
          %get3A_477 = arith.constant 16 : index
          %get3A_478 = tpu.vector_load %arg10[%get3A_476, %get3A_477] {strides = array<i32>} : memref<128x32xf32, #tpu.memory_space<vmem>>, vector<1x16xf32>,
          %get3A_479 = vector.shape_cast %get3A_478 : vector<1x16xf32> to vector<16xf32>
          %get3A_480 = arith.index_cast %add3A_461 : i32 to index
          %get3A_481 = arith.constant 16 : index
          %get3A_482 = tpu.vector_load %arg11[%get3A_480, %get3A_481] {strides = array<i32>} : memref<128x32xf32, #tpu.memory_space<vmem>>, vector<1x16xf32>,
          %get3A_483 = vector.shape_cast %get3A_482 : vector<1x16xf32> to vector<16xf32>
          %mul3A_484 = arith.mulf %get3A_479, %get3A_483 : vector<16xf32>
          %swap3A_485 = arith.index_cast %add3A_461 : i32 to index
          %swap3A_486 = arith.constant 16 : index
          %swap3A_487 = tpu.vector_load %arg10[%swap3A_485, %swap3A_486] {strides = array<i32>} : memref<128x32xf32, #tpu.memory_space<vmem>>, vector<1x16xf32>,
          %swap3A_488 = vector.shape_cast %swap3A_487 : vector<1x16xf32> to vector<16xf32>
          %swap3A_489 = vector.shape_cast %mul3A_484 : vector<16xf32> to vector<1x16xf32>
          tpu.vector_store %arg10[%swap3A_485, %swap3A_486], %swap3A_489 {strides = array<i32>} : memref<128x32xf32, #tpu.memory_space<vmem>>, vector<1x16xf32>,
          %scan3A_490 = arith.constant 7 : i32
          %scan3A_491 = arith.addi %scan3A_253, %scan3A_490 : i32
          %mul3A_492 = arith.constant 1 : i32
          %mul3A_493 = arith.muli %scan3A_491, %mul3A_492 : i32
          %add3A_494 = arith.constant 0 : i32
          %add3A_495 = arith.addi %add3A_494, %mul3A_493 : i32
          %get3A_496 = arith.index_cast %add3A_495 : i32 to index
          %get3A_497 = arith.constant 0 : index
          %get3A_498 = tpu.vector_load %arg10[%get3A_496, %get3A_497] {strides = array<i32>} : memref<128x32xf32, #tpu.memory_space<vmem>>, vector<1x16xf32>,
          %get3A_499 = vector.shape_cast %get3A_498 : vector<1x16xf32> to vector<16xf32>
          %get3A_500 = arith.index_cast %add3A_495 : i32 to index
          %get3A_501 = arith.constant 0 : index
          %get3A_502 = tpu.vector_load %arg11[%get3A_500, %get3A_501] {strides = array<i32>} : memref<128x32xf32, #tpu.memory_space<vmem>>, vector<1x16xf32>,
          %get3A_503 = vector.shape_cast %get3A_502 : vector<1x16xf32> to vector<16xf32>
          %mul3A_504 = arith.mulf %get3A_499, %get3A_503 : vector<16xf32>
          %swap3A_505 = arith.index_cast %add3A_495 : i32 to index
          %swap3A_506 = arith.constant 0 : index
          %swap3A_507 = tpu.vector_load %arg10[%swap3A_505, %swap3A_506] {strides = array<i32>} : memref<128x32xf32, #tpu.memory_space<vmem>>, vector<1x16xf32>,
          %swap3A_508 = vector.shape_cast %swap3A_507 : vector<1x16xf32> to vector<16xf32>
          %swap3A_509 = vector.shape_cast %mul3A_504 : vector<16xf32> to vector<1x16xf32>
          tpu.vector_store %arg10[%swap3A_505, %swap3A_506], %swap3A_509 {strides = array<i32>} : memref<128x32xf32, #tpu.memory_space<vmem>>, vector<1x16xf32>,
          %get3A_510 = arith.index_cast %add3A_495 : i32 to index
          %get3A_511 = arith.constant 16 : index
          %get3A_512 = tpu.vector_load %arg10[%get3A_510, %get3A_511] {strides = array<i32>} : memref<128x32xf32, #tpu.memory_space<vmem>>, vector<1x16xf32>,
          %get3A_513 = vector.shape_cast %get3A_512 : vector<1x16xf32> to vector<16xf32>
          %get3A_514 = arith.index_cast %add3A_495 : i32 to index
          %get3A_515 = arith.constant 16 : index
          %get3A_516 = tpu.vector_load %arg11[%get3A_514, %get3A_515] {strides = array<i32>} : memref<128x32xf32, #tpu.memory_space<vmem>>, vector<1x16xf32>,
          %get3A_517 = vector.shape_cast %get3A_516 : vector<1x16xf32> to vector<16xf32>
          %mul3A_518 = arith.mulf %get3A_513, %get3A_517 : vector<16xf32>
          %swap3A_519 = arith.index_cast %add3A_495 : i32 to index
          %swap3A_520 = arith.constant 16 : index
          %swap3A_521 = tpu.vector_load %arg10[%swap3A_519, %swap3A_520] {strides = array<i32>} : memref<128x32xf32, #tpu.memory_space<vmem>>, vector<1x16xf32>,
          %swap3A_522 = vector.shape_cast %swap3A_521 : vector<1x16xf32> to vector<16xf32>
          %swap3A_523 = vector.shape_cast %mul3A_518 : vector<16xf32> to vector<1x16xf32>
          tpu.vector_store %arg10[%swap3A_519, %swap3A_520], %swap3A_523 {strides = array<i32>} : memref<128x32xf32, #tpu.memory_space<vmem>>, vector<1x16xf32>,
        }
        %scan3A_195 = arith.constant 128 : i32
        %get3A = arith.constant 0 : index
        %get3A_196 = tpu.vector_load %arg7[%get3A] {strides = array<i32>} : memref<128xi32, #tpu.memory_space<vmem>>, vector<16xi32>,
        %get3A_197 = vector.shape_cast %get3A_196 : vector<16xi32> to vector<16xi32>
        %swap3A = arith.constant 0 : index
        %swap3A_198 = tpu.vector_load %arg8[%swap3A] {strides = array<i32>} : memref<128xi32, #tpu.memory_space<vmem>>, vector<16xi32>,
        %swap3A_199 = vector.shape_cast %swap3A_198 : vector<16xi32> to vector<16xi32>
        %swap3A_200 = vector.shape_cast %get3A_197 : vector<16xi32> to vector<16xi32>
        tpu.vector_store %arg8[%swap3A], %swap3A_200 {strides = array<i32>} : memref<128xi32, #tpu.memory_space<vmem>>, vector<16xi32>,
        %get3A_201 = arith.constant 16 : index
        %get3A_202 = tpu.vector_load %arg7[%get3A_201] {strides = array<i32>} : memref<128xi32, #tpu.memory_space<vmem>>, vector<16xi32>,
        %get3A_203 = vector.shape_cast %get3A_202 : vector<16xi32> to vector<16xi32>
        %swap3A_204 = arith.constant 16 : index
        %swap3A_205 = tpu.vector_load %arg8[%swap3A_204] {strides = array<i32>} : memref<128xi32, #tpu.memory_space<vmem>>, vector<16xi32>,
        %swap3A_206 = vector.shape_cast %swap3A_205 : vector<16xi32> to vector<16xi32>
        %swap3A_207 = vector.shape_cast %get3A_203 : vector<16xi32> to vector<16xi32>
        tpu.vector_store %arg8[%swap3A_204], %swap3A_207 {strides = array<i32>} : memref<128xi32, #tpu.memory_space<vmem>>, vector<16xi32>,
        %get3A_208 = arith.constant 32 : index
        %get3A_209 = tpu.vector_load %arg7[%get3A_208] {strides = array<i32>} : memref<128xi32, #tpu.memory_space<vmem>>, vector<16xi32>,
        %get3A_210 = vector.shape_cast %get3A_209 : vector<16xi32> to vector<16xi32>
        %swap3A_211 = arith.constant 32 : index
        %swap3A_212 = tpu.vector_load %arg8[%swap3A_211] {strides = array<i32>} : memref<128xi32, #tpu.memory_space<vmem>>, vector<16xi32>,
        %swap3A_213 = vector.shape_cast %swap3A_212 : vector<16xi32> to vector<16xi32>
        %swap3A_214 = vector.shape_cast %get3A_210 : vector<16xi32> to vector<16xi32>
        tpu.vector_store %arg8[%swap3A_211], %swap3A_214 {strides = array<i32>} : memref<128xi32, #tpu.memory_space<vmem>>, vector<16xi32>,
        %get3A_215 = arith.constant 48 : index
        %get3A_216 = tpu.vector_load %arg7[%get3A_215] {strides = array<i32>} : memref<128xi32, #tpu.memory_space<vmem>>, vector<16xi32>,
        %get3A_217 = vector.shape_cast %get3A_216 : vector<16xi32> to vector<16xi32>
        %swap3A_218 = arith.constant 48 : index
        %swap3A_219 = tpu.vector_load %arg8[%swap3A_218] {strides = array<i32>} : memref<128xi32, #tpu.memory_space<vmem>>, vector<16xi32>,
        %swap3A_220 = vector.shape_cast %swap3A_219 : vector<16xi32> to vector<16xi32>
        %swap3A_221 = vector.shape_cast %get3A_217 : vector<16xi32> to vector<16xi32>
        tpu.vector_store %arg8[%swap3A_218], %swap3A_221 {strides = array<i32>} : memref<128xi32, #tpu.memory_space<vmem>>, vector<16xi32>,
        %get3A_222 = arith.constant 64 : index
        %get3A_223 = tpu.vector_load %arg7[%get3A_222] {strides = array<i32>} : memref<128xi32, #tpu.memory_space<vmem>>, vector<16xi32>,
        %get3A_224 = vector.shape_cast %get3A_223 : vector<16xi32> to vector<16xi32>
        %swap3A_225 = arith.constant 64 : index
        %swap3A_226 = tpu.vector_load %arg8[%swap3A_225] {strides = array<i32>} : memref<128xi32, #tpu.memory_space<vmem>>, vector<16xi32>,
        %swap3A_227 = vector.shape_cast %swap3A_226 : vector<16xi32> to vector<16xi32>
        %swap3A_228 = vector.shape_cast %get3A_224 : vector<16xi32> to vector<16xi32>
        tpu.vector_store %arg8[%swap3A_225], %swap3A_228 {strides = array<i32>} : memref<128xi32, #tpu.memory_space<vmem>>, vector<16xi32>,
        %get3A_229 = arith.constant 80 : index
        %get3A_230 = tpu.vector_load %arg7[%get3A_229] {strides = array<i32>} : memref<128xi32, #tpu.memory_space<vmem>>, vector<16xi32>,
        %get3A_231 = vector.shape_cast %get3A_230 : vector<16xi32> to vector<16xi32>
        %swap3A_232 = arith.constant 80 : index
        %swap3A_233 = tpu.vector_load %arg8[%swap3A_232] {strides = array<i32>} : memref<128xi32, #tpu.memory_space<vmem>>, vector<16xi32>,
        %swap3A_234 = vector.shape_cast %swap3A_233 : vector<16xi32> to vector<16xi32>
        %swap3A_235 = vector.shape_cast %get3A_231 : vector<16xi32> to vector<16xi32>
        tpu.vector_store %arg8[%swap3A_232], %swap3A_235 {strides = array<i32>} : memref<128xi32, #tpu.memory_space<vmem>>, vector<16xi32>,
        %get3A_236 = arith.constant 96 : index
        %get3A_237 = tpu.vector_load %arg7[%get3A_236] {strides = array<i32>} : memref<128xi32, #tpu.memory_space<vmem>>, vector<16xi32>,
        %get3A_238 = vector.shape_cast %get3A_237 : vector<16xi32> to vector<16xi32>
        %swap3A_239 = arith.constant 96 : index
        %swap3A_240 = tpu.vector_load %arg8[%swap3A_239] {strides = array<i32>} : memref<128xi32, #tpu.memory_space<vmem>>, vector<16xi32>,
        %swap3A_241 = vector.shape_cast %swap3A_240 : vector<16xi32> to vector<16xi32>
        %swap3A_242 = vector.shape_cast %get3A_238 : vector<16xi32> to vector<16xi32>
        tpu.vector_store %arg8[%swap3A_239], %swap3A_242 {strides = array<i32>} : memref<128xi32, #tpu.memory_space<vmem>>, vector<16xi32>,
        %get3A_243 = arith.constant 112 : index
        %get3A_244 = tpu.vector_load %arg7[%get3A_243] {strides = array<i32>} : memref<128xi32, #tpu.memory_space<vmem>>, vector<16xi32>,
        %get3A_245 = vector.shape_cast %get3A_244 : vector<16xi32> to vector<16xi32>
        %swap3A_246 = arith.constant 112 : index
        %swap3A_247 = tpu.vector_load %arg8[%swap3A_246] {strides = array<i32>} : memref<128xi32, #tpu.memory_space<vmem>>, vector<16xi32>,
        %swap3A_248 = vector.shape_cast %swap3A_247 : vector<16xi32> to vector<16xi32>
        %swap3A_249 = vector.shape_cast %get3A_245 : vector<16xi32> to vector<16xi32>
        tpu.vector_store %arg8[%swap3A_246], %swap3A_249 {strides = array<i32>} : memref<128xi32, #tpu.memory_space<vmem>>, vector<16xi32>,
        %dma_start3A_250 = arith.constant 0 : i32
        %dma_start3A_251 = arith.constant 0 : i32
        %dma_start3A_252 = tpu.memref_slice %arg25[%dma_start3A_250, %dma_start3A_251] : memref<50000x32xf32, #tpu.memory_space<vmem_shared>> -> memref<50000x32xf32, #tpu.memory_space<vmem_shared>>
        tpu.enqueue_indirect_dma source(%arg10 : memref<128x32xf32, #tpu.memory_space<vmem>>) target(%dma_start3A_252 : memref<50000x32xf32, #tpu.memory_space<vmem_shared>>) offsets(%arg8 : memref<128xi32, #tpu.memory_space<vmem>>) semaphore(%arg15 : memref<!tpu.dma_semaphore, #tpu.memory_space<semaphore_mem>>) {add = true}
      } else {
      }
      %add3A_158 = arith.constant 1 : i32
      %add3A_159 = arith.addi %add3A_109, %add3A_158 : i32
      %ge3A_160 = arith.constant 0 : i32
      %ge3A_161 = arith.cmpi sge, %add3A_159, %ge3A_160 : i32
      %mul3A_162 = arith.constant 16 : i32
      %mul3A_163 = arith.muli %add3A_159, %mul3A_162 : i32
      %add3A_164 = arith.addi %arg1, %mul3A_163 : i32
      %lt3A_165 = arith.constant 6250 : i32
      %lt3A_166 = arith.cmpi slt, %add3A_164, %lt3A_165 : i32
      %and3A_167 = arith.andi %ge3A_161, %lt3A_166 : i1
      %convert_element_type3A_168 = arith.extui %and3A_167 : i1 to i32
      %cond3A_169 = arith.constant 0 : i32
      %cond3A_170 = arith.cmpi ne, %convert_element_type3A_168, %cond3A_169 : i32
      scf.if %cond3A_170 {
        %add3A_171 = arith.constant 1 : i32
        %add3A_172 = arith.addi %add3A_109, %add3A_171 : i32
        %mul3A_173 = arith.constant 16 : i32
        %mul3A_174 = arith.muli %add3A_172, %mul3A_173 : i32
        %add3A_175 = arith.addi %arg1, %mul3A_174 : i32
        %ge3A_176 = arith.constant 0 : i32
        %ge3A_177 = arith.cmpi sge, %add3A_172, %ge3A_176 : i32
        %mul3A_178 = arith.constant 16 : i32
        %mul3A_179 = arith.muli %add3A_172, %mul3A_178 : i32
        %add3A_180 = arith.addi %arg1, %mul3A_179 : i32
        %lt3A_181 = arith.constant 6250 : i32
        %lt3A_182 = arith.cmpi slt, %add3A_180, %lt3A_181 : i32
        %and3A_183 = arith.andi %ge3A_177, %lt3A_182 : i1
        %jit3A_184 = arith.constant 0 : i32
        %select_n3A_185 = arith.select %and3A_183, %add3A_175, %jit3A_184 : i32
        %mul3A_186 = arith.constant 128 : i32
        %mul3A_187 = arith.muli %select_n3A_185, %mul3A_186 : i32
        %multiple_of3A_188 = tpu.assume_multiple %mul3A_187, 128 : i32
        %dma_start3A_189 = arith.constant 0 : i32
        %dma_start3A_190 = tpu.memref_slice %arg2[%dma_start3A_189, %multiple_of3A_188] : memref<2x800000xi32, #tpu.memory_space<hbm>> -> memref<1x128xi32, #tpu.memory_space<hbm>>
        %dma_start3A_191 = tpu.memref_squeeze %dma_start3A_190 : memref<1x128xi32, #tpu.memory_space<hbm>> -> memref<128xi32, #tpu.memory_space<hbm>>
        %dma_start3A_192 = tpu.memref_slice %arg2[%dma_start3A_189, %multiple_of3A_188] : memref<2x800000xi32, #tpu.memory_space<hbm>> -> memref<1x128xi32, #tpu.memory_space<hbm>>
        %dma_start3A_193 = tpu.memref_squeeze %dma_start3A_192 : memref<1x128xi32, #tpu.memory_space<hbm>> -> memref<128xi32, #tpu.memory_space<hbm>>
        tpu.enqueue_dma source(%dma_start3A_193 : memref<128xi32, #tpu.memory_space<hbm>>) target(%arg7 : memref<128xi32, #tpu.memory_space<vmem>>) target_semaphore(%arg12 : memref<!tpu.dma_semaphore, #tpu.memory_space<semaphore_mem>>)
        %dma_start3A_194 = arith.constant 1 : i32
        %dma_start3A_195 = tpu.memref_slice %arg2[%dma_start3A_194, %multiple_of3A_188] : memref<2x800000xi32, #tpu.memory_space<hbm>> -> memref<1x128xi32, #tpu.memory_space<hbm>>
        %dma_start3A_196 = tpu.memref_squeeze %dma_start3A_195 : memref<1x128xi32, #tpu.memory_space<hbm>> -> memref<128xi32, #tpu.memory_space<hbm>>
        %dma_start3A_197 = tpu.memref_slice %arg2[%dma_start3A_194, %multiple_of3A_188] : memref<2x800000xi32, #tpu.memory_space<hbm>> -> memref<1x128xi32, #tpu.memory_space<hbm>>
        %dma_start3A_198 = tpu.memref_squeeze %dma_start3A_197 : memref<1x128xi32, #tpu.memory_space<hbm>> -> memref<128xi32, #tpu.memory_space<hbm>>
        tpu.enqueue_dma source(%dma_start3A_198 : memref<128xi32, #tpu.memory_space<hbm>>) target(%arg9 : memref<128xi32, #tpu.memory_space<vmem>>) target_semaphore(%arg12 : memref<!tpu.dma_semaphore, #tpu.memory_space<semaphore_mem>>)
      } else {
      }
    }
    %scan3A_28 = arith.constant 197 : i32
    %barrier3A_29 = arith.constant 0 : index
    tpu.barrier barrier_id(%barrier3A_29)
    %lt3A_30 = arith.constant 15 : i32
    %lt3A_31 = arith.cmpi slt, %arg1, %lt3A_30 : i32
    %convert_element_type3A_32 = arith.extui %lt3A_31 : i1 to i32
    %cond3A_33 = arith.constant 0 : i32
    %cond3A_34 = arith.cmpi ne, %convert_element_type3A_32, %cond3A_33 : i32
    scf.if %cond3A_34 {
      "tpu.region"() ({
        %run_scoped3A = tpu.sem_alloc : memref<!tpu.dma_semaphore, #tpu.memory_space<semaphore_mem>>
        %dma_start3A_40 = arith.constant 0 : i32
        %dma_start3A_41 = arith.constant 0 : i32
        %dma_start3A_42 = tpu.memref_slice %arg6[%arg0, %dma_start3A_40, %dma_start3A_41] : memref<2x50000x32xf32, #tpu.memory_space<hbm>> -> memref<1x50000x32xf32, #tpu.memory_space<hbm>>
        %dma_start3A_43 = tpu.memref_squeeze %dma_start3A_42 : memref<1x50000x32xf32, #tpu.memory_space<hbm>> -> memref<50000x32xf32, #tpu.memory_space<hbm>>
        %dma_start3A_44 = arith.constant 0 : i32
        %dma_start3A_45 = tpu.memref_slice %dma_start3A_43[%multiple_of3A, %dma_start3A_44] : memref<50000x32xf32, #tpu.memory_space<hbm>> -> memref<3128x32xf32, #tpu.memory_space<hbm>>
        %dma_start3A_46 = arith.constant 0 : i32
        %dma_start3A_47 = tpu.memref_slice %arg25[%multiple_of3A, %dma_start3A_46] : memref<50000x32xf32, #tpu.memory_space<vmem_shared>> -> memref<3128x32xf32, #tpu.memory_space<vmem_shared>>
        tpu.enqueue_dma source(%dma_start3A_47 : memref<3128x32xf32, #tpu.memory_space<vmem_shared>>) target(%dma_start3A_45 : memref<3128x32xf32, #tpu.memory_space<hbm>>) target_semaphore(%run_scoped3A : memref<!tpu.dma_semaphore, #tpu.memory_space<semaphore_mem>>)
        %dma_wait3A = arith.constant 0 : i32
        %dma_wait3A_48 = arith.constant 0 : i32
        %dma_wait3A_49 = tpu.memref_slice %arg6[%arg0, %dma_wait3A, %dma_wait3A_48] : memref<2x50000x32xf32, #tpu.memory_space<hbm>> -> memref<1x50000x32xf32, #tpu.memory_space<hbm>>
        %dma_wait3A_50 = tpu.memref_squeeze %dma_wait3A_49 : memref<1x50000x32xf32, #tpu.memory_space<hbm>> -> memref<50000x32xf32, #tpu.memory_space<hbm>>
        %dma_wait3A_51 = arith.constant 0 : i32
        %dma_wait3A_52 = tpu.memref_slice %dma_wait3A_50[%multiple_of3A, %dma_wait3A_51] : memref<50000x32xf32, #tpu.memory_space<hbm>> -> memref<3128x32xf32, #tpu.memory_space<hbm>>
        %dma_wait3A_53 = arith.constant 0 : i32
        %dma_wait3A_54 = tpu.memref_slice %arg25[%multiple_of3A, %dma_wait3A_53] : memref<50000x32xf32, #tpu.memory_space<vmem_shared>> -> memref<3128x32xf32, #tpu.memory_space<vmem_shared>>
        tpu.wait_dma2 semaphore(%run_scoped3A : memref<!tpu.dma_semaphore, #tpu.memory_space<semaphore_mem>>) src(%dma_wait3A_54 : memref<3128x32xf32, #tpu.memory_space<vmem_shared>>) dst(%dma_wait3A_52 : memref<3128x32xf32, #tpu.memory_space<hbm>>)
        tpu.yield
      }) : () -> ()
    } else {
    }
    %eq3A_35 = arith.constant 15 : i32
    %eq3A_36 = arith.cmpi eq, %arg1, %eq3A_35 : i32
    %convert_element_type3A_37 = arith.extui %eq3A_36 : i1 to i32
    %cond3A_38 = arith.constant 0 : i32
    %cond3A_39 = arith.cmpi ne, %convert_element_type3A_37, %cond3A_38 : i32
    scf.if %cond3A_39 {
      "tpu.region"() ({
        %run_scoped3A = tpu.sem_alloc : memref<!tpu.dma_semaphore, #tpu.memory_space<semaphore_mem>>
        %dma_start3A_40 = arith.constant 0 : i32
        %dma_start3A_41 = arith.constant 0 : i32
        %dma_start3A_42 = tpu.memref_slice %arg6[%arg0, %dma_start3A_40, %dma_start3A_41] : memref<2x50000x32xf32, #tpu.memory_space<hbm>> -> memref<1x50000x32xf32, #tpu.memory_space<hbm>>
        %dma_start3A_43 = tpu.memref_squeeze %dma_start3A_42 : memref<1x50000x32xf32, #tpu.memory_space<hbm>> -> memref<50000x32xf32, #tpu.memory_space<hbm>>
        %dma_start3A_44 = arith.constant 0 : i32
        %dma_start3A_45 = tpu.memref_slice %dma_start3A_43[%multiple_of3A, %dma_start3A_44] : memref<50000x32xf32, #tpu.memory_space<hbm>> -> memref<3080x32xf32, #tpu.memory_space<hbm>>
        %dma_start3A_46 = arith.constant 0 : i32
        %dma_start3A_47 = tpu.memref_slice %arg25[%multiple_of3A, %dma_start3A_46] : memref<50000x32xf32, #tpu.memory_space<vmem_shared>> -> memref<3080x32xf32, #tpu.memory_space<vmem_shared>>
        tpu.enqueue_dma source(%dma_start3A_47 : memref<3080x32xf32, #tpu.memory_space<vmem_shared>>) target(%dma_start3A_45 : memref<3080x32xf32, #tpu.memory_space<hbm>>) target_semaphore(%run_scoped3A : memref<!tpu.dma_semaphore, #tpu.memory_space<semaphore_mem>>)
        %dma_wait3A = arith.constant 0 : i32
        %dma_wait3A_48 = arith.constant 0 : i32
        %dma_wait3A_49 = tpu.memref_slice %arg6[%arg0, %dma_wait3A, %dma_wait3A_48] : memref<2x50000x32xf32, #tpu.memory_space<hbm>> -> memref<1x50000x32xf32, #tpu.memory_space<hbm>>
        %dma_wait3A_50 = tpu.memref_squeeze %dma_wait3A_49 : memref<1x50000x32xf32, #tpu.memory_space<hbm>> -> memref<50000x32xf32, #tpu.memory_space<hbm>>
        %dma_wait3A_51 = arith.constant 0 : i32
        %dma_wait3A_52 = tpu.memref_slice %dma_wait3A_50[%multiple_of3A, %dma_wait3A_51] : memref<50000x32xf32, #tpu.memory_space<hbm>> -> memref<3080x32xf32, #tpu.memory_space<hbm>>
        %dma_wait3A_53 = arith.constant 0 : i32
        %dma_wait3A_54 = tpu.memref_slice %arg25[%multiple_of3A, %dma_wait3A_53] : memref<50000x32xf32, #tpu.memory_space<vmem_shared>> -> memref<3080x32xf32, #tpu.memory_space<vmem_shared>>
        tpu.wait_dma2 semaphore(%run_scoped3A : memref<!tpu.dma_semaphore, #tpu.memory_space<semaphore_mem>>) src(%dma_wait3A_54 : memref<3080x32xf32, #tpu.memory_space<vmem_shared>>) dst(%dma_wait3A_52 : memref<3080x32xf32, #tpu.memory_space<hbm>>)
        tpu.yield
      }) : () -> ()
    } else {
    }
    return
  }
}

#map = affine_map<(d0, d1) -> (0, 0)>
#map1 = affine_map<(d0, d1) -> (0)>
module attributes {stable_mosaic.version = 14 : i64} {
  func.func @_sc_edge_d2_body(%arg0: i32, %arg1: i32, %arg2: memref<2x800000xi32, #tpu.memory_space<hbm>>, %arg3: memref<50000xf32, #tpu.memory_space<hbm>>, %arg4: memref<50000xf32, #tpu.memory_space<hbm>>, %arg5: memref<50000xf32, #tpu.memory_space<hbm>>, %arg6: memref<6400x128xf32, #tpu.memory_space<hbm>>, %arg7: memref<128xi32, #tpu.memory_space<vmem>>, %arg8: memref<128xi32, #tpu.memory_space<vmem>>, %arg9: memref<6x128xf32, #tpu.memory_space<vmem>>, %arg10: memref<128xf32, #tpu.memory_space<vmem>>, %arg11: memref<!tpu.dma_semaphore, #tpu.memory_space<semaphore_mem>>, %arg12: memref<!tpu.dma_semaphore, #tpu.memory_space<semaphore_mem>>, %arg13: memref<!tpu.dma_semaphore, #tpu.memory_space<semaphore_mem>>, %arg14: memref<128xi32, #tpu.memory_space<vmem>>, %arg15: memref<128xi32, #tpu.memory_space<vmem>>, %arg16: memref<6x128xf32, #tpu.memory_space<vmem>>, %arg17: memref<128xf32, #tpu.memory_space<vmem>>, %arg18: memref<!tpu.dma_semaphore, #tpu.memory_space<semaphore_mem>>, %arg19: memref<!tpu.dma_semaphore, #tpu.memory_space<semaphore_mem>>, %arg20: memref<!tpu.dma_semaphore, #tpu.memory_space<semaphore_mem>>) attributes {dimension_semantics = [#tpu.dimension_semantics<core_parallel>, #tpu.dimension_semantics<subcore_parallel>], iteration_bounds = array<i64: 2, 16>, scalar_prefetch = 0 : i64, scratch_operands = 14 : i64, tpu.core_type = #tpu.core_type<sc_vector_subcore>, window_params = [{transform_indices = #map}, {transform_indices = #map1}, {transform_indices = #map1}, {transform_indices = #map1}, {transform_indices = #map}]} {
    %mul3A = arith.constant 2 : i32
    %mul3A_0 = arith.muli %arg1, %mul3A : i32
    %add3A = arith.addi %mul3A_0, %arg0 : i32
    %add3A_1 = arith.constant 0 : i32
    %add3A_2 = arith.addi %add3A, %add3A_1 : i32
    %add3A_3 = arith.constant 0 : i32
    %add3A_4 = arith.addi %add3A, %add3A_3 : i32
    %lt3A = arith.constant 6250 : i32
    %lt3A_5 = arith.cmpi slt, %add3A_4, %lt3A : i32
    %and3A = arith.constant true
    %and3A_6 = arith.andi %and3A, %lt3A_5 : i1
    %jit3A = arith.constant 0 : i32
    %select_n3A = arith.select %and3A_6, %add3A_2, %jit3A : i32
    %mul3A_7 = arith.constant 128 : i32
    %mul3A_8 = arith.muli %select_n3A, %mul3A_7 : i32
    %multiple_of3A = tpu.assume_multiple %mul3A_8, 128 : i32
    %dma_start3A = arith.constant 0 : i32
    %dma_start3A_9 = tpu.memref_slice %arg2[%dma_start3A, %multiple_of3A] : memref<2x800000xi32, #tpu.memory_space<hbm>> -> memref<1x128xi32, #tpu.memory_space<hbm>>
    %dma_start3A_10 = tpu.memref_squeeze %dma_start3A_9 : memref<1x128xi32, #tpu.memory_space<hbm>> -> memref<128xi32, #tpu.memory_space<hbm>>
    %dma_start3A_11 = tpu.memref_slice %arg2[%dma_start3A, %multiple_of3A] : memref<2x800000xi32, #tpu.memory_space<hbm>> -> memref<1x128xi32, #tpu.memory_space<hbm>>
    %dma_start3A_12 = tpu.memref_squeeze %dma_start3A_11 : memref<1x128xi32, #tpu.memory_space<hbm>> -> memref<128xi32, #tpu.memory_space<hbm>>
    tpu.enqueue_dma source(%dma_start3A_12 : memref<128xi32, #tpu.memory_space<hbm>>) target(%arg7 : memref<128xi32, #tpu.memory_space<vmem>>) target_semaphore(%arg11 : memref<!tpu.dma_semaphore, #tpu.memory_space<semaphore_mem>>)
    %dma_start3A_13 = arith.constant 1 : i32
    %dma_start3A_14 = tpu.memref_slice %arg2[%dma_start3A_13, %multiple_of3A] : memref<2x800000xi32, #tpu.memory_space<hbm>> -> memref<1x128xi32, #tpu.memory_space<hbm>>
    %dma_start3A_15 = tpu.memref_squeeze %dma_start3A_14 : memref<1x128xi32, #tpu.memory_space<hbm>> -> memref<128xi32, #tpu.memory_space<hbm>>
    %dma_start3A_16 = tpu.memref_slice %arg2[%dma_start3A_13, %multiple_of3A] : memref<2x800000xi32, #tpu.memory_space<hbm>> -> memref<1x128xi32, #tpu.memory_space<hbm>>
    %dma_start3A_17 = tpu.memref_squeeze %dma_start3A_16 : memref<1x128xi32, #tpu.memory_space<hbm>> -> memref<128xi32, #tpu.memory_space<hbm>>
    tpu.enqueue_dma source(%dma_start3A_17 : memref<128xi32, #tpu.memory_space<hbm>>) target(%arg8 : memref<128xi32, #tpu.memory_space<vmem>>) target_semaphore(%arg11 : memref<!tpu.dma_semaphore, #tpu.memory_space<semaphore_mem>>)
    %scan3A = arith.constant 0 : i32
    %scan3A_18 = arith.constant 99 : i32
    %scan3A_19 = arith.addi %scan3A, %scan3A_18 : i32
    %scan3A_20 = arith.constant 1 : i32
    scf.for %scan3A_38 = %scan3A to %scan3A_19 step %scan3A_20  : i32 {
      %mul3A_39 = arith.constant 1 : i32
      %mul3A_40 = arith.muli %scan3A_38, %mul3A_39 : i32
      %add3A_41 = arith.constant 0 : i32
      %add3A_42 = arith.addi %add3A_41, %mul3A_40 : i32
      %mul3A_43 = arith.constant 2 : i32
      %mul3A_44 = arith.muli %mul3A_43, %add3A_42 : i32
      %ge3A = arith.constant 0 : i32
      %ge3A_45 = arith.cmpi sge, %mul3A_44, %ge3A : i32
      %mul3A_46 = arith.constant 32 : i32
      %mul3A_47 = arith.muli %mul3A_44, %mul3A_46 : i32
      %add3A_48 = arith.addi %add3A, %mul3A_47 : i32
      %lt3A_49 = arith.constant 6250 : i32
      %lt3A_50 = arith.cmpi slt, %add3A_48, %lt3A_49 : i32
      %and3A_51 = arith.andi %ge3A_45, %lt3A_50 : i1
      %convert_element_type3A_52 = arith.extui %and3A_51 : i1 to i32
      %cond3A_53 = arith.constant 0 : i32
      %cond3A_54 = arith.cmpi ne, %convert_element_type3A_52, %cond3A_53 : i32
      scf.if %cond3A_54 {
        %dma_wait3A = arith.constant 0 : i32
        %dma_wait3A_169 = arith.constant 0 : i32
        %dma_wait3A_170 = tpu.memref_slice %arg2[%dma_wait3A, %dma_wait3A_169] : memref<2x800000xi32, #tpu.memory_space<hbm>> -> memref<1x128xi32, #tpu.memory_space<hbm>>
        %dma_wait3A_171 = tpu.memref_squeeze %dma_wait3A_170 : memref<1x128xi32, #tpu.memory_space<hbm>> -> memref<128xi32, #tpu.memory_space<hbm>>
        %dma_wait3A_172 = arith.constant 0 : i32
        %dma_wait3A_173 = tpu.memref_slice %arg2[%dma_wait3A, %dma_wait3A_172] : memref<2x800000xi32, #tpu.memory_space<hbm>> -> memref<1x128xi32, #tpu.memory_space<hbm>>
        %dma_wait3A_174 = tpu.memref_squeeze %dma_wait3A_173 : memref<1x128xi32, #tpu.memory_space<hbm>> -> memref<128xi32, #tpu.memory_space<hbm>>
        tpu.wait_dma2 semaphore(%arg11 : memref<!tpu.dma_semaphore, #tpu.memory_space<semaphore_mem>>) src(%dma_wait3A_174 : memref<128xi32, #tpu.memory_space<hbm>>) dst(%arg7 : memref<128xi32, #tpu.memory_space<vmem>>)
        %dma_wait3A_175 = arith.constant 1 : i32
        %dma_wait3A_176 = arith.constant 0 : i32
        %dma_wait3A_177 = tpu.memref_slice %arg2[%dma_wait3A_175, %dma_wait3A_176] : memref<2x800000xi32, #tpu.memory_space<hbm>> -> memref<1x128xi32, #tpu.memory_space<hbm>>
        %dma_wait3A_178 = tpu.memref_squeeze %dma_wait3A_177 : memref<1x128xi32, #tpu.memory_space<hbm>> -> memref<128xi32, #tpu.memory_space<hbm>>
        %dma_wait3A_179 = arith.constant 0 : i32
        %dma_wait3A_180 = tpu.memref_slice %arg2[%dma_wait3A_175, %dma_wait3A_179] : memref<2x800000xi32, #tpu.memory_space<hbm>> -> memref<1x128xi32, #tpu.memory_space<hbm>>
        %dma_wait3A_181 = tpu.memref_squeeze %dma_wait3A_180 : memref<1x128xi32, #tpu.memory_space<hbm>> -> memref<128xi32, #tpu.memory_space<hbm>>
        tpu.wait_dma2 semaphore(%arg11 : memref<!tpu.dma_semaphore, #tpu.memory_space<semaphore_mem>>) src(%dma_wait3A_181 : memref<128xi32, #tpu.memory_space<hbm>>) dst(%arg8 : memref<128xi32, #tpu.memory_space<vmem>>)
      } else {
      }
      %sub3A = arith.constant 2 : i32
      %sub3A_55 = arith.subi %mul3A_44, %sub3A : i32
      %ge3A_56 = arith.constant 0 : i32
      %ge3A_57 = arith.cmpi sge, %sub3A_55, %ge3A_56 : i32
      %mul3A_58 = arith.constant 32 : i32
      %mul3A_59 = arith.muli %sub3A_55, %mul3A_58 : i32
      %add3A_60 = arith.addi %add3A, %mul3A_59 : i32
      %lt3A_61 = arith.constant 6250 : i32
      %lt3A_62 = arith.cmpi slt, %add3A_60, %lt3A_61 : i32
      %and3A_63 = arith.andi %ge3A_57, %lt3A_62 : i1
      %convert_element_type3A_64 = arith.extui %and3A_63 : i1 to i32
      %cond3A_65 = arith.constant 0 : i32
      %cond3A_66 = arith.cmpi ne, %convert_element_type3A_64, %cond3A_65 : i32
      scf.if %cond3A_66 {
        %dma_wait3A = arith.constant 0 : i32
        %dma_wait3A_169 = arith.constant 0 : i32
        %dma_wait3A_170 = tpu.memref_slice %arg6[%dma_wait3A, %dma_wait3A_169] : memref<6400x128xf32, #tpu.memory_space<hbm>> -> memref<1x128xf32, #tpu.memory_space<hbm>>
        %dma_wait3A_171 = tpu.memref_squeeze %dma_wait3A_170 : memref<1x128xf32, #tpu.memory_space<hbm>> -> memref<128xf32, #tpu.memory_space<hbm>>
        %dma_wait3A_172 = arith.constant 0 : i32
        %dma_wait3A_173 = tpu.memref_slice %arg6[%dma_wait3A, %dma_wait3A_172] : memref<6400x128xf32, #tpu.memory_space<hbm>> -> memref<1x128xf32, #tpu.memory_space<hbm>>
        %dma_wait3A_174 = tpu.memref_squeeze %dma_wait3A_173 : memref<1x128xf32, #tpu.memory_space<hbm>> -> memref<128xf32, #tpu.memory_space<hbm>>
        tpu.wait_dma2 semaphore(%arg13 : memref<!tpu.dma_semaphore, #tpu.memory_space<semaphore_mem>>) src(%arg10 : memref<128xf32, #tpu.memory_space<vmem>>) dst(%dma_wait3A_174 : memref<128xf32, #tpu.memory_space<hbm>>)
      } else {
      }
      %ge3A_67 = arith.constant 0 : i32
      %ge3A_68 = arith.cmpi sge, %mul3A_44, %ge3A_67 : i32
      %mul3A_69 = arith.constant 32 : i32
      %mul3A_70 = arith.muli %mul3A_44, %mul3A_69 : i32
      %add3A_71 = arith.addi %add3A, %mul3A_70 : i32
      %lt3A_72 = arith.constant 6250 : i32
      %lt3A_73 = arith.cmpi slt, %add3A_71, %lt3A_72 : i32
      %and3A_74 = arith.andi %ge3A_68, %lt3A_73 : i1
      %convert_element_type3A_75 = arith.extui %and3A_74 : i1 to i32
      %cond3A_76 = arith.constant 0 : i32
      %cond3A_77 = arith.cmpi ne, %convert_element_type3A_75, %cond3A_76 : i32
      scf.if %cond3A_77 {
        %dma_start3A_169 = arith.constant 0 : i32
        %dma_start3A_170 = arith.constant 0 : i32
        %dma_start3A_171 = tpu.memref_slice %arg9[%dma_start3A_169, %dma_start3A_170] : memref<6x128xf32, #tpu.memory_space<vmem>> -> memref<1x128xf32, #tpu.memory_space<vmem>>
        %dma_start3A_172 = tpu.memref_squeeze %dma_start3A_171 : memref<1x128xf32, #tpu.memory_space<vmem>> -> memref<128xf32, #tpu.memory_space<vmem>>
        %dma_start3A_173 = arith.constant 0 : i32
        %dma_start3A_174 = tpu.memref_slice %arg3[%dma_start3A_173] : memref<50000xf32, #tpu.memory_space<hbm>> -> memref<50000xf32, #tpu.memory_space<hbm>>
        tpu.enqueue_indirect_dma source(%dma_start3A_174 : memref<50000xf32, #tpu.memory_space<hbm>>) target(%dma_start3A_172 : memref<128xf32, #tpu.memory_space<vmem>>) offsets(%arg7 : memref<128xi32, #tpu.memory_space<vmem>>) semaphore(%arg12 : memref<!tpu.dma_semaphore, #tpu.memory_space<semaphore_mem>>)
        %dma_start3A_175 = arith.constant 1 : i32
        %dma_start3A_176 = arith.constant 0 : i32
        %dma_start3A_177 = tpu.memref_slice %arg9[%dma_start3A_175, %dma_start3A_176] : memref<6x128xf32, #tpu.memory_space<vmem>> -> memref<1x128xf32, #tpu.memory_space<vmem>>
        %dma_start3A_178 = tpu.memref_squeeze %dma_start3A_177 : memref<1x128xf32, #tpu.memory_space<vmem>> -> memref<128xf32, #tpu.memory_space<vmem>>
        %dma_start3A_179 = arith.constant 0 : i32
        %dma_start3A_180 = tpu.memref_slice %arg4[%dma_start3A_179] : memref<50000xf32, #tpu.memory_space<hbm>> -> memref<50000xf32, #tpu.memory_space<hbm>>
        tpu.enqueue_indirect_dma source(%dma_start3A_180 : memref<50000xf32, #tpu.memory_space<hbm>>) target(%dma_start3A_178 : memref<128xf32, #tpu.memory_space<vmem>>) offsets(%arg7 : memref<128xi32, #tpu.memory_space<vmem>>) semaphore(%arg12 : memref<!tpu.dma_semaphore, #tpu.memory_space<semaphore_mem>>)
        %dma_start3A_181 = arith.constant 2 : i32
        %dma_start3A_182 = arith.constant 0 : i32
        %dma_start3A_183 = tpu.memref_slice %arg9[%dma_start3A_181, %dma_start3A_182] : memref<6x128xf32, #tpu.memory_space<vmem>> -> memref<1x128xf32, #tpu.memory_space<vmem>>
        %dma_start3A_184 = tpu.memref_squeeze %dma_start3A_183 : memref<1x128xf32, #tpu.memory_space<vmem>> -> memref<128xf32, #tpu.memory_space<vmem>>
        %dma_start3A_185 = arith.constant 0 : i32
        %dma_start3A_186 = tpu.memref_slice %arg5[%dma_start3A_185] : memref<50000xf32, #tpu.memory_space<hbm>> -> memref<50000xf32, #tpu.memory_space<hbm>>
        tpu.enqueue_indirect_dma source(%dma_start3A_186 : memref<50000xf32, #tpu.memory_space<hbm>>) target(%dma_start3A_184 : memref<128xf32, #tpu.memory_space<vmem>>) offsets(%arg7 : memref<128xi32, #tpu.memory_space<vmem>>) semaphore(%arg12 : memref<!tpu.dma_semaphore, #tpu.memory_space<semaphore_mem>>)
        %dma_start3A_187 = arith.constant 3 : i32
        %dma_start3A_188 = arith.constant 0 : i32
        %dma_start3A_189 = tpu.memref_slice %arg9[%dma_start3A_187, %dma_start3A_188] : memref<6x128xf32, #tpu.memory_space<vmem>> -> memref<1x128xf32, #tpu.memory_space<vmem>>
        %dma_start3A_190 = tpu.memref_squeeze %dma_start3A_189 : memref<1x128xf32, #tpu.memory_space<vmem>> -> memref<128xf32, #tpu.memory_space<vmem>>
        %dma_start3A_191 = arith.constant 0 : i32
        %dma_start3A_192 = tpu.memref_slice %arg3[%dma_start3A_191] : memref<50000xf32, #tpu.memory_space<hbm>> -> memref<50000xf32, #tpu.memory_space<hbm>>
        tpu.enqueue_indirect_dma source(%dma_start3A_192 : memref<50000xf32, #tpu.memory_space<hbm>>) target(%dma_start3A_190 : memref<128xf32, #tpu.memory_space<vmem>>) offsets(%arg8 : memref<128xi32, #tpu.memory_space<vmem>>) semaphore(%arg12 : memref<!tpu.dma_semaphore, #tpu.memory_space<semaphore_mem>>)
        %dma_start3A_193 = arith.constant 4 : i32
        %dma_start3A_194 = arith.constant 0 : i32
        %dma_start3A_195 = tpu.memref_slice %arg9[%dma_start3A_193, %dma_start3A_194] : memref<6x128xf32, #tpu.memory_space<vmem>> -> memref<1x128xf32, #tpu.memory_space<vmem>>
        %dma_start3A_196 = tpu.memref_squeeze %dma_start3A_195 : memref<1x128xf32, #tpu.memory_space<vmem>> -> memref<128xf32, #tpu.memory_space<vmem>>
        %dma_start3A_197 = arith.constant 0 : i32
        %dma_start3A_198 = tpu.memref_slice %arg4[%dma_start3A_197] : memref<50000xf32, #tpu.memory_space<hbm>> -> memref<50000xf32, #tpu.memory_space<hbm>>
        tpu.enqueue_indirect_dma source(%dma_start3A_198 : memref<50000xf32, #tpu.memory_space<hbm>>) target(%dma_start3A_196 : memref<128xf32, #tpu.memory_space<vmem>>) offsets(%arg8 : memref<128xi32, #tpu.memory_space<vmem>>) semaphore(%arg12 : memref<!tpu.dma_semaphore, #tpu.memory_space<semaphore_mem>>)
        %dma_start3A_199 = arith.constant 5 : i32
        %dma_start3A_200 = arith.constant 0 : i32
        %dma_start3A_201 = tpu.memref_slice %arg9[%dma_start3A_199, %dma_start3A_200] : memref<6x128xf32, #tpu.memory_space<vmem>> -> memref<1x128xf32, #tpu.memory_space<vmem>>
        %dma_start3A_202 = tpu.memref_squeeze %dma_start3A_201 : memref<1x128xf32, #tpu.memory_space<vmem>> -> memref<128xf32, #tpu.memory_space<vmem>>
        %dma_start3A_203 = arith.constant 0 : i32
        %dma_start3A_204 = tpu.memref_slice %arg5[%dma_start3A_203] : memref<50000xf32, #tpu.memory_space<hbm>> -> memref<50000xf32, #tpu.memory_space<hbm>>
        tpu.enqueue_indirect_dma source(%dma_start3A_204 : memref<50000xf32, #tpu.memory_space<hbm>>) target(%dma_start3A_202 : memref<128xf32, #tpu.memory_space<vmem>>) offsets(%arg8 : memref<128xi32, #tpu.memory_space<vmem>>) semaphore(%arg12 : memref<!tpu.dma_semaphore, #tpu.memory_space<semaphore_mem>>)
      } else {
      }
      %sub3A_78 = arith.constant 1 : i32
      %sub3A_79 = arith.subi %mul3A_44, %sub3A_78 : i32
      %ge3A_80 = arith.constant 0 : i32
      %ge3A_81 = arith.cmpi sge, %sub3A_79, %ge3A_80 : i32
      %mul3A_82 = arith.constant 32 : i32
      %mul3A_83 = arith.muli %sub3A_79, %mul3A_82 : i32
      %add3A_84 = arith.addi %add3A, %mul3A_83 : i32
      %lt3A_85 = arith.constant 6250 : i32
      %lt3A_86 = arith.cmpi slt, %add3A_84, %lt3A_85 : i32
      %and3A_87 = arith.andi %ge3A_81, %lt3A_86 : i1
      %convert_element_type3A_88 = arith.extui %and3A_87 : i1 to i32
      %cond3A_89 = arith.constant 0 : i32
      %cond3A_90 = arith.cmpi ne, %convert_element_type3A_88, %cond3A_89 : i32
      scf.if %cond3A_90 {
        %dma_wait3A = arith.constant 0 : i32
        %dma_wait3A_169 = arith.constant 0 : i32
        %dma_wait3A_170 = tpu.memref_slice %arg16[%dma_wait3A, %dma_wait3A_169] : memref<6x128xf32, #tpu.memory_space<vmem>> -> memref<1x128xf32, #tpu.memory_space<vmem>>
        %dma_wait3A_171 = tpu.memref_squeeze %dma_wait3A_170 : memref<1x128xf32, #tpu.memory_space<vmem>> -> memref<128xf32, #tpu.memory_space<vmem>>
        %dma_wait3A_172 = arith.constant 0 : i32
        %dma_wait3A_173 = tpu.memref_slice %arg3[%dma_wait3A_172] : memref<50000xf32, #tpu.memory_space<hbm>> -> memref<50000xf32, #tpu.memory_space<hbm>>
        tpu.wait_indirect_dma semaphore(%arg19 : memref<!tpu.dma_semaphore, #tpu.memory_space<semaphore_mem>>) src(%dma_wait3A_173 : memref<50000xf32, #tpu.memory_space<hbm>>) dst(%dma_wait3A_171 : memref<128xf32, #tpu.memory_space<vmem>>)
        %dma_wait3A_174 = arith.constant 1 : i32
        %dma_wait3A_175 = arith.constant 0 : i32
        %dma_wait3A_176 = tpu.memref_slice %arg16[%dma_wait3A_174, %dma_wait3A_175] : memref<6x128xf32, #tpu.memory_space<vmem>> -> memref<1x128xf32, #tpu.memory_space<vmem>>
        %dma_wait3A_177 = tpu.memref_squeeze %dma_wait3A_176 : memref<1x128xf32, #tpu.memory_space<vmem>> -> memref<128xf32, #tpu.memory_space<vmem>>
        %dma_wait3A_178 = arith.constant 0 : i32
        %dma_wait3A_179 = tpu.memref_slice %arg3[%dma_wait3A_178] : memref<50000xf32, #tpu.memory_space<hbm>> -> memref<50000xf32, #tpu.memory_space<hbm>>
        tpu.wait_indirect_dma semaphore(%arg19 : memref<!tpu.dma_semaphore, #tpu.memory_space<semaphore_mem>>) src(%dma_wait3A_179 : memref<50000xf32, #tpu.memory_space<hbm>>) dst(%dma_wait3A_177 : memref<128xf32, #tpu.memory_space<vmem>>)
        %dma_wait3A_180 = arith.constant 2 : i32
        %dma_wait3A_181 = arith.constant 0 : i32
        %dma_wait3A_182 = tpu.memref_slice %arg16[%dma_wait3A_180, %dma_wait3A_181] : memref<6x128xf32, #tpu.memory_space<vmem>> -> memref<1x128xf32, #tpu.memory_space<vmem>>
        %dma_wait3A_183 = tpu.memref_squeeze %dma_wait3A_182 : memref<1x128xf32, #tpu.memory_space<vmem>> -> memref<128xf32, #tpu.memory_space<vmem>>
        %dma_wait3A_184 = arith.constant 0 : i32
        %dma_wait3A_185 = tpu.memref_slice %arg3[%dma_wait3A_184] : memref<50000xf32, #tpu.memory_space<hbm>> -> memref<50000xf32, #tpu.memory_space<hbm>>
        tpu.wait_indirect_dma semaphore(%arg19 : memref<!tpu.dma_semaphore, #tpu.memory_space<semaphore_mem>>) src(%dma_wait3A_185 : memref<50000xf32, #tpu.memory_space<hbm>>) dst(%dma_wait3A_183 : memref<128xf32, #tpu.memory_space<vmem>>)
        %dma_wait3A_186 = arith.constant 3 : i32
        %dma_wait3A_187 = arith.constant 0 : i32
        %dma_wait3A_188 = tpu.memref_slice %arg16[%dma_wait3A_186, %dma_wait3A_187] : memref<6x128xf32, #tpu.memory_space<vmem>> -> memref<1x128xf32, #tpu.memory_space<vmem>>
        %dma_wait3A_189 = tpu.memref_squeeze %dma_wait3A_188 : memref<1x128xf32, #tpu.memory_space<vmem>> -> memref<128xf32, #tpu.memory_space<vmem>>
        %dma_wait3A_190 = arith.constant 0 : i32
        %dma_wait3A_191 = tpu.memref_slice %arg3[%dma_wait3A_190] : memref<50000xf32, #tpu.memory_space<hbm>> -> memref<50000xf32, #tpu.memory_space<hbm>>
        tpu.wait_indirect_dma semaphore(%arg19 : memref<!tpu.dma_semaphore, #tpu.memory_space<semaphore_mem>>) src(%dma_wait3A_191 : memref<50000xf32, #tpu.memory_space<hbm>>) dst(%dma_wait3A_189 : memref<128xf32, #tpu.memory_space<vmem>>)
        %dma_wait3A_192 = arith.constant 4 : i32
        %dma_wait3A_193 = arith.constant 0 : i32
        %dma_wait3A_194 = tpu.memref_slice %arg16[%dma_wait3A_192, %dma_wait3A_193] : memref<6x128xf32, #tpu.memory_space<vmem>> -> memref<1x128xf32, #tpu.memory_space<vmem>>
        %dma_wait3A_195 = tpu.memref_squeeze %dma_wait3A_194 : memref<1x128xf32, #tpu.memory_space<vmem>> -> memref<128xf32, #tpu.memory_space<vmem>>
        %dma_wait3A_196 = arith.constant 0 : i32
        %dma_wait3A_197 = tpu.memref_slice %arg3[%dma_wait3A_196] : memref<50000xf32, #tpu.memory_space<hbm>> -> memref<50000xf32, #tpu.memory_space<hbm>>
        tpu.wait_indirect_dma semaphore(%arg19 : memref<!tpu.dma_semaphore, #tpu.memory_space<semaphore_mem>>) src(%dma_wait3A_197 : memref<50000xf32, #tpu.memory_space<hbm>>) dst(%dma_wait3A_195 : memref<128xf32, #tpu.memory_space<vmem>>)
        %dma_wait3A_198 = arith.constant 5 : i32
        %dma_wait3A_199 = arith.constant 0 : i32
        %dma_wait3A_200 = tpu.memref_slice %arg16[%dma_wait3A_198, %dma_wait3A_199] : memref<6x128xf32, #tpu.memory_space<vmem>> -> memref<1x128xf32, #tpu.memory_space<vmem>>
        %dma_wait3A_201 = tpu.memref_squeeze %dma_wait3A_200 : memref<1x128xf32, #tpu.memory_space<vmem>> -> memref<128xf32, #tpu.memory_space<vmem>>
        %dma_wait3A_202 = arith.constant 0 : i32
        %dma_wait3A_203 = tpu.memref_slice %arg3[%dma_wait3A_202] : memref<50000xf32, #tpu.memory_space<hbm>> -> memref<50000xf32, #tpu.memory_space<hbm>>
        tpu.wait_indirect_dma semaphore(%arg19 : memref<!tpu.dma_semaphore, #tpu.memory_space<semaphore_mem>>) src(%dma_wait3A_203 : memref<50000xf32, #tpu.memory_space<hbm>>) dst(%dma_wait3A_201 : memref<128xf32, #tpu.memory_space<vmem>>)
        %sub3A_204 = arith.constant 1 : i32
        %sub3A_205 = arith.subi %mul3A_44, %sub3A_204 : i32
        %get3A = arith.constant 0 : i32
        %get3A_206 = arith.index_cast %get3A : i32 to index
        %get3A_207 = arith.constant 0 : index
        %get3A_208 = tpu.vector_load %arg16[%get3A_206, %get3A_207] {strides = array<i32>} : memref<6x128xf32, #tpu.memory_space<vmem>>, vector<1x16xf32>,
        %get3A_209 = vector.shape_cast %get3A_208 : vector<1x16xf32> to vector<16xf32>
        %get3A_210 = arith.constant 3 : i32
        %get3A_211 = arith.index_cast %get3A_210 : i32 to index
        %get3A_212 = arith.constant 0 : index
        %get3A_213 = tpu.vector_load %arg16[%get3A_211, %get3A_212] {strides = array<i32>} : memref<6x128xf32, #tpu.memory_space<vmem>>, vector<1x16xf32>,
        %get3A_214 = vector.shape_cast %get3A_213 : vector<1x16xf32> to vector<16xf32>
        %sub3A_215 = arith.subf %get3A_209, %get3A_214 : vector<16xf32>
        %get3A_216 = arith.constant 1 : i32
        %get3A_217 = arith.index_cast %get3A_216 : i32 to index
        %get3A_218 = arith.constant 0 : index
        %get3A_219 = tpu.vector_load %arg16[%get3A_217, %get3A_218] {strides = array<i32>} : memref<6x128xf32, #tpu.memory_space<vmem>>, vector<1x16xf32>,
        %get3A_220 = vector.shape_cast %get3A_219 : vector<1x16xf32> to vector<16xf32>
        %get3A_221 = arith.constant 4 : i32
        %get3A_222 = arith.index_cast %get3A_221 : i32 to index
        %get3A_223 = arith.constant 0 : index
        %get3A_224 = tpu.vector_load %arg16[%get3A_222, %get3A_223] {strides = array<i32>} : memref<6x128xf32, #tpu.memory_space<vmem>>, vector<1x16xf32>,
        %get3A_225 = vector.shape_cast %get3A_224 : vector<1x16xf32> to vector<16xf32>
        %sub3A_226 = arith.subf %get3A_220, %get3A_225 : vector<16xf32>
        %get3A_227 = arith.constant 2 : i32
        %get3A_228 = arith.index_cast %get3A_227 : i32 to index
        %get3A_229 = arith.constant 0 : index
        %get3A_230 = tpu.vector_load %arg16[%get3A_228, %get3A_229] {strides = array<i32>} : memref<6x128xf32, #tpu.memory_space<vmem>>, vector<1x16xf32>,
        %get3A_231 = vector.shape_cast %get3A_230 : vector<1x16xf32> to vector<16xf32>
        %get3A_232 = arith.constant 5 : i32
        %get3A_233 = arith.index_cast %get3A_232 : i32 to index
        %get3A_234 = arith.constant 0 : index
        %get3A_235 = tpu.vector_load %arg16[%get3A_233, %get3A_234] {strides = array<i32>} : memref<6x128xf32, #tpu.memory_space<vmem>>, vector<1x16xf32>,
        %get3A_236 = vector.shape_cast %get3A_235 : vector<1x16xf32> to vector<16xf32>
        %sub3A_237 = arith.subf %get3A_231, %get3A_236 : vector<16xf32>
        %mul3A_238 = arith.mulf %sub3A_215, %sub3A_215 : vector<16xf32>
        %mul3A_239 = arith.mulf %sub3A_226, %sub3A_226 : vector<16xf32>
        %add3A_240 = arith.addf %mul3A_238, %mul3A_239 : vector<16xf32>
        %mul3A_241 = arith.mulf %sub3A_237, %sub3A_237 : vector<16xf32>
        %add3A_242 = arith.addf %add3A_240, %mul3A_241 : vector<16xf32>
        %swap3A = arith.constant 0 : index
        %swap3A_243 = tpu.vector_load %arg17[%swap3A] {strides = array<i32>} : memref<128xf32, #tpu.memory_space<vmem>>, vector<16xf32>,
        %swap3A_244 = vector.shape_cast %swap3A_243 : vector<16xf32> to vector<16xf32>
        %swap3A_245 = vector.shape_cast %add3A_242 : vector<16xf32> to vector<16xf32>
        tpu.vector_store %arg17[%swap3A], %swap3A_245 {strides = array<i32>} : memref<128xf32, #tpu.memory_space<vmem>>, vector<16xf32>,
        %get3A_246 = arith.constant 0 : i32
        %get3A_247 = arith.index_cast %get3A_246 : i32 to index
        %get3A_248 = arith.constant 16 : index
        %get3A_249 = tpu.vector_load %arg16[%get3A_247, %get3A_248] {strides = array<i32>} : memref<6x128xf32, #tpu.memory_space<vmem>>, vector<1x16xf32>,
        %get3A_250 = vector.shape_cast %get3A_249 : vector<1x16xf32> to vector<16xf32>
        %get3A_251 = arith.constant 3 : i32
        %get3A_252 = arith.index_cast %get3A_251 : i32 to index
        %get3A_253 = arith.constant 16 : index
        %get3A_254 = tpu.vector_load %arg16[%get3A_252, %get3A_253] {strides = array<i32>} : memref<6x128xf32, #tpu.memory_space<vmem>>, vector<1x16xf32>,
        %get3A_255 = vector.shape_cast %get3A_254 : vector<1x16xf32> to vector<16xf32>
        %sub3A_256 = arith.subf %get3A_250, %get3A_255 : vector<16xf32>
        %get3A_257 = arith.constant 1 : i32
        %get3A_258 = arith.index_cast %get3A_257 : i32 to index
        %get3A_259 = arith.constant 16 : index
        %get3A_260 = tpu.vector_load %arg16[%get3A_258, %get3A_259] {strides = array<i32>} : memref<6x128xf32, #tpu.memory_space<vmem>>, vector<1x16xf32>,
        %get3A_261 = vector.shape_cast %get3A_260 : vector<1x16xf32> to vector<16xf32>
        %get3A_262 = arith.constant 4 : i32
        %get3A_263 = arith.index_cast %get3A_262 : i32 to index
        %get3A_264 = arith.constant 16 : index
        %get3A_265 = tpu.vector_load %arg16[%get3A_263, %get3A_264] {strides = array<i32>} : memref<6x128xf32, #tpu.memory_space<vmem>>, vector<1x16xf32>,
        %get3A_266 = vector.shape_cast %get3A_265 : vector<1x16xf32> to vector<16xf32>
        %sub3A_267 = arith.subf %get3A_261, %get3A_266 : vector<16xf32>
        %get3A_268 = arith.constant 2 : i32
        %get3A_269 = arith.index_cast %get3A_268 : i32 to index
        %get3A_270 = arith.constant 16 : index
        %get3A_271 = tpu.vector_load %arg16[%get3A_269, %get3A_270] {strides = array<i32>} : memref<6x128xf32, #tpu.memory_space<vmem>>, vector<1x16xf32>,
        %get3A_272 = vector.shape_cast %get3A_271 : vector<1x16xf32> to vector<16xf32>
        %get3A_273 = arith.constant 5 : i32
        %get3A_274 = arith.index_cast %get3A_273 : i32 to index
        %get3A_275 = arith.constant 16 : index
        %get3A_276 = tpu.vector_load %arg16[%get3A_274, %get3A_275] {strides = array<i32>} : memref<6x128xf32, #tpu.memory_space<vmem>>, vector<1x16xf32>,
        %get3A_277 = vector.shape_cast %get3A_276 : vector<1x16xf32> to vector<16xf32>
        %sub3A_278 = arith.subf %get3A_272, %get3A_277 : vector<16xf32>
        %mul3A_279 = arith.mulf %sub3A_256, %sub3A_256 : vector<16xf32>
        %mul3A_280 = arith.mulf %sub3A_267, %sub3A_267 : vector<16xf32>
        %add3A_281 = arith.addf %mul3A_279, %mul3A_280 : vector<16xf32>
        %mul3A_282 = arith.mulf %sub3A_278, %sub3A_278 : vector<16xf32>
        %add3A_283 = arith.addf %add3A_281, %mul3A_282 : vector<16xf32>
        %swap3A_284 = arith.constant 16 : index
        %swap3A_285 = tpu.vector_load %arg17[%swap3A_284] {strides = array<i32>} : memref<128xf32, #tpu.memory_space<vmem>>, vector<16xf32>,
        %swap3A_286 = vector.shape_cast %swap3A_285 : vector<16xf32> to vector<16xf32>
        %swap3A_287 = vector.shape_cast %add3A_283 : vector<16xf32> to vector<16xf32>
        tpu.vector_store %arg17[%swap3A_284], %swap3A_287 {strides = array<i32>} : memref<128xf32, #tpu.memory_space<vmem>>, vector<16xf32>,
        %get3A_288 = arith.constant 0 : i32
        %get3A_289 = arith.index_cast %get3A_288 : i32 to index
        %get3A_290 = arith.constant 32 : index
        %get3A_291 = tpu.vector_load %arg16[%get3A_289, %get3A_290] {strides = array<i32>} : memref<6x128xf32, #tpu.memory_space<vmem>>, vector<1x16xf32>,
        %get3A_292 = vector.shape_cast %get3A_291 : vector<1x16xf32> to vector<16xf32>
        %get3A_293 = arith.constant 3 : i32
        %get3A_294 = arith.index_cast %get3A_293 : i32 to index
        %get3A_295 = arith.constant 32 : index
        %get3A_296 = tpu.vector_load %arg16[%get3A_294, %get3A_295] {strides = array<i32>} : memref<6x128xf32, #tpu.memory_space<vmem>>, vector<1x16xf32>,
        %get3A_297 = vector.shape_cast %get3A_296 : vector<1x16xf32> to vector<16xf32>
        %sub3A_298 = arith.subf %get3A_292, %get3A_297 : vector<16xf32>
        %get3A_299 = arith.constant 1 : i32
        %get3A_300 = arith.index_cast %get3A_299 : i32 to index
        %get3A_301 = arith.constant 32 : index
        %get3A_302 = tpu.vector_load %arg16[%get3A_300, %get3A_301] {strides = array<i32>} : memref<6x128xf32, #tpu.memory_space<vmem>>, vector<1x16xf32>,
        %get3A_303 = vector.shape_cast %get3A_302 : vector<1x16xf32> to vector<16xf32>
        %get3A_304 = arith.constant 4 : i32
        %get3A_305 = arith.index_cast %get3A_304 : i32 to index
        %get3A_306 = arith.constant 32 : index
        %get3A_307 = tpu.vector_load %arg16[%get3A_305, %get3A_306] {strides = array<i32>} : memref<6x128xf32, #tpu.memory_space<vmem>>, vector<1x16xf32>,
        %get3A_308 = vector.shape_cast %get3A_307 : vector<1x16xf32> to vector<16xf32>
        %sub3A_309 = arith.subf %get3A_303, %get3A_308 : vector<16xf32>
        %get3A_310 = arith.constant 2 : i32
        %get3A_311 = arith.index_cast %get3A_310 : i32 to index
        %get3A_312 = arith.constant 32 : index
        %get3A_313 = tpu.vector_load %arg16[%get3A_311, %get3A_312] {strides = array<i32>} : memref<6x128xf32, #tpu.memory_space<vmem>>, vector<1x16xf32>,
        %get3A_314 = vector.shape_cast %get3A_313 : vector<1x16xf32> to vector<16xf32>
        %get3A_315 = arith.constant 5 : i32
        %get3A_316 = arith.index_cast %get3A_315 : i32 to index
        %get3A_317 = arith.constant 32 : index
        %get3A_318 = tpu.vector_load %arg16[%get3A_316, %get3A_317] {strides = array<i32>} : memref<6x128xf32, #tpu.memory_space<vmem>>, vector<1x16xf32>,
        %get3A_319 = vector.shape_cast %get3A_318 : vector<1x16xf32> to vector<16xf32>
        %sub3A_320 = arith.subf %get3A_314, %get3A_319 : vector<16xf32>
        %mul3A_321 = arith.mulf %sub3A_298, %sub3A_298 : vector<16xf32>
        %mul3A_322 = arith.mulf %sub3A_309, %sub3A_309 : vector<16xf32>
        %add3A_323 = arith.addf %mul3A_321, %mul3A_322 : vector<16xf32>
        %mul3A_324 = arith.mulf %sub3A_320, %sub3A_320 : vector<16xf32>
        %add3A_325 = arith.addf %add3A_323, %mul3A_324 : vector<16xf32>
        %swap3A_326 = arith.constant 32 : index
        %swap3A_327 = tpu.vector_load %arg17[%swap3A_326] {strides = array<i32>} : memref<128xf32, #tpu.memory_space<vmem>>, vector<16xf32>,
        %swap3A_328 = vector.shape_cast %swap3A_327 : vector<16xf32> to vector<16xf32>
        %swap3A_329 = vector.shape_cast %add3A_325 : vector<16xf32> to vector<16xf32>
        tpu.vector_store %arg17[%swap3A_326], %swap3A_329 {strides = array<i32>} : memref<128xf32, #tpu.memory_space<vmem>>, vector<16xf32>,
        %get3A_330 = arith.constant 0 : i32
        %get3A_331 = arith.index_cast %get3A_330 : i32 to index
        %get3A_332 = arith.constant 48 : index
        %get3A_333 = tpu.vector_load %arg16[%get3A_331, %get3A_332] {strides = array<i32>} : memref<6x128xf32, #tpu.memory_space<vmem>>, vector<1x16xf32>,
        %get3A_334 = vector.shape_cast %get3A_333 : vector<1x16xf32> to vector<16xf32>
        %get3A_335 = arith.constant 3 : i32
        %get3A_336 = arith.index_cast %get3A_335 : i32 to index
        %get3A_337 = arith.constant 48 : index
        %get3A_338 = tpu.vector_load %arg16[%get3A_336, %get3A_337] {strides = array<i32>} : memref<6x128xf32, #tpu.memory_space<vmem>>, vector<1x16xf32>,
        %get3A_339 = vector.shape_cast %get3A_338 : vector<1x16xf32> to vector<16xf32>
        %sub3A_340 = arith.subf %get3A_334, %get3A_339 : vector<16xf32>
        %get3A_341 = arith.constant 1 : i32
        %get3A_342 = arith.index_cast %get3A_341 : i32 to index
        %get3A_343 = arith.constant 48 : index
        %get3A_344 = tpu.vector_load %arg16[%get3A_342, %get3A_343] {strides = array<i32>} : memref<6x128xf32, #tpu.memory_space<vmem>>, vector<1x16xf32>,
        %get3A_345 = vector.shape_cast %get3A_344 : vector<1x16xf32> to vector<16xf32>
        %get3A_346 = arith.constant 4 : i32
        %get3A_347 = arith.index_cast %get3A_346 : i32 to index
        %get3A_348 = arith.constant 48 : index
        %get3A_349 = tpu.vector_load %arg16[%get3A_347, %get3A_348] {strides = array<i32>} : memref<6x128xf32, #tpu.memory_space<vmem>>, vector<1x16xf32>,
        %get3A_350 = vector.shape_cast %get3A_349 : vector<1x16xf32> to vector<16xf32>
        %sub3A_351 = arith.subf %get3A_345, %get3A_350 : vector<16xf32>
        %get3A_352 = arith.constant 2 : i32
        %get3A_353 = arith.index_cast %get3A_352 : i32 to index
        %get3A_354 = arith.constant 48 : index
        %get3A_355 = tpu.vector_load %arg16[%get3A_353, %get3A_354] {strides = array<i32>} : memref<6x128xf32, #tpu.memory_space<vmem>>, vector<1x16xf32>,
        %get3A_356 = vector.shape_cast %get3A_355 : vector<1x16xf32> to vector<16xf32>
        %get3A_357 = arith.constant 5 : i32
        %get3A_358 = arith.index_cast %get3A_357 : i32 to index
        %get3A_359 = arith.constant 48 : index
        %get3A_360 = tpu.vector_load %arg16[%get3A_358, %get3A_359] {strides = array<i32>} : memref<6x128xf32, #tpu.memory_space<vmem>>, vector<1x16xf32>,
        %get3A_361 = vector.shape_cast %get3A_360 : vector<1x16xf32> to vector<16xf32>
        %sub3A_362 = arith.subf %get3A_356, %get3A_361 : vector<16xf32>
        %mul3A_363 = arith.mulf %sub3A_340, %sub3A_340 : vector<16xf32>
        %mul3A_364 = arith.mulf %sub3A_351, %sub3A_351 : vector<16xf32>
        %add3A_365 = arith.addf %mul3A_363, %mul3A_364 : vector<16xf32>
        %mul3A_366 = arith.mulf %sub3A_362, %sub3A_362 : vector<16xf32>
        %add3A_367 = arith.addf %add3A_365, %mul3A_366 : vector<16xf32>
        %swap3A_368 = arith.constant 48 : index
        %swap3A_369 = tpu.vector_load %arg17[%swap3A_368] {strides = array<i32>} : memref<128xf32, #tpu.memory_space<vmem>>, vector<16xf32>,
        %swap3A_370 = vector.shape_cast %swap3A_369 : vector<16xf32> to vector<16xf32>
        %swap3A_371 = vector.shape_cast %add3A_367 : vector<16xf32> to vector<16xf32>
        tpu.vector_store %arg17[%swap3A_368], %swap3A_371 {strides = array<i32>} : memref<128xf32, #tpu.memory_space<vmem>>, vector<16xf32>,
        %get3A_372 = arith.constant 0 : i32
        %get3A_373 = arith.index_cast %get3A_372 : i32 to index
        %get3A_374 = arith.constant 64 : index
        %get3A_375 = tpu.vector_load %arg16[%get3A_373, %get3A_374] {strides = array<i32>} : memref<6x128xf32, #tpu.memory_space<vmem>>, vector<1x16xf32>,
        %get3A_376 = vector.shape_cast %get3A_375 : vector<1x16xf32> to vector<16xf32>
        %get3A_377 = arith.constant 3 : i32
        %get3A_378 = arith.index_cast %get3A_377 : i32 to index
        %get3A_379 = arith.constant 64 : index
        %get3A_380 = tpu.vector_load %arg16[%get3A_378, %get3A_379] {strides = array<i32>} : memref<6x128xf32, #tpu.memory_space<vmem>>, vector<1x16xf32>,
        %get3A_381 = vector.shape_cast %get3A_380 : vector<1x16xf32> to vector<16xf32>
        %sub3A_382 = arith.subf %get3A_376, %get3A_381 : vector<16xf32>
        %get3A_383 = arith.constant 1 : i32
        %get3A_384 = arith.index_cast %get3A_383 : i32 to index
        %get3A_385 = arith.constant 64 : index
        %get3A_386 = tpu.vector_load %arg16[%get3A_384, %get3A_385] {strides = array<i32>} : memref<6x128xf32, #tpu.memory_space<vmem>>, vector<1x16xf32>,
        %get3A_387 = vector.shape_cast %get3A_386 : vector<1x16xf32> to vector<16xf32>
        %get3A_388 = arith.constant 4 : i32
        %get3A_389 = arith.index_cast %get3A_388 : i32 to index
        %get3A_390 = arith.constant 64 : index
        %get3A_391 = tpu.vector_load %arg16[%get3A_389, %get3A_390] {strides = array<i32>} : memref<6x128xf32, #tpu.memory_space<vmem>>, vector<1x16xf32>,
        %get3A_392 = vector.shape_cast %get3A_391 : vector<1x16xf32> to vector<16xf32>
        %sub3A_393 = arith.subf %get3A_387, %get3A_392 : vector<16xf32>
        %get3A_394 = arith.constant 2 : i32
        %get3A_395 = arith.index_cast %get3A_394 : i32 to index
        %get3A_396 = arith.constant 64 : index
        %get3A_397 = tpu.vector_load %arg16[%get3A_395, %get3A_396] {strides = array<i32>} : memref<6x128xf32, #tpu.memory_space<vmem>>, vector<1x16xf32>,
        %get3A_398 = vector.shape_cast %get3A_397 : vector<1x16xf32> to vector<16xf32>
        %get3A_399 = arith.constant 5 : i32
        %get3A_400 = arith.index_cast %get3A_399 : i32 to index
        %get3A_401 = arith.constant 64 : index
        %get3A_402 = tpu.vector_load %arg16[%get3A_400, %get3A_401] {strides = array<i32>} : memref<6x128xf32, #tpu.memory_space<vmem>>, vector<1x16xf32>,
        %get3A_403 = vector.shape_cast %get3A_402 : vector<1x16xf32> to vector<16xf32>
        %sub3A_404 = arith.subf %get3A_398, %get3A_403 : vector<16xf32>
        %mul3A_405 = arith.mulf %sub3A_382, %sub3A_382 : vector<16xf32>
        %mul3A_406 = arith.mulf %sub3A_393, %sub3A_393 : vector<16xf32>
        %add3A_407 = arith.addf %mul3A_405, %mul3A_406 : vector<16xf32>
        %mul3A_408 = arith.mulf %sub3A_404, %sub3A_404 : vector<16xf32>
        %add3A_409 = arith.addf %add3A_407, %mul3A_408 : vector<16xf32>
        %swap3A_410 = arith.constant 64 : index
        %swap3A_411 = tpu.vector_load %arg17[%swap3A_410] {strides = array<i32>} : memref<128xf32, #tpu.memory_space<vmem>>, vector<16xf32>,
        %swap3A_412 = vector.shape_cast %swap3A_411 : vector<16xf32> to vector<16xf32>
        %swap3A_413 = vector.shape_cast %add3A_409 : vector<16xf32> to vector<16xf32>
        tpu.vector_store %arg17[%swap3A_410], %swap3A_413 {strides = array<i32>} : memref<128xf32, #tpu.memory_space<vmem>>, vector<16xf32>,
        %get3A_414 = arith.constant 0 : i32
        %get3A_415 = arith.index_cast %get3A_414 : i32 to index
        %get3A_416 = arith.constant 80 : index
        %get3A_417 = tpu.vector_load %arg16[%get3A_415, %get3A_416] {strides = array<i32>} : memref<6x128xf32, #tpu.memory_space<vmem>>, vector<1x16xf32>,
        %get3A_418 = vector.shape_cast %get3A_417 : vector<1x16xf32> to vector<16xf32>
        %get3A_419 = arith.constant 3 : i32
        %get3A_420 = arith.index_cast %get3A_419 : i32 to index
        %get3A_421 = arith.constant 80 : index
        %get3A_422 = tpu.vector_load %arg16[%get3A_420, %get3A_421] {strides = array<i32>} : memref<6x128xf32, #tpu.memory_space<vmem>>, vector<1x16xf32>,
        %get3A_423 = vector.shape_cast %get3A_422 : vector<1x16xf32> to vector<16xf32>
        %sub3A_424 = arith.subf %get3A_418, %get3A_423 : vector<16xf32>
        %get3A_425 = arith.constant 1 : i32
        %get3A_426 = arith.index_cast %get3A_425 : i32 to index
        %get3A_427 = arith.constant 80 : index
        %get3A_428 = tpu.vector_load %arg16[%get3A_426, %get3A_427] {strides = array<i32>} : memref<6x128xf32, #tpu.memory_space<vmem>>, vector<1x16xf32>,
        %get3A_429 = vector.shape_cast %get3A_428 : vector<1x16xf32> to vector<16xf32>
        %get3A_430 = arith.constant 4 : i32
        %get3A_431 = arith.index_cast %get3A_430 : i32 to index
        %get3A_432 = arith.constant 80 : index
        %get3A_433 = tpu.vector_load %arg16[%get3A_431, %get3A_432] {strides = array<i32>} : memref<6x128xf32, #tpu.memory_space<vmem>>, vector<1x16xf32>,
        %get3A_434 = vector.shape_cast %get3A_433 : vector<1x16xf32> to vector<16xf32>
        %sub3A_435 = arith.subf %get3A_429, %get3A_434 : vector<16xf32>
        %get3A_436 = arith.constant 2 : i32
        %get3A_437 = arith.index_cast %get3A_436 : i32 to index
        %get3A_438 = arith.constant 80 : index
        %get3A_439 = tpu.vector_load %arg16[%get3A_437, %get3A_438] {strides = array<i32>} : memref<6x128xf32, #tpu.memory_space<vmem>>, vector<1x16xf32>,
        %get3A_440 = vector.shape_cast %get3A_439 : vector<1x16xf32> to vector<16xf32>
        %get3A_441 = arith.constant 5 : i32
        %get3A_442 = arith.index_cast %get3A_441 : i32 to index
        %get3A_443 = arith.constant 80 : index
        %get3A_444 = tpu.vector_load %arg16[%get3A_442, %get3A_443] {strides = array<i32>} : memref<6x128xf32, #tpu.memory_space<vmem>>, vector<1x16xf32>,
        %get3A_445 = vector.shape_cast %get3A_444 : vector<1x16xf32> to vector<16xf32>
        %sub3A_446 = arith.subf %get3A_440, %get3A_445 : vector<16xf32>
        %mul3A_447 = arith.mulf %sub3A_424, %sub3A_424 : vector<16xf32>
        %mul3A_448 = arith.mulf %sub3A_435, %sub3A_435 : vector<16xf32>
        %add3A_449 = arith.addf %mul3A_447, %mul3A_448 : vector<16xf32>
        %mul3A_450 = arith.mulf %sub3A_446, %sub3A_446 : vector<16xf32>
        %add3A_451 = arith.addf %add3A_449, %mul3A_450 : vector<16xf32>
        %swap3A_452 = arith.constant 80 : index
        %swap3A_453 = tpu.vector_load %arg17[%swap3A_452] {strides = array<i32>} : memref<128xf32, #tpu.memory_space<vmem>>, vector<16xf32>,
        %swap3A_454 = vector.shape_cast %swap3A_453 : vector<16xf32> to vector<16xf32>
        %swap3A_455 = vector.shape_cast %add3A_451 : vector<16xf32> to vector<16xf32>
        tpu.vector_store %arg17[%swap3A_452], %swap3A_455 {strides = array<i32>} : memref<128xf32, #tpu.memory_space<vmem>>, vector<16xf32>,
        %get3A_456 = arith.constant 0 : i32
        %get3A_457 = arith.index_cast %get3A_456 : i32 to index
        %get3A_458 = arith.constant 96 : index
        %get3A_459 = tpu.vector_load %arg16[%get3A_457, %get3A_458] {strides = array<i32>} : memref<6x128xf32, #tpu.memory_space<vmem>>, vector<1x16xf32>,
        %get3A_460 = vector.shape_cast %get3A_459 : vector<1x16xf32> to vector<16xf32>
        %get3A_461 = arith.constant 3 : i32
        %get3A_462 = arith.index_cast %get3A_461 : i32 to index
        %get3A_463 = arith.constant 96 : index
        %get3A_464 = tpu.vector_load %arg16[%get3A_462, %get3A_463] {strides = array<i32>} : memref<6x128xf32, #tpu.memory_space<vmem>>, vector<1x16xf32>,
        %get3A_465 = vector.shape_cast %get3A_464 : vector<1x16xf32> to vector<16xf32>
        %sub3A_466 = arith.subf %get3A_460, %get3A_465 : vector<16xf32>
        %get3A_467 = arith.constant 1 : i32
        %get3A_468 = arith.index_cast %get3A_467 : i32 to index
        %get3A_469 = arith.constant 96 : index
        %get3A_470 = tpu.vector_load %arg16[%get3A_468, %get3A_469] {strides = array<i32>} : memref<6x128xf32, #tpu.memory_space<vmem>>, vector<1x16xf32>,
        %get3A_471 = vector.shape_cast %get3A_470 : vector<1x16xf32> to vector<16xf32>
        %get3A_472 = arith.constant 4 : i32
        %get3A_473 = arith.index_cast %get3A_472 : i32 to index
        %get3A_474 = arith.constant 96 : index
        %get3A_475 = tpu.vector_load %arg16[%get3A_473, %get3A_474] {strides = array<i32>} : memref<6x128xf32, #tpu.memory_space<vmem>>, vector<1x16xf32>,
        %get3A_476 = vector.shape_cast %get3A_475 : vector<1x16xf32> to vector<16xf32>
        %sub3A_477 = arith.subf %get3A_471, %get3A_476 : vector<16xf32>
        %get3A_478 = arith.constant 2 : i32
        %get3A_479 = arith.index_cast %get3A_478 : i32 to index
        %get3A_480 = arith.constant 96 : index
        %get3A_481 = tpu.vector_load %arg16[%get3A_479, %get3A_480] {strides = array<i32>} : memref<6x128xf32, #tpu.memory_space<vmem>>, vector<1x16xf32>,
        %get3A_482 = vector.shape_cast %get3A_481 : vector<1x16xf32> to vector<16xf32>
        %get3A_483 = arith.constant 5 : i32
        %get3A_484 = arith.index_cast %get3A_483 : i32 to index
        %get3A_485 = arith.constant 96 : index
        %get3A_486 = tpu.vector_load %arg16[%get3A_484, %get3A_485] {strides = array<i32>} : memref<6x128xf32, #tpu.memory_space<vmem>>, vector<1x16xf32>,
        %get3A_487 = vector.shape_cast %get3A_486 : vector<1x16xf32> to vector<16xf32>
        %sub3A_488 = arith.subf %get3A_482, %get3A_487 : vector<16xf32>
        %mul3A_489 = arith.mulf %sub3A_466, %sub3A_466 : vector<16xf32>
        %mul3A_490 = arith.mulf %sub3A_477, %sub3A_477 : vector<16xf32>
        %add3A_491 = arith.addf %mul3A_489, %mul3A_490 : vector<16xf32>
        %mul3A_492 = arith.mulf %sub3A_488, %sub3A_488 : vector<16xf32>
        %add3A_493 = arith.addf %add3A_491, %mul3A_492 : vector<16xf32>
        %swap3A_494 = arith.constant 96 : index
        %swap3A_495 = tpu.vector_load %arg17[%swap3A_494] {strides = array<i32>} : memref<128xf32, #tpu.memory_space<vmem>>, vector<16xf32>,
        %swap3A_496 = vector.shape_cast %swap3A_495 : vector<16xf32> to vector<16xf32>
        %swap3A_497 = vector.shape_cast %add3A_493 : vector<16xf32> to vector<16xf32>
        tpu.vector_store %arg17[%swap3A_494], %swap3A_497 {strides = array<i32>} : memref<128xf32, #tpu.memory_space<vmem>>, vector<16xf32>,
        %get3A_498 = arith.constant 0 : i32
        %get3A_499 = arith.index_cast %get3A_498 : i32 to index
        %get3A_500 = arith.constant 112 : index
        %get3A_501 = tpu.vector_load %arg16[%get3A_499, %get3A_500] {strides = array<i32>} : memref<6x128xf32, #tpu.memory_space<vmem>>, vector<1x16xf32>,
        %get3A_502 = vector.shape_cast %get3A_501 : vector<1x16xf32> to vector<16xf32>
        %get3A_503 = arith.constant 3 : i32
        %get3A_504 = arith.index_cast %get3A_503 : i32 to index
        %get3A_505 = arith.constant 112 : index
        %get3A_506 = tpu.vector_load %arg16[%get3A_504, %get3A_505] {strides = array<i32>} : memref<6x128xf32, #tpu.memory_space<vmem>>, vector<1x16xf32>,
        %get3A_507 = vector.shape_cast %get3A_506 : vector<1x16xf32> to vector<16xf32>
        %sub3A_508 = arith.subf %get3A_502, %get3A_507 : vector<16xf32>
        %get3A_509 = arith.constant 1 : i32
        %get3A_510 = arith.index_cast %get3A_509 : i32 to index
        %get3A_511 = arith.constant 112 : index
        %get3A_512 = tpu.vector_load %arg16[%get3A_510, %get3A_511] {strides = array<i32>} : memref<6x128xf32, #tpu.memory_space<vmem>>, vector<1x16xf32>,
        %get3A_513 = vector.shape_cast %get3A_512 : vector<1x16xf32> to vector<16xf32>
        %get3A_514 = arith.constant 4 : i32
        %get3A_515 = arith.index_cast %get3A_514 : i32 to index
        %get3A_516 = arith.constant 112 : index
        %get3A_517 = tpu.vector_load %arg16[%get3A_515, %get3A_516] {strides = array<i32>} : memref<6x128xf32, #tpu.memory_space<vmem>>, vector<1x16xf32>,
        %get3A_518 = vector.shape_cast %get3A_517 : vector<1x16xf32> to vector<16xf32>
        %sub3A_519 = arith.subf %get3A_513, %get3A_518 : vector<16xf32>
        %get3A_520 = arith.constant 2 : i32
        %get3A_521 = arith.index_cast %get3A_520 : i32 to index
        %get3A_522 = arith.constant 112 : index
        %get3A_523 = tpu.vector_load %arg16[%get3A_521, %get3A_522] {strides = array<i32>} : memref<6x128xf32, #tpu.memory_space<vmem>>, vector<1x16xf32>,
        %get3A_524 = vector.shape_cast %get3A_523 : vector<1x16xf32> to vector<16xf32>
        %get3A_525 = arith.constant 5 : i32
        %get3A_526 = arith.index_cast %get3A_525 : i32 to index
        %get3A_527 = arith.constant 112 : index
        %get3A_528 = tpu.vector_load %arg16[%get3A_526, %get3A_527] {strides = array<i32>} : memref<6x128xf32, #tpu.memory_space<vmem>>, vector<1x16xf32>,
        %get3A_529 = vector.shape_cast %get3A_528 : vector<1x16xf32> to vector<16xf32>
        %sub3A_530 = arith.subf %get3A_524, %get3A_529 : vector<16xf32>
        %mul3A_531 = arith.mulf %sub3A_508, %sub3A_508 : vector<16xf32>
        %mul3A_532 = arith.mulf %sub3A_519, %sub3A_519 : vector<16xf32>
        %add3A_533 = arith.addf %mul3A_531, %mul3A_532 : vector<16xf32>
        %mul3A_534 = arith.mulf %sub3A_530, %sub3A_530 : vector<16xf32>
        %add3A_535 = arith.addf %add3A_533, %mul3A_534 : vector<16xf32>
        %swap3A_536 = arith.constant 112 : index
        %swap3A_537 = tpu.vector_load %arg17[%swap3A_536] {strides = array<i32>} : memref<128xf32, #tpu.memory_space<vmem>>, vector<16xf32>,
        %swap3A_538 = vector.shape_cast %swap3A_537 : vector<16xf32> to vector<16xf32>
        %swap3A_539 = vector.shape_cast %add3A_535 : vector<16xf32> to vector<16xf32>
        tpu.vector_store %arg17[%swap3A_536], %swap3A_539 {strides = array<i32>} : memref<128xf32, #tpu.memory_space<vmem>>, vector<16xf32>,
        %mul3A_540 = arith.constant 32 : i32
        %mul3A_541 = arith.muli %sub3A_205, %mul3A_540 : i32
        %add3A_542 = arith.addi %add3A, %mul3A_541 : i32
        %ge3A_543 = arith.constant 0 : i32
        %ge3A_544 = arith.cmpi sge, %sub3A_205, %ge3A_543 : i32
        %mul3A_545 = arith.constant 32 : i32
        %mul3A_546 = arith.muli %sub3A_205, %mul3A_545 : i32
        %add3A_547 = arith.addi %add3A, %mul3A_546 : i32
        %lt3A_548 = arith.constant 6250 : i32
        %lt3A_549 = arith.cmpi slt, %add3A_547, %lt3A_548 : i32
        %and3A_550 = arith.andi %ge3A_544, %lt3A_549 : i1
        %jit3A_551 = arith.constant 0 : i32
        %select_n3A_552 = arith.select %and3A_550, %add3A_542, %jit3A_551 : i32
        %dma_start3A_553 = arith.constant 0 : i32
        %dma_start3A_554 = tpu.memref_slice %arg6[%select_n3A_552, %dma_start3A_553] : memref<6400x128xf32, #tpu.memory_space<hbm>> -> memref<1x128xf32, #tpu.memory_space<hbm>>
        %dma_start3A_555 = tpu.memref_squeeze %dma_start3A_554 : memref<1x128xf32, #tpu.memory_space<hbm>> -> memref<128xf32, #tpu.memory_space<hbm>>
        %dma_start3A_556 = arith.constant 0 : i32
        %dma_start3A_557 = tpu.memref_slice %arg6[%select_n3A_552, %dma_start3A_556] : memref<6400x128xf32, #tpu.memory_space<hbm>> -> memref<1x128xf32, #tpu.memory_space<hbm>>
        %dma_start3A_558 = tpu.memref_squeeze %dma_start3A_557 : memref<1x128xf32, #tpu.memory_space<hbm>> -> memref<128xf32, #tpu.memory_space<hbm>>
        tpu.enqueue_dma source(%arg17 : memref<128xf32, #tpu.memory_space<vmem>>) target(%dma_start3A_558 : memref<128xf32, #tpu.memory_space<hbm>>) target_semaphore(%arg20 : memref<!tpu.dma_semaphore, #tpu.memory_space<semaphore_mem>>)
      } else {
      }
      %add3A_91 = arith.constant 1 : i32
      %add3A_92 = arith.addi %mul3A_44, %add3A_91 : i32
      %ge3A_93 = arith.constant 0 : i32
      %ge3A_94 = arith.cmpi sge, %add3A_92, %ge3A_93 : i32
      %mul3A_95 = arith.constant 32 : i32
      %mul3A_96 = arith.muli %add3A_92, %mul3A_95 : i32
      %add3A_97 = arith.addi %add3A, %mul3A_96 : i32
      %lt3A_98 = arith.constant 6250 : i32
      %lt3A_99 = arith.cmpi slt, %add3A_97, %lt3A_98 : i32
      %and3A_100 = arith.andi %ge3A_94, %lt3A_99 : i1
      %convert_element_type3A_101 = arith.extui %and3A_100 : i1 to i32
      %cond3A_102 = arith.constant 0 : i32
      %cond3A_103 = arith.cmpi ne, %convert_element_type3A_101, %cond3A_102 : i32
      scf.if %cond3A_103 {
        %add3A_169 = arith.constant 1 : i32
        %add3A_170 = arith.addi %mul3A_44, %add3A_169 : i32
        %mul3A_171 = arith.constant 32 : i32
        %mul3A_172 = arith.muli %add3A_170, %mul3A_171 : i32
        %add3A_173 = arith.addi %add3A, %mul3A_172 : i32
        %ge3A_174 = arith.constant 0 : i32
        %ge3A_175 = arith.cmpi sge, %add3A_170, %ge3A_174 : i32
        %mul3A_176 = arith.constant 32 : i32
        %mul3A_177 = arith.muli %add3A_170, %mul3A_176 : i32
        %add3A_178 = arith.addi %add3A, %mul3A_177 : i32
        %lt3A_179 = arith.constant 6250 : i32
        %lt3A_180 = arith.cmpi slt, %add3A_178, %lt3A_179 : i32
        %and3A_181 = arith.andi %ge3A_175, %lt3A_180 : i1
        %jit3A_182 = arith.constant 0 : i32
        %select_n3A_183 = arith.select %and3A_181, %add3A_173, %jit3A_182 : i32
        %mul3A_184 = arith.constant 128 : i32
        %mul3A_185 = arith.muli %select_n3A_183, %mul3A_184 : i32
        %multiple_of3A_186 = tpu.assume_multiple %mul3A_185, 128 : i32
        %dma_start3A_187 = arith.constant 0 : i32
        %dma_start3A_188 = tpu.memref_slice %arg2[%dma_start3A_187, %multiple_of3A_186] : memref<2x800000xi32, #tpu.memory_space<hbm>> -> memref<1x128xi32, #tpu.memory_space<hbm>>
        %dma_start3A_189 = tpu.memref_squeeze %dma_start3A_188 : memref<1x128xi32, #tpu.memory_space<hbm>> -> memref<128xi32, #tpu.memory_space<hbm>>
        %dma_start3A_190 = tpu.memref_slice %arg2[%dma_start3A_187, %multiple_of3A_186] : memref<2x800000xi32, #tpu.memory_space<hbm>> -> memref<1x128xi32, #tpu.memory_space<hbm>>
        %dma_start3A_191 = tpu.memref_squeeze %dma_start3A_190 : memref<1x128xi32, #tpu.memory_space<hbm>> -> memref<128xi32, #tpu.memory_space<hbm>>
        tpu.enqueue_dma source(%dma_start3A_191 : memref<128xi32, #tpu.memory_space<hbm>>) target(%arg14 : memref<128xi32, #tpu.memory_space<vmem>>) target_semaphore(%arg18 : memref<!tpu.dma_semaphore, #tpu.memory_space<semaphore_mem>>)
        %dma_start3A_192 = arith.constant 1 : i32
        %dma_start3A_193 = tpu.memref_slice %arg2[%dma_start3A_192, %multiple_of3A_186] : memref<2x800000xi32, #tpu.memory_space<hbm>> -> memref<1x128xi32, #tpu.memory_space<hbm>>
        %dma_start3A_194 = tpu.memref_squeeze %dma_start3A_193 : memref<1x128xi32, #tpu.memory_space<hbm>> -> memref<128xi32, #tpu.memory_space<hbm>>
        %dma_start3A_195 = tpu.memref_slice %arg2[%dma_start3A_192, %multiple_of3A_186] : memref<2x800000xi32, #tpu.memory_space<hbm>> -> memref<1x128xi32, #tpu.memory_space<hbm>>
        %dma_start3A_196 = tpu.memref_squeeze %dma_start3A_195 : memref<1x128xi32, #tpu.memory_space<hbm>> -> memref<128xi32, #tpu.memory_space<hbm>>
        tpu.enqueue_dma source(%dma_start3A_196 : memref<128xi32, #tpu.memory_space<hbm>>) target(%arg15 : memref<128xi32, #tpu.memory_space<vmem>>) target_semaphore(%arg18 : memref<!tpu.dma_semaphore, #tpu.memory_space<semaphore_mem>>)
      } else {
      }
      %mul3A_104 = arith.constant 2 : i32
      %mul3A_105 = arith.muli %mul3A_104, %add3A_42 : i32
      %add3A_106 = arith.constant 1 : i32
      %add3A_107 = arith.addi %mul3A_105, %add3A_106 : i32
      %ge3A_108 = arith.constant 0 : i32
      %ge3A_109 = arith.cmpi sge, %add3A_107, %ge3A_108 : i32
      %mul3A_110 = arith.constant 32 : i32
      %mul3A_111 = arith.muli %add3A_107, %mul3A_110 : i32
      %add3A_112 = arith.addi %add3A, %mul3A_111 : i32
      %lt3A_113 = arith.constant 6250 : i32
      %lt3A_114 = arith.cmpi slt, %add3A_112, %lt3A_113 : i32
      %and3A_115 = arith.andi %ge3A_109, %lt3A_114 : i1
      %convert_element_type3A_116 = arith.extui %and3A_115 : i1 to i32
      %cond3A_117 = arith.constant 0 : i32
      %cond3A_118 = arith.cmpi ne, %convert_element_type3A_116, %cond3A_117 : i32
      scf.if %cond3A_118 {
        %dma_wait3A = arith.constant 0 : i32
        %dma_wait3A_169 = arith.constant 0 : i32
        %dma_wait3A_170 = tpu.memref_slice %arg2[%dma_wait3A, %dma_wait3A_169] : memref<2x800000xi32, #tpu.memory_space<hbm>> -> memref<1x128xi32, #tpu.memory_space<hbm>>
        %dma_wait3A_171 = tpu.memref_squeeze %dma_wait3A_170 : memref<1x128xi32, #tpu.memory_space<hbm>> -> memref<128xi32, #tpu.memory_space<hbm>>
        %dma_wait3A_172 = arith.constant 0 : i32
        %dma_wait3A_173 = tpu.memref_slice %arg2[%dma_wait3A, %dma_wait3A_172] : memref<2x800000xi32, #tpu.memory_space<hbm>> -> memref<1x128xi32, #tpu.memory_space<hbm>>
        %dma_wait3A_174 = tpu.memref_squeeze %dma_wait3A_173 : memref<1x128xi32, #tpu.memory_space<hbm>> -> memref<128xi32, #tpu.memory_space<hbm>>
        tpu.wait_dma2 semaphore(%arg18 : memref<!tpu.dma_semaphore, #tpu.memory_space<semaphore_mem>>) src(%dma_wait3A_174 : memref<128xi32, #tpu.memory_space<hbm>>) dst(%arg14 : memref<128xi32, #tpu.memory_space<vmem>>)
        %dma_wait3A_175 = arith.constant 1 : i32
        %dma_wait3A_176 = arith.constant 0 : i32
        %dma_wait3A_177 = tpu.memref_slice %arg2[%dma_wait3A_175, %dma_wait3A_176] : memref<2x800000xi32, #tpu.memory_space<hbm>> -> memref<1x128xi32, #tpu.memory_space<hbm>>
        %dma_wait3A_178 = tpu.memref_squeeze %dma_wait3A_177 : memref<1x128xi32, #tpu.memory_space<hbm>> -> memref<128xi32, #tpu.memory_space<hbm>>
        %dma_wait3A_179 = arith.constant 0 : i32
        %dma_wait3A_180 = tpu.memref_slice %arg2[%dma_wait3A_175, %dma_wait3A_179] : memref<2x800000xi32, #tpu.memory_space<hbm>> -> memref<1x128xi32, #tpu.memory_space<hbm>>
        %dma_wait3A_181 = tpu.memref_squeeze %dma_wait3A_180 : memref<1x128xi32, #tpu.memory_space<hbm>> -> memref<128xi32, #tpu.memory_space<hbm>>
        tpu.wait_dma2 semaphore(%arg18 : memref<!tpu.dma_semaphore, #tpu.memory_space<semaphore_mem>>) src(%dma_wait3A_181 : memref<128xi32, #tpu.memory_space<hbm>>) dst(%arg15 : memref<128xi32, #tpu.memory_space<vmem>>)
      } else {
      }
      %sub3A_119 = arith.constant 2 : i32
      %sub3A_120 = arith.subi %add3A_107, %sub3A_119 : i32
      %ge3A_121 = arith.constant 0 : i32
      %ge3A_122 = arith.cmpi sge, %sub3A_120, %ge3A_121 : i32
      %mul3A_123 = arith.constant 32 : i32
      %mul3A_124 = arith.muli %sub3A_120, %mul3A_123 : i32
      %add3A_125 = arith.addi %add3A, %mul3A_124 : i32
      %lt3A_126 = arith.constant 6250 : i32
      %lt3A_127 = arith.cmpi slt, %add3A_125, %lt3A_126 : i32
      %and3A_128 = arith.andi %ge3A_122, %lt3A_127 : i1
      %convert_element_type3A_129 = arith.extui %and3A_128 : i1 to i32
      %cond3A_130 = arith.constant 0 : i32
      %cond3A_131 = arith.cmpi ne, %convert_element_type3A_129, %cond3A_130 : i32
      scf.if %cond3A_131 {
        %dma_wait3A = arith.constant 0 : i32
        %dma_wait3A_169 = arith.constant 0 : i32
        %dma_wait3A_170 = tpu.memref_slice %arg6[%dma_wait3A, %dma_wait3A_169] : memref<6400x128xf32, #tpu.memory_space<hbm>> -> memref<1x128xf32, #tpu.memory_space<hbm>>
        %dma_wait3A_171 = tpu.memref_squeeze %dma_wait3A_170 : memref<1x128xf32, #tpu.memory_space<hbm>> -> memref<128xf32, #tpu.memory_space<hbm>>
        %dma_wait3A_172 = arith.constant 0 : i32
        %dma_wait3A_173 = tpu.memref_slice %arg6[%dma_wait3A, %dma_wait3A_172] : memref<6400x128xf32, #tpu.memory_space<hbm>> -> memref<1x128xf32, #tpu.memory_space<hbm>>
        %dma_wait3A_174 = tpu.memref_squeeze %dma_wait3A_173 : memref<1x128xf32, #tpu.memory_space<hbm>> -> memref<128xf32, #tpu.memory_space<hbm>>
        tpu.wait_dma2 semaphore(%arg20 : memref<!tpu.dma_semaphore, #tpu.memory_space<semaphore_mem>>) src(%arg17 : memref<128xf32, #tpu.memory_space<vmem>>) dst(%dma_wait3A_174 : memref<128xf32, #tpu.memory_space<hbm>>)
      } else {
      }
      %ge3A_132 = arith.constant 0 : i32
      %ge3A_133 = arith.cmpi sge, %add3A_107, %ge3A_132 : i32
      %mul3A_134 = arith.constant 32 : i32
      %mul3A_135 = arith.muli %add3A_107, %mul3A_134 : i32
      %add3A_136 = arith.addi %add3A, %mul3A_135 : i32
      %lt3A_137 = arith.constant 6250 : i32
      %lt3A_138 = arith.cmpi slt, %add3A_136, %lt3A_137 : i32
      %and3A_139 = arith.andi %ge3A_133, %lt3A_138 : i1
      %convert_element_type3A_140 = arith.extui %and3A_139 : i1 to i32
      %cond3A_141 = arith.constant 0 : i32
      %cond3A_142 = arith.cmpi ne, %convert_element_type3A_140, %cond3A_141 : i32
      scf.if %cond3A_142 {
        %dma_start3A_169 = arith.constant 0 : i32
        %dma_start3A_170 = arith.constant 0 : i32
        %dma_start3A_171 = tpu.memref_slice %arg16[%dma_start3A_169, %dma_start3A_170] : memref<6x128xf32, #tpu.memory_space<vmem>> -> memref<1x128xf32, #tpu.memory_space<vmem>>
        %dma_start3A_172 = tpu.memref_squeeze %dma_start3A_171 : memref<1x128xf32, #tpu.memory_space<vmem>> -> memref<128xf32, #tpu.memory_space<vmem>>
        %dma_start3A_173 = arith.constant 0 : i32
        %dma_start3A_174 = tpu.memref_slice %arg3[%dma_start3A_173] : memref<50000xf32, #tpu.memory_space<hbm>> -> memref<50000xf32, #tpu.memory_space<hbm>>
        tpu.enqueue_indirect_dma source(%dma_start3A_174 : memref<50000xf32, #tpu.memory_space<hbm>>) target(%dma_start3A_172 : memref<128xf32, #tpu.memory_space<vmem>>) offsets(%arg14 : memref<128xi32, #tpu.memory_space<vmem>>) semaphore(%arg19 : memref<!tpu.dma_semaphore, #tpu.memory_space<semaphore_mem>>)
        %dma_start3A_175 = arith.constant 1 : i32
        %dma_start3A_176 = arith.constant 0 : i32
        %dma_start3A_177 = tpu.memref_slice %arg16[%dma_start3A_175, %dma_start3A_176] : memref<6x128xf32, #tpu.memory_space<vmem>> -> memref<1x128xf32, #tpu.memory_space<vmem>>
        %dma_start3A_178 = tpu.memref_squeeze %dma_start3A_177 : memref<1x128xf32, #tpu.memory_space<vmem>> -> memref<128xf32, #tpu.memory_space<vmem>>
        %dma_start3A_179 = arith.constant 0 : i32
        %dma_start3A_180 = tpu.memref_slice %arg4[%dma_start3A_179] : memref<50000xf32, #tpu.memory_space<hbm>> -> memref<50000xf32, #tpu.memory_space<hbm>>
        tpu.enqueue_indirect_dma source(%dma_start3A_180 : memref<50000xf32, #tpu.memory_space<hbm>>) target(%dma_start3A_178 : memref<128xf32, #tpu.memory_space<vmem>>) offsets(%arg14 : memref<128xi32, #tpu.memory_space<vmem>>) semaphore(%arg19 : memref<!tpu.dma_semaphore, #tpu.memory_space<semaphore_mem>>)
        %dma_start3A_181 = arith.constant 2 : i32
        %dma_start3A_182 = arith.constant 0 : i32
        %dma_start3A_183 = tpu.memref_slice %arg16[%dma_start3A_181, %dma_start3A_182] : memref<6x128xf32, #tpu.memory_space<vmem>> -> memref<1x128xf32, #tpu.memory_space<vmem>>
        %dma_start3A_184 = tpu.memref_squeeze %dma_start3A_183 : memref<1x128xf32, #tpu.memory_space<vmem>> -> memref<128xf32, #tpu.memory_space<vmem>>
        %dma_start3A_185 = arith.constant 0 : i32
        %dma_start3A_186 = tpu.memref_slice %arg5[%dma_start3A_185] : memref<50000xf32, #tpu.memory_space<hbm>> -> memref<50000xf32, #tpu.memory_space<hbm>>
        tpu.enqueue_indirect_dma source(%dma_start3A_186 : memref<50000xf32, #tpu.memory_space<hbm>>) target(%dma_start3A_184 : memref<128xf32, #tpu.memory_space<vmem>>) offsets(%arg14 : memref<128xi32, #tpu.memory_space<vmem>>) semaphore(%arg19 : memref<!tpu.dma_semaphore, #tpu.memory_space<semaphore_mem>>)
        %dma_start3A_187 = arith.constant 3 : i32
        %dma_start3A_188 = arith.constant 0 : i32
        %dma_start3A_189 = tpu.memref_slice %arg16[%dma_start3A_187, %dma_start3A_188] : memref<6x128xf32, #tpu.memory_space<vmem>> -> memref<1x128xf32, #tpu.memory_space<vmem>>
        %dma_start3A_190 = tpu.memref_squeeze %dma_start3A_189 : memref<1x128xf32, #tpu.memory_space<vmem>> -> memref<128xf32, #tpu.memory_space<vmem>>
        %dma_start3A_191 = arith.constant 0 : i32
        %dma_start3A_192 = tpu.memref_slice %arg3[%dma_start3A_191] : memref<50000xf32, #tpu.memory_space<hbm>> -> memref<50000xf32, #tpu.memory_space<hbm>>
        tpu.enqueue_indirect_dma source(%dma_start3A_192 : memref<50000xf32, #tpu.memory_space<hbm>>) target(%dma_start3A_190 : memref<128xf32, #tpu.memory_space<vmem>>) offsets(%arg15 : memref<128xi32, #tpu.memory_space<vmem>>) semaphore(%arg19 : memref<!tpu.dma_semaphore, #tpu.memory_space<semaphore_mem>>)
        %dma_start3A_193 = arith.constant 4 : i32
        %dma_start3A_194 = arith.constant 0 : i32
        %dma_start3A_195 = tpu.memref_slice %arg16[%dma_start3A_193, %dma_start3A_194] : memref<6x128xf32, #tpu.memory_space<vmem>> -> memref<1x128xf32, #tpu.memory_space<vmem>>
        %dma_start3A_196 = tpu.memref_squeeze %dma_start3A_195 : memref<1x128xf32, #tpu.memory_space<vmem>> -> memref<128xf32, #tpu.memory_space<vmem>>
        %dma_start3A_197 = arith.constant 0 : i32
        %dma_start3A_198 = tpu.memref_slice %arg4[%dma_start3A_197] : memref<50000xf32, #tpu.memory_space<hbm>> -> memref<50000xf32, #tpu.memory_space<hbm>>
        tpu.enqueue_indirect_dma source(%dma_start3A_198 : memref<50000xf32, #tpu.memory_space<hbm>>) target(%dma_start3A_196 : memref<128xf32, #tpu.memory_space<vmem>>) offsets(%arg15 : memref<128xi32, #tpu.memory_space<vmem>>) semaphore(%arg19 : memref<!tpu.dma_semaphore, #tpu.memory_space<semaphore_mem>>)
        %dma_start3A_199 = arith.constant 5 : i32
        %dma_start3A_200 = arith.constant 0 : i32
        %dma_start3A_201 = tpu.memref_slice %arg16[%dma_start3A_199, %dma_start3A_200] : memref<6x128xf32, #tpu.memory_space<vmem>> -> memref<1x128xf32, #tpu.memory_space<vmem>>
        %dma_start3A_202 = tpu.memref_squeeze %dma_start3A_201 : memref<1x128xf32, #tpu.memory_space<vmem>> -> memref<128xf32, #tpu.memory_space<vmem>>
        %dma_start3A_203 = arith.constant 0 : i32
        %dma_start3A_204 = tpu.memref_slice %arg5[%dma_start3A_203] : memref<50000xf32, #tpu.memory_space<hbm>> -> memref<50000xf32, #tpu.memory_space<hbm>>
        tpu.enqueue_indirect_dma source(%dma_start3A_204 : memref<50000xf32, #tpu.memory_space<hbm>>) target(%dma_start3A_202 : memref<128xf32, #tpu.memory_space<vmem>>) offsets(%arg15 : memref<128xi32, #tpu.memory_space<vmem>>) semaphore(%arg19 : memref<!tpu.dma_semaphore, #tpu.memory_space<semaphore_mem>>)
      } else {
      }
      %sub3A_143 = arith.constant 1 : i32
      %sub3A_144 = arith.subi %add3A_107, %sub3A_143 : i32
      %ge3A_145 = arith.constant 0 : i32
      %ge3A_146 = arith.cmpi sge, %sub3A_144, %ge3A_145 : i32
      %mul3A_147 = arith.constant 32 : i32
      %mul3A_148 = arith.muli %sub3A_144, %mul3A_147 : i32
      %add3A_149 = arith.addi %add3A, %mul3A_148 : i32
      %lt3A_150 = arith.constant 6250 : i32
      %lt3A_151 = arith.cmpi slt, %add3A_149, %lt3A_150 : i32
      %and3A_152 = arith.andi %ge3A_146, %lt3A_151 : i1
      %convert_element_type3A_153 = arith.extui %and3A_152 : i1 to i32
      %cond3A_154 = arith.constant 0 : i32
      %cond3A_155 = arith.cmpi ne, %convert_element_type3A_153, %cond3A_154 : i32
      scf.if %cond3A_155 {
        %dma_wait3A = arith.constant 0 : i32
        %dma_wait3A_169 = arith.constant 0 : i32
        %dma_wait3A_170 = tpu.memref_slice %arg9[%dma_wait3A, %dma_wait3A_169] : memref<6x128xf32, #tpu.memory_space<vmem>> -> memref<1x128xf32, #tpu.memory_space<vmem>>
        %dma_wait3A_171 = tpu.memref_squeeze %dma_wait3A_170 : memref<1x128xf32, #tpu.memory_space<vmem>> -> memref<128xf32, #tpu.memory_space<vmem>>
        %dma_wait3A_172 = arith.constant 0 : i32
        %dma_wait3A_173 = tpu.memref_slice %arg3[%dma_wait3A_172] : memref<50000xf32, #tpu.memory_space<hbm>> -> memref<50000xf32, #tpu.memory_space<hbm>>
        tpu.wait_indirect_dma semaphore(%arg12 : memref<!tpu.dma_semaphore, #tpu.memory_space<semaphore_mem>>) src(%dma_wait3A_173 : memref<50000xf32, #tpu.memory_space<hbm>>) dst(%dma_wait3A_171 : memref<128xf32, #tpu.memory_space<vmem>>)
        %dma_wait3A_174 = arith.constant 1 : i32
        %dma_wait3A_175 = arith.constant 0 : i32
        %dma_wait3A_176 = tpu.memref_slice %arg9[%dma_wait3A_174, %dma_wait3A_175] : memref<6x128xf32, #tpu.memory_space<vmem>> -> memref<1x128xf32, #tpu.memory_space<vmem>>
        %dma_wait3A_177 = tpu.memref_squeeze %dma_wait3A_176 : memref<1x128xf32, #tpu.memory_space<vmem>> -> memref<128xf32, #tpu.memory_space<vmem>>
        %dma_wait3A_178 = arith.constant 0 : i32
        %dma_wait3A_179 = tpu.memref_slice %arg3[%dma_wait3A_178] : memref<50000xf32, #tpu.memory_space<hbm>> -> memref<50000xf32, #tpu.memory_space<hbm>>
        tpu.wait_indirect_dma semaphore(%arg12 : memref<!tpu.dma_semaphore, #tpu.memory_space<semaphore_mem>>) src(%dma_wait3A_179 : memref<50000xf32, #tpu.memory_space<hbm>>) dst(%dma_wait3A_177 : memref<128xf32, #tpu.memory_space<vmem>>)
        %dma_wait3A_180 = arith.constant 2 : i32
        %dma_wait3A_181 = arith.constant 0 : i32
        %dma_wait3A_182 = tpu.memref_slice %arg9[%dma_wait3A_180, %dma_wait3A_181] : memref<6x128xf32, #tpu.memory_space<vmem>> -> memref<1x128xf32, #tpu.memory_space<vmem>>
        %dma_wait3A_183 = tpu.memref_squeeze %dma_wait3A_182 : memref<1x128xf32, #tpu.memory_space<vmem>> -> memref<128xf32, #tpu.memory_space<vmem>>
        %dma_wait3A_184 = arith.constant 0 : i32
        %dma_wait3A_185 = tpu.memref_slice %arg3[%dma_wait3A_184] : memref<50000xf32, #tpu.memory_space<hbm>> -> memref<50000xf32, #tpu.memory_space<hbm>>
        tpu.wait_indirect_dma semaphore(%arg12 : memref<!tpu.dma_semaphore, #tpu.memory_space<semaphore_mem>>) src(%dma_wait3A_185 : memref<50000xf32, #tpu.memory_space<hbm>>) dst(%dma_wait3A_183 : memref<128xf32, #tpu.memory_space<vmem>>)
        %dma_wait3A_186 = arith.constant 3 : i32
        %dma_wait3A_187 = arith.constant 0 : i32
        %dma_wait3A_188 = tpu.memref_slice %arg9[%dma_wait3A_186, %dma_wait3A_187] : memref<6x128xf32, #tpu.memory_space<vmem>> -> memref<1x128xf32, #tpu.memory_space<vmem>>
        %dma_wait3A_189 = tpu.memref_squeeze %dma_wait3A_188 : memref<1x128xf32, #tpu.memory_space<vmem>> -> memref<128xf32, #tpu.memory_space<vmem>>
        %dma_wait3A_190 = arith.constant 0 : i32
        %dma_wait3A_191 = tpu.memref_slice %arg3[%dma_wait3A_190] : memref<50000xf32, #tpu.memory_space<hbm>> -> memref<50000xf32, #tpu.memory_space<hbm>>
        tpu.wait_indirect_dma semaphore(%arg12 : memref<!tpu.dma_semaphore, #tpu.memory_space<semaphore_mem>>) src(%dma_wait3A_191 : memref<50000xf32, #tpu.memory_space<hbm>>) dst(%dma_wait3A_189 : memref<128xf32, #tpu.memory_space<vmem>>)
        %dma_wait3A_192 = arith.constant 4 : i32
        %dma_wait3A_193 = arith.constant 0 : i32
        %dma_wait3A_194 = tpu.memref_slice %arg9[%dma_wait3A_192, %dma_wait3A_193] : memref<6x128xf32, #tpu.memory_space<vmem>> -> memref<1x128xf32, #tpu.memory_space<vmem>>
        %dma_wait3A_195 = tpu.memref_squeeze %dma_wait3A_194 : memref<1x128xf32, #tpu.memory_space<vmem>> -> memref<128xf32, #tpu.memory_space<vmem>>
        %dma_wait3A_196 = arith.constant 0 : i32
        %dma_wait3A_197 = tpu.memref_slice %arg3[%dma_wait3A_196] : memref<50000xf32, #tpu.memory_space<hbm>> -> memref<50000xf32, #tpu.memory_space<hbm>>
        tpu.wait_indirect_dma semaphore(%arg12 : memref<!tpu.dma_semaphore, #tpu.memory_space<semaphore_mem>>) src(%dma_wait3A_197 : memref<50000xf32, #tpu.memory_space<hbm>>) dst(%dma_wait3A_195 : memref<128xf32, #tpu.memory_space<vmem>>)
        %dma_wait3A_198 = arith.constant 5 : i32
        %dma_wait3A_199 = arith.constant 0 : i32
        %dma_wait3A_200 = tpu.memref_slice %arg9[%dma_wait3A_198, %dma_wait3A_199] : memref<6x128xf32, #tpu.memory_space<vmem>> -> memref<1x128xf32, #tpu.memory_space<vmem>>
        %dma_wait3A_201 = tpu.memref_squeeze %dma_wait3A_200 : memref<1x128xf32, #tpu.memory_space<vmem>> -> memref<128xf32, #tpu.memory_space<vmem>>
        %dma_wait3A_202 = arith.constant 0 : i32
        %dma_wait3A_203 = tpu.memref_slice %arg3[%dma_wait3A_202] : memref<50000xf32, #tpu.memory_space<hbm>> -> memref<50000xf32, #tpu.memory_space<hbm>>
        tpu.wait_indirect_dma semaphore(%arg12 : memref<!tpu.dma_semaphore, #tpu.memory_space<semaphore_mem>>) src(%dma_wait3A_203 : memref<50000xf32, #tpu.memory_space<hbm>>) dst(%dma_wait3A_201 : memref<128xf32, #tpu.memory_space<vmem>>)
        %sub3A_204 = arith.constant 1 : i32
        %sub3A_205 = arith.subi %add3A_107, %sub3A_204 : i32
        %get3A = arith.constant 0 : i32
        %get3A_206 = arith.index_cast %get3A : i32 to index
        %get3A_207 = arith.constant 0 : index
        %get3A_208 = tpu.vector_load %arg9[%get3A_206, %get3A_207] {strides = array<i32>} : memref<6x128xf32, #tpu.memory_space<vmem>>, vector<1x16xf32>,
        %get3A_209 = vector.shape_cast %get3A_208 : vector<1x16xf32> to vector<16xf32>
        %get3A_210 = arith.constant 3 : i32
        %get3A_211 = arith.index_cast %get3A_210 : i32 to index
        %get3A_212 = arith.constant 0 : index
        %get3A_213 = tpu.vector_load %arg9[%get3A_211, %get3A_212] {strides = array<i32>} : memref<6x128xf32, #tpu.memory_space<vmem>>, vector<1x16xf32>,
        %get3A_214 = vector.shape_cast %get3A_213 : vector<1x16xf32> to vector<16xf32>
        %sub3A_215 = arith.subf %get3A_209, %get3A_214 : vector<16xf32>
        %get3A_216 = arith.constant 1 : i32
        %get3A_217 = arith.index_cast %get3A_216 : i32 to index
        %get3A_218 = arith.constant 0 : index
        %get3A_219 = tpu.vector_load %arg9[%get3A_217, %get3A_218] {strides = array<i32>} : memref<6x128xf32, #tpu.memory_space<vmem>>, vector<1x16xf32>,
        %get3A_220 = vector.shape_cast %get3A_219 : vector<1x16xf32> to vector<16xf32>
        %get3A_221 = arith.constant 4 : i32
        %get3A_222 = arith.index_cast %get3A_221 : i32 to index
        %get3A_223 = arith.constant 0 : index
        %get3A_224 = tpu.vector_load %arg9[%get3A_222, %get3A_223] {strides = array<i32>} : memref<6x128xf32, #tpu.memory_space<vmem>>, vector<1x16xf32>,
        %get3A_225 = vector.shape_cast %get3A_224 : vector<1x16xf32> to vector<16xf32>
        %sub3A_226 = arith.subf %get3A_220, %get3A_225 : vector<16xf32>
        %get3A_227 = arith.constant 2 : i32
        %get3A_228 = arith.index_cast %get3A_227 : i32 to index
        %get3A_229 = arith.constant 0 : index
        %get3A_230 = tpu.vector_load %arg9[%get3A_228, %get3A_229] {strides = array<i32>} : memref<6x128xf32, #tpu.memory_space<vmem>>, vector<1x16xf32>,
        %get3A_231 = vector.shape_cast %get3A_230 : vector<1x16xf32> to vector<16xf32>
        %get3A_232 = arith.constant 5 : i32
        %get3A_233 = arith.index_cast %get3A_232 : i32 to index
        %get3A_234 = arith.constant 0 : index
        %get3A_235 = tpu.vector_load %arg9[%get3A_233, %get3A_234] {strides = array<i32>} : memref<6x128xf32, #tpu.memory_space<vmem>>, vector<1x16xf32>,
        %get3A_236 = vector.shape_cast %get3A_235 : vector<1x16xf32> to vector<16xf32>
        %sub3A_237 = arith.subf %get3A_231, %get3A_236 : vector<16xf32>
        %mul3A_238 = arith.mulf %sub3A_215, %sub3A_215 : vector<16xf32>
        %mul3A_239 = arith.mulf %sub3A_226, %sub3A_226 : vector<16xf32>
        %add3A_240 = arith.addf %mul3A_238, %mul3A_239 : vector<16xf32>
        %mul3A_241 = arith.mulf %sub3A_237, %sub3A_237 : vector<16xf32>
        %add3A_242 = arith.addf %add3A_240, %mul3A_241 : vector<16xf32>
        %swap3A = arith.constant 0 : index
        %swap3A_243 = tpu.vector_load %arg10[%swap3A] {strides = array<i32>} : memref<128xf32, #tpu.memory_space<vmem>>, vector<16xf32>,
        %swap3A_244 = vector.shape_cast %swap3A_243 : vector<16xf32> to vector<16xf32>
        %swap3A_245 = vector.shape_cast %add3A_242 : vector<16xf32> to vector<16xf32>
        tpu.vector_store %arg10[%swap3A], %swap3A_245 {strides = array<i32>} : memref<128xf32, #tpu.memory_space<vmem>>, vector<16xf32>,
        %get3A_246 = arith.constant 0 : i32
        %get3A_247 = arith.index_cast %get3A_246 : i32 to index
        %get3A_248 = arith.constant 16 : index
        %get3A_249 = tpu.vector_load %arg9[%get3A_247, %get3A_248] {strides = array<i32>} : memref<6x128xf32, #tpu.memory_space<vmem>>, vector<1x16xf32>,
        %get3A_250 = vector.shape_cast %get3A_249 : vector<1x16xf32> to vector<16xf32>
        %get3A_251 = arith.constant 3 : i32
        %get3A_252 = arith.index_cast %get3A_251 : i32 to index
        %get3A_253 = arith.constant 16 : index
        %get3A_254 = tpu.vector_load %arg9[%get3A_252, %get3A_253] {strides = array<i32>} : memref<6x128xf32, #tpu.memory_space<vmem>>, vector<1x16xf32>,
        %get3A_255 = vector.shape_cast %get3A_254 : vector<1x16xf32> to vector<16xf32>
        %sub3A_256 = arith.subf %get3A_250, %get3A_255 : vector<16xf32>
        %get3A_257 = arith.constant 1 : i32
        %get3A_258 = arith.index_cast %get3A_257 : i32 to index
        %get3A_259 = arith.constant 16 : index
        %get3A_260 = tpu.vector_load %arg9[%get3A_258, %get3A_259] {strides = array<i32>} : memref<6x128xf32, #tpu.memory_space<vmem>>, vector<1x16xf32>,
        %get3A_261 = vector.shape_cast %get3A_260 : vector<1x16xf32> to vector<16xf32>
        %get3A_262 = arith.constant 4 : i32
        %get3A_263 = arith.index_cast %get3A_262 : i32 to index
        %get3A_264 = arith.constant 16 : index
        %get3A_265 = tpu.vector_load %arg9[%get3A_263, %get3A_264] {strides = array<i32>} : memref<6x128xf32, #tpu.memory_space<vmem>>, vector<1x16xf32>,
        %get3A_266 = vector.shape_cast %get3A_265 : vector<1x16xf32> to vector<16xf32>
        %sub3A_267 = arith.subf %get3A_261, %get3A_266 : vector<16xf32>
        %get3A_268 = arith.constant 2 : i32
        %get3A_269 = arith.index_cast %get3A_268 : i32 to index
        %get3A_270 = arith.constant 16 : index
        %get3A_271 = tpu.vector_load %arg9[%get3A_269, %get3A_270] {strides = array<i32>} : memref<6x128xf32, #tpu.memory_space<vmem>>, vector<1x16xf32>,
        %get3A_272 = vector.shape_cast %get3A_271 : vector<1x16xf32> to vector<16xf32>
        %get3A_273 = arith.constant 5 : i32
        %get3A_274 = arith.index_cast %get3A_273 : i32 to index
        %get3A_275 = arith.constant 16 : index
        %get3A_276 = tpu.vector_load %arg9[%get3A_274, %get3A_275] {strides = array<i32>} : memref<6x128xf32, #tpu.memory_space<vmem>>, vector<1x16xf32>,
        %get3A_277 = vector.shape_cast %get3A_276 : vector<1x16xf32> to vector<16xf32>
        %sub3A_278 = arith.subf %get3A_272, %get3A_277 : vector<16xf32>
        %mul3A_279 = arith.mulf %sub3A_256, %sub3A_256 : vector<16xf32>
        %mul3A_280 = arith.mulf %sub3A_267, %sub3A_267 : vector<16xf32>
        %add3A_281 = arith.addf %mul3A_279, %mul3A_280 : vector<16xf32>
        %mul3A_282 = arith.mulf %sub3A_278, %sub3A_278 : vector<16xf32>
        %add3A_283 = arith.addf %add3A_281, %mul3A_282 : vector<16xf32>
        %swap3A_284 = arith.constant 16 : index
        %swap3A_285 = tpu.vector_load %arg10[%swap3A_284] {strides = array<i32>} : memref<128xf32, #tpu.memory_space<vmem>>, vector<16xf32>,
        %swap3A_286 = vector.shape_cast %swap3A_285 : vector<16xf32> to vector<16xf32>
        %swap3A_287 = vector.shape_cast %add3A_283 : vector<16xf32> to vector<16xf32>
        tpu.vector_store %arg10[%swap3A_284], %swap3A_287 {strides = array<i32>} : memref<128xf32, #tpu.memory_space<vmem>>, vector<16xf32>,
        %get3A_288 = arith.constant 0 : i32
        %get3A_289 = arith.index_cast %get3A_288 : i32 to index
        %get3A_290 = arith.constant 32 : index
        %get3A_291 = tpu.vector_load %arg9[%get3A_289, %get3A_290] {strides = array<i32>} : memref<6x128xf32, #tpu.memory_space<vmem>>, vector<1x16xf32>,
        %get3A_292 = vector.shape_cast %get3A_291 : vector<1x16xf32> to vector<16xf32>
        %get3A_293 = arith.constant 3 : i32
        %get3A_294 = arith.index_cast %get3A_293 : i32 to index
        %get3A_295 = arith.constant 32 : index
        %get3A_296 = tpu.vector_load %arg9[%get3A_294, %get3A_295] {strides = array<i32>} : memref<6x128xf32, #tpu.memory_space<vmem>>, vector<1x16xf32>,
        %get3A_297 = vector.shape_cast %get3A_296 : vector<1x16xf32> to vector<16xf32>
        %sub3A_298 = arith.subf %get3A_292, %get3A_297 : vector<16xf32>
        %get3A_299 = arith.constant 1 : i32
        %get3A_300 = arith.index_cast %get3A_299 : i32 to index
        %get3A_301 = arith.constant 32 : index
        %get3A_302 = tpu.vector_load %arg9[%get3A_300, %get3A_301] {strides = array<i32>} : memref<6x128xf32, #tpu.memory_space<vmem>>, vector<1x16xf32>,
        %get3A_303 = vector.shape_cast %get3A_302 : vector<1x16xf32> to vector<16xf32>
        %get3A_304 = arith.constant 4 : i32
        %get3A_305 = arith.index_cast %get3A_304 : i32 to index
        %get3A_306 = arith.constant 32 : index
        %get3A_307 = tpu.vector_load %arg9[%get3A_305, %get3A_306] {strides = array<i32>} : memref<6x128xf32, #tpu.memory_space<vmem>>, vector<1x16xf32>,
        %get3A_308 = vector.shape_cast %get3A_307 : vector<1x16xf32> to vector<16xf32>
        %sub3A_309 = arith.subf %get3A_303, %get3A_308 : vector<16xf32>
        %get3A_310 = arith.constant 2 : i32
        %get3A_311 = arith.index_cast %get3A_310 : i32 to index
        %get3A_312 = arith.constant 32 : index
        %get3A_313 = tpu.vector_load %arg9[%get3A_311, %get3A_312] {strides = array<i32>} : memref<6x128xf32, #tpu.memory_space<vmem>>, vector<1x16xf32>,
        %get3A_314 = vector.shape_cast %get3A_313 : vector<1x16xf32> to vector<16xf32>
        %get3A_315 = arith.constant 5 : i32
        %get3A_316 = arith.index_cast %get3A_315 : i32 to index
        %get3A_317 = arith.constant 32 : index
        %get3A_318 = tpu.vector_load %arg9[%get3A_316, %get3A_317] {strides = array<i32>} : memref<6x128xf32, #tpu.memory_space<vmem>>, vector<1x16xf32>,
        %get3A_319 = vector.shape_cast %get3A_318 : vector<1x16xf32> to vector<16xf32>
        %sub3A_320 = arith.subf %get3A_314, %get3A_319 : vector<16xf32>
        %mul3A_321 = arith.mulf %sub3A_298, %sub3A_298 : vector<16xf32>
        %mul3A_322 = arith.mulf %sub3A_309, %sub3A_309 : vector<16xf32>
        %add3A_323 = arith.addf %mul3A_321, %mul3A_322 : vector<16xf32>
        %mul3A_324 = arith.mulf %sub3A_320, %sub3A_320 : vector<16xf32>
        %add3A_325 = arith.addf %add3A_323, %mul3A_324 : vector<16xf32>
        %swap3A_326 = arith.constant 32 : index
        %swap3A_327 = tpu.vector_load %arg10[%swap3A_326] {strides = array<i32>} : memref<128xf32, #tpu.memory_space<vmem>>, vector<16xf32>,
        %swap3A_328 = vector.shape_cast %swap3A_327 : vector<16xf32> to vector<16xf32>
        %swap3A_329 = vector.shape_cast %add3A_325 : vector<16xf32> to vector<16xf32>
        tpu.vector_store %arg10[%swap3A_326], %swap3A_329 {strides = array<i32>} : memref<128xf32, #tpu.memory_space<vmem>>, vector<16xf32>,
        %get3A_330 = arith.constant 0 : i32
        %get3A_331 = arith.index_cast %get3A_330 : i32 to index
        %get3A_332 = arith.constant 48 : index
        %get3A_333 = tpu.vector_load %arg9[%get3A_331, %get3A_332] {strides = array<i32>} : memref<6x128xf32, #tpu.memory_space<vmem>>, vector<1x16xf32>,
        %get3A_334 = vector.shape_cast %get3A_333 : vector<1x16xf32> to vector<16xf32>
        %get3A_335 = arith.constant 3 : i32
        %get3A_336 = arith.index_cast %get3A_335 : i32 to index
        %get3A_337 = arith.constant 48 : index
        %get3A_338 = tpu.vector_load %arg9[%get3A_336, %get3A_337] {strides = array<i32>} : memref<6x128xf32, #tpu.memory_space<vmem>>, vector<1x16xf32>,
        %get3A_339 = vector.shape_cast %get3A_338 : vector<1x16xf32> to vector<16xf32>
        %sub3A_340 = arith.subf %get3A_334, %get3A_339 : vector<16xf32>
        %get3A_341 = arith.constant 1 : i32
        %get3A_342 = arith.index_cast %get3A_341 : i32 to index
        %get3A_343 = arith.constant 48 : index
        %get3A_344 = tpu.vector_load %arg9[%get3A_342, %get3A_343] {strides = array<i32>} : memref<6x128xf32, #tpu.memory_space<vmem>>, vector<1x16xf32>,
        %get3A_345 = vector.shape_cast %get3A_344 : vector<1x16xf32> to vector<16xf32>
        %get3A_346 = arith.constant 4 : i32
        %get3A_347 = arith.index_cast %get3A_346 : i32 to index
        %get3A_348 = arith.constant 48 : index
        %get3A_349 = tpu.vector_load %arg9[%get3A_347, %get3A_348] {strides = array<i32>} : memref<6x128xf32, #tpu.memory_space<vmem>>, vector<1x16xf32>,
        %get3A_350 = vector.shape_cast %get3A_349 : vector<1x16xf32> to vector<16xf32>
        %sub3A_351 = arith.subf %get3A_345, %get3A_350 : vector<16xf32>
        %get3A_352 = arith.constant 2 : i32
        %get3A_353 = arith.index_cast %get3A_352 : i32 to index
        %get3A_354 = arith.constant 48 : index
        %get3A_355 = tpu.vector_load %arg9[%get3A_353, %get3A_354] {strides = array<i32>} : memref<6x128xf32, #tpu.memory_space<vmem>>, vector<1x16xf32>,
        %get3A_356 = vector.shape_cast %get3A_355 : vector<1x16xf32> to vector<16xf32>
        %get3A_357 = arith.constant 5 : i32
        %get3A_358 = arith.index_cast %get3A_357 : i32 to index
        %get3A_359 = arith.constant 48 : index
        %get3A_360 = tpu.vector_load %arg9[%get3A_358, %get3A_359] {strides = array<i32>} : memref<6x128xf32, #tpu.memory_space<vmem>>, vector<1x16xf32>,
        %get3A_361 = vector.shape_cast %get3A_360 : vector<1x16xf32> to vector<16xf32>
        %sub3A_362 = arith.subf %get3A_356, %get3A_361 : vector<16xf32>
        %mul3A_363 = arith.mulf %sub3A_340, %sub3A_340 : vector<16xf32>
        %mul3A_364 = arith.mulf %sub3A_351, %sub3A_351 : vector<16xf32>
        %add3A_365 = arith.addf %mul3A_363, %mul3A_364 : vector<16xf32>
        %mul3A_366 = arith.mulf %sub3A_362, %sub3A_362 : vector<16xf32>
        %add3A_367 = arith.addf %add3A_365, %mul3A_366 : vector<16xf32>
        %swap3A_368 = arith.constant 48 : index
        %swap3A_369 = tpu.vector_load %arg10[%swap3A_368] {strides = array<i32>} : memref<128xf32, #tpu.memory_space<vmem>>, vector<16xf32>,
        %swap3A_370 = vector.shape_cast %swap3A_369 : vector<16xf32> to vector<16xf32>
        %swap3A_371 = vector.shape_cast %add3A_367 : vector<16xf32> to vector<16xf32>
        tpu.vector_store %arg10[%swap3A_368], %swap3A_371 {strides = array<i32>} : memref<128xf32, #tpu.memory_space<vmem>>, vector<16xf32>,
        %get3A_372 = arith.constant 0 : i32
        %get3A_373 = arith.index_cast %get3A_372 : i32 to index
        %get3A_374 = arith.constant 64 : index
        %get3A_375 = tpu.vector_load %arg9[%get3A_373, %get3A_374] {strides = array<i32>} : memref<6x128xf32, #tpu.memory_space<vmem>>, vector<1x16xf32>,
        %get3A_376 = vector.shape_cast %get3A_375 : vector<1x16xf32> to vector<16xf32>
        %get3A_377 = arith.constant 3 : i32
        %get3A_378 = arith.index_cast %get3A_377 : i32 to index
        %get3A_379 = arith.constant 64 : index
        %get3A_380 = tpu.vector_load %arg9[%get3A_378, %get3A_379] {strides = array<i32>} : memref<6x128xf32, #tpu.memory_space<vmem>>, vector<1x16xf32>,
        %get3A_381 = vector.shape_cast %get3A_380 : vector<1x16xf32> to vector<16xf32>
        %sub3A_382 = arith.subf %get3A_376, %get3A_381 : vector<16xf32>
        %get3A_383 = arith.constant 1 : i32
        %get3A_384 = arith.index_cast %get3A_383 : i32 to index
        %get3A_385 = arith.constant 64 : index
        %get3A_386 = tpu.vector_load %arg9[%get3A_384, %get3A_385] {strides = array<i32>} : memref<6x128xf32, #tpu.memory_space<vmem>>, vector<1x16xf32>,
        %get3A_387 = vector.shape_cast %get3A_386 : vector<1x16xf32> to vector<16xf32>
        %get3A_388 = arith.constant 4 : i32
        %get3A_389 = arith.index_cast %get3A_388 : i32 to index
        %get3A_390 = arith.constant 64 : index
        %get3A_391 = tpu.vector_load %arg9[%get3A_389, %get3A_390] {strides = array<i32>} : memref<6x128xf32, #tpu.memory_space<vmem>>, vector<1x16xf32>,
        %get3A_392 = vector.shape_cast %get3A_391 : vector<1x16xf32> to vector<16xf32>
        %sub3A_393 = arith.subf %get3A_387, %get3A_392 : vector<16xf32>
        %get3A_394 = arith.constant 2 : i32
        %get3A_395 = arith.index_cast %get3A_394 : i32 to index
        %get3A_396 = arith.constant 64 : index
        %get3A_397 = tpu.vector_load %arg9[%get3A_395, %get3A_396] {strides = array<i32>} : memref<6x128xf32, #tpu.memory_space<vmem>>, vector<1x16xf32>,
        %get3A_398 = vector.shape_cast %get3A_397 : vector<1x16xf32> to vector<16xf32>
        %get3A_399 = arith.constant 5 : i32
        %get3A_400 = arith.index_cast %get3A_399 : i32 to index
        %get3A_401 = arith.constant 64 : index
        %get3A_402 = tpu.vector_load %arg9[%get3A_400, %get3A_401] {strides = array<i32>} : memref<6x128xf32, #tpu.memory_space<vmem>>, vector<1x16xf32>,
        %get3A_403 = vector.shape_cast %get3A_402 : vector<1x16xf32> to vector<16xf32>
        %sub3A_404 = arith.subf %get3A_398, %get3A_403 : vector<16xf32>
        %mul3A_405 = arith.mulf %sub3A_382, %sub3A_382 : vector<16xf32>
        %mul3A_406 = arith.mulf %sub3A_393, %sub3A_393 : vector<16xf32>
        %add3A_407 = arith.addf %mul3A_405, %mul3A_406 : vector<16xf32>
        %mul3A_408 = arith.mulf %sub3A_404, %sub3A_404 : vector<16xf32>
        %add3A_409 = arith.addf %add3A_407, %mul3A_408 : vector<16xf32>
        %swap3A_410 = arith.constant 64 : index
        %swap3A_411 = tpu.vector_load %arg10[%swap3A_410] {strides = array<i32>} : memref<128xf32, #tpu.memory_space<vmem>>, vector<16xf32>,
        %swap3A_412 = vector.shape_cast %swap3A_411 : vector<16xf32> to vector<16xf32>
        %swap3A_413 = vector.shape_cast %add3A_409 : vector<16xf32> to vector<16xf32>
        tpu.vector_store %arg10[%swap3A_410], %swap3A_413 {strides = array<i32>} : memref<128xf32, #tpu.memory_space<vmem>>, vector<16xf32>,
        %get3A_414 = arith.constant 0 : i32
        %get3A_415 = arith.index_cast %get3A_414 : i32 to index
        %get3A_416 = arith.constant 80 : index
        %get3A_417 = tpu.vector_load %arg9[%get3A_415, %get3A_416] {strides = array<i32>} : memref<6x128xf32, #tpu.memory_space<vmem>>, vector<1x16xf32>,
        %get3A_418 = vector.shape_cast %get3A_417 : vector<1x16xf32> to vector<16xf32>
        %get3A_419 = arith.constant 3 : i32
        %get3A_420 = arith.index_cast %get3A_419 : i32 to index
        %get3A_421 = arith.constant 80 : index
        %get3A_422 = tpu.vector_load %arg9[%get3A_420, %get3A_421] {strides = array<i32>} : memref<6x128xf32, #tpu.memory_space<vmem>>, vector<1x16xf32>,
        %get3A_423 = vector.shape_cast %get3A_422 : vector<1x16xf32> to vector<16xf32>
        %sub3A_424 = arith.subf %get3A_418, %get3A_423 : vector<16xf32>
        %get3A_425 = arith.constant 1 : i32
        %get3A_426 = arith.index_cast %get3A_425 : i32 to index
        %get3A_427 = arith.constant 80 : index
        %get3A_428 = tpu.vector_load %arg9[%get3A_426, %get3A_427] {strides = array<i32>} : memref<6x128xf32, #tpu.memory_space<vmem>>, vector<1x16xf32>,
        %get3A_429 = vector.shape_cast %get3A_428 : vector<1x16xf32> to vector<16xf32>
        %get3A_430 = arith.constant 4 : i32
        %get3A_431 = arith.index_cast %get3A_430 : i32 to index
        %get3A_432 = arith.constant 80 : index
        %get3A_433 = tpu.vector_load %arg9[%get3A_431, %get3A_432] {strides = array<i32>} : memref<6x128xf32, #tpu.memory_space<vmem>>, vector<1x16xf32>,
        %get3A_434 = vector.shape_cast %get3A_433 : vector<1x16xf32> to vector<16xf32>
        %sub3A_435 = arith.subf %get3A_429, %get3A_434 : vector<16xf32>
        %get3A_436 = arith.constant 2 : i32
        %get3A_437 = arith.index_cast %get3A_436 : i32 to index
        %get3A_438 = arith.constant 80 : index
        %get3A_439 = tpu.vector_load %arg9[%get3A_437, %get3A_438] {strides = array<i32>} : memref<6x128xf32, #tpu.memory_space<vmem>>, vector<1x16xf32>,
        %get3A_440 = vector.shape_cast %get3A_439 : vector<1x16xf32> to vector<16xf32>
        %get3A_441 = arith.constant 5 : i32
        %get3A_442 = arith.index_cast %get3A_441 : i32 to index
        %get3A_443 = arith.constant 80 : index
        %get3A_444 = tpu.vector_load %arg9[%get3A_442, %get3A_443] {strides = array<i32>} : memref<6x128xf32, #tpu.memory_space<vmem>>, vector<1x16xf32>,
        %get3A_445 = vector.shape_cast %get3A_444 : vector<1x16xf32> to vector<16xf32>
        %sub3A_446 = arith.subf %get3A_440, %get3A_445 : vector<16xf32>
        %mul3A_447 = arith.mulf %sub3A_424, %sub3A_424 : vector<16xf32>
        %mul3A_448 = arith.mulf %sub3A_435, %sub3A_435 : vector<16xf32>
        %add3A_449 = arith.addf %mul3A_447, %mul3A_448 : vector<16xf32>
        %mul3A_450 = arith.mulf %sub3A_446, %sub3A_446 : vector<16xf32>
        %add3A_451 = arith.addf %add3A_449, %mul3A_450 : vector<16xf32>
        %swap3A_452 = arith.constant 80 : index
        %swap3A_453 = tpu.vector_load %arg10[%swap3A_452] {strides = array<i32>} : memref<128xf32, #tpu.memory_space<vmem>>, vector<16xf32>,
        %swap3A_454 = vector.shape_cast %swap3A_453 : vector<16xf32> to vector<16xf32>
        %swap3A_455 = vector.shape_cast %add3A_451 : vector<16xf32> to vector<16xf32>
        tpu.vector_store %arg10[%swap3A_452], %swap3A_455 {strides = array<i32>} : memref<128xf32, #tpu.memory_space<vmem>>, vector<16xf32>,
        %get3A_456 = arith.constant 0 : i32
        %get3A_457 = arith.index_cast %get3A_456 : i32 to index
        %get3A_458 = arith.constant 96 : index
        %get3A_459 = tpu.vector_load %arg9[%get3A_457, %get3A_458] {strides = array<i32>} : memref<6x128xf32, #tpu.memory_space<vmem>>, vector<1x16xf32>,
        %get3A_460 = vector.shape_cast %get3A_459 : vector<1x16xf32> to vector<16xf32>
        %get3A_461 = arith.constant 3 : i32
        %get3A_462 = arith.index_cast %get3A_461 : i32 to index
        %get3A_463 = arith.constant 96 : index
        %get3A_464 = tpu.vector_load %arg9[%get3A_462, %get3A_463] {strides = array<i32>} : memref<6x128xf32, #tpu.memory_space<vmem>>, vector<1x16xf32>,
        %get3A_465 = vector.shape_cast %get3A_464 : vector<1x16xf32> to vector<16xf32>
        %sub3A_466 = arith.subf %get3A_460, %get3A_465 : vector<16xf32>
        %get3A_467 = arith.constant 1 : i32
        %get3A_468 = arith.index_cast %get3A_467 : i32 to index
        %get3A_469 = arith.constant 96 : index
        %get3A_470 = tpu.vector_load %arg9[%get3A_468, %get3A_469] {strides = array<i32>} : memref<6x128xf32, #tpu.memory_space<vmem>>, vector<1x16xf32>,
        %get3A_471 = vector.shape_cast %get3A_470 : vector<1x16xf32> to vector<16xf32>
        %get3A_472 = arith.constant 4 : i32
        %get3A_473 = arith.index_cast %get3A_472 : i32 to index
        %get3A_474 = arith.constant 96 : index
        %get3A_475 = tpu.vector_load %arg9[%get3A_473, %get3A_474] {strides = array<i32>} : memref<6x128xf32, #tpu.memory_space<vmem>>, vector<1x16xf32>,
        %get3A_476 = vector.shape_cast %get3A_475 : vector<1x16xf32> to vector<16xf32>
        %sub3A_477 = arith.subf %get3A_471, %get3A_476 : vector<16xf32>
        %get3A_478 = arith.constant 2 : i32
        %get3A_479 = arith.index_cast %get3A_478 : i32 to index
        %get3A_480 = arith.constant 96 : index
        %get3A_481 = tpu.vector_load %arg9[%get3A_479, %get3A_480] {strides = array<i32>} : memref<6x128xf32, #tpu.memory_space<vmem>>, vector<1x16xf32>,
        %get3A_482 = vector.shape_cast %get3A_481 : vector<1x16xf32> to vector<16xf32>
        %get3A_483 = arith.constant 5 : i32
        %get3A_484 = arith.index_cast %get3A_483 : i32 to index
        %get3A_485 = arith.constant 96 : index
        %get3A_486 = tpu.vector_load %arg9[%get3A_484, %get3A_485] {strides = array<i32>} : memref<6x128xf32, #tpu.memory_space<vmem>>, vector<1x16xf32>,
        %get3A_487 = vector.shape_cast %get3A_486 : vector<1x16xf32> to vector<16xf32>
        %sub3A_488 = arith.subf %get3A_482, %get3A_487 : vector<16xf32>
        %mul3A_489 = arith.mulf %sub3A_466, %sub3A_466 : vector<16xf32>
        %mul3A_490 = arith.mulf %sub3A_477, %sub3A_477 : vector<16xf32>
        %add3A_491 = arith.addf %mul3A_489, %mul3A_490 : vector<16xf32>
        %mul3A_492 = arith.mulf %sub3A_488, %sub3A_488 : vector<16xf32>
        %add3A_493 = arith.addf %add3A_491, %mul3A_492 : vector<16xf32>
        %swap3A_494 = arith.constant 96 : index
        %swap3A_495 = tpu.vector_load %arg10[%swap3A_494] {strides = array<i32>} : memref<128xf32, #tpu.memory_space<vmem>>, vector<16xf32>,
        %swap3A_496 = vector.shape_cast %swap3A_495 : vector<16xf32> to vector<16xf32>
        %swap3A_497 = vector.shape_cast %add3A_493 : vector<16xf32> to vector<16xf32>
        tpu.vector_store %arg10[%swap3A_494], %swap3A_497 {strides = array<i32>} : memref<128xf32, #tpu.memory_space<vmem>>, vector<16xf32>,
        %get3A_498 = arith.constant 0 : i32
        %get3A_499 = arith.index_cast %get3A_498 : i32 to index
        %get3A_500 = arith.constant 112 : index
        %get3A_501 = tpu.vector_load %arg9[%get3A_499, %get3A_500] {strides = array<i32>} : memref<6x128xf32, #tpu.memory_space<vmem>>, vector<1x16xf32>,
        %get3A_502 = vector.shape_cast %get3A_501 : vector<1x16xf32> to vector<16xf32>
        %get3A_503 = arith.constant 3 : i32
        %get3A_504 = arith.index_cast %get3A_503 : i32 to index
        %get3A_505 = arith.constant 112 : index
        %get3A_506 = tpu.vector_load %arg9[%get3A_504, %get3A_505] {strides = array<i32>} : memref<6x128xf32, #tpu.memory_space<vmem>>, vector<1x16xf32>,
        %get3A_507 = vector.shape_cast %get3A_506 : vector<1x16xf32> to vector<16xf32>
        %sub3A_508 = arith.subf %get3A_502, %get3A_507 : vector<16xf32>
        %get3A_509 = arith.constant 1 : i32
        %get3A_510 = arith.index_cast %get3A_509 : i32 to index
        %get3A_511 = arith.constant 112 : index
        %get3A_512 = tpu.vector_load %arg9[%get3A_510, %get3A_511] {strides = array<i32>} : memref<6x128xf32, #tpu.memory_space<vmem>>, vector<1x16xf32>,
        %get3A_513 = vector.shape_cast %get3A_512 : vector<1x16xf32> to vector<16xf32>
        %get3A_514 = arith.constant 4 : i32
        %get3A_515 = arith.index_cast %get3A_514 : i32 to index
        %get3A_516 = arith.constant 112 : index
        %get3A_517 = tpu.vector_load %arg9[%get3A_515, %get3A_516] {strides = array<i32>} : memref<6x128xf32, #tpu.memory_space<vmem>>, vector<1x16xf32>,
        %get3A_518 = vector.shape_cast %get3A_517 : vector<1x16xf32> to vector<16xf32>
        %sub3A_519 = arith.subf %get3A_513, %get3A_518 : vector<16xf32>
        %get3A_520 = arith.constant 2 : i32
        %get3A_521 = arith.index_cast %get3A_520 : i32 to index
        %get3A_522 = arith.constant 112 : index
        %get3A_523 = tpu.vector_load %arg9[%get3A_521, %get3A_522] {strides = array<i32>} : memref<6x128xf32, #tpu.memory_space<vmem>>, vector<1x16xf32>,
        %get3A_524 = vector.shape_cast %get3A_523 : vector<1x16xf32> to vector<16xf32>
        %get3A_525 = arith.constant 5 : i32
        %get3A_526 = arith.index_cast %get3A_525 : i32 to index
        %get3A_527 = arith.constant 112 : index
        %get3A_528 = tpu.vector_load %arg9[%get3A_526, %get3A_527] {strides = array<i32>} : memref<6x128xf32, #tpu.memory_space<vmem>>, vector<1x16xf32>,
        %get3A_529 = vector.shape_cast %get3A_528 : vector<1x16xf32> to vector<16xf32>
        %sub3A_530 = arith.subf %get3A_524, %get3A_529 : vector<16xf32>
        %mul3A_531 = arith.mulf %sub3A_508, %sub3A_508 : vector<16xf32>
        %mul3A_532 = arith.mulf %sub3A_519, %sub3A_519 : vector<16xf32>
        %add3A_533 = arith.addf %mul3A_531, %mul3A_532 : vector<16xf32>
        %mul3A_534 = arith.mulf %sub3A_530, %sub3A_530 : vector<16xf32>
        %add3A_535 = arith.addf %add3A_533, %mul3A_534 : vector<16xf32>
        %swap3A_536 = arith.constant 112 : index
        %swap3A_537 = tpu.vector_load %arg10[%swap3A_536] {strides = array<i32>} : memref<128xf32, #tpu.memory_space<vmem>>, vector<16xf32>,
        %swap3A_538 = vector.shape_cast %swap3A_537 : vector<16xf32> to vector<16xf32>
        %swap3A_539 = vector.shape_cast %add3A_535 : vector<16xf32> to vector<16xf32>
        tpu.vector_store %arg10[%swap3A_536], %swap3A_539 {strides = array<i32>} : memref<128xf32, #tpu.memory_space<vmem>>, vector<16xf32>,
        %mul3A_540 = arith.constant 32 : i32
        %mul3A_541 = arith.muli %sub3A_205, %mul3A_540 : i32
        %add3A_542 = arith.addi %add3A, %mul3A_541 : i32
        %ge3A_543 = arith.constant 0 : i32
        %ge3A_544 = arith.cmpi sge, %sub3A_205, %ge3A_543 : i32
        %mul3A_545 = arith.constant 32 : i32
        %mul3A_546 = arith.muli %sub3A_205, %mul3A_545 : i32
        %add3A_547 = arith.addi %add3A, %mul3A_546 : i32
        %lt3A_548 = arith.constant 6250 : i32
        %lt3A_549 = arith.cmpi slt, %add3A_547, %lt3A_548 : i32
        %and3A_550 = arith.andi %ge3A_544, %lt3A_549 : i1
        %jit3A_551 = arith.constant 0 : i32
        %select_n3A_552 = arith.select %and3A_550, %add3A_542, %jit3A_551 : i32
        %dma_start3A_553 = arith.constant 0 : i32
        %dma_start3A_554 = tpu.memref_slice %arg6[%select_n3A_552, %dma_start3A_553] : memref<6400x128xf32, #tpu.memory_space<hbm>> -> memref<1x128xf32, #tpu.memory_space<hbm>>
        %dma_start3A_555 = tpu.memref_squeeze %dma_start3A_554 : memref<1x128xf32, #tpu.memory_space<hbm>> -> memref<128xf32, #tpu.memory_space<hbm>>
        %dma_start3A_556 = arith.constant 0 : i32
        %dma_start3A_557 = tpu.memref_slice %arg6[%select_n3A_552, %dma_start3A_556] : memref<6400x128xf32, #tpu.memory_space<hbm>> -> memref<1x128xf32, #tpu.memory_space<hbm>>
        %dma_start3A_558 = tpu.memref_squeeze %dma_start3A_557 : memref<1x128xf32, #tpu.memory_space<hbm>> -> memref<128xf32, #tpu.memory_space<hbm>>
        tpu.enqueue_dma source(%arg10 : memref<128xf32, #tpu.memory_space<vmem>>) target(%dma_start3A_558 : memref<128xf32, #tpu.memory_space<hbm>>) target_semaphore(%arg13 : memref<!tpu.dma_semaphore, #tpu.memory_space<semaphore_mem>>)
      } else {
      }
      %add3A_156 = arith.constant 1 : i32
      %add3A_157 = arith.addi %add3A_107, %add3A_156 : i32
      %ge3A_158 = arith.constant 0 : i32
      %ge3A_159 = arith.cmpi sge, %add3A_157, %ge3A_158 : i32
      %mul3A_160 = arith.constant 32 : i32
      %mul3A_161 = arith.muli %add3A_157, %mul3A_160 : i32
      %add3A_162 = arith.addi %add3A, %mul3A_161 : i32
      %lt3A_163 = arith.constant 6250 : i32
      %lt3A_164 = arith.cmpi slt, %add3A_162, %lt3A_163 : i32
      %and3A_165 = arith.andi %ge3A_159, %lt3A_164 : i1
      %convert_element_type3A_166 = arith.extui %and3A_165 : i1 to i32
      %cond3A_167 = arith.constant 0 : i32
      %cond3A_168 = arith.cmpi ne, %convert_element_type3A_166, %cond3A_167 : i32
      scf.if %cond3A_168 {
        %add3A_169 = arith.constant 1 : i32
        %add3A_170 = arith.addi %add3A_107, %add3A_169 : i32
        %mul3A_171 = arith.constant 32 : i32
        %mul3A_172 = arith.muli %add3A_170, %mul3A_171 : i32
        %add3A_173 = arith.addi %add3A, %mul3A_172 : i32
        %ge3A_174 = arith.constant 0 : i32
        %ge3A_175 = arith.cmpi sge, %add3A_170, %ge3A_174 : i32
        %mul3A_176 = arith.constant 32 : i32
        %mul3A_177 = arith.muli %add3A_170, %mul3A_176 : i32
        %add3A_178 = arith.addi %add3A, %mul3A_177 : i32
        %lt3A_179 = arith.constant 6250 : i32
        %lt3A_180 = arith.cmpi slt, %add3A_178, %lt3A_179 : i32
        %and3A_181 = arith.andi %ge3A_175, %lt3A_180 : i1
        %jit3A_182 = arith.constant 0 : i32
        %select_n3A_183 = arith.select %and3A_181, %add3A_173, %jit3A_182 : i32
        %mul3A_184 = arith.constant 128 : i32
        %mul3A_185 = arith.muli %select_n3A_183, %mul3A_184 : i32
        %multiple_of3A_186 = tpu.assume_multiple %mul3A_185, 128 : i32
        %dma_start3A_187 = arith.constant 0 : i32
        %dma_start3A_188 = tpu.memref_slice %arg2[%dma_start3A_187, %multiple_of3A_186] : memref<2x800000xi32, #tpu.memory_space<hbm>> -> memref<1x128xi32, #tpu.memory_space<hbm>>
        %dma_start3A_189 = tpu.memref_squeeze %dma_start3A_188 : memref<1x128xi32, #tpu.memory_space<hbm>> -> memref<128xi32, #tpu.memory_space<hbm>>
        %dma_start3A_190 = tpu.memref_slice %arg2[%dma_start3A_187, %multiple_of3A_186] : memref<2x800000xi32, #tpu.memory_space<hbm>> -> memref<1x128xi32, #tpu.memory_space<hbm>>
        %dma_start3A_191 = tpu.memref_squeeze %dma_start3A_190 : memref<1x128xi32, #tpu.memory_space<hbm>> -> memref<128xi32, #tpu.memory_space<hbm>>
        tpu.enqueue_dma source(%dma_start3A_191 : memref<128xi32, #tpu.memory_space<hbm>>) target(%arg7 : memref<128xi32, #tpu.memory_space<vmem>>) target_semaphore(%arg11 : memref<!tpu.dma_semaphore, #tpu.memory_space<semaphore_mem>>)
        %dma_start3A_192 = arith.constant 1 : i32
        %dma_start3A_193 = tpu.memref_slice %arg2[%dma_start3A_192, %multiple_of3A_186] : memref<2x800000xi32, #tpu.memory_space<hbm>> -> memref<1x128xi32, #tpu.memory_space<hbm>>
        %dma_start3A_194 = tpu.memref_squeeze %dma_start3A_193 : memref<1x128xi32, #tpu.memory_space<hbm>> -> memref<128xi32, #tpu.memory_space<hbm>>
        %dma_start3A_195 = tpu.memref_slice %arg2[%dma_start3A_192, %multiple_of3A_186] : memref<2x800000xi32, #tpu.memory_space<hbm>> -> memref<1x128xi32, #tpu.memory_space<hbm>>
        %dma_start3A_196 = tpu.memref_squeeze %dma_start3A_195 : memref<1x128xi32, #tpu.memory_space<hbm>> -> memref<128xi32, #tpu.memory_space<hbm>>
        tpu.enqueue_dma source(%dma_start3A_196 : memref<128xi32, #tpu.memory_space<hbm>>) target(%arg8 : memref<128xi32, #tpu.memory_space<vmem>>) target_semaphore(%arg11 : memref<!tpu.dma_semaphore, #tpu.memory_space<semaphore_mem>>)
      } else {
      }
    }
    %scan3A_21 = arith.constant 99 : i32
    %add3A_22 = arith.constant 6272 : i32
    %add3A_23 = arith.addi %add3A, %add3A_22 : i32
    %lt3A_24 = arith.constant 6250 : i32
    %lt3A_25 = arith.cmpi slt, %add3A_23, %lt3A_24 : i32
    %and3A_26 = arith.constant true
    %and3A_27 = arith.andi %and3A_26, %lt3A_25 : i1
    %convert_element_type3A = arith.extui %and3A_27 : i1 to i32
    %cond3A = arith.constant 0 : i32
    %cond3A_28 = arith.cmpi ne, %convert_element_type3A, %cond3A : i32
    scf.if %cond3A_28 {
      %dma_wait3A = arith.constant 0 : i32
      %dma_wait3A_38 = arith.constant 0 : i32
      %dma_wait3A_39 = tpu.memref_slice %arg6[%dma_wait3A, %dma_wait3A_38] : memref<6400x128xf32, #tpu.memory_space<hbm>> -> memref<1x128xf32, #tpu.memory_space<hbm>>
      %dma_wait3A_40 = tpu.memref_squeeze %dma_wait3A_39 : memref<1x128xf32, #tpu.memory_space<hbm>> -> memref<128xf32, #tpu.memory_space<hbm>>
      %dma_wait3A_41 = arith.constant 0 : i32
      %dma_wait3A_42 = tpu.memref_slice %arg6[%dma_wait3A, %dma_wait3A_41] : memref<6400x128xf32, #tpu.memory_space<hbm>> -> memref<1x128xf32, #tpu.memory_space<hbm>>
      %dma_wait3A_43 = tpu.memref_squeeze %dma_wait3A_42 : memref<1x128xf32, #tpu.memory_space<hbm>> -> memref<128xf32, #tpu.memory_space<hbm>>
      tpu.wait_dma2 semaphore(%arg13 : memref<!tpu.dma_semaphore, #tpu.memory_space<semaphore_mem>>) src(%arg10 : memref<128xf32, #tpu.memory_space<vmem>>) dst(%dma_wait3A_43 : memref<128xf32, #tpu.memory_space<hbm>>)
    } else {
    }
    %add3A_29 = arith.constant 6304 : i32
    %add3A_30 = arith.addi %add3A, %add3A_29 : i32
    %lt3A_31 = arith.constant 6250 : i32
    %lt3A_32 = arith.cmpi slt, %add3A_30, %lt3A_31 : i32
    %and3A_33 = arith.constant true
    %and3A_34 = arith.andi %and3A_33, %lt3A_32 : i1
    %convert_element_type3A_35 = arith.extui %and3A_34 : i1 to i32
    %cond3A_36 = arith.constant 0 : i32
    %cond3A_37 = arith.cmpi ne, %convert_element_type3A_35, %cond3A_36 : i32
    scf.if %cond3A_37 {
      %dma_wait3A = arith.constant 0 : i32
      %dma_wait3A_38 = arith.constant 0 : i32
      %dma_wait3A_39 = tpu.memref_slice %arg6[%dma_wait3A, %dma_wait3A_38] : memref<6400x128xf32, #tpu.memory_space<hbm>> -> memref<1x128xf32, #tpu.memory_space<hbm>>
      %dma_wait3A_40 = tpu.memref_squeeze %dma_wait3A_39 : memref<1x128xf32, #tpu.memory_space<hbm>> -> memref<128xf32, #tpu.memory_space<hbm>>
      %dma_wait3A_41 = arith.constant 0 : i32
      %dma_wait3A_42 = tpu.memref_slice %arg6[%dma_wait3A, %dma_wait3A_41] : memref<6400x128xf32, #tpu.memory_space<hbm>> -> memref<1x128xf32, #tpu.memory_space<hbm>>
      %dma_wait3A_43 = tpu.memref_squeeze %dma_wait3A_42 : memref<1x128xf32, #tpu.memory_space<hbm>> -> memref<128xf32, #tpu.memory_space<hbm>>
      tpu.wait_dma2 semaphore(%arg20 : memref<!tpu.dma_semaphore, #tpu.memory_space<semaphore_mem>>) src(%arg17 : memref<128xf32, #tpu.memory_space<vmem>>) dst(%dma_wait3A_43 : memref<128xf32, #tpu.memory_space<hbm>>)
    } else {
    }
    return
  }
}

#map = affine_map<(d0, d1) -> (0, 0)>
#map1 = affine_map<(d0, d1) -> (0, 0, 0)>
module attributes {stable_mosaic.version = 14 : i64} {
  func.func @_sc_messages_body(%arg0: i32, %arg1: i32, %arg2: memref<2x800000xi32, #tpu.memory_space<hbm>>, %arg3: memref<2x50000x32xf32, #tpu.memory_space<hbm>>, %arg4: memref<2x819200x32xf32, #tpu.memory_space<hbm>>, %arg5: memref<3128x32xf32, #tpu.memory_space<hbm>>, %arg6: memref<2x50000x32xf32, #tpu.memory_space<hbm>>, %arg7: memref<128xi32, #tpu.memory_space<vmem>>, %arg8: memref<128xi32, #tpu.memory_space<vmem>>, %arg9: memref<128xi32, #tpu.memory_space<vmem>>, %arg10: memref<128x32xf32, #tpu.memory_space<vmem>>, %arg11: memref<128x32xf32, #tpu.memory_space<vmem>>, %arg12: memref<!tpu.dma_semaphore, #tpu.memory_space<semaphore_mem>>, %arg13: memref<!tpu.dma_semaphore, #tpu.memory_space<semaphore_mem>>, %arg14: memref<!tpu.dma_semaphore, #tpu.memory_space<semaphore_mem>>, %arg15: memref<!tpu.dma_semaphore, #tpu.memory_space<semaphore_mem>>, %arg16: memref<128xi32, #tpu.memory_space<vmem>>, %arg17: memref<128xi32, #tpu.memory_space<vmem>>, %arg18: memref<128xi32, #tpu.memory_space<vmem>>, %arg19: memref<128x32xf32, #tpu.memory_space<vmem>>, %arg20: memref<128x32xf32, #tpu.memory_space<vmem>>, %arg21: memref<!tpu.dma_semaphore, #tpu.memory_space<semaphore_mem>>, %arg22: memref<!tpu.dma_semaphore, #tpu.memory_space<semaphore_mem>>, %arg23: memref<!tpu.dma_semaphore, #tpu.memory_space<semaphore_mem>>, %arg24: memref<!tpu.dma_semaphore, #tpu.memory_space<semaphore_mem>>, %arg25: memref<50000x32xf32, #tpu.memory_space<vmem_shared>>) attributes {dimension_semantics = [#tpu.dimension_semantics<core_parallel>, #tpu.dimension_semantics<subcore_parallel>], iteration_bounds = array<i64: 2, 16>, scalar_prefetch = 0 : i64, scratch_operands = 19 : i64, tpu.core_type = #tpu.core_type<sc_vector_subcore>, window_params = [{transform_indices = #map}, {transform_indices = #map1}, {transform_indices = #map1}, {transform_indices = #map}, {transform_indices = #map1}]} {
    %mul3A = arith.constant 3128 : i32
    %mul3A_0 = arith.muli %arg1, %mul3A : i32
    %multiple_of3A = tpu.assume_multiple %mul3A_0, 8 : i32
    %lt3A = arith.constant 15 : i32
    %lt3A_1 = arith.cmpi slt, %arg1, %lt3A : i32
    %convert_element_type3A = arith.extui %lt3A_1 : i1 to i32
    %cond3A = arith.constant 0 : i32
    %cond3A_2 = arith.cmpi ne, %convert_element_type3A, %cond3A : i32
    scf.if %cond3A_2 {
      "tpu.region"() ({
        %run_scoped3A = tpu.sem_alloc : memref<!tpu.dma_semaphore, #tpu.memory_space<semaphore_mem>>
        %dma_start3A_40 = arith.constant 0 : i32
        %dma_start3A_41 = tpu.memref_slice %arg25[%multiple_of3A, %dma_start3A_40] : memref<50000x32xf32, #tpu.memory_space<vmem_shared>> -> memref<3128x32xf32, #tpu.memory_space<vmem_shared>>
        tpu.enqueue_dma source(%arg5 : memref<3128x32xf32, #tpu.memory_space<hbm>>) target(%dma_start3A_41 : memref<3128x32xf32, #tpu.memory_space<vmem_shared>>) target_semaphore(%run_scoped3A : memref<!tpu.dma_semaphore, #tpu.memory_space<semaphore_mem>>)
        %dma_wait3A = arith.constant 0 : i32
        %dma_wait3A_42 = tpu.memref_slice %arg25[%multiple_of3A, %dma_wait3A] : memref<50000x32xf32, #tpu.memory_space<vmem_shared>> -> memref<3128x32xf32, #tpu.memory_space<vmem_shared>>
        tpu.wait_dma2 semaphore(%run_scoped3A : memref<!tpu.dma_semaphore, #tpu.memory_space<semaphore_mem>>) src(%arg5 : memref<3128x32xf32, #tpu.memory_space<hbm>>) dst(%dma_wait3A_42 : memref<3128x32xf32, #tpu.memory_space<vmem_shared>>)
        tpu.yield
      }) : () -> ()
    } else {
    }
    %eq3A = arith.constant 15 : i32
    %eq3A_3 = arith.cmpi eq, %arg1, %eq3A : i32
    %convert_element_type3A_4 = arith.extui %eq3A_3 : i1 to i32
    %cond3A_5 = arith.constant 0 : i32
    %cond3A_6 = arith.cmpi ne, %convert_element_type3A_4, %cond3A_5 : i32
    scf.if %cond3A_6 {
      "tpu.region"() ({
        %run_scoped3A = tpu.sem_alloc : memref<!tpu.dma_semaphore, #tpu.memory_space<semaphore_mem>>
        %dma_start3A_40 = arith.constant 0 : i32
        %dma_start3A_41 = tpu.memref_slice %arg25[%multiple_of3A, %dma_start3A_40] : memref<50000x32xf32, #tpu.memory_space<vmem_shared>> -> memref<3080x32xf32, #tpu.memory_space<vmem_shared>>
        %dma_start3A_42 = arith.constant 0 : i32
        %dma_start3A_43 = arith.constant 0 : i32
        %dma_start3A_44 = tpu.memref_slice %arg5[%dma_start3A_42, %dma_start3A_43] : memref<3128x32xf32, #tpu.memory_space<hbm>> -> memref<3080x32xf32, #tpu.memory_space<hbm>>
        tpu.enqueue_dma source(%dma_start3A_44 : memref<3080x32xf32, #tpu.memory_space<hbm>>) target(%dma_start3A_41 : memref<3080x32xf32, #tpu.memory_space<vmem_shared>>) target_semaphore(%run_scoped3A : memref<!tpu.dma_semaphore, #tpu.memory_space<semaphore_mem>>)
        %dma_wait3A = arith.constant 0 : i32
        %dma_wait3A_45 = tpu.memref_slice %arg25[%multiple_of3A, %dma_wait3A] : memref<50000x32xf32, #tpu.memory_space<vmem_shared>> -> memref<3080x32xf32, #tpu.memory_space<vmem_shared>>
        %dma_wait3A_46 = arith.constant 0 : i32
        %dma_wait3A_47 = arith.constant 0 : i32
        %dma_wait3A_48 = tpu.memref_slice %arg5[%dma_wait3A_46, %dma_wait3A_47] : memref<3128x32xf32, #tpu.memory_space<hbm>> -> memref<3080x32xf32, #tpu.memory_space<hbm>>
        tpu.wait_dma2 semaphore(%run_scoped3A : memref<!tpu.dma_semaphore, #tpu.memory_space<semaphore_mem>>) src(%dma_wait3A_48 : memref<3080x32xf32, #tpu.memory_space<hbm>>) dst(%dma_wait3A_45 : memref<3080x32xf32, #tpu.memory_space<vmem_shared>>)
        tpu.yield
      }) : () -> ()
    } else {
    }
    %barrier3A = arith.constant 0 : index
    tpu.barrier barrier_id(%barrier3A)
    %add3A = arith.constant 0 : i32
    %add3A_7 = arith.addi %arg1, %add3A : i32
    %add3A_8 = arith.constant 0 : i32
    %add3A_9 = arith.addi %arg1, %add3A_8 : i32
    %lt3A_10 = arith.constant 6250 : i32
    %lt3A_11 = arith.cmpi slt, %add3A_9, %lt3A_10 : i32
    %and3A = arith.constant true
    %and3A_12 = arith.andi %and3A, %lt3A_11 : i1
    %jit3A = arith.constant 0 : i32
    %select_n3A = arith.select %and3A_12, %add3A_7, %jit3A : i32
    %mul3A_13 = arith.constant 128 : i32
    %mul3A_14 = arith.muli %select_n3A, %mul3A_13 : i32
    %multiple_of3A_15 = tpu.assume_multiple %mul3A_14, 128 : i32
    %dma_start3A = arith.constant 0 : i32
    %dma_start3A_16 = tpu.memref_slice %arg2[%dma_start3A, %multiple_of3A_15] : memref<2x800000xi32, #tpu.memory_space<hbm>> -> memref<1x128xi32, #tpu.memory_space<hbm>>
    %dma_start3A_17 = tpu.memref_squeeze %dma_start3A_16 : memref<1x128xi32, #tpu.memory_space<hbm>> -> memref<128xi32, #tpu.memory_space<hbm>>
    %dma_start3A_18 = tpu.memref_slice %arg2[%dma_start3A, %multiple_of3A_15] : memref<2x800000xi32, #tpu.memory_space<hbm>> -> memref<1x128xi32, #tpu.memory_space<hbm>>
    %dma_start3A_19 = tpu.memref_squeeze %dma_start3A_18 : memref<1x128xi32, #tpu.memory_space<hbm>> -> memref<128xi32, #tpu.memory_space<hbm>>
    tpu.enqueue_dma source(%dma_start3A_19 : memref<128xi32, #tpu.memory_space<hbm>>) target(%arg7 : memref<128xi32, #tpu.memory_space<vmem>>) target_semaphore(%arg12 : memref<!tpu.dma_semaphore, #tpu.memory_space<semaphore_mem>>)
    %dma_start3A_20 = arith.constant 1 : i32
    %dma_start3A_21 = tpu.memref_slice %arg2[%dma_start3A_20, %multiple_of3A_15] : memref<2x800000xi32, #tpu.memory_space<hbm>> -> memref<1x128xi32, #tpu.memory_space<hbm>>
    %dma_start3A_22 = tpu.memref_squeeze %dma_start3A_21 : memref<1x128xi32, #tpu.memory_space<hbm>> -> memref<128xi32, #tpu.memory_space<hbm>>
    %dma_start3A_23 = tpu.memref_slice %arg2[%dma_start3A_20, %multiple_of3A_15] : memref<2x800000xi32, #tpu.memory_space<hbm>> -> memref<1x128xi32, #tpu.memory_space<hbm>>
    %dma_start3A_24 = tpu.memref_squeeze %dma_start3A_23 : memref<1x128xi32, #tpu.memory_space<hbm>> -> memref<128xi32, #tpu.memory_space<hbm>>
    tpu.enqueue_dma source(%dma_start3A_24 : memref<128xi32, #tpu.memory_space<hbm>>) target(%arg9 : memref<128xi32, #tpu.memory_space<vmem>>) target_semaphore(%arg12 : memref<!tpu.dma_semaphore, #tpu.memory_space<semaphore_mem>>)
    %scan3A = arith.constant 0 : i32
    %scan3A_25 = arith.constant 197 : i32
    %scan3A_26 = arith.addi %scan3A, %scan3A_25 : i32
    %scan3A_27 = arith.constant 1 : i32
    scf.for %scan3A_40 = %scan3A to %scan3A_26 step %scan3A_27  : i32 {
      %mul3A_41 = arith.constant 1 : i32
      %mul3A_42 = arith.muli %scan3A_40, %mul3A_41 : i32
      %add3A_43 = arith.constant 0 : i32
      %add3A_44 = arith.addi %add3A_43, %mul3A_42 : i32
      %mul3A_45 = arith.constant 2 : i32
      %mul3A_46 = arith.muli %mul3A_45, %add3A_44 : i32
      %ge3A = arith.constant 0 : i32
      %ge3A_47 = arith.cmpi sge, %mul3A_46, %ge3A : i32
      %mul3A_48 = arith.constant 16 : i32
      %mul3A_49 = arith.muli %mul3A_46, %mul3A_48 : i32
      %add3A_50 = arith.addi %arg1, %mul3A_49 : i32
      %lt3A_51 = arith.constant 6250 : i32
      %lt3A_52 = arith.cmpi slt, %add3A_50, %lt3A_51 : i32
      %and3A_53 = arith.andi %ge3A_47, %lt3A_52 : i1
      %convert_element_type3A_54 = arith.extui %and3A_53 : i1 to i32
      %cond3A_55 = arith.constant 0 : i32
      %cond3A_56 = arith.cmpi ne, %convert_element_type3A_54, %cond3A_55 : i32
      scf.if %cond3A_56 {
        %dma_wait3A = arith.constant 0 : i32
        %dma_wait3A_171 = arith.constant 0 : i32
        %dma_wait3A_172 = tpu.memref_slice %arg2[%dma_wait3A, %dma_wait3A_171] : memref<2x800000xi32, #tpu.memory_space<hbm>> -> memref<1x128xi32, #tpu.memory_space<hbm>>
        %dma_wait3A_173 = tpu.memref_squeeze %dma_wait3A_172 : memref<1x128xi32, #tpu.memory_space<hbm>> -> memref<128xi32, #tpu.memory_space<hbm>>
        %dma_wait3A_174 = arith.constant 0 : i32
        %dma_wait3A_175 = tpu.memref_slice %arg2[%dma_wait3A, %dma_wait3A_174] : memref<2x800000xi32, #tpu.memory_space<hbm>> -> memref<1x128xi32, #tpu.memory_space<hbm>>
        %dma_wait3A_176 = tpu.memref_squeeze %dma_wait3A_175 : memref<1x128xi32, #tpu.memory_space<hbm>> -> memref<128xi32, #tpu.memory_space<hbm>>
        tpu.wait_dma2 semaphore(%arg12 : memref<!tpu.dma_semaphore, #tpu.memory_space<semaphore_mem>>) src(%dma_wait3A_176 : memref<128xi32, #tpu.memory_space<hbm>>) dst(%arg7 : memref<128xi32, #tpu.memory_space<vmem>>)
        %dma_wait3A_177 = arith.constant 1 : i32
        %dma_wait3A_178 = arith.constant 0 : i32
        %dma_wait3A_179 = tpu.memref_slice %arg2[%dma_wait3A_177, %dma_wait3A_178] : memref<2x800000xi32, #tpu.memory_space<hbm>> -> memref<1x128xi32, #tpu.memory_space<hbm>>
        %dma_wait3A_180 = tpu.memref_squeeze %dma_wait3A_179 : memref<1x128xi32, #tpu.memory_space<hbm>> -> memref<128xi32, #tpu.memory_space<hbm>>
        %dma_wait3A_181 = arith.constant 0 : i32
        %dma_wait3A_182 = tpu.memref_slice %arg2[%dma_wait3A_177, %dma_wait3A_181] : memref<2x800000xi32, #tpu.memory_space<hbm>> -> memref<1x128xi32, #tpu.memory_space<hbm>>
        %dma_wait3A_183 = tpu.memref_squeeze %dma_wait3A_182 : memref<1x128xi32, #tpu.memory_space<hbm>> -> memref<128xi32, #tpu.memory_space<hbm>>
        tpu.wait_dma2 semaphore(%arg12 : memref<!tpu.dma_semaphore, #tpu.memory_space<semaphore_mem>>) src(%dma_wait3A_183 : memref<128xi32, #tpu.memory_space<hbm>>) dst(%arg9 : memref<128xi32, #tpu.memory_space<vmem>>)
      } else {
      }
      %sub3A = arith.constant 2 : i32
      %sub3A_57 = arith.subi %mul3A_46, %sub3A : i32
      %ge3A_58 = arith.constant 0 : i32
      %ge3A_59 = arith.cmpi sge, %sub3A_57, %ge3A_58 : i32
      %mul3A_60 = arith.constant 16 : i32
      %mul3A_61 = arith.muli %sub3A_57, %mul3A_60 : i32
      %add3A_62 = arith.addi %arg1, %mul3A_61 : i32
      %lt3A_63 = arith.constant 6250 : i32
      %lt3A_64 = arith.cmpi slt, %add3A_62, %lt3A_63 : i32
      %and3A_65 = arith.andi %ge3A_59, %lt3A_64 : i1
      %convert_element_type3A_66 = arith.extui %and3A_65 : i1 to i32
      %cond3A_67 = arith.constant 0 : i32
      %cond3A_68 = arith.cmpi ne, %convert_element_type3A_66, %cond3A_67 : i32
      scf.if %cond3A_68 {
        %dma_wait3A = arith.constant 0 : i32
        %dma_wait3A_171 = arith.constant 0 : i32
        %dma_wait3A_172 = tpu.memref_slice %arg25[%dma_wait3A, %dma_wait3A_171] : memref<50000x32xf32, #tpu.memory_space<vmem_shared>> -> memref<50000x32xf32, #tpu.memory_space<vmem_shared>>
        tpu.wait_indirect_dma semaphore(%arg15 : memref<!tpu.dma_semaphore, #tpu.memory_space<semaphore_mem>>) src(%arg10 : memref<128x32xf32, #tpu.memory_space<vmem>>) dst(%dma_wait3A_172 : memref<50000x32xf32, #tpu.memory_space<vmem_shared>>)
      } else {
      }
      %ge3A_69 = arith.constant 0 : i32
      %ge3A_70 = arith.cmpi sge, %mul3A_46, %ge3A_69 : i32
      %mul3A_71 = arith.constant 16 : i32
      %mul3A_72 = arith.muli %mul3A_46, %mul3A_71 : i32
      %add3A_73 = arith.addi %arg1, %mul3A_72 : i32
      %lt3A_74 = arith.constant 6250 : i32
      %lt3A_75 = arith.cmpi slt, %add3A_73, %lt3A_74 : i32
      %and3A_76 = arith.andi %ge3A_70, %lt3A_75 : i1
      %convert_element_type3A_77 = arith.extui %and3A_76 : i1 to i32
      %cond3A_78 = arith.constant 0 : i32
      %cond3A_79 = arith.cmpi ne, %convert_element_type3A_77, %cond3A_78 : i32
      scf.if %cond3A_79 {
        %dma_start3A_171 = arith.constant 0 : i32
        %dma_start3A_172 = arith.constant 0 : i32
        %dma_start3A_173 = tpu.memref_slice %arg3[%arg0, %dma_start3A_171, %dma_start3A_172] : memref<2x50000x32xf32, #tpu.memory_space<hbm>> -> memref<1x50000x32xf32, #tpu.memory_space<hbm>>
        %dma_start3A_174 = tpu.memref_squeeze %dma_start3A_173 : memref<1x50000x32xf32, #tpu.memory_space<hbm>> -> memref<50000x32xf32, #tpu.memory_space<hbm>>
        %dma_start3A_175 = arith.constant 0 : i32
        %dma_start3A_176 = arith.constant 0 : i32
        %dma_start3A_177 = tpu.memref_slice %dma_start3A_174[%dma_start3A_175, %dma_start3A_176] : memref<50000x32xf32, #tpu.memory_space<hbm>> -> memref<50000x32xf32, #tpu.memory_space<hbm>>
        tpu.enqueue_indirect_dma source(%dma_start3A_177 : memref<50000x32xf32, #tpu.memory_space<hbm>>) target(%arg10 : memref<128x32xf32, #tpu.memory_space<vmem>>) offsets(%arg9 : memref<128xi32, #tpu.memory_space<vmem>>) semaphore(%arg13 : memref<!tpu.dma_semaphore, #tpu.memory_space<semaphore_mem>>)
        %mul3A_178 = arith.constant 16 : i32
        %mul3A_179 = arith.muli %mul3A_46, %mul3A_178 : i32
        %add3A_180 = arith.addi %arg1, %mul3A_179 : i32
        %ge3A_181 = arith.constant 0 : i32
        %ge3A_182 = arith.cmpi sge, %mul3A_46, %ge3A_181 : i32
        %mul3A_183 = arith.constant 16 : i32
        %mul3A_184 = arith.muli %mul3A_46, %mul3A_183 : i32
        %add3A_185 = arith.addi %arg1, %mul3A_184 : i32
        %lt3A_186 = arith.constant 6250 : i32
        %lt3A_187 = arith.cmpi slt, %add3A_185, %lt3A_186 : i32
        %and3A_188 = arith.andi %ge3A_182, %lt3A_187 : i1
        %jit3A_189 = arith.constant 0 : i32
        %select_n3A_190 = arith.select %and3A_188, %add3A_180, %jit3A_189 : i32
        %mul3A_191 = arith.constant 128 : i32
        %mul3A_192 = arith.muli %select_n3A_190, %mul3A_191 : i32
        %multiple_of3A_193 = tpu.assume_multiple %mul3A_192, 128 : i32
        %dma_start3A_194 = arith.constant 0 : i32
        %dma_start3A_195 = arith.constant 0 : i32
        %dma_start3A_196 = tpu.memref_slice %arg4[%arg0, %dma_start3A_194, %dma_start3A_195] : memref<2x819200x32xf32, #tpu.memory_space<hbm>> -> memref<1x819200x32xf32, #tpu.memory_space<hbm>>
        %dma_start3A_197 = tpu.memref_squeeze %dma_start3A_196 : memref<1x819200x32xf32, #tpu.memory_space<hbm>> -> memref<819200x32xf32, #tpu.memory_space<hbm>>
        %dma_start3A_198 = arith.constant 0 : i32
        %dma_start3A_199 = tpu.memref_slice %dma_start3A_197[%multiple_of3A_193, %dma_start3A_198] : memref<819200x32xf32, #tpu.memory_space<hbm>> -> memref<128x32xf32, #tpu.memory_space<hbm>>
        %dma_start3A_200 = arith.constant 0 : i32
        %dma_start3A_201 = arith.constant 0 : i32
        %dma_start3A_202 = tpu.memref_slice %arg4[%arg0, %dma_start3A_200, %dma_start3A_201] : memref<2x819200x32xf32, #tpu.memory_space<hbm>> -> memref<1x819200x32xf32, #tpu.memory_space<hbm>>
        %dma_start3A_203 = tpu.memref_squeeze %dma_start3A_202 : memref<1x819200x32xf32, #tpu.memory_space<hbm>> -> memref<819200x32xf32, #tpu.memory_space<hbm>>
        %dma_start3A_204 = arith.constant 0 : i32
        %dma_start3A_205 = tpu.memref_slice %dma_start3A_203[%multiple_of3A_193, %dma_start3A_204] : memref<819200x32xf32, #tpu.memory_space<hbm>> -> memref<128x32xf32, #tpu.memory_space<hbm>>
        tpu.enqueue_dma source(%dma_start3A_205 : memref<128x32xf32, #tpu.memory_space<hbm>>) target(%arg11 : memref<128x32xf32, #tpu.memory_space<vmem>>) target_semaphore(%arg14 : memref<!tpu.dma_semaphore, #tpu.memory_space<semaphore_mem>>)
      } else {
      }
      %sub3A_80 = arith.constant 1 : i32
      %sub3A_81 = arith.subi %mul3A_46, %sub3A_80 : i32
      %ge3A_82 = arith.constant 0 : i32
      %ge3A_83 = arith.cmpi sge, %sub3A_81, %ge3A_82 : i32
      %mul3A_84 = arith.constant 16 : i32
      %mul3A_85 = arith.muli %sub3A_81, %mul3A_84 : i32
      %add3A_86 = arith.addi %arg1, %mul3A_85 : i32
      %lt3A_87 = arith.constant 6250 : i32
      %lt3A_88 = arith.cmpi slt, %add3A_86, %lt3A_87 : i32
      %and3A_89 = arith.andi %ge3A_83, %lt3A_88 : i1
      %convert_element_type3A_90 = arith.extui %and3A_89 : i1 to i32
      %cond3A_91 = arith.constant 0 : i32
      %cond3A_92 = arith.cmpi ne, %convert_element_type3A_90, %cond3A_91 : i32
      scf.if %cond3A_92 {
        %dma_wait3A = arith.constant 0 : i32
        %dma_wait3A_171 = arith.constant 0 : i32
        %dma_wait3A_172 = tpu.memref_slice %arg3[%arg0, %dma_wait3A, %dma_wait3A_171] : memref<2x50000x32xf32, #tpu.memory_space<hbm>> -> memref<1x50000x32xf32, #tpu.memory_space<hbm>>
        %dma_wait3A_173 = tpu.memref_squeeze %dma_wait3A_172 : memref<1x50000x32xf32, #tpu.memory_space<hbm>> -> memref<50000x32xf32, #tpu.memory_space<hbm>>
        %dma_wait3A_174 = arith.constant 0 : i32
        %dma_wait3A_175 = arith.constant 0 : i32
        %dma_wait3A_176 = tpu.memref_slice %dma_wait3A_173[%dma_wait3A_174, %dma_wait3A_175] : memref<50000x32xf32, #tpu.memory_space<hbm>> -> memref<50000x32xf32, #tpu.memory_space<hbm>>
        tpu.wait_indirect_dma semaphore(%arg22 : memref<!tpu.dma_semaphore, #tpu.memory_space<semaphore_mem>>) src(%dma_wait3A_176 : memref<50000x32xf32, #tpu.memory_space<hbm>>) dst(%arg19 : memref<128x32xf32, #tpu.memory_space<vmem>>)
        %dma_wait3A_177 = arith.constant 0 : i32
        %dma_wait3A_178 = arith.constant 0 : i32
        %dma_wait3A_179 = tpu.memref_slice %arg4[%arg0, %dma_wait3A_177, %dma_wait3A_178] : memref<2x819200x32xf32, #tpu.memory_space<hbm>> -> memref<1x819200x32xf32, #tpu.memory_space<hbm>>
        %dma_wait3A_180 = tpu.memref_squeeze %dma_wait3A_179 : memref<1x819200x32xf32, #tpu.memory_space<hbm>> -> memref<819200x32xf32, #tpu.memory_space<hbm>>
        %dma_wait3A_181 = arith.constant 0 : i32
        %dma_wait3A_182 = arith.constant 0 : i32
        %dma_wait3A_183 = tpu.memref_slice %dma_wait3A_180[%dma_wait3A_181, %dma_wait3A_182] : memref<819200x32xf32, #tpu.memory_space<hbm>> -> memref<128x32xf32, #tpu.memory_space<hbm>>
        %dma_wait3A_184 = arith.constant 0 : i32
        %dma_wait3A_185 = arith.constant 0 : i32
        %dma_wait3A_186 = tpu.memref_slice %arg4[%arg0, %dma_wait3A_184, %dma_wait3A_185] : memref<2x819200x32xf32, #tpu.memory_space<hbm>> -> memref<1x819200x32xf32, #tpu.memory_space<hbm>>
        %dma_wait3A_187 = tpu.memref_squeeze %dma_wait3A_186 : memref<1x819200x32xf32, #tpu.memory_space<hbm>> -> memref<819200x32xf32, #tpu.memory_space<hbm>>
        %dma_wait3A_188 = arith.constant 0 : i32
        %dma_wait3A_189 = arith.constant 0 : i32
        %dma_wait3A_190 = tpu.memref_slice %dma_wait3A_187[%dma_wait3A_188, %dma_wait3A_189] : memref<819200x32xf32, #tpu.memory_space<hbm>> -> memref<128x32xf32, #tpu.memory_space<hbm>>
        tpu.wait_dma2 semaphore(%arg23 : memref<!tpu.dma_semaphore, #tpu.memory_space<semaphore_mem>>) src(%dma_wait3A_190 : memref<128x32xf32, #tpu.memory_space<hbm>>) dst(%arg20 : memref<128x32xf32, #tpu.memory_space<vmem>>)
        %scan3A_191 = arith.constant 0 : i32
        %scan3A_192 = arith.constant 128 : i32
        %scan3A_193 = arith.addi %scan3A_191, %scan3A_192 : i32
        %scan3A_194 = arith.constant 8 : i32
        scf.for %scan3A_253 = %scan3A_191 to %scan3A_193 step %scan3A_194  : i32 {
          %mul3A_254 = arith.constant 1 : i32
          %mul3A_255 = arith.muli %scan3A_253, %mul3A_254 : i32
          %add3A_256 = arith.constant 0 : i32
          %add3A_257 = arith.addi %add3A_256, %mul3A_255 : i32
          %get3A_258 = arith.index_cast %add3A_257 : i32 to index
          %get3A_259 = arith.constant 0 : index
          %get3A_260 = tpu.vector_load %arg19[%get3A_258, %get3A_259] {strides = array<i32>} : memref<128x32xf32, #tpu.memory_space<vmem>>, vector<1x16xf32>,
          %get3A_261 = vector.shape_cast %get3A_260 : vector<1x16xf32> to vector<16xf32>
          %get3A_262 = arith.index_cast %add3A_257 : i32 to index
          %get3A_263 = arith.constant 0 : index
          %get3A_264 = tpu.vector_load %arg20[%get3A_262, %get3A_263] {strides = array<i32>} : memref<128x32xf32, #tpu.memory_space<vmem>>, vector<1x16xf32>,
          %get3A_265 = vector.shape_cast %get3A_264 : vector<1x16xf32> to vector<16xf32>
          %mul3A_266 = arith.mulf %get3A_261, %get3A_265 : vector<16xf32>
          %swap3A_267 = arith.index_cast %add3A_257 : i32 to index
          %swap3A_268 = arith.constant 0 : index
          %swap3A_269 = tpu.vector_load %arg19[%swap3A_267, %swap3A_268] {strides = array<i32>} : memref<128x32xf32, #tpu.memory_space<vmem>>, vector<1x16xf32>,
          %swap3A_270 = vector.shape_cast %swap3A_269 : vector<1x16xf32> to vector<16xf32>
          %swap3A_271 = vector.shape_cast %mul3A_266 : vector<16xf32> to vector<1x16xf32>
          tpu.vector_store %arg19[%swap3A_267, %swap3A_268], %swap3A_271 {strides = array<i32>} : memref<128x32xf32, #tpu.memory_space<vmem>>, vector<1x16xf32>,
          %get3A_272 = arith.index_cast %add3A_257 : i32 to index
          %get3A_273 = arith.constant 16 : index
          %get3A_274 = tpu.vector_load %arg19[%get3A_272, %get3A_273] {strides = array<i32>} : memref<128x32xf32, #tpu.memory_space<vmem>>, vector<1x16xf32>,
          %get3A_275 = vector.shape_cast %get3A_274 : vector<1x16xf32> to vector<16xf32>
          %get3A_276 = arith.index_cast %add3A_257 : i32 to index
          %get3A_277 = arith.constant 16 : index
          %get3A_278 = tpu.vector_load %arg20[%get3A_276, %get3A_277] {strides = array<i32>} : memref<128x32xf32, #tpu.memory_space<vmem>>, vector<1x16xf32>,
          %get3A_279 = vector.shape_cast %get3A_278 : vector<1x16xf32> to vector<16xf32>
          %mul3A_280 = arith.mulf %get3A_275, %get3A_279 : vector<16xf32>
          %swap3A_281 = arith.index_cast %add3A_257 : i32 to index
          %swap3A_282 = arith.constant 16 : index
          %swap3A_283 = tpu.vector_load %arg19[%swap3A_281, %swap3A_282] {strides = array<i32>} : memref<128x32xf32, #tpu.memory_space<vmem>>, vector<1x16xf32>,
          %swap3A_284 = vector.shape_cast %swap3A_283 : vector<1x16xf32> to vector<16xf32>
          %swap3A_285 = vector.shape_cast %mul3A_280 : vector<16xf32> to vector<1x16xf32>
          tpu.vector_store %arg19[%swap3A_281, %swap3A_282], %swap3A_285 {strides = array<i32>} : memref<128x32xf32, #tpu.memory_space<vmem>>, vector<1x16xf32>,
          %scan3A_286 = arith.constant 1 : i32
          %scan3A_287 = arith.addi %scan3A_253, %scan3A_286 : i32
          %mul3A_288 = arith.constant 1 : i32
          %mul3A_289 = arith.muli %scan3A_287, %mul3A_288 : i32
          %add3A_290 = arith.constant 0 : i32
          %add3A_291 = arith.addi %add3A_290, %mul3A_289 : i32
          %get3A_292 = arith.index_cast %add3A_291 : i32 to index
          %get3A_293 = arith.constant 0 : index
          %get3A_294 = tpu.vector_load %arg19[%get3A_292, %get3A_293] {strides = array<i32>} : memref<128x32xf32, #tpu.memory_space<vmem>>, vector<1x16xf32>,
          %get3A_295 = vector.shape_cast %get3A_294 : vector<1x16xf32> to vector<16xf32>
          %get3A_296 = arith.index_cast %add3A_291 : i32 to index
          %get3A_297 = arith.constant 0 : index
          %get3A_298 = tpu.vector_load %arg20[%get3A_296, %get3A_297] {strides = array<i32>} : memref<128x32xf32, #tpu.memory_space<vmem>>, vector<1x16xf32>,
          %get3A_299 = vector.shape_cast %get3A_298 : vector<1x16xf32> to vector<16xf32>
          %mul3A_300 = arith.mulf %get3A_295, %get3A_299 : vector<16xf32>
          %swap3A_301 = arith.index_cast %add3A_291 : i32 to index
          %swap3A_302 = arith.constant 0 : index
          %swap3A_303 = tpu.vector_load %arg19[%swap3A_301, %swap3A_302] {strides = array<i32>} : memref<128x32xf32, #tpu.memory_space<vmem>>, vector<1x16xf32>,
          %swap3A_304 = vector.shape_cast %swap3A_303 : vector<1x16xf32> to vector<16xf32>
          %swap3A_305 = vector.shape_cast %mul3A_300 : vector<16xf32> to vector<1x16xf32>
          tpu.vector_store %arg19[%swap3A_301, %swap3A_302], %swap3A_305 {strides = array<i32>} : memref<128x32xf32, #tpu.memory_space<vmem>>, vector<1x16xf32>,
          %get3A_306 = arith.index_cast %add3A_291 : i32 to index
          %get3A_307 = arith.constant 16 : index
          %get3A_308 = tpu.vector_load %arg19[%get3A_306, %get3A_307] {strides = array<i32>} : memref<128x32xf32, #tpu.memory_space<vmem>>, vector<1x16xf32>,
          %get3A_309 = vector.shape_cast %get3A_308 : vector<1x16xf32> to vector<16xf32>
          %get3A_310 = arith.index_cast %add3A_291 : i32 to index
          %get3A_311 = arith.constant 16 : index
          %get3A_312 = tpu.vector_load %arg20[%get3A_310, %get3A_311] {strides = array<i32>} : memref<128x32xf32, #tpu.memory_space<vmem>>, vector<1x16xf32>,
          %get3A_313 = vector.shape_cast %get3A_312 : vector<1x16xf32> to vector<16xf32>
          %mul3A_314 = arith.mulf %get3A_309, %get3A_313 : vector<16xf32>
          %swap3A_315 = arith.index_cast %add3A_291 : i32 to index
          %swap3A_316 = arith.constant 16 : index
          %swap3A_317 = tpu.vector_load %arg19[%swap3A_315, %swap3A_316] {strides = array<i32>} : memref<128x32xf32, #tpu.memory_space<vmem>>, vector<1x16xf32>,
          %swap3A_318 = vector.shape_cast %swap3A_317 : vector<1x16xf32> to vector<16xf32>
          %swap3A_319 = vector.shape_cast %mul3A_314 : vector<16xf32> to vector<1x16xf32>
          tpu.vector_store %arg19[%swap3A_315, %swap3A_316], %swap3A_319 {strides = array<i32>} : memref<128x32xf32, #tpu.memory_space<vmem>>, vector<1x16xf32>,
          %scan3A_320 = arith.constant 2 : i32
          %scan3A_321 = arith.addi %scan3A_253, %scan3A_320 : i32
          %mul3A_322 = arith.constant 1 : i32
          %mul3A_323 = arith.muli %scan3A_321, %mul3A_322 : i32
          %add3A_324 = arith.constant 0 : i32
          %add3A_325 = arith.addi %add3A_324, %mul3A_323 : i32
          %get3A_326 = arith.index_cast %add3A_325 : i32 to index
          %get3A_327 = arith.constant 0 : index
          %get3A_328 = tpu.vector_load %arg19[%get3A_326, %get3A_327] {strides = array<i32>} : memref<128x32xf32, #tpu.memory_space<vmem>>, vector<1x16xf32>,
          %get3A_329 = vector.shape_cast %get3A_328 : vector<1x16xf32> to vector<16xf32>
          %get3A_330 = arith.index_cast %add3A_325 : i32 to index
          %get3A_331 = arith.constant 0 : index
          %get3A_332 = tpu.vector_load %arg20[%get3A_330, %get3A_331] {strides = array<i32>} : memref<128x32xf32, #tpu.memory_space<vmem>>, vector<1x16xf32>,
          %get3A_333 = vector.shape_cast %get3A_332 : vector<1x16xf32> to vector<16xf32>
          %mul3A_334 = arith.mulf %get3A_329, %get3A_333 : vector<16xf32>
          %swap3A_335 = arith.index_cast %add3A_325 : i32 to index
          %swap3A_336 = arith.constant 0 : index
          %swap3A_337 = tpu.vector_load %arg19[%swap3A_335, %swap3A_336] {strides = array<i32>} : memref<128x32xf32, #tpu.memory_space<vmem>>, vector<1x16xf32>,
          %swap3A_338 = vector.shape_cast %swap3A_337 : vector<1x16xf32> to vector<16xf32>
          %swap3A_339 = vector.shape_cast %mul3A_334 : vector<16xf32> to vector<1x16xf32>
          tpu.vector_store %arg19[%swap3A_335, %swap3A_336], %swap3A_339 {strides = array<i32>} : memref<128x32xf32, #tpu.memory_space<vmem>>, vector<1x16xf32>,
          %get3A_340 = arith.index_cast %add3A_325 : i32 to index
          %get3A_341 = arith.constant 16 : index
          %get3A_342 = tpu.vector_load %arg19[%get3A_340, %get3A_341] {strides = array<i32>} : memref<128x32xf32, #tpu.memory_space<vmem>>, vector<1x16xf32>,
          %get3A_343 = vector.shape_cast %get3A_342 : vector<1x16xf32> to vector<16xf32>
          %get3A_344 = arith.index_cast %add3A_325 : i32 to index
          %get3A_345 = arith.constant 16 : index
          %get3A_346 = tpu.vector_load %arg20[%get3A_344, %get3A_345] {strides = array<i32>} : memref<128x32xf32, #tpu.memory_space<vmem>>, vector<1x16xf32>,
          %get3A_347 = vector.shape_cast %get3A_346 : vector<1x16xf32> to vector<16xf32>
          %mul3A_348 = arith.mulf %get3A_343, %get3A_347 : vector<16xf32>
          %swap3A_349 = arith.index_cast %add3A_325 : i32 to index
          %swap3A_350 = arith.constant 16 : index
          %swap3A_351 = tpu.vector_load %arg19[%swap3A_349, %swap3A_350] {strides = array<i32>} : memref<128x32xf32, #tpu.memory_space<vmem>>, vector<1x16xf32>,
          %swap3A_352 = vector.shape_cast %swap3A_351 : vector<1x16xf32> to vector<16xf32>
          %swap3A_353 = vector.shape_cast %mul3A_348 : vector<16xf32> to vector<1x16xf32>
          tpu.vector_store %arg19[%swap3A_349, %swap3A_350], %swap3A_353 {strides = array<i32>} : memref<128x32xf32, #tpu.memory_space<vmem>>, vector<1x16xf32>,
          %scan3A_354 = arith.constant 3 : i32
          %scan3A_355 = arith.addi %scan3A_253, %scan3A_354 : i32
          %mul3A_356 = arith.constant 1 : i32
          %mul3A_357 = arith.muli %scan3A_355, %mul3A_356 : i32
          %add3A_358 = arith.constant 0 : i32
          %add3A_359 = arith.addi %add3A_358, %mul3A_357 : i32
          %get3A_360 = arith.index_cast %add3A_359 : i32 to index
          %get3A_361 = arith.constant 0 : index
          %get3A_362 = tpu.vector_load %arg19[%get3A_360, %get3A_361] {strides = array<i32>} : memref<128x32xf32, #tpu.memory_space<vmem>>, vector<1x16xf32>,
          %get3A_363 = vector.shape_cast %get3A_362 : vector<1x16xf32> to vector<16xf32>
          %get3A_364 = arith.index_cast %add3A_359 : i32 to index
          %get3A_365 = arith.constant 0 : index
          %get3A_366 = tpu.vector_load %arg20[%get3A_364, %get3A_365] {strides = array<i32>} : memref<128x32xf32, #tpu.memory_space<vmem>>, vector<1x16xf32>,
          %get3A_367 = vector.shape_cast %get3A_366 : vector<1x16xf32> to vector<16xf32>
          %mul3A_368 = arith.mulf %get3A_363, %get3A_367 : vector<16xf32>
          %swap3A_369 = arith.index_cast %add3A_359 : i32 to index
          %swap3A_370 = arith.constant 0 : index
          %swap3A_371 = tpu.vector_load %arg19[%swap3A_369, %swap3A_370] {strides = array<i32>} : memref<128x32xf32, #tpu.memory_space<vmem>>, vector<1x16xf32>,
          %swap3A_372 = vector.shape_cast %swap3A_371 : vector<1x16xf32> to vector<16xf32>
          %swap3A_373 = vector.shape_cast %mul3A_368 : vector<16xf32> to vector<1x16xf32>
          tpu.vector_store %arg19[%swap3A_369, %swap3A_370], %swap3A_373 {strides = array<i32>} : memref<128x32xf32, #tpu.memory_space<vmem>>, vector<1x16xf32>,
          %get3A_374 = arith.index_cast %add3A_359 : i32 to index
          %get3A_375 = arith.constant 16 : index
          %get3A_376 = tpu.vector_load %arg19[%get3A_374, %get3A_375] {strides = array<i32>} : memref<128x32xf32, #tpu.memory_space<vmem>>, vector<1x16xf32>,
          %get3A_377 = vector.shape_cast %get3A_376 : vector<1x16xf32> to vector<16xf32>
          %get3A_378 = arith.index_cast %add3A_359 : i32 to index
          %get3A_379 = arith.constant 16 : index
          %get3A_380 = tpu.vector_load %arg20[%get3A_378, %get3A_379] {strides = array<i32>} : memref<128x32xf32, #tpu.memory_space<vmem>>, vector<1x16xf32>,
          %get3A_381 = vector.shape_cast %get3A_380 : vector<1x16xf32> to vector<16xf32>
          %mul3A_382 = arith.mulf %get3A_377, %get3A_381 : vector<16xf32>
          %swap3A_383 = arith.index_cast %add3A_359 : i32 to index
          %swap3A_384 = arith.constant 16 : index
          %swap3A_385 = tpu.vector_load %arg19[%swap3A_383, %swap3A_384] {strides = array<i32>} : memref<128x32xf32, #tpu.memory_space<vmem>>, vector<1x16xf32>,
          %swap3A_386 = vector.shape_cast %swap3A_385 : vector<1x16xf32> to vector<16xf32>
          %swap3A_387 = vector.shape_cast %mul3A_382 : vector<16xf32> to vector<1x16xf32>
          tpu.vector_store %arg19[%swap3A_383, %swap3A_384], %swap3A_387 {strides = array<i32>} : memref<128x32xf32, #tpu.memory_space<vmem>>, vector<1x16xf32>,
          %scan3A_388 = arith.constant 4 : i32
          %scan3A_389 = arith.addi %scan3A_253, %scan3A_388 : i32
          %mul3A_390 = arith.constant 1 : i32
          %mul3A_391 = arith.muli %scan3A_389, %mul3A_390 : i32
          %add3A_392 = arith.constant 0 : i32
          %add3A_393 = arith.addi %add3A_392, %mul3A_391 : i32
          %get3A_394 = arith.index_cast %add3A_393 : i32 to index
          %get3A_395 = arith.constant 0 : index
          %get3A_396 = tpu.vector_load %arg19[%get3A_394, %get3A_395] {strides = array<i32>} : memref<128x32xf32, #tpu.memory_space<vmem>>, vector<1x16xf32>,
          %get3A_397 = vector.shape_cast %get3A_396 : vector<1x16xf32> to vector<16xf32>
          %get3A_398 = arith.index_cast %add3A_393 : i32 to index
          %get3A_399 = arith.constant 0 : index
          %get3A_400 = tpu.vector_load %arg20[%get3A_398, %get3A_399] {strides = array<i32>} : memref<128x32xf32, #tpu.memory_space<vmem>>, vector<1x16xf32>,
          %get3A_401 = vector.shape_cast %get3A_400 : vector<1x16xf32> to vector<16xf32>
          %mul3A_402 = arith.mulf %get3A_397, %get3A_401 : vector<16xf32>
          %swap3A_403 = arith.index_cast %add3A_393 : i32 to index
          %swap3A_404 = arith.constant 0 : index
          %swap3A_405 = tpu.vector_load %arg19[%swap3A_403, %swap3A_404] {strides = array<i32>} : memref<128x32xf32, #tpu.memory_space<vmem>>, vector<1x16xf32>,
          %swap3A_406 = vector.shape_cast %swap3A_405 : vector<1x16xf32> to vector<16xf32>
          %swap3A_407 = vector.shape_cast %mul3A_402 : vector<16xf32> to vector<1x16xf32>
          tpu.vector_store %arg19[%swap3A_403, %swap3A_404], %swap3A_407 {strides = array<i32>} : memref<128x32xf32, #tpu.memory_space<vmem>>, vector<1x16xf32>,
          %get3A_408 = arith.index_cast %add3A_393 : i32 to index
          %get3A_409 = arith.constant 16 : index
          %get3A_410 = tpu.vector_load %arg19[%get3A_408, %get3A_409] {strides = array<i32>} : memref<128x32xf32, #tpu.memory_space<vmem>>, vector<1x16xf32>,
          %get3A_411 = vector.shape_cast %get3A_410 : vector<1x16xf32> to vector<16xf32>
          %get3A_412 = arith.index_cast %add3A_393 : i32 to index
          %get3A_413 = arith.constant 16 : index
          %get3A_414 = tpu.vector_load %arg20[%get3A_412, %get3A_413] {strides = array<i32>} : memref<128x32xf32, #tpu.memory_space<vmem>>, vector<1x16xf32>,
          %get3A_415 = vector.shape_cast %get3A_414 : vector<1x16xf32> to vector<16xf32>
          %mul3A_416 = arith.mulf %get3A_411, %get3A_415 : vector<16xf32>
          %swap3A_417 = arith.index_cast %add3A_393 : i32 to index
          %swap3A_418 = arith.constant 16 : index
          %swap3A_419 = tpu.vector_load %arg19[%swap3A_417, %swap3A_418] {strides = array<i32>} : memref<128x32xf32, #tpu.memory_space<vmem>>, vector<1x16xf32>,
          %swap3A_420 = vector.shape_cast %swap3A_419 : vector<1x16xf32> to vector<16xf32>
          %swap3A_421 = vector.shape_cast %mul3A_416 : vector<16xf32> to vector<1x16xf32>
          tpu.vector_store %arg19[%swap3A_417, %swap3A_418], %swap3A_421 {strides = array<i32>} : memref<128x32xf32, #tpu.memory_space<vmem>>, vector<1x16xf32>,
          %scan3A_422 = arith.constant 5 : i32
          %scan3A_423 = arith.addi %scan3A_253, %scan3A_422 : i32
          %mul3A_424 = arith.constant 1 : i32
          %mul3A_425 = arith.muli %scan3A_423, %mul3A_424 : i32
          %add3A_426 = arith.constant 0 : i32
          %add3A_427 = arith.addi %add3A_426, %mul3A_425 : i32
          %get3A_428 = arith.index_cast %add3A_427 : i32 to index
          %get3A_429 = arith.constant 0 : index
          %get3A_430 = tpu.vector_load %arg19[%get3A_428, %get3A_429] {strides = array<i32>} : memref<128x32xf32, #tpu.memory_space<vmem>>, vector<1x16xf32>,
          %get3A_431 = vector.shape_cast %get3A_430 : vector<1x16xf32> to vector<16xf32>
          %get3A_432 = arith.index_cast %add3A_427 : i32 to index
          %get3A_433 = arith.constant 0 : index
          %get3A_434 = tpu.vector_load %arg20[%get3A_432, %get3A_433] {strides = array<i32>} : memref<128x32xf32, #tpu.memory_space<vmem>>, vector<1x16xf32>,
          %get3A_435 = vector.shape_cast %get3A_434 : vector<1x16xf32> to vector<16xf32>
          %mul3A_436 = arith.mulf %get3A_431, %get3A_435 : vector<16xf32>
          %swap3A_437 = arith.index_cast %add3A_427 : i32 to index
          %swap3A_438 = arith.constant 0 : index
          %swap3A_439 = tpu.vector_load %arg19[%swap3A_437, %swap3A_438] {strides = array<i32>} : memref<128x32xf32, #tpu.memory_space<vmem>>, vector<1x16xf32>,
          %swap3A_440 = vector.shape_cast %swap3A_439 : vector<1x16xf32> to vector<16xf32>
          %swap3A_441 = vector.shape_cast %mul3A_436 : vector<16xf32> to vector<1x16xf32>
          tpu.vector_store %arg19[%swap3A_437, %swap3A_438], %swap3A_441 {strides = array<i32>} : memref<128x32xf32, #tpu.memory_space<vmem>>, vector<1x16xf32>,
          %get3A_442 = arith.index_cast %add3A_427 : i32 to index
          %get3A_443 = arith.constant 16 : index
          %get3A_444 = tpu.vector_load %arg19[%get3A_442, %get3A_443] {strides = array<i32>} : memref<128x32xf32, #tpu.memory_space<vmem>>, vector<1x16xf32>,
          %get3A_445 = vector.shape_cast %get3A_444 : vector<1x16xf32> to vector<16xf32>
          %get3A_446 = arith.index_cast %add3A_427 : i32 to index
          %get3A_447 = arith.constant 16 : index
          %get3A_448 = tpu.vector_load %arg20[%get3A_446, %get3A_447] {strides = array<i32>} : memref<128x32xf32, #tpu.memory_space<vmem>>, vector<1x16xf32>,
          %get3A_449 = vector.shape_cast %get3A_448 : vector<1x16xf32> to vector<16xf32>
          %mul3A_450 = arith.mulf %get3A_445, %get3A_449 : vector<16xf32>
          %swap3A_451 = arith.index_cast %add3A_427 : i32 to index
          %swap3A_452 = arith.constant 16 : index
          %swap3A_453 = tpu.vector_load %arg19[%swap3A_451, %swap3A_452] {strides = array<i32>} : memref<128x32xf32, #tpu.memory_space<vmem>>, vector<1x16xf32>,
          %swap3A_454 = vector.shape_cast %swap3A_453 : vector<1x16xf32> to vector<16xf32>
          %swap3A_455 = vector.shape_cast %mul3A_450 : vector<16xf32> to vector<1x16xf32>
          tpu.vector_store %arg19[%swap3A_451, %swap3A_452], %swap3A_455 {strides = array<i32>} : memref<128x32xf32, #tpu.memory_space<vmem>>, vector<1x16xf32>,
          %scan3A_456 = arith.constant 6 : i32
          %scan3A_457 = arith.addi %scan3A_253, %scan3A_456 : i32
          %mul3A_458 = arith.constant 1 : i32
          %mul3A_459 = arith.muli %scan3A_457, %mul3A_458 : i32
          %add3A_460 = arith.constant 0 : i32
          %add3A_461 = arith.addi %add3A_460, %mul3A_459 : i32
          %get3A_462 = arith.index_cast %add3A_461 : i32 to index
          %get3A_463 = arith.constant 0 : index
          %get3A_464 = tpu.vector_load %arg19[%get3A_462, %get3A_463] {strides = array<i32>} : memref<128x32xf32, #tpu.memory_space<vmem>>, vector<1x16xf32>,
          %get3A_465 = vector.shape_cast %get3A_464 : vector<1x16xf32> to vector<16xf32>
          %get3A_466 = arith.index_cast %add3A_461 : i32 to index
          %get3A_467 = arith.constant 0 : index
          %get3A_468 = tpu.vector_load %arg20[%get3A_466, %get3A_467] {strides = array<i32>} : memref<128x32xf32, #tpu.memory_space<vmem>>, vector<1x16xf32>,
          %get3A_469 = vector.shape_cast %get3A_468 : vector<1x16xf32> to vector<16xf32>
          %mul3A_470 = arith.mulf %get3A_465, %get3A_469 : vector<16xf32>
          %swap3A_471 = arith.index_cast %add3A_461 : i32 to index
          %swap3A_472 = arith.constant 0 : index
          %swap3A_473 = tpu.vector_load %arg19[%swap3A_471, %swap3A_472] {strides = array<i32>} : memref<128x32xf32, #tpu.memory_space<vmem>>, vector<1x16xf32>,
          %swap3A_474 = vector.shape_cast %swap3A_473 : vector<1x16xf32> to vector<16xf32>
          %swap3A_475 = vector.shape_cast %mul3A_470 : vector<16xf32> to vector<1x16xf32>
          tpu.vector_store %arg19[%swap3A_471, %swap3A_472], %swap3A_475 {strides = array<i32>} : memref<128x32xf32, #tpu.memory_space<vmem>>, vector<1x16xf32>,
          %get3A_476 = arith.index_cast %add3A_461 : i32 to index
          %get3A_477 = arith.constant 16 : index
          %get3A_478 = tpu.vector_load %arg19[%get3A_476, %get3A_477] {strides = array<i32>} : memref<128x32xf32, #tpu.memory_space<vmem>>, vector<1x16xf32>,
          %get3A_479 = vector.shape_cast %get3A_478 : vector<1x16xf32> to vector<16xf32>
          %get3A_480 = arith.index_cast %add3A_461 : i32 to index
          %get3A_481 = arith.constant 16 : index
          %get3A_482 = tpu.vector_load %arg20[%get3A_480, %get3A_481] {strides = array<i32>} : memref<128x32xf32, #tpu.memory_space<vmem>>, vector<1x16xf32>,
          %get3A_483 = vector.shape_cast %get3A_482 : vector<1x16xf32> to vector<16xf32>
          %mul3A_484 = arith.mulf %get3A_479, %get3A_483 : vector<16xf32>
          %swap3A_485 = arith.index_cast %add3A_461 : i32 to index
          %swap3A_486 = arith.constant 16 : index
          %swap3A_487 = tpu.vector_load %arg19[%swap3A_485, %swap3A_486] {strides = array<i32>} : memref<128x32xf32, #tpu.memory_space<vmem>>, vector<1x16xf32>,
          %swap3A_488 = vector.shape_cast %swap3A_487 : vector<1x16xf32> to vector<16xf32>
          %swap3A_489 = vector.shape_cast %mul3A_484 : vector<16xf32> to vector<1x16xf32>
          tpu.vector_store %arg19[%swap3A_485, %swap3A_486], %swap3A_489 {strides = array<i32>} : memref<128x32xf32, #tpu.memory_space<vmem>>, vector<1x16xf32>,
          %scan3A_490 = arith.constant 7 : i32
          %scan3A_491 = arith.addi %scan3A_253, %scan3A_490 : i32
          %mul3A_492 = arith.constant 1 : i32
          %mul3A_493 = arith.muli %scan3A_491, %mul3A_492 : i32
          %add3A_494 = arith.constant 0 : i32
          %add3A_495 = arith.addi %add3A_494, %mul3A_493 : i32
          %get3A_496 = arith.index_cast %add3A_495 : i32 to index
          %get3A_497 = arith.constant 0 : index
          %get3A_498 = tpu.vector_load %arg19[%get3A_496, %get3A_497] {strides = array<i32>} : memref<128x32xf32, #tpu.memory_space<vmem>>, vector<1x16xf32>,
          %get3A_499 = vector.shape_cast %get3A_498 : vector<1x16xf32> to vector<16xf32>
          %get3A_500 = arith.index_cast %add3A_495 : i32 to index
          %get3A_501 = arith.constant 0 : index
          %get3A_502 = tpu.vector_load %arg20[%get3A_500, %get3A_501] {strides = array<i32>} : memref<128x32xf32, #tpu.memory_space<vmem>>, vector<1x16xf32>,
          %get3A_503 = vector.shape_cast %get3A_502 : vector<1x16xf32> to vector<16xf32>
          %mul3A_504 = arith.mulf %get3A_499, %get3A_503 : vector<16xf32>
          %swap3A_505 = arith.index_cast %add3A_495 : i32 to index
          %swap3A_506 = arith.constant 0 : index
          %swap3A_507 = tpu.vector_load %arg19[%swap3A_505, %swap3A_506] {strides = array<i32>} : memref<128x32xf32, #tpu.memory_space<vmem>>, vector<1x16xf32>,
          %swap3A_508 = vector.shape_cast %swap3A_507 : vector<1x16xf32> to vector<16xf32>
          %swap3A_509 = vector.shape_cast %mul3A_504 : vector<16xf32> to vector<1x16xf32>
          tpu.vector_store %arg19[%swap3A_505, %swap3A_506], %swap3A_509 {strides = array<i32>} : memref<128x32xf32, #tpu.memory_space<vmem>>, vector<1x16xf32>,
          %get3A_510 = arith.index_cast %add3A_495 : i32 to index
          %get3A_511 = arith.constant 16 : index
          %get3A_512 = tpu.vector_load %arg19[%get3A_510, %get3A_511] {strides = array<i32>} : memref<128x32xf32, #tpu.memory_space<vmem>>, vector<1x16xf32>,
          %get3A_513 = vector.shape_cast %get3A_512 : vector<1x16xf32> to vector<16xf32>
          %get3A_514 = arith.index_cast %add3A_495 : i32 to index
          %get3A_515 = arith.constant 16 : index
          %get3A_516 = tpu.vector_load %arg20[%get3A_514, %get3A_515] {strides = array<i32>} : memref<128x32xf32, #tpu.memory_space<vmem>>, vector<1x16xf32>,
          %get3A_517 = vector.shape_cast %get3A_516 : vector<1x16xf32> to vector<16xf32>
          %mul3A_518 = arith.mulf %get3A_513, %get3A_517 : vector<16xf32>
          %swap3A_519 = arith.index_cast %add3A_495 : i32 to index
          %swap3A_520 = arith.constant 16 : index
          %swap3A_521 = tpu.vector_load %arg19[%swap3A_519, %swap3A_520] {strides = array<i32>} : memref<128x32xf32, #tpu.memory_space<vmem>>, vector<1x16xf32>,
          %swap3A_522 = vector.shape_cast %swap3A_521 : vector<1x16xf32> to vector<16xf32>
          %swap3A_523 = vector.shape_cast %mul3A_518 : vector<16xf32> to vector<1x16xf32>
          tpu.vector_store %arg19[%swap3A_519, %swap3A_520], %swap3A_523 {strides = array<i32>} : memref<128x32xf32, #tpu.memory_space<vmem>>, vector<1x16xf32>,
        }
        %scan3A_195 = arith.constant 128 : i32
        %get3A = arith.constant 0 : index
        %get3A_196 = tpu.vector_load %arg16[%get3A] {strides = array<i32>} : memref<128xi32, #tpu.memory_space<vmem>>, vector<16xi32>,
        %get3A_197 = vector.shape_cast %get3A_196 : vector<16xi32> to vector<16xi32>
        %swap3A = arith.constant 0 : index
        %swap3A_198 = tpu.vector_load %arg17[%swap3A] {strides = array<i32>} : memref<128xi32, #tpu.memory_space<vmem>>, vector<16xi32>,
        %swap3A_199 = vector.shape_cast %swap3A_198 : vector<16xi32> to vector<16xi32>
        %swap3A_200 = vector.shape_cast %get3A_197 : vector<16xi32> to vector<16xi32>
        tpu.vector_store %arg17[%swap3A], %swap3A_200 {strides = array<i32>} : memref<128xi32, #tpu.memory_space<vmem>>, vector<16xi32>,
        %get3A_201 = arith.constant 16 : index
        %get3A_202 = tpu.vector_load %arg16[%get3A_201] {strides = array<i32>} : memref<128xi32, #tpu.memory_space<vmem>>, vector<16xi32>,
        %get3A_203 = vector.shape_cast %get3A_202 : vector<16xi32> to vector<16xi32>
        %swap3A_204 = arith.constant 16 : index
        %swap3A_205 = tpu.vector_load %arg17[%swap3A_204] {strides = array<i32>} : memref<128xi32, #tpu.memory_space<vmem>>, vector<16xi32>,
        %swap3A_206 = vector.shape_cast %swap3A_205 : vector<16xi32> to vector<16xi32>
        %swap3A_207 = vector.shape_cast %get3A_203 : vector<16xi32> to vector<16xi32>
        tpu.vector_store %arg17[%swap3A_204], %swap3A_207 {strides = array<i32>} : memref<128xi32, #tpu.memory_space<vmem>>, vector<16xi32>,
        %get3A_208 = arith.constant 32 : index
        %get3A_209 = tpu.vector_load %arg16[%get3A_208] {strides = array<i32>} : memref<128xi32, #tpu.memory_space<vmem>>, vector<16xi32>,
        %get3A_210 = vector.shape_cast %get3A_209 : vector<16xi32> to vector<16xi32>
        %swap3A_211 = arith.constant 32 : index
        %swap3A_212 = tpu.vector_load %arg17[%swap3A_211] {strides = array<i32>} : memref<128xi32, #tpu.memory_space<vmem>>, vector<16xi32>,
        %swap3A_213 = vector.shape_cast %swap3A_212 : vector<16xi32> to vector<16xi32>
        %swap3A_214 = vector.shape_cast %get3A_210 : vector<16xi32> to vector<16xi32>
        tpu.vector_store %arg17[%swap3A_211], %swap3A_214 {strides = array<i32>} : memref<128xi32, #tpu.memory_space<vmem>>, vector<16xi32>,
        %get3A_215 = arith.constant 48 : index
        %get3A_216 = tpu.vector_load %arg16[%get3A_215] {strides = array<i32>} : memref<128xi32, #tpu.memory_space<vmem>>, vector<16xi32>,
        %get3A_217 = vector.shape_cast %get3A_216 : vector<16xi32> to vector<16xi32>
        %swap3A_218 = arith.constant 48 : index
        %swap3A_219 = tpu.vector_load %arg17[%swap3A_218] {strides = array<i32>} : memref<128xi32, #tpu.memory_space<vmem>>, vector<16xi32>,
        %swap3A_220 = vector.shape_cast %swap3A_219 : vector<16xi32> to vector<16xi32>
        %swap3A_221 = vector.shape_cast %get3A_217 : vector<16xi32> to vector<16xi32>
        tpu.vector_store %arg17[%swap3A_218], %swap3A_221 {strides = array<i32>} : memref<128xi32, #tpu.memory_space<vmem>>, vector<16xi32>,
        %get3A_222 = arith.constant 64 : index
        %get3A_223 = tpu.vector_load %arg16[%get3A_222] {strides = array<i32>} : memref<128xi32, #tpu.memory_space<vmem>>, vector<16xi32>,
        %get3A_224 = vector.shape_cast %get3A_223 : vector<16xi32> to vector<16xi32>
        %swap3A_225 = arith.constant 64 : index
        %swap3A_226 = tpu.vector_load %arg17[%swap3A_225] {strides = array<i32>} : memref<128xi32, #tpu.memory_space<vmem>>, vector<16xi32>,
        %swap3A_227 = vector.shape_cast %swap3A_226 : vector<16xi32> to vector<16xi32>
        %swap3A_228 = vector.shape_cast %get3A_224 : vector<16xi32> to vector<16xi32>
        tpu.vector_store %arg17[%swap3A_225], %swap3A_228 {strides = array<i32>} : memref<128xi32, #tpu.memory_space<vmem>>, vector<16xi32>,
        %get3A_229 = arith.constant 80 : index
        %get3A_230 = tpu.vector_load %arg16[%get3A_229] {strides = array<i32>} : memref<128xi32, #tpu.memory_space<vmem>>, vector<16xi32>,
        %get3A_231 = vector.shape_cast %get3A_230 : vector<16xi32> to vector<16xi32>
        %swap3A_232 = arith.constant 80 : index
        %swap3A_233 = tpu.vector_load %arg17[%swap3A_232] {strides = array<i32>} : memref<128xi32, #tpu.memory_space<vmem>>, vector<16xi32>,
        %swap3A_234 = vector.shape_cast %swap3A_233 : vector<16xi32> to vector<16xi32>
        %swap3A_235 = vector.shape_cast %get3A_231 : vector<16xi32> to vector<16xi32>
        tpu.vector_store %arg17[%swap3A_232], %swap3A_235 {strides = array<i32>} : memref<128xi32, #tpu.memory_space<vmem>>, vector<16xi32>,
        %get3A_236 = arith.constant 96 : index
        %get3A_237 = tpu.vector_load %arg16[%get3A_236] {strides = array<i32>} : memref<128xi32, #tpu.memory_space<vmem>>, vector<16xi32>,
        %get3A_238 = vector.shape_cast %get3A_237 : vector<16xi32> to vector<16xi32>
        %swap3A_239 = arith.constant 96 : index
        %swap3A_240 = tpu.vector_load %arg17[%swap3A_239] {strides = array<i32>} : memref<128xi32, #tpu.memory_space<vmem>>, vector<16xi32>,
        %swap3A_241 = vector.shape_cast %swap3A_240 : vector<16xi32> to vector<16xi32>
        %swap3A_242 = vector.shape_cast %get3A_238 : vector<16xi32> to vector<16xi32>
        tpu.vector_store %arg17[%swap3A_239], %swap3A_242 {strides = array<i32>} : memref<128xi32, #tpu.memory_space<vmem>>, vector<16xi32>,
        %get3A_243 = arith.constant 112 : index
        %get3A_244 = tpu.vector_load %arg16[%get3A_243] {strides = array<i32>} : memref<128xi32, #tpu.memory_space<vmem>>, vector<16xi32>,
        %get3A_245 = vector.shape_cast %get3A_244 : vector<16xi32> to vector<16xi32>
        %swap3A_246 = arith.constant 112 : index
        %swap3A_247 = tpu.vector_load %arg17[%swap3A_246] {strides = array<i32>} : memref<128xi32, #tpu.memory_space<vmem>>, vector<16xi32>,
        %swap3A_248 = vector.shape_cast %swap3A_247 : vector<16xi32> to vector<16xi32>
        %swap3A_249 = vector.shape_cast %get3A_245 : vector<16xi32> to vector<16xi32>
        tpu.vector_store %arg17[%swap3A_246], %swap3A_249 {strides = array<i32>} : memref<128xi32, #tpu.memory_space<vmem>>, vector<16xi32>,
        %dma_start3A_250 = arith.constant 0 : i32
        %dma_start3A_251 = arith.constant 0 : i32
        %dma_start3A_252 = tpu.memref_slice %arg25[%dma_start3A_250, %dma_start3A_251] : memref<50000x32xf32, #tpu.memory_space<vmem_shared>> -> memref<50000x32xf32, #tpu.memory_space<vmem_shared>>
        tpu.enqueue_indirect_dma source(%arg19 : memref<128x32xf32, #tpu.memory_space<vmem>>) target(%dma_start3A_252 : memref<50000x32xf32, #tpu.memory_space<vmem_shared>>) offsets(%arg17 : memref<128xi32, #tpu.memory_space<vmem>>) semaphore(%arg24 : memref<!tpu.dma_semaphore, #tpu.memory_space<semaphore_mem>>) {add = true}
      } else {
      }
      %add3A_93 = arith.constant 1 : i32
      %add3A_94 = arith.addi %mul3A_46, %add3A_93 : i32
      %ge3A_95 = arith.constant 0 : i32
      %ge3A_96 = arith.cmpi sge, %add3A_94, %ge3A_95 : i32
      %mul3A_97 = arith.constant 16 : i32
      %mul3A_98 = arith.muli %add3A_94, %mul3A_97 : i32
      %add3A_99 = arith.addi %arg1, %mul3A_98 : i32
      %lt3A_100 = arith.constant 6250 : i32
      %lt3A_101 = arith.cmpi slt, %add3A_99, %lt3A_100 : i32
      %and3A_102 = arith.andi %ge3A_96, %lt3A_101 : i1
      %convert_element_type3A_103 = arith.extui %and3A_102 : i1 to i32
      %cond3A_104 = arith.constant 0 : i32
      %cond3A_105 = arith.cmpi ne, %convert_element_type3A_103, %cond3A_104 : i32
      scf.if %cond3A_105 {
        %add3A_171 = arith.constant 1 : i32
        %add3A_172 = arith.addi %mul3A_46, %add3A_171 : i32
        %mul3A_173 = arith.constant 16 : i32
        %mul3A_174 = arith.muli %add3A_172, %mul3A_173 : i32
        %add3A_175 = arith.addi %arg1, %mul3A_174 : i32
        %ge3A_176 = arith.constant 0 : i32
        %ge3A_177 = arith.cmpi sge, %add3A_172, %ge3A_176 : i32
        %mul3A_178 = arith.constant 16 : i32
        %mul3A_179 = arith.muli %add3A_172, %mul3A_178 : i32
        %add3A_180 = arith.addi %arg1, %mul3A_179 : i32
        %lt3A_181 = arith.constant 6250 : i32
        %lt3A_182 = arith.cmpi slt, %add3A_180, %lt3A_181 : i32
        %and3A_183 = arith.andi %ge3A_177, %lt3A_182 : i1
        %jit3A_184 = arith.constant 0 : i32
        %select_n3A_185 = arith.select %and3A_183, %add3A_175, %jit3A_184 : i32
        %mul3A_186 = arith.constant 128 : i32
        %mul3A_187 = arith.muli %select_n3A_185, %mul3A_186 : i32
        %multiple_of3A_188 = tpu.assume_multiple %mul3A_187, 128 : i32
        %dma_start3A_189 = arith.constant 0 : i32
        %dma_start3A_190 = tpu.memref_slice %arg2[%dma_start3A_189, %multiple_of3A_188] : memref<2x800000xi32, #tpu.memory_space<hbm>> -> memref<1x128xi32, #tpu.memory_space<hbm>>
        %dma_start3A_191 = tpu.memref_squeeze %dma_start3A_190 : memref<1x128xi32, #tpu.memory_space<hbm>> -> memref<128xi32, #tpu.memory_space<hbm>>
        %dma_start3A_192 = tpu.memref_slice %arg2[%dma_start3A_189, %multiple_of3A_188] : memref<2x800000xi32, #tpu.memory_space<hbm>> -> memref<1x128xi32, #tpu.memory_space<hbm>>
        %dma_start3A_193 = tpu.memref_squeeze %dma_start3A_192 : memref<1x128xi32, #tpu.memory_space<hbm>> -> memref<128xi32, #tpu.memory_space<hbm>>
        tpu.enqueue_dma source(%dma_start3A_193 : memref<128xi32, #tpu.memory_space<hbm>>) target(%arg16 : memref<128xi32, #tpu.memory_space<vmem>>) target_semaphore(%arg21 : memref<!tpu.dma_semaphore, #tpu.memory_space<semaphore_mem>>)
        %dma_start3A_194 = arith.constant 1 : i32
        %dma_start3A_195 = tpu.memref_slice %arg2[%dma_start3A_194, %multiple_of3A_188] : memref<2x800000xi32, #tpu.memory_space<hbm>> -> memref<1x128xi32, #tpu.memory_space<hbm>>
        %dma_start3A_196 = tpu.memref_squeeze %dma_start3A_195 : memref<1x128xi32, #tpu.memory_space<hbm>> -> memref<128xi32, #tpu.memory_space<hbm>>
        %dma_start3A_197 = tpu.memref_slice %arg2[%dma_start3A_194, %multiple_of3A_188] : memref<2x800000xi32, #tpu.memory_space<hbm>> -> memref<1x128xi32, #tpu.memory_space<hbm>>
        %dma_start3A_198 = tpu.memref_squeeze %dma_start3A_197 : memref<1x128xi32, #tpu.memory_space<hbm>> -> memref<128xi32, #tpu.memory_space<hbm>>
        tpu.enqueue_dma source(%dma_start3A_198 : memref<128xi32, #tpu.memory_space<hbm>>) target(%arg18 : memref<128xi32, #tpu.memory_space<vmem>>) target_semaphore(%arg21 : memref<!tpu.dma_semaphore, #tpu.memory_space<semaphore_mem>>)
      } else {
      }
      %mul3A_106 = arith.constant 2 : i32
      %mul3A_107 = arith.muli %mul3A_106, %add3A_44 : i32
      %add3A_108 = arith.constant 1 : i32
      %add3A_109 = arith.addi %mul3A_107, %add3A_108 : i32
      %ge3A_110 = arith.constant 0 : i32
      %ge3A_111 = arith.cmpi sge, %add3A_109, %ge3A_110 : i32
      %mul3A_112 = arith.constant 16 : i32
      %mul3A_113 = arith.muli %add3A_109, %mul3A_112 : i32
      %add3A_114 = arith.addi %arg1, %mul3A_113 : i32
      %lt3A_115 = arith.constant 6250 : i32
      %lt3A_116 = arith.cmpi slt, %add3A_114, %lt3A_115 : i32
      %and3A_117 = arith.andi %ge3A_111, %lt3A_116 : i1
      %convert_element_type3A_118 = arith.extui %and3A_117 : i1 to i32
      %cond3A_119 = arith.constant 0 : i32
      %cond3A_120 = arith.cmpi ne, %convert_element_type3A_118, %cond3A_119 : i32
      scf.if %cond3A_120 {
        %dma_wait3A = arith.constant 0 : i32
        %dma_wait3A_171 = arith.constant 0 : i32
        %dma_wait3A_172 = tpu.memref_slice %arg2[%dma_wait3A, %dma_wait3A_171] : memref<2x800000xi32, #tpu.memory_space<hbm>> -> memref<1x128xi32, #tpu.memory_space<hbm>>
        %dma_wait3A_173 = tpu.memref_squeeze %dma_wait3A_172 : memref<1x128xi32, #tpu.memory_space<hbm>> -> memref<128xi32, #tpu.memory_space<hbm>>
        %dma_wait3A_174 = arith.constant 0 : i32
        %dma_wait3A_175 = tpu.memref_slice %arg2[%dma_wait3A, %dma_wait3A_174] : memref<2x800000xi32, #tpu.memory_space<hbm>> -> memref<1x128xi32, #tpu.memory_space<hbm>>
        %dma_wait3A_176 = tpu.memref_squeeze %dma_wait3A_175 : memref<1x128xi32, #tpu.memory_space<hbm>> -> memref<128xi32, #tpu.memory_space<hbm>>
        tpu.wait_dma2 semaphore(%arg21 : memref<!tpu.dma_semaphore, #tpu.memory_space<semaphore_mem>>) src(%dma_wait3A_176 : memref<128xi32, #tpu.memory_space<hbm>>) dst(%arg16 : memref<128xi32, #tpu.memory_space<vmem>>)
        %dma_wait3A_177 = arith.constant 1 : i32
        %dma_wait3A_178 = arith.constant 0 : i32
        %dma_wait3A_179 = tpu.memref_slice %arg2[%dma_wait3A_177, %dma_wait3A_178] : memref<2x800000xi32, #tpu.memory_space<hbm>> -> memref<1x128xi32, #tpu.memory_space<hbm>>
        %dma_wait3A_180 = tpu.memref_squeeze %dma_wait3A_179 : memref<1x128xi32, #tpu.memory_space<hbm>> -> memref<128xi32, #tpu.memory_space<hbm>>
        %dma_wait3A_181 = arith.constant 0 : i32
        %dma_wait3A_182 = tpu.memref_slice %arg2[%dma_wait3A_177, %dma_wait3A_181] : memref<2x800000xi32, #tpu.memory_space<hbm>> -> memref<1x128xi32, #tpu.memory_space<hbm>>
        %dma_wait3A_183 = tpu.memref_squeeze %dma_wait3A_182 : memref<1x128xi32, #tpu.memory_space<hbm>> -> memref<128xi32, #tpu.memory_space<hbm>>
        tpu.wait_dma2 semaphore(%arg21 : memref<!tpu.dma_semaphore, #tpu.memory_space<semaphore_mem>>) src(%dma_wait3A_183 : memref<128xi32, #tpu.memory_space<hbm>>) dst(%arg18 : memref<128xi32, #tpu.memory_space<vmem>>)
      } else {
      }
      %sub3A_121 = arith.constant 2 : i32
      %sub3A_122 = arith.subi %add3A_109, %sub3A_121 : i32
      %ge3A_123 = arith.constant 0 : i32
      %ge3A_124 = arith.cmpi sge, %sub3A_122, %ge3A_123 : i32
      %mul3A_125 = arith.constant 16 : i32
      %mul3A_126 = arith.muli %sub3A_122, %mul3A_125 : i32
      %add3A_127 = arith.addi %arg1, %mul3A_126 : i32
      %lt3A_128 = arith.constant 6250 : i32
      %lt3A_129 = arith.cmpi slt, %add3A_127, %lt3A_128 : i32
      %and3A_130 = arith.andi %ge3A_124, %lt3A_129 : i1
      %convert_element_type3A_131 = arith.extui %and3A_130 : i1 to i32
      %cond3A_132 = arith.constant 0 : i32
      %cond3A_133 = arith.cmpi ne, %convert_element_type3A_131, %cond3A_132 : i32
      scf.if %cond3A_133 {
        %dma_wait3A = arith.constant 0 : i32
        %dma_wait3A_171 = arith.constant 0 : i32
        %dma_wait3A_172 = tpu.memref_slice %arg25[%dma_wait3A, %dma_wait3A_171] : memref<50000x32xf32, #tpu.memory_space<vmem_shared>> -> memref<50000x32xf32, #tpu.memory_space<vmem_shared>>
        tpu.wait_indirect_dma semaphore(%arg24 : memref<!tpu.dma_semaphore, #tpu.memory_space<semaphore_mem>>) src(%arg19 : memref<128x32xf32, #tpu.memory_space<vmem>>) dst(%dma_wait3A_172 : memref<50000x32xf32, #tpu.memory_space<vmem_shared>>)
      } else {
      }
      %ge3A_134 = arith.constant 0 : i32
      %ge3A_135 = arith.cmpi sge, %add3A_109, %ge3A_134 : i32
      %mul3A_136 = arith.constant 16 : i32
      %mul3A_137 = arith.muli %add3A_109, %mul3A_136 : i32
      %add3A_138 = arith.addi %arg1, %mul3A_137 : i32
      %lt3A_139 = arith.constant 6250 : i32
      %lt3A_140 = arith.cmpi slt, %add3A_138, %lt3A_139 : i32
      %and3A_141 = arith.andi %ge3A_135, %lt3A_140 : i1
      %convert_element_type3A_142 = arith.extui %and3A_141 : i1 to i32
      %cond3A_143 = arith.constant 0 : i32
      %cond3A_144 = arith.cmpi ne, %convert_element_type3A_142, %cond3A_143 : i32
      scf.if %cond3A_144 {
        %dma_start3A_171 = arith.constant 0 : i32
        %dma_start3A_172 = arith.constant 0 : i32
        %dma_start3A_173 = tpu.memref_slice %arg3[%arg0, %dma_start3A_171, %dma_start3A_172] : memref<2x50000x32xf32, #tpu.memory_space<hbm>> -> memref<1x50000x32xf32, #tpu.memory_space<hbm>>
        %dma_start3A_174 = tpu.memref_squeeze %dma_start3A_173 : memref<1x50000x32xf32, #tpu.memory_space<hbm>> -> memref<50000x32xf32, #tpu.memory_space<hbm>>
        %dma_start3A_175 = arith.constant 0 : i32
        %dma_start3A_176 = arith.constant 0 : i32
        %dma_start3A_177 = tpu.memref_slice %dma_start3A_174[%dma_start3A_175, %dma_start3A_176] : memref<50000x32xf32, #tpu.memory_space<hbm>> -> memref<50000x32xf32, #tpu.memory_space<hbm>>
        tpu.enqueue_indirect_dma source(%dma_start3A_177 : memref<50000x32xf32, #tpu.memory_space<hbm>>) target(%arg19 : memref<128x32xf32, #tpu.memory_space<vmem>>) offsets(%arg18 : memref<128xi32, #tpu.memory_space<vmem>>) semaphore(%arg22 : memref<!tpu.dma_semaphore, #tpu.memory_space<semaphore_mem>>)
        %mul3A_178 = arith.constant 16 : i32
        %mul3A_179 = arith.muli %add3A_109, %mul3A_178 : i32
        %add3A_180 = arith.addi %arg1, %mul3A_179 : i32
        %ge3A_181 = arith.constant 0 : i32
        %ge3A_182 = arith.cmpi sge, %add3A_109, %ge3A_181 : i32
        %mul3A_183 = arith.constant 16 : i32
        %mul3A_184 = arith.muli %add3A_109, %mul3A_183 : i32
        %add3A_185 = arith.addi %arg1, %mul3A_184 : i32
        %lt3A_186 = arith.constant 6250 : i32
        %lt3A_187 = arith.cmpi slt, %add3A_185, %lt3A_186 : i32
        %and3A_188 = arith.andi %ge3A_182, %lt3A_187 : i1
        %jit3A_189 = arith.constant 0 : i32
        %select_n3A_190 = arith.select %and3A_188, %add3A_180, %jit3A_189 : i32
        %mul3A_191 = arith.constant 128 : i32
        %mul3A_192 = arith.muli %select_n3A_190, %mul3A_191 : i32
        %multiple_of3A_193 = tpu.assume_multiple %mul3A_192, 128 : i32
        %dma_start3A_194 = arith.constant 0 : i32
        %dma_start3A_195 = arith.constant 0 : i32
        %dma_start3A_196 = tpu.memref_slice %arg4[%arg0, %dma_start3A_194, %dma_start3A_195] : memref<2x819200x32xf32, #tpu.memory_space<hbm>> -> memref<1x819200x32xf32, #tpu.memory_space<hbm>>
        %dma_start3A_197 = tpu.memref_squeeze %dma_start3A_196 : memref<1x819200x32xf32, #tpu.memory_space<hbm>> -> memref<819200x32xf32, #tpu.memory_space<hbm>>
        %dma_start3A_198 = arith.constant 0 : i32
        %dma_start3A_199 = tpu.memref_slice %dma_start3A_197[%multiple_of3A_193, %dma_start3A_198] : memref<819200x32xf32, #tpu.memory_space<hbm>> -> memref<128x32xf32, #tpu.memory_space<hbm>>
        %dma_start3A_200 = arith.constant 0 : i32
        %dma_start3A_201 = arith.constant 0 : i32
        %dma_start3A_202 = tpu.memref_slice %arg4[%arg0, %dma_start3A_200, %dma_start3A_201] : memref<2x819200x32xf32, #tpu.memory_space<hbm>> -> memref<1x819200x32xf32, #tpu.memory_space<hbm>>
        %dma_start3A_203 = tpu.memref_squeeze %dma_start3A_202 : memref<1x819200x32xf32, #tpu.memory_space<hbm>> -> memref<819200x32xf32, #tpu.memory_space<hbm>>
        %dma_start3A_204 = arith.constant 0 : i32
        %dma_start3A_205 = tpu.memref_slice %dma_start3A_203[%multiple_of3A_193, %dma_start3A_204] : memref<819200x32xf32, #tpu.memory_space<hbm>> -> memref<128x32xf32, #tpu.memory_space<hbm>>
        tpu.enqueue_dma source(%dma_start3A_205 : memref<128x32xf32, #tpu.memory_space<hbm>>) target(%arg20 : memref<128x32xf32, #tpu.memory_space<vmem>>) target_semaphore(%arg23 : memref<!tpu.dma_semaphore, #tpu.memory_space<semaphore_mem>>)
      } else {
      }
      %sub3A_145 = arith.constant 1 : i32
      %sub3A_146 = arith.subi %add3A_109, %sub3A_145 : i32
      %ge3A_147 = arith.constant 0 : i32
      %ge3A_148 = arith.cmpi sge, %sub3A_146, %ge3A_147 : i32
      %mul3A_149 = arith.constant 16 : i32
      %mul3A_150 = arith.muli %sub3A_146, %mul3A_149 : i32
      %add3A_151 = arith.addi %arg1, %mul3A_150 : i32
      %lt3A_152 = arith.constant 6250 : i32
      %lt3A_153 = arith.cmpi slt, %add3A_151, %lt3A_152 : i32
      %and3A_154 = arith.andi %ge3A_148, %lt3A_153 : i1
      %convert_element_type3A_155 = arith.extui %and3A_154 : i1 to i32
      %cond3A_156 = arith.constant 0 : i32
      %cond3A_157 = arith.cmpi ne, %convert_element_type3A_155, %cond3A_156 : i32
      scf.if %cond3A_157 {
        %dma_wait3A = arith.constant 0 : i32
        %dma_wait3A_171 = arith.constant 0 : i32
        %dma_wait3A_172 = tpu.memref_slice %arg3[%arg0, %dma_wait3A, %dma_wait3A_171] : memref<2x50000x32xf32, #tpu.memory_space<hbm>> -> memref<1x50000x32xf32, #tpu.memory_space<hbm>>
        %dma_wait3A_173 = tpu.memref_squeeze %dma_wait3A_172 : memref<1x50000x32xf32, #tpu.memory_space<hbm>> -> memref<50000x32xf32, #tpu.memory_space<hbm>>
        %dma_wait3A_174 = arith.constant 0 : i32
        %dma_wait3A_175 = arith.constant 0 : i32
        %dma_wait3A_176 = tpu.memref_slice %dma_wait3A_173[%dma_wait3A_174, %dma_wait3A_175] : memref<50000x32xf32, #tpu.memory_space<hbm>> -> memref<50000x32xf32, #tpu.memory_space<hbm>>
        tpu.wait_indirect_dma semaphore(%arg13 : memref<!tpu.dma_semaphore, #tpu.memory_space<semaphore_mem>>) src(%dma_wait3A_176 : memref<50000x32xf32, #tpu.memory_space<hbm>>) dst(%arg10 : memref<128x32xf32, #tpu.memory_space<vmem>>)
        %dma_wait3A_177 = arith.constant 0 : i32
        %dma_wait3A_178 = arith.constant 0 : i32
        %dma_wait3A_179 = tpu.memref_slice %arg4[%arg0, %dma_wait3A_177, %dma_wait3A_178] : memref<2x819200x32xf32, #tpu.memory_space<hbm>> -> memref<1x819200x32xf32, #tpu.memory_space<hbm>>
        %dma_wait3A_180 = tpu.memref_squeeze %dma_wait3A_179 : memref<1x819200x32xf32, #tpu.memory_space<hbm>> -> memref<819200x32xf32, #tpu.memory_space<hbm>>
        %dma_wait3A_181 = arith.constant 0 : i32
        %dma_wait3A_182 = arith.constant 0 : i32
        %dma_wait3A_183 = tpu.memref_slice %dma_wait3A_180[%dma_wait3A_181, %dma_wait3A_182] : memref<819200x32xf32, #tpu.memory_space<hbm>> -> memref<128x32xf32, #tpu.memory_space<hbm>>
        %dma_wait3A_184 = arith.constant 0 : i32
        %dma_wait3A_185 = arith.constant 0 : i32
        %dma_wait3A_186 = tpu.memref_slice %arg4[%arg0, %dma_wait3A_184, %dma_wait3A_185] : memref<2x819200x32xf32, #tpu.memory_space<hbm>> -> memref<1x819200x32xf32, #tpu.memory_space<hbm>>
        %dma_wait3A_187 = tpu.memref_squeeze %dma_wait3A_186 : memref<1x819200x32xf32, #tpu.memory_space<hbm>> -> memref<819200x32xf32, #tpu.memory_space<hbm>>
        %dma_wait3A_188 = arith.constant 0 : i32
        %dma_wait3A_189 = arith.constant 0 : i32
        %dma_wait3A_190 = tpu.memref_slice %dma_wait3A_187[%dma_wait3A_188, %dma_wait3A_189] : memref<819200x32xf32, #tpu.memory_space<hbm>> -> memref<128x32xf32, #tpu.memory_space<hbm>>
        tpu.wait_dma2 semaphore(%arg14 : memref<!tpu.dma_semaphore, #tpu.memory_space<semaphore_mem>>) src(%dma_wait3A_190 : memref<128x32xf32, #tpu.memory_space<hbm>>) dst(%arg11 : memref<128x32xf32, #tpu.memory_space<vmem>>)
        %scan3A_191 = arith.constant 0 : i32
        %scan3A_192 = arith.constant 128 : i32
        %scan3A_193 = arith.addi %scan3A_191, %scan3A_192 : i32
        %scan3A_194 = arith.constant 8 : i32
        scf.for %scan3A_253 = %scan3A_191 to %scan3A_193 step %scan3A_194  : i32 {
          %mul3A_254 = arith.constant 1 : i32
          %mul3A_255 = arith.muli %scan3A_253, %mul3A_254 : i32
          %add3A_256 = arith.constant 0 : i32
          %add3A_257 = arith.addi %add3A_256, %mul3A_255 : i32
          %get3A_258 = arith.index_cast %add3A_257 : i32 to index
          %get3A_259 = arith.constant 0 : index
          %get3A_260 = tpu.vector_load %arg10[%get3A_258, %get3A_259] {strides = array<i32>} : memref<128x32xf32, #tpu.memory_space<vmem>>, vector<1x16xf32>,
          %get3A_261 = vector.shape_cast %get3A_260 : vector<1x16xf32> to vector<16xf32>
          %get3A_262 = arith.index_cast %add3A_257 : i32 to index
          %get3A_263 = arith.constant 0 : index
          %get3A_264 = tpu.vector_load %arg11[%get3A_262, %get3A_263] {strides = array<i32>} : memref<128x32xf32, #tpu.memory_space<vmem>>, vector<1x16xf32>,
          %get3A_265 = vector.shape_cast %get3A_264 : vector<1x16xf32> to vector<16xf32>
          %mul3A_266 = arith.mulf %get3A_261, %get3A_265 : vector<16xf32>
          %swap3A_267 = arith.index_cast %add3A_257 : i32 to index
          %swap3A_268 = arith.constant 0 : index
          %swap3A_269 = tpu.vector_load %arg10[%swap3A_267, %swap3A_268] {strides = array<i32>} : memref<128x32xf32, #tpu.memory_space<vmem>>, vector<1x16xf32>,
          %swap3A_270 = vector.shape_cast %swap3A_269 : vector<1x16xf32> to vector<16xf32>
          %swap3A_271 = vector.shape_cast %mul3A_266 : vector<16xf32> to vector<1x16xf32>
          tpu.vector_store %arg10[%swap3A_267, %swap3A_268], %swap3A_271 {strides = array<i32>} : memref<128x32xf32, #tpu.memory_space<vmem>>, vector<1x16xf32>,
          %get3A_272 = arith.index_cast %add3A_257 : i32 to index
          %get3A_273 = arith.constant 16 : index
          %get3A_274 = tpu.vector_load %arg10[%get3A_272, %get3A_273] {strides = array<i32>} : memref<128x32xf32, #tpu.memory_space<vmem>>, vector<1x16xf32>,
          %get3A_275 = vector.shape_cast %get3A_274 : vector<1x16xf32> to vector<16xf32>
          %get3A_276 = arith.index_cast %add3A_257 : i32 to index
          %get3A_277 = arith.constant 16 : index
          %get3A_278 = tpu.vector_load %arg11[%get3A_276, %get3A_277] {strides = array<i32>} : memref<128x32xf32, #tpu.memory_space<vmem>>, vector<1x16xf32>,
          %get3A_279 = vector.shape_cast %get3A_278 : vector<1x16xf32> to vector<16xf32>
          %mul3A_280 = arith.mulf %get3A_275, %get3A_279 : vector<16xf32>
          %swap3A_281 = arith.index_cast %add3A_257 : i32 to index
          %swap3A_282 = arith.constant 16 : index
          %swap3A_283 = tpu.vector_load %arg10[%swap3A_281, %swap3A_282] {strides = array<i32>} : memref<128x32xf32, #tpu.memory_space<vmem>>, vector<1x16xf32>,
          %swap3A_284 = vector.shape_cast %swap3A_283 : vector<1x16xf32> to vector<16xf32>
          %swap3A_285 = vector.shape_cast %mul3A_280 : vector<16xf32> to vector<1x16xf32>
          tpu.vector_store %arg10[%swap3A_281, %swap3A_282], %swap3A_285 {strides = array<i32>} : memref<128x32xf32, #tpu.memory_space<vmem>>, vector<1x16xf32>,
          %scan3A_286 = arith.constant 1 : i32
          %scan3A_287 = arith.addi %scan3A_253, %scan3A_286 : i32
          %mul3A_288 = arith.constant 1 : i32
          %mul3A_289 = arith.muli %scan3A_287, %mul3A_288 : i32
          %add3A_290 = arith.constant 0 : i32
          %add3A_291 = arith.addi %add3A_290, %mul3A_289 : i32
          %get3A_292 = arith.index_cast %add3A_291 : i32 to index
          %get3A_293 = arith.constant 0 : index
          %get3A_294 = tpu.vector_load %arg10[%get3A_292, %get3A_293] {strides = array<i32>} : memref<128x32xf32, #tpu.memory_space<vmem>>, vector<1x16xf32>,
          %get3A_295 = vector.shape_cast %get3A_294 : vector<1x16xf32> to vector<16xf32>
          %get3A_296 = arith.index_cast %add3A_291 : i32 to index
          %get3A_297 = arith.constant 0 : index
          %get3A_298 = tpu.vector_load %arg11[%get3A_296, %get3A_297] {strides = array<i32>} : memref<128x32xf32, #tpu.memory_space<vmem>>, vector<1x16xf32>,
          %get3A_299 = vector.shape_cast %get3A_298 : vector<1x16xf32> to vector<16xf32>
          %mul3A_300 = arith.mulf %get3A_295, %get3A_299 : vector<16xf32>
          %swap3A_301 = arith.index_cast %add3A_291 : i32 to index
          %swap3A_302 = arith.constant 0 : index
          %swap3A_303 = tpu.vector_load %arg10[%swap3A_301, %swap3A_302] {strides = array<i32>} : memref<128x32xf32, #tpu.memory_space<vmem>>, vector<1x16xf32>,
          %swap3A_304 = vector.shape_cast %swap3A_303 : vector<1x16xf32> to vector<16xf32>
          %swap3A_305 = vector.shape_cast %mul3A_300 : vector<16xf32> to vector<1x16xf32>
          tpu.vector_store %arg10[%swap3A_301, %swap3A_302], %swap3A_305 {strides = array<i32>} : memref<128x32xf32, #tpu.memory_space<vmem>>, vector<1x16xf32>,
          %get3A_306 = arith.index_cast %add3A_291 : i32 to index
          %get3A_307 = arith.constant 16 : index
          %get3A_308 = tpu.vector_load %arg10[%get3A_306, %get3A_307] {strides = array<i32>} : memref<128x32xf32, #tpu.memory_space<vmem>>, vector<1x16xf32>,
          %get3A_309 = vector.shape_cast %get3A_308 : vector<1x16xf32> to vector<16xf32>
          %get3A_310 = arith.index_cast %add3A_291 : i32 to index
          %get3A_311 = arith.constant 16 : index
          %get3A_312 = tpu.vector_load %arg11[%get3A_310, %get3A_311] {strides = array<i32>} : memref<128x32xf32, #tpu.memory_space<vmem>>, vector<1x16xf32>,
          %get3A_313 = vector.shape_cast %get3A_312 : vector<1x16xf32> to vector<16xf32>
          %mul3A_314 = arith.mulf %get3A_309, %get3A_313 : vector<16xf32>
          %swap3A_315 = arith.index_cast %add3A_291 : i32 to index
          %swap3A_316 = arith.constant 16 : index
          %swap3A_317 = tpu.vector_load %arg10[%swap3A_315, %swap3A_316] {strides = array<i32>} : memref<128x32xf32, #tpu.memory_space<vmem>>, vector<1x16xf32>,
          %swap3A_318 = vector.shape_cast %swap3A_317 : vector<1x16xf32> to vector<16xf32>
          %swap3A_319 = vector.shape_cast %mul3A_314 : vector<16xf32> to vector<1x16xf32>
          tpu.vector_store %arg10[%swap3A_315, %swap3A_316], %swap3A_319 {strides = array<i32>} : memref<128x32xf32, #tpu.memory_space<vmem>>, vector<1x16xf32>,
          %scan3A_320 = arith.constant 2 : i32
          %scan3A_321 = arith.addi %scan3A_253, %scan3A_320 : i32
          %mul3A_322 = arith.constant 1 : i32
          %mul3A_323 = arith.muli %scan3A_321, %mul3A_322 : i32
          %add3A_324 = arith.constant 0 : i32
          %add3A_325 = arith.addi %add3A_324, %mul3A_323 : i32
          %get3A_326 = arith.index_cast %add3A_325 : i32 to index
          %get3A_327 = arith.constant 0 : index
          %get3A_328 = tpu.vector_load %arg10[%get3A_326, %get3A_327] {strides = array<i32>} : memref<128x32xf32, #tpu.memory_space<vmem>>, vector<1x16xf32>,
          %get3A_329 = vector.shape_cast %get3A_328 : vector<1x16xf32> to vector<16xf32>
          %get3A_330 = arith.index_cast %add3A_325 : i32 to index
          %get3A_331 = arith.constant 0 : index
          %get3A_332 = tpu.vector_load %arg11[%get3A_330, %get3A_331] {strides = array<i32>} : memref<128x32xf32, #tpu.memory_space<vmem>>, vector<1x16xf32>,
          %get3A_333 = vector.shape_cast %get3A_332 : vector<1x16xf32> to vector<16xf32>
          %mul3A_334 = arith.mulf %get3A_329, %get3A_333 : vector<16xf32>
          %swap3A_335 = arith.index_cast %add3A_325 : i32 to index
          %swap3A_336 = arith.constant 0 : index
          %swap3A_337 = tpu.vector_load %arg10[%swap3A_335, %swap3A_336] {strides = array<i32>} : memref<128x32xf32, #tpu.memory_space<vmem>>, vector<1x16xf32>,
          %swap3A_338 = vector.shape_cast %swap3A_337 : vector<1x16xf32> to vector<16xf32>
          %swap3A_339 = vector.shape_cast %mul3A_334 : vector<16xf32> to vector<1x16xf32>
          tpu.vector_store %arg10[%swap3A_335, %swap3A_336], %swap3A_339 {strides = array<i32>} : memref<128x32xf32, #tpu.memory_space<vmem>>, vector<1x16xf32>,
          %get3A_340 = arith.index_cast %add3A_325 : i32 to index
          %get3A_341 = arith.constant 16 : index
          %get3A_342 = tpu.vector_load %arg10[%get3A_340, %get3A_341] {strides = array<i32>} : memref<128x32xf32, #tpu.memory_space<vmem>>, vector<1x16xf32>,
          %get3A_343 = vector.shape_cast %get3A_342 : vector<1x16xf32> to vector<16xf32>
          %get3A_344 = arith.index_cast %add3A_325 : i32 to index
          %get3A_345 = arith.constant 16 : index
          %get3A_346 = tpu.vector_load %arg11[%get3A_344, %get3A_345] {strides = array<i32>} : memref<128x32xf32, #tpu.memory_space<vmem>>, vector<1x16xf32>,
          %get3A_347 = vector.shape_cast %get3A_346 : vector<1x16xf32> to vector<16xf32>
          %mul3A_348 = arith.mulf %get3A_343, %get3A_347 : vector<16xf32>
          %swap3A_349 = arith.index_cast %add3A_325 : i32 to index
          %swap3A_350 = arith.constant 16 : index
          %swap3A_351 = tpu.vector_load %arg10[%swap3A_349, %swap3A_350] {strides = array<i32>} : memref<128x32xf32, #tpu.memory_space<vmem>>, vector<1x16xf32>,
          %swap3A_352 = vector.shape_cast %swap3A_351 : vector<1x16xf32> to vector<16xf32>
          %swap3A_353 = vector.shape_cast %mul3A_348 : vector<16xf32> to vector<1x16xf32>
          tpu.vector_store %arg10[%swap3A_349, %swap3A_350], %swap3A_353 {strides = array<i32>} : memref<128x32xf32, #tpu.memory_space<vmem>>, vector<1x16xf32>,
          %scan3A_354 = arith.constant 3 : i32
          %scan3A_355 = arith.addi %scan3A_253, %scan3A_354 : i32
          %mul3A_356 = arith.constant 1 : i32
          %mul3A_357 = arith.muli %scan3A_355, %mul3A_356 : i32
          %add3A_358 = arith.constant 0 : i32
          %add3A_359 = arith.addi %add3A_358, %mul3A_357 : i32
          %get3A_360 = arith.index_cast %add3A_359 : i32 to index
          %get3A_361 = arith.constant 0 : index
          %get3A_362 = tpu.vector_load %arg10[%get3A_360, %get3A_361] {strides = array<i32>} : memref<128x32xf32, #tpu.memory_space<vmem>>, vector<1x16xf32>,
          %get3A_363 = vector.shape_cast %get3A_362 : vector<1x16xf32> to vector<16xf32>
          %get3A_364 = arith.index_cast %add3A_359 : i32 to index
          %get3A_365 = arith.constant 0 : index
          %get3A_366 = tpu.vector_load %arg11[%get3A_364, %get3A_365] {strides = array<i32>} : memref<128x32xf32, #tpu.memory_space<vmem>>, vector<1x16xf32>,
          %get3A_367 = vector.shape_cast %get3A_366 : vector<1x16xf32> to vector<16xf32>
          %mul3A_368 = arith.mulf %get3A_363, %get3A_367 : vector<16xf32>
          %swap3A_369 = arith.index_cast %add3A_359 : i32 to index
          %swap3A_370 = arith.constant 0 : index
          %swap3A_371 = tpu.vector_load %arg10[%swap3A_369, %swap3A_370] {strides = array<i32>} : memref<128x32xf32, #tpu.memory_space<vmem>>, vector<1x16xf32>,
          %swap3A_372 = vector.shape_cast %swap3A_371 : vector<1x16xf32> to vector<16xf32>
          %swap3A_373 = vector.shape_cast %mul3A_368 : vector<16xf32> to vector<1x16xf32>
          tpu.vector_store %arg10[%swap3A_369, %swap3A_370], %swap3A_373 {strides = array<i32>} : memref<128x32xf32, #tpu.memory_space<vmem>>, vector<1x16xf32>,
          %get3A_374 = arith.index_cast %add3A_359 : i32 to index
          %get3A_375 = arith.constant 16 : index
          %get3A_376 = tpu.vector_load %arg10[%get3A_374, %get3A_375] {strides = array<i32>} : memref<128x32xf32, #tpu.memory_space<vmem>>, vector<1x16xf32>,
          %get3A_377 = vector.shape_cast %get3A_376 : vector<1x16xf32> to vector<16xf32>
          %get3A_378 = arith.index_cast %add3A_359 : i32 to index
          %get3A_379 = arith.constant 16 : index
          %get3A_380 = tpu.vector_load %arg11[%get3A_378, %get3A_379] {strides = array<i32>} : memref<128x32xf32, #tpu.memory_space<vmem>>, vector<1x16xf32>,
          %get3A_381 = vector.shape_cast %get3A_380 : vector<1x16xf32> to vector<16xf32>
          %mul3A_382 = arith.mulf %get3A_377, %get3A_381 : vector<16xf32>
          %swap3A_383 = arith.index_cast %add3A_359 : i32 to index
          %swap3A_384 = arith.constant 16 : index
          %swap3A_385 = tpu.vector_load %arg10[%swap3A_383, %swap3A_384] {strides = array<i32>} : memref<128x32xf32, #tpu.memory_space<vmem>>, vector<1x16xf32>,
          %swap3A_386 = vector.shape_cast %swap3A_385 : vector<1x16xf32> to vector<16xf32>
          %swap3A_387 = vector.shape_cast %mul3A_382 : vector<16xf32> to vector<1x16xf32>
          tpu.vector_store %arg10[%swap3A_383, %swap3A_384], %swap3A_387 {strides = array<i32>} : memref<128x32xf32, #tpu.memory_space<vmem>>, vector<1x16xf32>,
          %scan3A_388 = arith.constant 4 : i32
          %scan3A_389 = arith.addi %scan3A_253, %scan3A_388 : i32
          %mul3A_390 = arith.constant 1 : i32
          %mul3A_391 = arith.muli %scan3A_389, %mul3A_390 : i32
          %add3A_392 = arith.constant 0 : i32
          %add3A_393 = arith.addi %add3A_392, %mul3A_391 : i32
          %get3A_394 = arith.index_cast %add3A_393 : i32 to index
          %get3A_395 = arith.constant 0 : index
          %get3A_396 = tpu.vector_load %arg10[%get3A_394, %get3A_395] {strides = array<i32>} : memref<128x32xf32, #tpu.memory_space<vmem>>, vector<1x16xf32>,
          %get3A_397 = vector.shape_cast %get3A_396 : vector<1x16xf32> to vector<16xf32>
          %get3A_398 = arith.index_cast %add3A_393 : i32 to index
          %get3A_399 = arith.constant 0 : index
          %get3A_400 = tpu.vector_load %arg11[%get3A_398, %get3A_399] {strides = array<i32>} : memref<128x32xf32, #tpu.memory_space<vmem>>, vector<1x16xf32>,
          %get3A_401 = vector.shape_cast %get3A_400 : vector<1x16xf32> to vector<16xf32>
          %mul3A_402 = arith.mulf %get3A_397, %get3A_401 : vector<16xf32>
          %swap3A_403 = arith.index_cast %add3A_393 : i32 to index
          %swap3A_404 = arith.constant 0 : index
          %swap3A_405 = tpu.vector_load %arg10[%swap3A_403, %swap3A_404] {strides = array<i32>} : memref<128x32xf32, #tpu.memory_space<vmem>>, vector<1x16xf32>,
          %swap3A_406 = vector.shape_cast %swap3A_405 : vector<1x16xf32> to vector<16xf32>
          %swap3A_407 = vector.shape_cast %mul3A_402 : vector<16xf32> to vector<1x16xf32>
          tpu.vector_store %arg10[%swap3A_403, %swap3A_404], %swap3A_407 {strides = array<i32>} : memref<128x32xf32, #tpu.memory_space<vmem>>, vector<1x16xf32>,
          %get3A_408 = arith.index_cast %add3A_393 : i32 to index
          %get3A_409 = arith.constant 16 : index
          %get3A_410 = tpu.vector_load %arg10[%get3A_408, %get3A_409] {strides = array<i32>} : memref<128x32xf32, #tpu.memory_space<vmem>>, vector<1x16xf32>,
          %get3A_411 = vector.shape_cast %get3A_410 : vector<1x16xf32> to vector<16xf32>
          %get3A_412 = arith.index_cast %add3A_393 : i32 to index
          %get3A_413 = arith.constant 16 : index
          %get3A_414 = tpu.vector_load %arg11[%get3A_412, %get3A_413] {strides = array<i32>} : memref<128x32xf32, #tpu.memory_space<vmem>>, vector<1x16xf32>,
          %get3A_415 = vector.shape_cast %get3A_414 : vector<1x16xf32> to vector<16xf32>
          %mul3A_416 = arith.mulf %get3A_411, %get3A_415 : vector<16xf32>
          %swap3A_417 = arith.index_cast %add3A_393 : i32 to index
          %swap3A_418 = arith.constant 16 : index
          %swap3A_419 = tpu.vector_load %arg10[%swap3A_417, %swap3A_418] {strides = array<i32>} : memref<128x32xf32, #tpu.memory_space<vmem>>, vector<1x16xf32>,
          %swap3A_420 = vector.shape_cast %swap3A_419 : vector<1x16xf32> to vector<16xf32>
          %swap3A_421 = vector.shape_cast %mul3A_416 : vector<16xf32> to vector<1x16xf32>
          tpu.vector_store %arg10[%swap3A_417, %swap3A_418], %swap3A_421 {strides = array<i32>} : memref<128x32xf32, #tpu.memory_space<vmem>>, vector<1x16xf32>,
          %scan3A_422 = arith.constant 5 : i32
          %scan3A_423 = arith.addi %scan3A_253, %scan3A_422 : i32
          %mul3A_424 = arith.constant 1 : i32
          %mul3A_425 = arith.muli %scan3A_423, %mul3A_424 : i32
          %add3A_426 = arith.constant 0 : i32
          %add3A_427 = arith.addi %add3A_426, %mul3A_425 : i32
          %get3A_428 = arith.index_cast %add3A_427 : i32 to index
          %get3A_429 = arith.constant 0 : index
          %get3A_430 = tpu.vector_load %arg10[%get3A_428, %get3A_429] {strides = array<i32>} : memref<128x32xf32, #tpu.memory_space<vmem>>, vector<1x16xf32>,
          %get3A_431 = vector.shape_cast %get3A_430 : vector<1x16xf32> to vector<16xf32>
          %get3A_432 = arith.index_cast %add3A_427 : i32 to index
          %get3A_433 = arith.constant 0 : index
          %get3A_434 = tpu.vector_load %arg11[%get3A_432, %get3A_433] {strides = array<i32>} : memref<128x32xf32, #tpu.memory_space<vmem>>, vector<1x16xf32>,
          %get3A_435 = vector.shape_cast %get3A_434 : vector<1x16xf32> to vector<16xf32>
          %mul3A_436 = arith.mulf %get3A_431, %get3A_435 : vector<16xf32>
          %swap3A_437 = arith.index_cast %add3A_427 : i32 to index
          %swap3A_438 = arith.constant 0 : index
          %swap3A_439 = tpu.vector_load %arg10[%swap3A_437, %swap3A_438] {strides = array<i32>} : memref<128x32xf32, #tpu.memory_space<vmem>>, vector<1x16xf32>,
          %swap3A_440 = vector.shape_cast %swap3A_439 : vector<1x16xf32> to vector<16xf32>
          %swap3A_441 = vector.shape_cast %mul3A_436 : vector<16xf32> to vector<1x16xf32>
          tpu.vector_store %arg10[%swap3A_437, %swap3A_438], %swap3A_441 {strides = array<i32>} : memref<128x32xf32, #tpu.memory_space<vmem>>, vector<1x16xf32>,
          %get3A_442 = arith.index_cast %add3A_427 : i32 to index
          %get3A_443 = arith.constant 16 : index
          %get3A_444 = tpu.vector_load %arg10[%get3A_442, %get3A_443] {strides = array<i32>} : memref<128x32xf32, #tpu.memory_space<vmem>>, vector<1x16xf32>,
          %get3A_445 = vector.shape_cast %get3A_444 : vector<1x16xf32> to vector<16xf32>
          %get3A_446 = arith.index_cast %add3A_427 : i32 to index
          %get3A_447 = arith.constant 16 : index
          %get3A_448 = tpu.vector_load %arg11[%get3A_446, %get3A_447] {strides = array<i32>} : memref<128x32xf32, #tpu.memory_space<vmem>>, vector<1x16xf32>,
          %get3A_449 = vector.shape_cast %get3A_448 : vector<1x16xf32> to vector<16xf32>
          %mul3A_450 = arith.mulf %get3A_445, %get3A_449 : vector<16xf32>
          %swap3A_451 = arith.index_cast %add3A_427 : i32 to index
          %swap3A_452 = arith.constant 16 : index
          %swap3A_453 = tpu.vector_load %arg10[%swap3A_451, %swap3A_452] {strides = array<i32>} : memref<128x32xf32, #tpu.memory_space<vmem>>, vector<1x16xf32>,
          %swap3A_454 = vector.shape_cast %swap3A_453 : vector<1x16xf32> to vector<16xf32>
          %swap3A_455 = vector.shape_cast %mul3A_450 : vector<16xf32> to vector<1x16xf32>
          tpu.vector_store %arg10[%swap3A_451, %swap3A_452], %swap3A_455 {strides = array<i32>} : memref<128x32xf32, #tpu.memory_space<vmem>>, vector<1x16xf32>,
          %scan3A_456 = arith.constant 6 : i32
          %scan3A_457 = arith.addi %scan3A_253, %scan3A_456 : i32
          %mul3A_458 = arith.constant 1 : i32
          %mul3A_459 = arith.muli %scan3A_457, %mul3A_458 : i32
          %add3A_460 = arith.constant 0 : i32
          %add3A_461 = arith.addi %add3A_460, %mul3A_459 : i32
          %get3A_462 = arith.index_cast %add3A_461 : i32 to index
          %get3A_463 = arith.constant 0 : index
          %get3A_464 = tpu.vector_load %arg10[%get3A_462, %get3A_463] {strides = array<i32>} : memref<128x32xf32, #tpu.memory_space<vmem>>, vector<1x16xf32>,
          %get3A_465 = vector.shape_cast %get3A_464 : vector<1x16xf32> to vector<16xf32>
          %get3A_466 = arith.index_cast %add3A_461 : i32 to index
          %get3A_467 = arith.constant 0 : index
          %get3A_468 = tpu.vector_load %arg11[%get3A_466, %get3A_467] {strides = array<i32>} : memref<128x32xf32, #tpu.memory_space<vmem>>, vector<1x16xf32>,
          %get3A_469 = vector.shape_cast %get3A_468 : vector<1x16xf32> to vector<16xf32>
          %mul3A_470 = arith.mulf %get3A_465, %get3A_469 : vector<16xf32>
          %swap3A_471 = arith.index_cast %add3A_461 : i32 to index
          %swap3A_472 = arith.constant 0 : index
          %swap3A_473 = tpu.vector_load %arg10[%swap3A_471, %swap3A_472] {strides = array<i32>} : memref<128x32xf32, #tpu.memory_space<vmem>>, vector<1x16xf32>,
          %swap3A_474 = vector.shape_cast %swap3A_473 : vector<1x16xf32> to vector<16xf32>
          %swap3A_475 = vector.shape_cast %mul3A_470 : vector<16xf32> to vector<1x16xf32>
          tpu.vector_store %arg10[%swap3A_471, %swap3A_472], %swap3A_475 {strides = array<i32>} : memref<128x32xf32, #tpu.memory_space<vmem>>, vector<1x16xf32>,
          %get3A_476 = arith.index_cast %add3A_461 : i32 to index
          %get3A_477 = arith.constant 16 : index
          %get3A_478 = tpu.vector_load %arg10[%get3A_476, %get3A_477] {strides = array<i32>} : memref<128x32xf32, #tpu.memory_space<vmem>>, vector<1x16xf32>,
          %get3A_479 = vector.shape_cast %get3A_478 : vector<1x16xf32> to vector<16xf32>
          %get3A_480 = arith.index_cast %add3A_461 : i32 to index
          %get3A_481 = arith.constant 16 : index
          %get3A_482 = tpu.vector_load %arg11[%get3A_480, %get3A_481] {strides = array<i32>} : memref<128x32xf32, #tpu.memory_space<vmem>>, vector<1x16xf32>,
          %get3A_483 = vector.shape_cast %get3A_482 : vector<1x16xf32> to vector<16xf32>
          %mul3A_484 = arith.mulf %get3A_479, %get3A_483 : vector<16xf32>
          %swap3A_485 = arith.index_cast %add3A_461 : i32 to index
          %swap3A_486 = arith.constant 16 : index
          %swap3A_487 = tpu.vector_load %arg10[%swap3A_485, %swap3A_486] {strides = array<i32>} : memref<128x32xf32, #tpu.memory_space<vmem>>, vector<1x16xf32>,
          %swap3A_488 = vector.shape_cast %swap3A_487 : vector<1x16xf32> to vector<16xf32>
          %swap3A_489 = vector.shape_cast %mul3A_484 : vector<16xf32> to vector<1x16xf32>
          tpu.vector_store %arg10[%swap3A_485, %swap3A_486], %swap3A_489 {strides = array<i32>} : memref<128x32xf32, #tpu.memory_space<vmem>>, vector<1x16xf32>,
          %scan3A_490 = arith.constant 7 : i32
          %scan3A_491 = arith.addi %scan3A_253, %scan3A_490 : i32
          %mul3A_492 = arith.constant 1 : i32
          %mul3A_493 = arith.muli %scan3A_491, %mul3A_492 : i32
          %add3A_494 = arith.constant 0 : i32
          %add3A_495 = arith.addi %add3A_494, %mul3A_493 : i32
          %get3A_496 = arith.index_cast %add3A_495 : i32 to index
          %get3A_497 = arith.constant 0 : index
          %get3A_498 = tpu.vector_load %arg10[%get3A_496, %get3A_497] {strides = array<i32>} : memref<128x32xf32, #tpu.memory_space<vmem>>, vector<1x16xf32>,
          %get3A_499 = vector.shape_cast %get3A_498 : vector<1x16xf32> to vector<16xf32>
          %get3A_500 = arith.index_cast %add3A_495 : i32 to index
          %get3A_501 = arith.constant 0 : index
          %get3A_502 = tpu.vector_load %arg11[%get3A_500, %get3A_501] {strides = array<i32>} : memref<128x32xf32, #tpu.memory_space<vmem>>, vector<1x16xf32>,
          %get3A_503 = vector.shape_cast %get3A_502 : vector<1x16xf32> to vector<16xf32>
          %mul3A_504 = arith.mulf %get3A_499, %get3A_503 : vector<16xf32>
          %swap3A_505 = arith.index_cast %add3A_495 : i32 to index
          %swap3A_506 = arith.constant 0 : index
          %swap3A_507 = tpu.vector_load %arg10[%swap3A_505, %swap3A_506] {strides = array<i32>} : memref<128x32xf32, #tpu.memory_space<vmem>>, vector<1x16xf32>,
          %swap3A_508 = vector.shape_cast %swap3A_507 : vector<1x16xf32> to vector<16xf32>
          %swap3A_509 = vector.shape_cast %mul3A_504 : vector<16xf32> to vector<1x16xf32>
          tpu.vector_store %arg10[%swap3A_505, %swap3A_506], %swap3A_509 {strides = array<i32>} : memref<128x32xf32, #tpu.memory_space<vmem>>, vector<1x16xf32>,
          %get3A_510 = arith.index_cast %add3A_495 : i32 to index
          %get3A_511 = arith.constant 16 : index
          %get3A_512 = tpu.vector_load %arg10[%get3A_510, %get3A_511] {strides = array<i32>} : memref<128x32xf32, #tpu.memory_space<vmem>>, vector<1x16xf32>,
          %get3A_513 = vector.shape_cast %get3A_512 : vector<1x16xf32> to vector<16xf32>
          %get3A_514 = arith.index_cast %add3A_495 : i32 to index
          %get3A_515 = arith.constant 16 : index
          %get3A_516 = tpu.vector_load %arg11[%get3A_514, %get3A_515] {strides = array<i32>} : memref<128x32xf32, #tpu.memory_space<vmem>>, vector<1x16xf32>,
          %get3A_517 = vector.shape_cast %get3A_516 : vector<1x16xf32> to vector<16xf32>
          %mul3A_518 = arith.mulf %get3A_513, %get3A_517 : vector<16xf32>
          %swap3A_519 = arith.index_cast %add3A_495 : i32 to index
          %swap3A_520 = arith.constant 16 : index
          %swap3A_521 = tpu.vector_load %arg10[%swap3A_519, %swap3A_520] {strides = array<i32>} : memref<128x32xf32, #tpu.memory_space<vmem>>, vector<1x16xf32>,
          %swap3A_522 = vector.shape_cast %swap3A_521 : vector<1x16xf32> to vector<16xf32>
          %swap3A_523 = vector.shape_cast %mul3A_518 : vector<16xf32> to vector<1x16xf32>
          tpu.vector_store %arg10[%swap3A_519, %swap3A_520], %swap3A_523 {strides = array<i32>} : memref<128x32xf32, #tpu.memory_space<vmem>>, vector<1x16xf32>,
        }
        %scan3A_195 = arith.constant 128 : i32
        %get3A = arith.constant 0 : index
        %get3A_196 = tpu.vector_load %arg7[%get3A] {strides = array<i32>} : memref<128xi32, #tpu.memory_space<vmem>>, vector<16xi32>,
        %get3A_197 = vector.shape_cast %get3A_196 : vector<16xi32> to vector<16xi32>
        %swap3A = arith.constant 0 : index
        %swap3A_198 = tpu.vector_load %arg8[%swap3A] {strides = array<i32>} : memref<128xi32, #tpu.memory_space<vmem>>, vector<16xi32>,
        %swap3A_199 = vector.shape_cast %swap3A_198 : vector<16xi32> to vector<16xi32>
        %swap3A_200 = vector.shape_cast %get3A_197 : vector<16xi32> to vector<16xi32>
        tpu.vector_store %arg8[%swap3A], %swap3A_200 {strides = array<i32>} : memref<128xi32, #tpu.memory_space<vmem>>, vector<16xi32>,
        %get3A_201 = arith.constant 16 : index
        %get3A_202 = tpu.vector_load %arg7[%get3A_201] {strides = array<i32>} : memref<128xi32, #tpu.memory_space<vmem>>, vector<16xi32>,
        %get3A_203 = vector.shape_cast %get3A_202 : vector<16xi32> to vector<16xi32>
        %swap3A_204 = arith.constant 16 : index
        %swap3A_205 = tpu.vector_load %arg8[%swap3A_204] {strides = array<i32>} : memref<128xi32, #tpu.memory_space<vmem>>, vector<16xi32>,
        %swap3A_206 = vector.shape_cast %swap3A_205 : vector<16xi32> to vector<16xi32>
        %swap3A_207 = vector.shape_cast %get3A_203 : vector<16xi32> to vector<16xi32>
        tpu.vector_store %arg8[%swap3A_204], %swap3A_207 {strides = array<i32>} : memref<128xi32, #tpu.memory_space<vmem>>, vector<16xi32>,
        %get3A_208 = arith.constant 32 : index
        %get3A_209 = tpu.vector_load %arg7[%get3A_208] {strides = array<i32>} : memref<128xi32, #tpu.memory_space<vmem>>, vector<16xi32>,
        %get3A_210 = vector.shape_cast %get3A_209 : vector<16xi32> to vector<16xi32>
        %swap3A_211 = arith.constant 32 : index
        %swap3A_212 = tpu.vector_load %arg8[%swap3A_211] {strides = array<i32>} : memref<128xi32, #tpu.memory_space<vmem>>, vector<16xi32>,
        %swap3A_213 = vector.shape_cast %swap3A_212 : vector<16xi32> to vector<16xi32>
        %swap3A_214 = vector.shape_cast %get3A_210 : vector<16xi32> to vector<16xi32>
        tpu.vector_store %arg8[%swap3A_211], %swap3A_214 {strides = array<i32>} : memref<128xi32, #tpu.memory_space<vmem>>, vector<16xi32>,
        %get3A_215 = arith.constant 48 : index
        %get3A_216 = tpu.vector_load %arg7[%get3A_215] {strides = array<i32>} : memref<128xi32, #tpu.memory_space<vmem>>, vector<16xi32>,
        %get3A_217 = vector.shape_cast %get3A_216 : vector<16xi32> to vector<16xi32>
        %swap3A_218 = arith.constant 48 : index
        %swap3A_219 = tpu.vector_load %arg8[%swap3A_218] {strides = array<i32>} : memref<128xi32, #tpu.memory_space<vmem>>, vector<16xi32>,
        %swap3A_220 = vector.shape_cast %swap3A_219 : vector<16xi32> to vector<16xi32>
        %swap3A_221 = vector.shape_cast %get3A_217 : vector<16xi32> to vector<16xi32>
        tpu.vector_store %arg8[%swap3A_218], %swap3A_221 {strides = array<i32>} : memref<128xi32, #tpu.memory_space<vmem>>, vector<16xi32>,
        %get3A_222 = arith.constant 64 : index
        %get3A_223 = tpu.vector_load %arg7[%get3A_222] {strides = array<i32>} : memref<128xi32, #tpu.memory_space<vmem>>, vector<16xi32>,
        %get3A_224 = vector.shape_cast %get3A_223 : vector<16xi32> to vector<16xi32>
        %swap3A_225 = arith.constant 64 : index
        %swap3A_226 = tpu.vector_load %arg8[%swap3A_225] {strides = array<i32>} : memref<128xi32, #tpu.memory_space<vmem>>, vector<16xi32>,
        %swap3A_227 = vector.shape_cast %swap3A_226 : vector<16xi32> to vector<16xi32>
        %swap3A_228 = vector.shape_cast %get3A_224 : vector<16xi32> to vector<16xi32>
        tpu.vector_store %arg8[%swap3A_225], %swap3A_228 {strides = array<i32>} : memref<128xi32, #tpu.memory_space<vmem>>, vector<16xi32>,
        %get3A_229 = arith.constant 80 : index
        %get3A_230 = tpu.vector_load %arg7[%get3A_229] {strides = array<i32>} : memref<128xi32, #tpu.memory_space<vmem>>, vector<16xi32>,
        %get3A_231 = vector.shape_cast %get3A_230 : vector<16xi32> to vector<16xi32>
        %swap3A_232 = arith.constant 80 : index
        %swap3A_233 = tpu.vector_load %arg8[%swap3A_232] {strides = array<i32>} : memref<128xi32, #tpu.memory_space<vmem>>, vector<16xi32>,
        %swap3A_234 = vector.shape_cast %swap3A_233 : vector<16xi32> to vector<16xi32>
        %swap3A_235 = vector.shape_cast %get3A_231 : vector<16xi32> to vector<16xi32>
        tpu.vector_store %arg8[%swap3A_232], %swap3A_235 {strides = array<i32>} : memref<128xi32, #tpu.memory_space<vmem>>, vector<16xi32>,
        %get3A_236 = arith.constant 96 : index
        %get3A_237 = tpu.vector_load %arg7[%get3A_236] {strides = array<i32>} : memref<128xi32, #tpu.memory_space<vmem>>, vector<16xi32>,
        %get3A_238 = vector.shape_cast %get3A_237 : vector<16xi32> to vector<16xi32>
        %swap3A_239 = arith.constant 96 : index
        %swap3A_240 = tpu.vector_load %arg8[%swap3A_239] {strides = array<i32>} : memref<128xi32, #tpu.memory_space<vmem>>, vector<16xi32>,
        %swap3A_241 = vector.shape_cast %swap3A_240 : vector<16xi32> to vector<16xi32>
        %swap3A_242 = vector.shape_cast %get3A_238 : vector<16xi32> to vector<16xi32>
        tpu.vector_store %arg8[%swap3A_239], %swap3A_242 {strides = array<i32>} : memref<128xi32, #tpu.memory_space<vmem>>, vector<16xi32>,
        %get3A_243 = arith.constant 112 : index
        %get3A_244 = tpu.vector_load %arg7[%get3A_243] {strides = array<i32>} : memref<128xi32, #tpu.memory_space<vmem>>, vector<16xi32>,
        %get3A_245 = vector.shape_cast %get3A_244 : vector<16xi32> to vector<16xi32>
        %swap3A_246 = arith.constant 112 : index
        %swap3A_247 = tpu.vector_load %arg8[%swap3A_246] {strides = array<i32>} : memref<128xi32, #tpu.memory_space<vmem>>, vector<16xi32>,
        %swap3A_248 = vector.shape_cast %swap3A_247 : vector<16xi32> to vector<16xi32>
        %swap3A_249 = vector.shape_cast %get3A_245 : vector<16xi32> to vector<16xi32>
        tpu.vector_store %arg8[%swap3A_246], %swap3A_249 {strides = array<i32>} : memref<128xi32, #tpu.memory_space<vmem>>, vector<16xi32>,
        %dma_start3A_250 = arith.constant 0 : i32
        %dma_start3A_251 = arith.constant 0 : i32
        %dma_start3A_252 = tpu.memref_slice %arg25[%dma_start3A_250, %dma_start3A_251] : memref<50000x32xf32, #tpu.memory_space<vmem_shared>> -> memref<50000x32xf32, #tpu.memory_space<vmem_shared>>
        tpu.enqueue_indirect_dma source(%arg10 : memref<128x32xf32, #tpu.memory_space<vmem>>) target(%dma_start3A_252 : memref<50000x32xf32, #tpu.memory_space<vmem_shared>>) offsets(%arg8 : memref<128xi32, #tpu.memory_space<vmem>>) semaphore(%arg15 : memref<!tpu.dma_semaphore, #tpu.memory_space<semaphore_mem>>) {add = true}
      } else {
      }
      %add3A_158 = arith.constant 1 : i32
      %add3A_159 = arith.addi %add3A_109, %add3A_158 : i32
      %ge3A_160 = arith.constant 0 : i32
      %ge3A_161 = arith.cmpi sge, %add3A_159, %ge3A_160 : i32
      %mul3A_162 = arith.constant 16 : i32
      %mul3A_163 = arith.muli %add3A_159, %mul3A_162 : i32
      %add3A_164 = arith.addi %arg1, %mul3A_163 : i32
      %lt3A_165 = arith.constant 6250 : i32
      %lt3A_166 = arith.cmpi slt, %add3A_164, %lt3A_165 : i32
      %and3A_167 = arith.andi %ge3A_161, %lt3A_166 : i1
      %convert_element_type3A_168 = arith.extui %and3A_167 : i1 to i32
      %cond3A_169 = arith.constant 0 : i32
      %cond3A_170 = arith.cmpi ne, %convert_element_type3A_168, %cond3A_169 : i32
      scf.if %cond3A_170 {
        %add3A_171 = arith.constant 1 : i32
        %add3A_172 = arith.addi %add3A_109, %add3A_171 : i32
        %mul3A_173 = arith.constant 16 : i32
        %mul3A_174 = arith.muli %add3A_172, %mul3A_173 : i32
        %add3A_175 = arith.addi %arg1, %mul3A_174 : i32
        %ge3A_176 = arith.constant 0 : i32
        %ge3A_177 = arith.cmpi sge, %add3A_172, %ge3A_176 : i32
        %mul3A_178 = arith.constant 16 : i32
        %mul3A_179 = arith.muli %add3A_172, %mul3A_178 : i32
        %add3A_180 = arith.addi %arg1, %mul3A_179 : i32
        %lt3A_181 = arith.constant 6250 : i32
        %lt3A_182 = arith.cmpi slt, %add3A_180, %lt3A_181 : i32
        %and3A_183 = arith.andi %ge3A_177, %lt3A_182 : i1
        %jit3A_184 = arith.constant 0 : i32
        %select_n3A_185 = arith.select %and3A_183, %add3A_175, %jit3A_184 : i32
        %mul3A_186 = arith.constant 128 : i32
        %mul3A_187 = arith.muli %select_n3A_185, %mul3A_186 : i32
        %multiple_of3A_188 = tpu.assume_multiple %mul3A_187, 128 : i32
        %dma_start3A_189 = arith.constant 0 : i32
        %dma_start3A_190 = tpu.memref_slice %arg2[%dma_start3A_189, %multiple_of3A_188] : memref<2x800000xi32, #tpu.memory_space<hbm>> -> memref<1x128xi32, #tpu.memory_space<hbm>>
        %dma_start3A_191 = tpu.memref_squeeze %dma_start3A_190 : memref<1x128xi32, #tpu.memory_space<hbm>> -> memref<128xi32, #tpu.memory_space<hbm>>
        %dma_start3A_192 = tpu.memref_slice %arg2[%dma_start3A_189, %multiple_of3A_188] : memref<2x800000xi32, #tpu.memory_space<hbm>> -> memref<1x128xi32, #tpu.memory_space<hbm>>
        %dma_start3A_193 = tpu.memref_squeeze %dma_start3A_192 : memref<1x128xi32, #tpu.memory_space<hbm>> -> memref<128xi32, #tpu.memory_space<hbm>>
        tpu.enqueue_dma source(%dma_start3A_193 : memref<128xi32, #tpu.memory_space<hbm>>) target(%arg7 : memref<128xi32, #tpu.memory_space<vmem>>) target_semaphore(%arg12 : memref<!tpu.dma_semaphore, #tpu.memory_space<semaphore_mem>>)
        %dma_start3A_194 = arith.constant 1 : i32
        %dma_start3A_195 = tpu.memref_slice %arg2[%dma_start3A_194, %multiple_of3A_188] : memref<2x800000xi32, #tpu.memory_space<hbm>> -> memref<1x128xi32, #tpu.memory_space<hbm>>
        %dma_start3A_196 = tpu.memref_squeeze %dma_start3A_195 : memref<1x128xi32, #tpu.memory_space<hbm>> -> memref<128xi32, #tpu.memory_space<hbm>>
        %dma_start3A_197 = tpu.memref_slice %arg2[%dma_start3A_194, %multiple_of3A_188] : memref<2x800000xi32, #tpu.memory_space<hbm>> -> memref<1x128xi32, #tpu.memory_space<hbm>>
        %dma_start3A_198 = tpu.memref_squeeze %dma_start3A_197 : memref<1x128xi32, #tpu.memory_space<hbm>> -> memref<128xi32, #tpu.memory_space<hbm>>
        tpu.enqueue_dma source(%dma_start3A_198 : memref<128xi32, #tpu.memory_space<hbm>>) target(%arg9 : memref<128xi32, #tpu.memory_space<vmem>>) target_semaphore(%arg12 : memref<!tpu.dma_semaphore, #tpu.memory_space<semaphore_mem>>)
      } else {
      }
    }
    %scan3A_28 = arith.constant 197 : i32
    %barrier3A_29 = arith.constant 0 : index
    tpu.barrier barrier_id(%barrier3A_29)
    %lt3A_30 = arith.constant 15 : i32
    %lt3A_31 = arith.cmpi slt, %arg1, %lt3A_30 : i32
    %convert_element_type3A_32 = arith.extui %lt3A_31 : i1 to i32
    %cond3A_33 = arith.constant 0 : i32
    %cond3A_34 = arith.cmpi ne, %convert_element_type3A_32, %cond3A_33 : i32
    scf.if %cond3A_34 {
      "tpu.region"() ({
        %run_scoped3A = tpu.sem_alloc : memref<!tpu.dma_semaphore, #tpu.memory_space<semaphore_mem>>
        %dma_start3A_40 = arith.constant 0 : i32
        %dma_start3A_41 = arith.constant 0 : i32
        %dma_start3A_42 = tpu.memref_slice %arg6[%arg0, %dma_start3A_40, %dma_start3A_41] : memref<2x50000x32xf32, #tpu.memory_space<hbm>> -> memref<1x50000x32xf32, #tpu.memory_space<hbm>>
        %dma_start3A_43 = tpu.memref_squeeze %dma_start3A_42 : memref<1x50000x32xf32, #tpu.memory_space<hbm>> -> memref<50000x32xf32, #tpu.memory_space<hbm>>
        %dma_start3A_44 = arith.constant 0 : i32
        %dma_start3A_45 = tpu.memref_slice %dma_start3A_43[%multiple_of3A, %dma_start3A_44] : memref<50000x32xf32, #tpu.memory_space<hbm>> -> memref<3128x32xf32, #tpu.memory_space<hbm>>
        %dma_start3A_46 = arith.constant 0 : i32
        %dma_start3A_47 = tpu.memref_slice %arg25[%multiple_of3A, %dma_start3A_46] : memref<50000x32xf32, #tpu.memory_space<vmem_shared>> -> memref<3128x32xf32, #tpu.memory_space<vmem_shared>>
        tpu.enqueue_dma source(%dma_start3A_47 : memref<3128x32xf32, #tpu.memory_space<vmem_shared>>) target(%dma_start3A_45 : memref<3128x32xf32, #tpu.memory_space<hbm>>) target_semaphore(%run_scoped3A : memref<!tpu.dma_semaphore, #tpu.memory_space<semaphore_mem>>)
        %dma_wait3A = arith.constant 0 : i32
        %dma_wait3A_48 = arith.constant 0 : i32
        %dma_wait3A_49 = tpu.memref_slice %arg6[%arg0, %dma_wait3A, %dma_wait3A_48] : memref<2x50000x32xf32, #tpu.memory_space<hbm>> -> memref<1x50000x32xf32, #tpu.memory_space<hbm>>
        %dma_wait3A_50 = tpu.memref_squeeze %dma_wait3A_49 : memref<1x50000x32xf32, #tpu.memory_space<hbm>> -> memref<50000x32xf32, #tpu.memory_space<hbm>>
        %dma_wait3A_51 = arith.constant 0 : i32
        %dma_wait3A_52 = tpu.memref_slice %dma_wait3A_50[%multiple_of3A, %dma_wait3A_51] : memref<50000x32xf32, #tpu.memory_space<hbm>> -> memref<3128x32xf32, #tpu.memory_space<hbm>>
        %dma_wait3A_53 = arith.constant 0 : i32
        %dma_wait3A_54 = tpu.memref_slice %arg25[%multiple_of3A, %dma_wait3A_53] : memref<50000x32xf32, #tpu.memory_space<vmem_shared>> -> memref<3128x32xf32, #tpu.memory_space<vmem_shared>>
        tpu.wait_dma2 semaphore(%run_scoped3A : memref<!tpu.dma_semaphore, #tpu.memory_space<semaphore_mem>>) src(%dma_wait3A_54 : memref<3128x32xf32, #tpu.memory_space<vmem_shared>>) dst(%dma_wait3A_52 : memref<3128x32xf32, #tpu.memory_space<hbm>>)
        tpu.yield
      }) : () -> ()
    } else {
    }
    %eq3A_35 = arith.constant 15 : i32
    %eq3A_36 = arith.cmpi eq, %arg1, %eq3A_35 : i32
    %convert_element_type3A_37 = arith.extui %eq3A_36 : i1 to i32
    %cond3A_38 = arith.constant 0 : i32
    %cond3A_39 = arith.cmpi ne, %convert_element_type3A_37, %cond3A_38 : i32
    scf.if %cond3A_39 {
      "tpu.region"() ({
        %run_scoped3A = tpu.sem_alloc : memref<!tpu.dma_semaphore, #tpu.memory_space<semaphore_mem>>
        %dma_start3A_40 = arith.constant 0 : i32
        %dma_start3A_41 = arith.constant 0 : i32
        %dma_start3A_42 = tpu.memref_slice %arg6[%arg0, %dma_start3A_40, %dma_start3A_41] : memref<2x50000x32xf32, #tpu.memory_space<hbm>> -> memref<1x50000x32xf32, #tpu.memory_space<hbm>>
        %dma_start3A_43 = tpu.memref_squeeze %dma_start3A_42 : memref<1x50000x32xf32, #tpu.memory_space<hbm>> -> memref<50000x32xf32, #tpu.memory_space<hbm>>
        %dma_start3A_44 = arith.constant 0 : i32
        %dma_start3A_45 = tpu.memref_slice %dma_start3A_43[%multiple_of3A, %dma_start3A_44] : memref<50000x32xf32, #tpu.memory_space<hbm>> -> memref<3080x32xf32, #tpu.memory_space<hbm>>
        %dma_start3A_46 = arith.constant 0 : i32
        %dma_start3A_47 = tpu.memref_slice %arg25[%multiple_of3A, %dma_start3A_46] : memref<50000x32xf32, #tpu.memory_space<vmem_shared>> -> memref<3080x32xf32, #tpu.memory_space<vmem_shared>>
        tpu.enqueue_dma source(%dma_start3A_47 : memref<3080x32xf32, #tpu.memory_space<vmem_shared>>) target(%dma_start3A_45 : memref<3080x32xf32, #tpu.memory_space<hbm>>) target_semaphore(%run_scoped3A : memref<!tpu.dma_semaphore, #tpu.memory_space<semaphore_mem>>)
        %dma_wait3A = arith.constant 0 : i32
        %dma_wait3A_48 = arith.constant 0 : i32
        %dma_wait3A_49 = tpu.memref_slice %arg6[%arg0, %dma_wait3A, %dma_wait3A_48] : memref<2x50000x32xf32, #tpu.memory_space<hbm>> -> memref<1x50000x32xf32, #tpu.memory_space<hbm>>
        %dma_wait3A_50 = tpu.memref_squeeze %dma_wait3A_49 : memref<1x50000x32xf32, #tpu.memory_space<hbm>> -> memref<50000x32xf32, #tpu.memory_space<hbm>>
        %dma_wait3A_51 = arith.constant 0 : i32
        %dma_wait3A_52 = tpu.memref_slice %dma_wait3A_50[%multiple_of3A, %dma_wait3A_51] : memref<50000x32xf32, #tpu.memory_space<hbm>> -> memref<3080x32xf32, #tpu.memory_space<hbm>>
        %dma_wait3A_53 = arith.constant 0 : i32
        %dma_wait3A_54 = tpu.memref_slice %arg25[%multiple_of3A, %dma_wait3A_53] : memref<50000x32xf32, #tpu.memory_space<vmem_shared>> -> memref<3080x32xf32, #tpu.memory_space<vmem_shared>>
        tpu.wait_dma2 semaphore(%run_scoped3A : memref<!tpu.dma_semaphore, #tpu.memory_space<semaphore_mem>>) src(%dma_wait3A_54 : memref<3080x32xf32, #tpu.memory_space<vmem_shared>>) dst(%dma_wait3A_52 : memref<3080x32xf32, #tpu.memory_space<hbm>>)
        tpu.yield
      }) : () -> ()
    } else {
    }
    return
  }
}

module attributes {stable_mosaic.version = 14 : i64} {
  func.func @_tc_emb_body(%arg0: i32, %arg1: memref<2000x1xi32, #tpu.memory_space<vmem>>, %arg2: memref<100x64xf32, #tpu.memory_space<vmem>>, %arg3: memref<2x2000x32xf32, #tpu.memory_space<vmem>>) attributes {dimension_semantics = [#tpu.dimension_semantics<arbitrary>], iteration_bounds = array<i64: 25>, scalar_prefetch = 0 : i64, scratch_operands = 0 : i64, tpu.core_type = #tpu.core_type<tc>, window_params = [{transform_indices = @transform_0, window_bounds = array<i64: 2000, 1>}, {pipeline_mode = #tpu.pipeline_mode<synchronous>, transform_indices = @transform_1, window_bounds = array<i64: 100, 64>}, {transform_indices = @transform_2, window_bounds = array<i64: 2, 2000, 32>}]} {
    %get3A = arith.constant 0 : index
    %get3A_0 = arith.constant 0 : index
    %get3A_1 = vector.load %arg1[%get3A, %get3A_0] : memref<2000x1xi32, #tpu.memory_space<vmem>>, vector<2000x1xi32>
    %iota3A = tpu.iota {dimensions = array<i32: 1>} : vector<2000x100xi32>
    %eq3A = vector.broadcast %get3A_1 : vector<2000x1xi32> to vector<2000x100xi32>
    %eq3A_2 = arith.cmpi eq, %eq3A, %iota3A : vector<2000x100xi32>
    %convert_element_type3A = arith.extui %eq3A_2 : vector<2000x100xi1> to vector<2000x100xi32>
    %convert_element_type3A_3 = arith.sitofp %convert_element_type3A : vector<2000x100xi32> to vector<2000x100xf32>
    %get3A_4 = arith.constant 0 : index
    %get3A_5 = arith.constant 0 : index
    %get3A_6 = vector.load %arg2[%get3A_4, %get3A_5] : memref<100x64xf32, #tpu.memory_space<vmem>>, vector<100x64xf32>
    %dot_general3A = arith.constant dense<0.000000e+00> : vector<2000x64xf32>
    %dot_general3A_7 = tpu.matmul %convert_element_type3A_3, %get3A_6, %dot_general3A {dimension_numbers = #tpu.dot_dimension_numbers<[1], [0], [0], [1], [0, 0, 1, 1], [], []>, transpose_lhs_hint = false} : vector<2000x100xf32>, vector<100x64xf32>, vector<2000x64xf32> -> vector<2000x64xf32>
    %slice3A = vector.extract_strided_slice %dot_general3A_7 {offsets = [0, 0], sizes = [2000, 32], strides = [1, 1]} : vector<2000x64xf32> to vector<2000x32xf32>
    %swap3A = arith.constant 0 : index
    %swap3A_8 = arith.constant 0 : index
    %swap3A_9 = arith.constant 0 : index
    %swap3A_10 = vector.load %arg3[%swap3A, %swap3A_8, %swap3A_9] : memref<2x2000x32xf32, #tpu.memory_space<vmem>>, vector<1x2000x32xf32>
    %swap3A_11 = vector.shape_cast %swap3A_10 : vector<1x2000x32xf32> to vector<2000x32xf32>
    %swap3A_12 = vector.shape_cast %slice3A : vector<2000x32xf32> to vector<1x2000x32xf32>
    tpu.vector_store %arg3[%swap3A, %swap3A_8, %swap3A_9], %swap3A_12 {strides = array<i32>} : memref<2x2000x32xf32, #tpu.memory_space<vmem>>, vector<1x2000x32xf32>,
    %slice3A_13 = vector.extract_strided_slice %dot_general3A_7 {offsets = [0, 32], sizes = [2000, 32], strides = [1, 1]} : vector<2000x64xf32> to vector<2000x32xf32>
    %swap3A_14 = arith.constant 1 : index
    %swap3A_15 = arith.constant 0 : index
    %swap3A_16 = arith.constant 0 : index
    %swap3A_17 = vector.load %arg3[%swap3A_14, %swap3A_15, %swap3A_16] : memref<2x2000x32xf32, #tpu.memory_space<vmem>>, vector<1x2000x32xf32>
    %swap3A_18 = vector.shape_cast %swap3A_17 : vector<1x2000x32xf32> to vector<2000x32xf32>
    %swap3A_19 = vector.shape_cast %slice3A_13 : vector<2000x32xf32> to vector<1x2000x32xf32>
    tpu.vector_store %arg3[%swap3A_14, %swap3A_15, %swap3A_16], %swap3A_19 {strides = array<i32>} : memref<2x2000x32xf32, #tpu.memory_space<vmem>>, vector<1x2000x32xf32>,
    return
  }
  func.func @transform_0(%arg0: i32) -> (i32, i32) {
    %c0_i32 = arith.constant 0 : i32
    %c0_i32_0 = arith.constant 0 : i32
    return %arg0, %c0_i32 : i32, i32
  }
  func.func @transform_1(%arg0: i32) -> (i32, i32) {
    %c0_i32 = arith.constant 0 : i32
    %c0_i32_0 = arith.constant 0 : i32
    %c0_i32_1 = arith.constant 0 : i32
    return %c0_i32, %c0_i32_0 : i32, i32
  }
  func.func @transform_2(%arg0: i32) -> (i32, i32, i32) {
    %c0_i32 = arith.constant 0 : i32
    %c0_i32_0 = arith.constant 0 : i32
    %c0_i32_1 = arith.constant 0 : i32
    return %c0_i32, %arg0, %c0_i32_0 : i32, i32, i32
  }
}

module attributes {stable_mosaic.version = 14 : i64} {
  func.func @_tc_radial_body(%arg0: i32, %arg1: memref<64x128xf32, #tpu.memory_space<vmem>>, %arg2: memref<8x64xf32, #tpu.memory_space<vmem>>, %arg3: memref<1x64xf32, #tpu.memory_space<vmem>>, %arg4: memref<64x64xf32, #tpu.memory_space<vmem>>, %arg5: memref<1x64xf32, #tpu.memory_space<vmem>>, %arg6: memref<64x64xf32, #tpu.memory_space<vmem>>, %arg7: memref<1x64xf32, #tpu.memory_space<vmem>>, %arg8: memref<2x8192x32xf32, #tpu.memory_space<vmem>>) attributes {dimension_semantics = [#tpu.dimension_semantics<arbitrary>], iteration_bounds = array<i64: 100>, scalar_prefetch = 0 : i64, scratch_operands = 0 : i64, tpu.core_type = #tpu.core_type<tc>, window_params = [{transform_indices = @transform_0, window_bounds = array<i64: 64, 128>}, {pipeline_mode = #tpu.pipeline_mode<synchronous>, transform_indices = @transform_1, window_bounds = array<i64: 8, 64>}, {pipeline_mode = #tpu.pipeline_mode<synchronous>, transform_indices = @transform_2, window_bounds = array<i64: 1, 64>}, {pipeline_mode = #tpu.pipeline_mode<synchronous>, transform_indices = @transform_3, window_bounds = array<i64: 64, 64>}, {pipeline_mode = #tpu.pipeline_mode<synchronous>, transform_indices = @transform_4, window_bounds = array<i64: 1, 64>}, {pipeline_mode = #tpu.pipeline_mode<synchronous>, transform_indices = @transform_5, window_bounds = array<i64: 64, 64>}, {pipeline_mode = #tpu.pipeline_mode<synchronous>, transform_indices = @transform_6, window_bounds = array<i64: 1, 64>}, {transform_indices = @transform_7, window_bounds = array<i64: 2, 8192, 32>}]} {
    %get3A = arith.constant 0 : index
    %get3A_0 = arith.constant 0 : index
    %get3A_1 = vector.load %arg1[%get3A, %get3A_0] : memref<64x128xf32, #tpu.memory_space<vmem>>, vector<64x128xf32>
    %sqrt3A = math.sqrt %get3A_1 : vector<64x128xf32>
    %mul3A = arith.constant 0.628318548 : f32
    %mul3A_2 = vector.broadcast %mul3A : f32 to vector<64x128xf32>
    %mul3A_3 = arith.mulf %sqrt3A, %mul3A_2 : vector<64x128xf32>
    %sin3A = math.sin %mul3A_3 : vector<64x128xf32>
    %cos3A = math.cos %mul3A_3 : vector<64x128xf32>
    %add3A = arith.constant 1.000000e+00 : f32
    %add3A_4 = vector.broadcast %add3A : f32 to vector<64x128xf32>
    %add3A_5 = arith.addf %cos3A, %add3A_4 : vector<64x128xf32>
    %mul3A_6 = arith.constant 5.000000e-01 : f32
    %mul3A_7 = vector.broadcast %mul3A_6 : f32 to vector<64x128xf32>
    %mul3A_8 = arith.mulf %mul3A_7, %add3A_5 : vector<64x128xf32>
    %lt3A = arith.constant 5.000000e+00 : f32
    %lt3A_9 = vector.broadcast %lt3A : f32 to vector<64x128xf32>
    %lt3A_10 = arith.cmpf olt, %sqrt3A, %lt3A_9 : vector<64x128xf32>
    %convert_element_type3A = arith.extui %lt3A_10 : vector<64x128xi1> to vector<64x128xi32>
    %convert_element_type3A_11 = arith.sitofp %convert_element_type3A : vector<64x128xi32> to vector<64x128xf32>
    %mul3A_12 = arith.mulf %mul3A_8, %convert_element_type3A_11 : vector<64x128xf32>
    %jit3A = arith.constant 9.99999993E-9 : f32
    %max3A = vector.broadcast %jit3A : f32 to vector<64x128xf32>
    %max3A_13 = arith.maximumf %max3A, %sqrt3A : vector<64x128xf32>
    %div3A = arith.divf %mul3A_12, %max3A_13 : vector<64x128xf32>
    %mul3A_14 = arith.constant 2.000000e+00 : f32
    %mul3A_15 = vector.broadcast %mul3A_14 : f32 to vector<64x128xf32>
    %mul3A_16 = arith.mulf %mul3A_15, %cos3A : vector<64x128xf32>
    %broadcast_in_dim3A = arith.constant 0.000000e+00 : f32
    %broadcast_in_dim3A_17 = vector.broadcast %broadcast_in_dim3A : f32 to vector<64x128xf32>
    %mul3A_18 = arith.mulf %sin3A, %div3A : vector<64x128xf32>
    %mul3A_19 = arith.mulf %mul3A_16, %sin3A : vector<64x128xf32>
    %sub3A = arith.subf %mul3A_19, %broadcast_in_dim3A_17 : vector<64x128xf32>
    %mul3A_20 = arith.mulf %sub3A, %div3A : vector<64x128xf32>
    %mul3A_21 = arith.mulf %mul3A_16, %sub3A : vector<64x128xf32>
    %sub3A_22 = arith.subf %mul3A_21, %sin3A : vector<64x128xf32>
    %mul3A_23 = arith.mulf %sub3A_22, %div3A : vector<64x128xf32>
    %mul3A_24 = arith.mulf %mul3A_16, %sub3A_22 : vector<64x128xf32>
    %sub3A_25 = arith.subf %mul3A_24, %sub3A : vector<64x128xf32>
    %mul3A_26 = arith.mulf %sub3A_25, %div3A : vector<64x128xf32>
    %mul3A_27 = arith.mulf %mul3A_16, %sub3A_25 : vector<64x128xf32>
    %sub3A_28 = arith.subf %mul3A_27, %sub3A_22 : vector<64x128xf32>
    %mul3A_29 = arith.mulf %sub3A_28, %div3A : vector<64x128xf32>
    %mul3A_30 = arith.mulf %mul3A_16, %sub3A_28 : vector<64x128xf32>
    %sub3A_31 = arith.subf %mul3A_30, %sub3A_25 : vector<64x128xf32>
    %mul3A_32 = arith.mulf %sub3A_31, %div3A : vector<64x128xf32>
    %mul3A_33 = arith.mulf %mul3A_16, %sub3A_31 : vector<64x128xf32>
    %sub3A_34 = arith.subf %mul3A_33, %sub3A_28 : vector<64x128xf32>
    %mul3A_35 = arith.mulf %sub3A_34, %div3A : vector<64x128xf32>
    %mul3A_36 = arith.mulf %mul3A_16, %sub3A_34 : vector<64x128xf32>
    %sub3A_37 = arith.subf %mul3A_36, %sub3A_31 : vector<64x128xf32>
    %mul3A_38 = arith.mulf %sub3A_37, %div3A : vector<64x128xf32>
    %stack3A = vector.shape_cast %mul3A_18 : vector<64x128xf32> to vector<1x64x128xf32>
    %stack3A_39 = vector.shape_cast %mul3A_20 : vector<64x128xf32> to vector<1x64x128xf32>
    %stack3A_40 = vector.shape_cast %mul3A_23 : vector<64x128xf32> to vector<1x64x128xf32>
    %stack3A_41 = vector.shape_cast %mul3A_26 : vector<64x128xf32> to vector<1x64x128xf32>
    %stack3A_42 = vector.shape_cast %mul3A_29 : vector<64x128xf32> to vector<1x64x128xf32>
    %stack3A_43 = vector.shape_cast %mul3A_32 : vector<64x128xf32> to vector<1x64x128xf32>
    %stack3A_44 = vector.shape_cast %mul3A_35 : vector<64x128xf32> to vector<1x64x128xf32>
    %stack3A_45 = vector.shape_cast %mul3A_38 : vector<64x128xf32> to vector<1x64x128xf32>
    %stack3A_46 = tpu.concatenate %stack3A, %stack3A_39, %stack3A_40, %stack3A_41, %stack3A_42, %stack3A_43, %stack3A_44, %stack3A_45 in 0 : vector<1x64x128xf32>, vector<1x64x128xf32>, vector<1x64x128xf32>, vector<1x64x128xf32>, vector<1x64x128xf32>, vector<1x64x128xf32>, vector<1x64x128xf32>, vector<1x64x128xf32> -> vector<8x64x128xf32>
    %reshape3A = vector.shape_cast %stack3A_46 : vector<8x64x128xf32> to vector<8x8192xf32>
    %transpose3A = tpu.transpose %reshape3A, [1, 0] : vector<8x8192xf32> -> vector<8192x8xf32>
    %get3A_47 = arith.constant 0 : index
    %get3A_48 = arith.constant 0 : index
    %get3A_49 = vector.load %arg2[%get3A_47, %get3A_48] : memref<8x64xf32, #tpu.memory_space<vmem>>, vector<8x64xf32>
    %dot_general3A = arith.constant dense<0.000000e+00> : vector<8192x64xf32>
    %dot_general3A_50 = tpu.matmul %transpose3A, %get3A_49, %dot_general3A {dimension_numbers = #tpu.dot_dimension_numbers<[1], [0], [0], [1], [0, 0, 1, 1], [], []>, transpose_lhs_hint = false} : vector<8192x8xf32>, vector<8x64xf32>, vector<8192x64xf32> -> vector<8192x64xf32>
    %get3A_51 = arith.constant 0 : index
    %get3A_52 = arith.constant 0 : index
    %get3A_53 = vector.load %arg3[%get3A_51, %get3A_52] : memref<1x64xf32, #tpu.memory_space<vmem>>, vector<1x64xf32>
    %add3A_54 = vector.broadcast %get3A_53 : vector<1x64xf32> to vector<8192x64xf32>
    %add3A_55 = arith.addf %dot_general3A_50, %add3A_54 : vector<8192x64xf32>
    %neg3A = arith.constant 0.000000e+00 : f32
    %neg3A_56 = vector.broadcast %neg3A : f32 to vector<8192x64xf32>
    %neg3A_57 = arith.subf %neg3A_56, %add3A_55 : vector<8192x64xf32>
    %exp3A = math.exp %neg3A_57 : vector<8192x64xf32>
    %add3A_58 = arith.constant 1.000000e+00 : f32
    %add3A_59 = vector.broadcast %add3A_58 : f32 to vector<8192x64xf32>
    %add3A_60 = arith.addf %add3A_59, %exp3A : vector<8192x64xf32>
    %div3A_61 = arith.constant 1.000000e+00 : f32
    %div3A_62 = vector.broadcast %div3A_61 : f32 to vector<8192x64xf32>
    %div3A_63 = arith.divf %div3A_62, %add3A_60 : vector<8192x64xf32>
    %mul3A_64 = arith.mulf %add3A_55, %div3A_63 : vector<8192x64xf32>
    %get3A_65 = arith.constant 0 : index
    %get3A_66 = arith.constant 0 : index
    %get3A_67 = vector.load %arg4[%get3A_65, %get3A_66] : memref<64x64xf32, #tpu.memory_space<vmem>>, vector<64x64xf32>
    %dot_general3A_68 = arith.constant dense<0.000000e+00> : vector<8192x64xf32>
    %dot_general3A_69 = tpu.matmul %mul3A_64, %get3A_67, %dot_general3A_68 {dimension_numbers = #tpu.dot_dimension_numbers<[1], [0], [0], [1], [0, 0, 1, 1], [], []>, transpose_lhs_hint = false} : vector<8192x64xf32>, vector<64x64xf32>, vector<8192x64xf32> -> vector<8192x64xf32>
    %get3A_70 = arith.constant 0 : index
    %get3A_71 = arith.constant 0 : index
    %get3A_72 = vector.load %arg5[%get3A_70, %get3A_71] : memref<1x64xf32, #tpu.memory_space<vmem>>, vector<1x64xf32>
    %add3A_73 = vector.broadcast %get3A_72 : vector<1x64xf32> to vector<8192x64xf32>
    %add3A_74 = arith.addf %dot_general3A_69, %add3A_73 : vector<8192x64xf32>
    %neg3A_75 = arith.constant 0.000000e+00 : f32
    %neg3A_76 = vector.broadcast %neg3A_75 : f32 to vector<8192x64xf32>
    %neg3A_77 = arith.subf %neg3A_76, %add3A_74 : vector<8192x64xf32>
    %exp3A_78 = math.exp %neg3A_77 : vector<8192x64xf32>
    %add3A_79 = arith.constant 1.000000e+00 : f32
    %add3A_80 = vector.broadcast %add3A_79 : f32 to vector<8192x64xf32>
    %add3A_81 = arith.addf %add3A_80, %exp3A_78 : vector<8192x64xf32>
    %div3A_82 = arith.constant 1.000000e+00 : f32
    %div3A_83 = vector.broadcast %div3A_82 : f32 to vector<8192x64xf32>
    %div3A_84 = arith.divf %div3A_83, %add3A_81 : vector<8192x64xf32>
    %mul3A_85 = arith.mulf %add3A_74, %div3A_84 : vector<8192x64xf32>
    %get3A_86 = arith.constant 0 : index
    %get3A_87 = arith.constant 0 : index
    %get3A_88 = vector.load %arg6[%get3A_86, %get3A_87] : memref<64x64xf32, #tpu.memory_space<vmem>>, vector<64x64xf32>
    %dot_general3A_89 = arith.constant dense<0.000000e+00> : vector<8192x64xf32>
    %dot_general3A_90 = tpu.matmul %mul3A_85, %get3A_88, %dot_general3A_89 {dimension_numbers = #tpu.dot_dimension_numbers<[1], [0], [0], [1], [0, 0, 1, 1], [], []>, transpose_lhs_hint = false} : vector<8192x64xf32>, vector<64x64xf32>, vector<8192x64xf32> -> vector<8192x64xf32>
    %get3A_91 = arith.constant 0 : index
    %get3A_92 = arith.constant 0 : index
    %get3A_93 = vector.load %arg7[%get3A_91, %get3A_92] : memref<1x64xf32, #tpu.memory_space<vmem>>, vector<1x64xf32>
    %add3A_94 = vector.broadcast %get3A_93 : vector<1x64xf32> to vector<8192x64xf32>
    %add3A_95 = arith.addf %dot_general3A_90, %add3A_94 : vector<8192x64xf32>
    %slice3A = vector.extract_strided_slice %add3A_95 {offsets = [0, 0], sizes = [8192, 32], strides = [1, 1]} : vector<8192x64xf32> to vector<8192x32xf32>
    %swap3A = arith.constant 0 : index
    %swap3A_96 = arith.constant 0 : index
    %swap3A_97 = arith.constant 0 : index
    %swap3A_98 = vector.load %arg8[%swap3A, %swap3A_96, %swap3A_97] : memref<2x8192x32xf32, #tpu.memory_space<vmem>>, vector<1x8192x32xf32>
    %swap3A_99 = vector.shape_cast %swap3A_98 : vector<1x8192x32xf32> to vector<8192x32xf32>
    %swap3A_100 = vector.shape_cast %slice3A : vector<8192x32xf32> to vector<1x8192x32xf32>
    tpu.vector_store %arg8[%swap3A, %swap3A_96, %swap3A_97], %swap3A_100 {strides = array<i32>} : memref<2x8192x32xf32, #tpu.memory_space<vmem>>, vector<1x8192x32xf32>,
    %slice3A_101 = vector.extract_strided_slice %add3A_95 {offsets = [0, 32], sizes = [8192, 32], strides = [1, 1]} : vector<8192x64xf32> to vector<8192x32xf32>
    %swap3A_102 = arith.constant 1 : index
    %swap3A_103 = arith.constant 0 : index
    %swap3A_104 = arith.constant 0 : index
    %swap3A_105 = vector.load %arg8[%swap3A_102, %swap3A_103, %swap3A_104] : memref<2x8192x32xf32, #tpu.memory_space<vmem>>, vector<1x8192x32xf32>
    %swap3A_106 = vector.shape_cast %swap3A_105 : vector<1x8192x32xf32> to vector<8192x32xf32>
    %swap3A_107 = vector.shape_cast %slice3A_101 : vector<8192x32xf32> to vector<1x8192x32xf32>
    tpu.vector_store %arg8[%swap3A_102, %swap3A_103, %swap3A_104], %swap3A_107 {strides = array<i32>} : memref<2x8192x32xf32, #tpu.memory_space<vmem>>, vector<1x8192x32xf32>,
    return
  }
  func.func @transform_0(%arg0: i32) -> (i32, i32) {
    %c0_i32 = arith.constant 0 : i32
    %c0_i32_0 = arith.constant 0 : i32
    return %arg0, %c0_i32 : i32, i32
  }
  func.func @transform_1(%arg0: i32) -> (i32, i32) {
    %c0_i32 = arith.constant 0 : i32
    %c0_i32_0 = arith.constant 0 : i32
    %c0_i32_1 = arith.constant 0 : i32
    return %c0_i32, %c0_i32_0 : i32, i32
  }
  func.func @transform_2(%arg0: i32) -> (i32, i32) {
    %c0_i32 = arith.constant 0 : i32
    %c0_i32_0 = arith.constant 0 : i32
    %c0_i32_1 = arith.constant 0 : i32
    return %c0_i32, %c0_i32_0 : i32, i32
  }
  func.func @transform_3(%arg0: i32) -> (i32, i32) {
    %c0_i32 = arith.constant 0 : i32
    %c0_i32_0 = arith.constant 0 : i32
    %c0_i32_1 = arith.constant 0 : i32
    return %c0_i32, %c0_i32_0 : i32, i32
  }
  func.func @transform_4(%arg0: i32) -> (i32, i32) {
    %c0_i32 = arith.constant 0 : i32
    %c0_i32_0 = arith.constant 0 : i32
    %c0_i32_1 = arith.constant 0 : i32
    return %c0_i32, %c0_i32_0 : i32, i32
  }
  func.func @transform_5(%arg0: i32) -> (i32, i32) {
    %c0_i32 = arith.constant 0 : i32
    %c0_i32_0 = arith.constant 0 : i32
    %c0_i32_1 = arith.constant 0 : i32
    return %c0_i32, %c0_i32_0 : i32, i32
  }
  func.func @transform_6(%arg0: i32) -> (i32, i32) {
    %c0_i32 = arith.constant 0 : i32
    %c0_i32_0 = arith.constant 0 : i32
    %c0_i32_1 = arith.constant 0 : i32
    return %c0_i32, %c0_i32_0 : i32, i32
  }
  func.func @transform_7(%arg0: i32) -> (i32, i32, i32) {
    %c0_i32 = arith.constant 0 : i32
    %c0_i32_0 = arith.constant 0 : i32
    %c0_i32_1 = arith.constant 0 : i32
    return %c0_i32, %arg0, %c0_i32_0 : i32, i32, i32
  }
}

module attributes {stable_mosaic.version = 14 : i64} {
  func.func @_tc_update_body(%arg0: i32, %arg1: memref<2x2000x32xf32, #tpu.memory_space<vmem>>, %arg2: memref<2x2000x32xf32, #tpu.memory_space<vmem>>, %arg3: memref<64x64xf32, #tpu.memory_space<vmem>>, %arg4: memref<64x64xf32, #tpu.memory_space<vmem>>, %arg5: memref<1x64xf32, #tpu.memory_space<vmem>>, %arg6: memref<1x64xf32, #tpu.memory_space<vmem>>, %arg7: memref<1x64xf32, #tpu.memory_space<vmem>>, %arg8: memref<2x2000x32xf32, #tpu.memory_space<vmem>>) attributes {dimension_semantics = [#tpu.dimension_semantics<arbitrary>], iteration_bounds = array<i64: 25>, scalar_prefetch = 0 : i64, scratch_operands = 0 : i64, tpu.core_type = #tpu.core_type<tc>, window_params = [{transform_indices = @transform_0, window_bounds = array<i64: 2, 2000, 32>}, {transform_indices = @transform_1, window_bounds = array<i64: 2, 2000, 32>}, {pipeline_mode = #tpu.pipeline_mode<synchronous>, transform_indices = @transform_2, window_bounds = array<i64: 64, 64>}, {pipeline_mode = #tpu.pipeline_mode<synchronous>, transform_indices = @transform_3, window_bounds = array<i64: 64, 64>}, {pipeline_mode = #tpu.pipeline_mode<synchronous>, transform_indices = @transform_4, window_bounds = array<i64: 1, 64>}, {pipeline_mode = #tpu.pipeline_mode<synchronous>, transform_indices = @transform_5, window_bounds = array<i64: 1, 64>}, {pipeline_mode = #tpu.pipeline_mode<synchronous>, transform_indices = @transform_6, window_bounds = array<i64: 1, 64>}, {transform_indices = @transform_7, window_bounds = array<i64: 2, 2000, 32>}]} {
    %get3A = arith.constant 0 : index
    %get3A_0 = arith.constant 0 : index
    %get3A_1 = arith.constant 0 : index
    %get3A_2 = vector.load %arg1[%get3A, %get3A_0, %get3A_1] : memref<2x2000x32xf32, #tpu.memory_space<vmem>>, vector<1x2000x32xf32>
    %get3A_3 = vector.shape_cast %get3A_2 : vector<1x2000x32xf32> to vector<2000x32xf32>
    %get3A_4 = arith.constant 1 : index
    %get3A_5 = arith.constant 0 : index
    %get3A_6 = arith.constant 0 : index
    %get3A_7 = vector.load %arg1[%get3A_4, %get3A_5, %get3A_6] : memref<2x2000x32xf32, #tpu.memory_space<vmem>>, vector<1x2000x32xf32>
    %get3A_8 = vector.shape_cast %get3A_7 : vector<1x2000x32xf32> to vector<2000x32xf32>
    %concatenate3A = tpu.concatenate %get3A_3, %get3A_8 in 1 : vector<2000x32xf32>, vector<2000x32xf32> -> vector<2000x64xf32>
    %get3A_9 = arith.constant 0 : index
    %get3A_10 = arith.constant 0 : index
    %get3A_11 = arith.constant 0 : index
    %get3A_12 = vector.load %arg2[%get3A_9, %get3A_10, %get3A_11] : memref<2x2000x32xf32, #tpu.memory_space<vmem>>, vector<1x2000x32xf32>
    %get3A_13 = vector.shape_cast %get3A_12 : vector<1x2000x32xf32> to vector<2000x32xf32>
    %get3A_14 = arith.constant 1 : index
    %get3A_15 = arith.constant 0 : index
    %get3A_16 = arith.constant 0 : index
    %get3A_17 = vector.load %arg2[%get3A_14, %get3A_15, %get3A_16] : memref<2x2000x32xf32, #tpu.memory_space<vmem>>, vector<1x2000x32xf32>
    %get3A_18 = vector.shape_cast %get3A_17 : vector<1x2000x32xf32> to vector<2000x32xf32>
    %concatenate3A_19 = tpu.concatenate %get3A_13, %get3A_18 in 1 : vector<2000x32xf32>, vector<2000x32xf32> -> vector<2000x64xf32>
    %get3A_20 = arith.constant 0 : index
    %get3A_21 = arith.constant 0 : index
    %get3A_22 = vector.load %arg3[%get3A_20, %get3A_21] : memref<64x64xf32, #tpu.memory_space<vmem>>, vector<64x64xf32>
    %dot_general3A = arith.constant dense<0.000000e+00> : vector<2000x64xf32>
    %dot_general3A_23 = tpu.matmul %concatenate3A, %get3A_22, %dot_general3A {dimension_numbers = #tpu.dot_dimension_numbers<[1], [0], [0], [1], [0, 0, 1, 1], [], []>, transpose_lhs_hint = false} : vector<2000x64xf32>, vector<64x64xf32>, vector<2000x64xf32> -> vector<2000x64xf32>
    %get3A_24 = arith.constant 0 : index
    %get3A_25 = arith.constant 0 : index
    %get3A_26 = vector.load %arg4[%get3A_24, %get3A_25] : memref<64x64xf32, #tpu.memory_space<vmem>>, vector<64x64xf32>
    %dot_general3A_27 = arith.constant dense<0.000000e+00> : vector<2000x64xf32>
    %dot_general3A_28 = tpu.matmul %concatenate3A_19, %get3A_26, %dot_general3A_27 {dimension_numbers = #tpu.dot_dimension_numbers<[1], [0], [0], [1], [0, 0, 1, 1], [], []>, transpose_lhs_hint = false} : vector<2000x64xf32>, vector<64x64xf32>, vector<2000x64xf32> -> vector<2000x64xf32>
    %add3A = arith.addf %dot_general3A_23, %dot_general3A_28 : vector<2000x64xf32>
    %get3A_29 = arith.constant 0 : index
    %get3A_30 = arith.constant 0 : index
    %get3A_31 = vector.load %arg5[%get3A_29, %get3A_30] : memref<1x64xf32, #tpu.memory_space<vmem>>, vector<1x64xf32>
    %add3A_32 = vector.broadcast %get3A_31 : vector<1x64xf32> to vector<2000x64xf32>
    %add3A_33 = arith.addf %add3A, %add3A_32 : vector<2000x64xf32>
    %add3A_34 = arith.addf %concatenate3A, %add3A_33 : vector<2000x64xf32>
    %reduce_sum3A = arith.constant dense<0.000000e+00> : vector<2000xf32>
    %reduce_sum3A_35 = vector.multi_reduction <add>, %add3A_34, %reduce_sum3A [1] : vector<2000x64xf32> to vector<2000xf32>
    %broadcast_in_dim3A = vector.shape_cast %reduce_sum3A_35 : vector<2000xf32> to vector<2000x1xf32>
    %div3A = arith.constant 6.400000e+01 : f32
    %div3A_36 = vector.broadcast %div3A : f32 to vector<2000x1xf32>
    %div3A_37 = arith.divf %broadcast_in_dim3A, %div3A_36 : vector<2000x1xf32>
    %sub3A = vector.broadcast %div3A_37 : vector<2000x1xf32> to vector<2000x64xf32>
    %sub3A_38 = arith.subf %add3A_34, %sub3A : vector<2000x64xf32>
    %integer_pow3A = arith.mulf %sub3A_38, %sub3A_38 : vector<2000x64xf32>
    %reduce_sum3A_39 = arith.constant dense<0.000000e+00> : vector<2000xf32>
    %reduce_sum3A_40 = vector.multi_reduction <add>, %integer_pow3A, %reduce_sum3A_39 [1] : vector<2000x64xf32> to vector<2000xf32>
    %broadcast_in_dim3A_41 = vector.shape_cast %reduce_sum3A_40 : vector<2000xf32> to vector<2000x1xf32>
    %div3A_42 = arith.constant 6.400000e+01 : f32
    %div3A_43 = vector.broadcast %div3A_42 : f32 to vector<2000x1xf32>
    %div3A_44 = arith.divf %broadcast_in_dim3A_41, %div3A_43 : vector<2000x1xf32>
    %sub3A_45 = vector.broadcast %div3A_37 : vector<2000x1xf32> to vector<2000x64xf32>
    %sub3A_46 = arith.subf %add3A_34, %sub3A_45 : vector<2000x64xf32>
    %add3A_47 = arith.constant 9.99999974E-6 : f32
    %add3A_48 = vector.broadcast %add3A_47 : f32 to vector<2000x1xf32>
    %add3A_49 = arith.addf %div3A_44, %add3A_48 : vector<2000x1xf32>
    %sqrt3A = math.sqrt %add3A_49 : vector<2000x1xf32>
    %div3A_50 = vector.broadcast %sqrt3A : vector<2000x1xf32> to vector<2000x64xf32>
    %div3A_51 = arith.divf %sub3A_46, %div3A_50 : vector<2000x64xf32>
    %get3A_52 = arith.constant 0 : index
    %get3A_53 = arith.constant 0 : index
    %get3A_54 = vector.load %arg6[%get3A_52, %get3A_53] : memref<1x64xf32, #tpu.memory_space<vmem>>, vector<1x64xf32>
    %mul3A = vector.broadcast %get3A_54 : vector<1x64xf32> to vector<2000x64xf32>
    %mul3A_55 = arith.mulf %div3A_51, %mul3A : vector<2000x64xf32>
    %get3A_56 = arith.constant 0 : index
    %get3A_57 = arith.constant 0 : index
    %get3A_58 = vector.load %arg7[%get3A_56, %get3A_57] : memref<1x64xf32, #tpu.memory_space<vmem>>, vector<1x64xf32>
    %add3A_59 = vector.broadcast %get3A_58 : vector<1x64xf32> to vector<2000x64xf32>
    %add3A_60 = arith.addf %mul3A_55, %add3A_59 : vector<2000x64xf32>
    %slice3A = vector.extract_strided_slice %add3A_60 {offsets = [0, 0], sizes = [2000, 32], strides = [1, 1]} : vector<2000x64xf32> to vector<2000x32xf32>
    %swap3A = arith.constant 0 : index
    %swap3A_61 = arith.constant 0 : index
    %swap3A_62 = arith.constant 0 : index
    %swap3A_63 = vector.load %arg8[%swap3A, %swap3A_61, %swap3A_62] : memref<2x2000x32xf32, #tpu.memory_space<vmem>>, vector<1x2000x32xf32>
    %swap3A_64 = vector.shape_cast %swap3A_63 : vector<1x2000x32xf32> to vector<2000x32xf32>
    %swap3A_65 = vector.shape_cast %slice3A : vector<2000x32xf32> to vector<1x2000x32xf32>
    tpu.vector_store %arg8[%swap3A, %swap3A_61, %swap3A_62], %swap3A_65 {strides = array<i32>} : memref<2x2000x32xf32, #tpu.memory_space<vmem>>, vector<1x2000x32xf32>,
    %slice3A_66 = vector.extract_strided_slice %add3A_60 {offsets = [0, 32], sizes = [2000, 32], strides = [1, 1]} : vector<2000x64xf32> to vector<2000x32xf32>
    %swap3A_67 = arith.constant 1 : index
    %swap3A_68 = arith.constant 0 : index
    %swap3A_69 = arith.constant 0 : index
    %swap3A_70 = vector.load %arg8[%swap3A_67, %swap3A_68, %swap3A_69] : memref<2x2000x32xf32, #tpu.memory_space<vmem>>, vector<1x2000x32xf32>
    %swap3A_71 = vector.shape_cast %swap3A_70 : vector<1x2000x32xf32> to vector<2000x32xf32>
    %swap3A_72 = vector.shape_cast %slice3A_66 : vector<2000x32xf32> to vector<1x2000x32xf32>
    tpu.vector_store %arg8[%swap3A_67, %swap3A_68, %swap3A_69], %swap3A_72 {strides = array<i32>} : memref<2x2000x32xf32, #tpu.memory_space<vmem>>, vector<1x2000x32xf32>,
    return
  }
  func.func @transform_0(%arg0: i32) -> (i32, i32, i32) {
    %c0_i32 = arith.constant 0 : i32
    %c0_i32_0 = arith.constant 0 : i32
    %c0_i32_1 = arith.constant 0 : i32
    return %c0_i32, %arg0, %c0_i32_0 : i32, i32, i32
  }
  func.func @transform_1(%arg0: i32) -> (i32, i32, i32) {
    %c0_i32 = arith.constant 0 : i32
    %c0_i32_0 = arith.constant 0 : i32
    %c0_i32_1 = arith.constant 0 : i32
    return %c0_i32, %arg0, %c0_i32_0 : i32, i32, i32
  }
  func.func @transform_2(%arg0: i32) -> (i32, i32) {
    %c0_i32 = arith.constant 0 : i32
    %c0_i32_0 = arith.constant 0 : i32
    %c0_i32_1 = arith.constant 0 : i32
    return %c0_i32, %c0_i32_0 : i32, i32
  }
  func.func @transform_3(%arg0: i32) -> (i32, i32) {
    %c0_i32 = arith.constant 0 : i32
    %c0_i32_0 = arith.constant 0 : i32
    %c0_i32_1 = arith.constant 0 : i32
    return %c0_i32, %c0_i32_0 : i32, i32
  }
  func.func @transform_4(%arg0: i32) -> (i32, i32) {
    %c0_i32 = arith.constant 0 : i32
    %c0_i32_0 = arith.constant 0 : i32
    %c0_i32_1 = arith.constant 0 : i32
    return %c0_i32, %c0_i32_0 : i32, i32
  }
  func.func @transform_5(%arg0: i32) -> (i32, i32) {
    %c0_i32 = arith.constant 0 : i32
    %c0_i32_0 = arith.constant 0 : i32
    %c0_i32_1 = arith.constant 0 : i32
    return %c0_i32, %c0_i32_0 : i32, i32
  }
  func.func @transform_6(%arg0: i32) -> (i32, i32) {
    %c0_i32 = arith.constant 0 : i32
    %c0_i32_0 = arith.constant 0 : i32
    %c0_i32_1 = arith.constant 0 : i32
    return %c0_i32, %c0_i32_0 : i32, i32
  }
  func.func @transform_7(%arg0: i32) -> (i32, i32, i32) {
    %c0_i32 = arith.constant 0 : i32
    %c0_i32_0 = arith.constant 0 : i32
    %c0_i32_1 = arith.constant 0 : i32
    return %c0_i32, %arg0, %c0_i32_0 : i32, i32, i32
  }
}

module attributes {stable_mosaic.version = 14 : i64} {
  func.func @_tc_readout_body(%arg0: i32, %arg1: memref<2x2000x32xf32, #tpu.memory_space<vmem>>, %arg2: memref<2000x1xi32, #tpu.memory_space<vmem>>, %arg3: memref<64x64xf32, #tpu.memory_space<vmem>>, %arg4: memref<1x64xf32, #tpu.memory_space<vmem>>, %arg5: memref<64x1xf32, #tpu.memory_space<vmem>>, %arg6: memref<1x1xf32, #tpu.memory_space<vmem>>, %arg7: memref<100x1xf32, #tpu.memory_space<vmem>>, %arg8: memref<1x1xf32, #tpu.memory_space<vmem>>) attributes {dimension_semantics = [#tpu.dimension_semantics<arbitrary>], iteration_bounds = array<i64: 25>, scalar_prefetch = 0 : i64, scratch_operands = 0 : i64, tpu.core_type = #tpu.core_type<tc>, window_params = [{transform_indices = @transform_0, window_bounds = array<i64: 2, 2000, 32>}, {transform_indices = @transform_1, window_bounds = array<i64: 2000, 1>}, {pipeline_mode = #tpu.pipeline_mode<synchronous>, transform_indices = @transform_2, window_bounds = array<i64: 64, 64>}, {pipeline_mode = #tpu.pipeline_mode<synchronous>, transform_indices = @transform_3, window_bounds = array<i64: 1, 64>}, {pipeline_mode = #tpu.pipeline_mode<synchronous>, transform_indices = @transform_4, window_bounds = array<i64: 64, 1>}, {pipeline_mode = #tpu.pipeline_mode<synchronous>, transform_indices = @transform_5, window_bounds = array<i64: 1, 1>}, {pipeline_mode = #tpu.pipeline_mode<synchronous>, transform_indices = @transform_6, window_bounds = array<i64: 100, 1>}, {pipeline_mode = #tpu.pipeline_mode<synchronous>, transform_indices = @transform_7, window_bounds = array<i64: 1, 1>}]} {
    %get3A = arith.constant 0 : index
    %get3A_0 = arith.constant 0 : index
    %get3A_1 = arith.constant 0 : index
    %get3A_2 = vector.load %arg1[%get3A, %get3A_0, %get3A_1] : memref<2x2000x32xf32, #tpu.memory_space<vmem>>, vector<1x2000x32xf32>
    %get3A_3 = vector.shape_cast %get3A_2 : vector<1x2000x32xf32> to vector<2000x32xf32>
    %get3A_4 = arith.constant 1 : index
    %get3A_5 = arith.constant 0 : index
    %get3A_6 = arith.constant 0 : index
    %get3A_7 = vector.load %arg1[%get3A_4, %get3A_5, %get3A_6] : memref<2x2000x32xf32, #tpu.memory_space<vmem>>, vector<1x2000x32xf32>
    %get3A_8 = vector.shape_cast %get3A_7 : vector<1x2000x32xf32> to vector<2000x32xf32>
    %concatenate3A = tpu.concatenate %get3A_3, %get3A_8 in 1 : vector<2000x32xf32>, vector<2000x32xf32> -> vector<2000x64xf32>
    %get3A_9 = arith.constant 0 : index
    %get3A_10 = arith.constant 0 : index
    %get3A_11 = vector.load %arg3[%get3A_9, %get3A_10] : memref<64x64xf32, #tpu.memory_space<vmem>>, vector<64x64xf32>
    %dot_general3A = arith.constant dense<0.000000e+00> : vector<2000x64xf32>
    %dot_general3A_12 = tpu.matmul %concatenate3A, %get3A_11, %dot_general3A {dimension_numbers = #tpu.dot_dimension_numbers<[1], [0], [0], [1], [0, 0, 1, 1], [], []>, transpose_lhs_hint = false} : vector<2000x64xf32>, vector<64x64xf32>, vector<2000x64xf32> -> vector<2000x64xf32>
    %get3A_13 = arith.constant 0 : index
    %get3A_14 = arith.constant 0 : index
    %get3A_15 = vector.load %arg4[%get3A_13, %get3A_14] : memref<1x64xf32, #tpu.memory_space<vmem>>, vector<1x64xf32>
    %add3A = vector.broadcast %get3A_15 : vector<1x64xf32> to vector<2000x64xf32>
    %add3A_16 = arith.addf %dot_general3A_12, %add3A : vector<2000x64xf32>
    %neg3A = arith.constant 0.000000e+00 : f32
    %neg3A_17 = vector.broadcast %neg3A : f32 to vector<2000x64xf32>
    %neg3A_18 = arith.subf %neg3A_17, %add3A_16 : vector<2000x64xf32>
    %exp3A = math.exp %neg3A_18 : vector<2000x64xf32>
    %add3A_19 = arith.constant 1.000000e+00 : f32
    %add3A_20 = vector.broadcast %add3A_19 : f32 to vector<2000x64xf32>
    %add3A_21 = arith.addf %add3A_20, %exp3A : vector<2000x64xf32>
    %div3A = arith.constant 1.000000e+00 : f32
    %div3A_22 = vector.broadcast %div3A : f32 to vector<2000x64xf32>
    %div3A_23 = arith.divf %div3A_22, %add3A_21 : vector<2000x64xf32>
    %mul3A = arith.mulf %add3A_16, %div3A_23 : vector<2000x64xf32>
    %get3A_24 = arith.constant 0 : index
    %get3A_25 = arith.constant 0 : index
    %get3A_26 = vector.load %arg5[%get3A_24, %get3A_25] : memref<64x1xf32, #tpu.memory_space<vmem>>, vector<64x1xf32>
    %dot_general3A_27 = arith.constant dense<0.000000e+00> : vector<2000x1xf32>
    %dot_general3A_28 = tpu.matmul %mul3A, %get3A_26, %dot_general3A_27 {dimension_numbers = #tpu.dot_dimension_numbers<[1], [0], [0], [1], [0, 0, 1, 1], [], []>, transpose_lhs_hint = false} : vector<2000x64xf32>, vector<64x1xf32>, vector<2000x1xf32> -> vector<2000x1xf32>
    %get3A_29 = arith.constant 0 : index
    %get3A_30 = arith.constant 0 : index
    %get3A_31 = vector.load %arg6[%get3A_29, %get3A_30] : memref<1x1xf32, #tpu.memory_space<vmem>>, vector<1x1xf32>
    %add3A_32 = vector.broadcast %get3A_31 : vector<1x1xf32> to vector<2000x1xf32>
    %add3A_33 = arith.addf %dot_general3A_28, %add3A_32 : vector<2000x1xf32>
    %get3A_34 = arith.constant 0 : index
    %get3A_35 = arith.constant 0 : index
    %get3A_36 = vector.load %arg2[%get3A_34, %get3A_35] : memref<2000x1xi32, #tpu.memory_space<vmem>>, vector<2000x1xi32>
    %iota3A = tpu.iota {dimensions = array<i32: 1>} : vector<2000x100xi32>
    %eq3A = vector.broadcast %get3A_36 : vector<2000x1xi32> to vector<2000x100xi32>
    %eq3A_37 = arith.cmpi eq, %eq3A, %iota3A : vector<2000x100xi32>
    %convert_element_type3A = arith.extui %eq3A_37 : vector<2000x100xi1> to vector<2000x100xi32>
    %convert_element_type3A_38 = arith.sitofp %convert_element_type3A : vector<2000x100xi32> to vector<2000x100xf32>
    %get3A_39 = arith.constant 0 : index
    %get3A_40 = arith.constant 0 : index
    %get3A_41 = vector.load %arg7[%get3A_39, %get3A_40] : memref<100x1xf32, #tpu.memory_space<vmem>>, vector<100x1xf32>
    %dot_general3A_42 = arith.constant dense<0.000000e+00> : vector<2000x1xf32>
    %dot_general3A_43 = tpu.matmul %convert_element_type3A_38, %get3A_41, %dot_general3A_42 {dimension_numbers = #tpu.dot_dimension_numbers<[1], [0], [0], [1], [0, 0, 1, 1], [], []>, transpose_lhs_hint = false} : vector<2000x100xf32>, vector<100x1xf32>, vector<2000x1xf32> -> vector<2000x1xf32>
    %add3A_44 = arith.addf %add3A_33, %dot_general3A_43 : vector<2000x1xf32>
    %eq3A_45 = arith.constant 0 : i32
    %eq3A_46 = arith.cmpi eq, %arg0, %eq3A_45 : i32
    %convert_element_type3A_47 = arith.extui %eq3A_46 : i1 to i32
    %cond3A = arith.constant 0 : i32
    %cond3A_48 = arith.cmpi ne, %convert_element_type3A_47, %cond3A : i32
    scf.if %cond3A_48 {
      %broadcast_in_dim3A = arith.constant 0.000000e+00 : f32
      %broadcast_in_dim3A_59 = vector.broadcast %broadcast_in_dim3A : f32 to vector<1x1xf32>
      %swap3A_60 = arith.constant 0 : index
      %swap3A_61 = arith.constant 0 : index
      %swap3A_62 = vector.load %arg8[%swap3A_60, %swap3A_61] : memref<1x1xf32, #tpu.memory_space<vmem>>, vector<1x1xf32>
      tpu.vector_store %arg8[%swap3A_60, %swap3A_61], %broadcast_in_dim3A_59 {strides = array<i32>} : memref<1x1xf32, #tpu.memory_space<vmem>>, vector<1x1xf32>,
    } else {
    }
    %get3A_49 = arith.constant 0 : index
    %get3A_50 = arith.constant 0 : index
    %get3A_51 = vector.load %arg8[%get3A_49, %get3A_50] : memref<1x1xf32, #tpu.memory_space<vmem>>, vector<1x1xf32>
    %reduce_sum3A = vector.shape_cast %add3A_44 : vector<2000x1xf32> to vector<1x2000x1xf32>
    %reduce_sum3A_52 = arith.constant dense<0.000000e+00> : vector<1xf32>
    %reduce_sum3A_53 = vector.multi_reduction <add>, %reduce_sum3A, %reduce_sum3A_52 [1, 2] : vector<1x2000x1xf32> to vector<1xf32>
    %reduce_sum3A_54 = vector.shape_cast %reduce_sum3A_53 : vector<1xf32> to vector<1x1x1xf32>
    %reduce_sum3A_55 = vector.extract %reduce_sum3A_54[0, 0, 0] : f32 from vector<1x1x1xf32>
    %reshape3A = vector.broadcast %reduce_sum3A_55 : f32 to vector<1x1xf32>
    %add3A_56 = arith.addf %get3A_51, %reshape3A : vector<1x1xf32>
    %swap3A = arith.constant 0 : index
    %swap3A_57 = arith.constant 0 : index
    %swap3A_58 = vector.load %arg8[%swap3A, %swap3A_57] : memref<1x1xf32, #tpu.memory_space<vmem>>, vector<1x1xf32>
    tpu.vector_store %arg8[%swap3A, %swap3A_57], %add3A_56 {strides = array<i32>} : memref<1x1xf32, #tpu.memory_space<vmem>>, vector<1x1xf32>,
    return
  }
  func.func @transform_0(%arg0: i32) -> (i32, i32, i32) {
    %c0_i32 = arith.constant 0 : i32
    %c0_i32_0 = arith.constant 0 : i32
    %c0_i32_1 = arith.constant 0 : i32
    return %c0_i32, %arg0, %c0_i32_0 : i32, i32, i32
  }
  func.func @transform_1(%arg0: i32) -> (i32, i32) {
    %c0_i32 = arith.constant 0 : i32
    %c0_i32_0 = arith.constant 0 : i32
    return %arg0, %c0_i32 : i32, i32
  }
  func.func @transform_2(%arg0: i32) -> (i32, i32) {
    %c0_i32 = arith.constant 0 : i32
    %c0_i32_0 = arith.constant 0 : i32
    %c0_i32_1 = arith.constant 0 : i32
    return %c0_i32, %c0_i32_0 : i32, i32
  }
  func.func @transform_3(%arg0: i32) -> (i32, i32) {
    %c0_i32 = arith.constant 0 : i32
    %c0_i32_0 = arith.constant 0 : i32
    %c0_i32_1 = arith.constant 0 : i32
    return %c0_i32, %c0_i32_0 : i32, i32
  }
  func.func @transform_4(%arg0: i32) -> (i32, i32) {
    %c0_i32 = arith.constant 0 : i32
    %c0_i32_0 = arith.constant 0 : i32
    %c0_i32_1 = arith.constant 0 : i32
    return %c0_i32, %c0_i32_0 : i32, i32
  }
  func.func @transform_5(%arg0: i32) -> (i32, i32) {
    %c0_i32 = arith.constant 0 : i32
    %c0_i32_0 = arith.constant 0 : i32
    %c0_i32_1 = arith.constant 0 : i32
    return %c0_i32, %c0_i32_0 : i32, i32
  }
  func.func @transform_6(%arg0: i32) -> (i32, i32) {
    %c0_i32 = arith.constant 0 : i32
    %c0_i32_0 = arith.constant 0 : i32
    %c0_i32_1 = arith.constant 0 : i32
    return %c0_i32, %c0_i32_0 : i32, i32
  }
  func.func @transform_7(%arg0: i32) -> (i32, i32) {
    %c0_i32 = arith.constant 0 : i32
    %c0_i32_0 = arith.constant 0 : i32
    %c0_i32_1 = arith.constant 0 : i32
    return %c0_i32, %c0_i32_0 : i32, i32
  }
}

</mosaic_0001>

<sc_bundles>
// kernel: kernel.11.cloned.1.call-start
scs
__scs_entry_jumppad:
0x0: {  	(pc) =	sbr.rel $0x88, $3  }
0x1: {  	(tag) =	ssettag $0x0;
	lr =	simm.s32 $0x1  }
0x2: {  	[smem:$0x3F82] =	sst lr;
	_ =	strace $0xD0000000  }
0x3: {  	_ = 	snop  }
0x4: {  	_ = 	snop  }
0x5: {  	_ = 	snop  }
0x6: {  	_ = 	snop  }
0x7: {  	_ = 	snop  }
__scs_overlays_trampoline_lowered:
0x8: {  	[smem:$0x3F91] =	sst s0  }
0x9: {  	[smem:$0x3F92] =	sst s1  }
0xa: {  	[smem:$0x3F93] =	sst s2  }
0xb: {  	[smem:$0x3F94] =	sst s3  }
0xc: {  	[smem:$0x3F95] =	sst s4  }
0xd: {  	[smem:$0x3F96] =	sst s5  }
0xe: {  	[smem:$0x3F97] =	sst s6  }
0xf: {  	[smem:$0x3F98] =	sst s7  }
0x10: {  	[smem:$0x3F99] =	sst s8  }
0x11: {  	[smem:$0x3F9A] =	sst s9;
	s0 =	simm.s32 @!p0 $0x0  }
0x12: {  	s1 =	sld [smem:$0x3F80];
	s0 =	simm.s32 @p0 $0x1  }
0x13: {  	[smem:$0x3F9B] =	sst s0;
	s0 =	simm.s32 @!p1 $0x0  }
0x14: {  	s2 =	sld [smem:$0x3F7F];
	s0 =	simm.s32 @p1 $0x1  }
0x15: {  	[smem:$0x3F9C] =	sst s0;
	s0 =	simm.s32 @!p2 $0x0  }
0x16: {  	s3 =	sld [smem:$0x3FDB];
	s0 =	simm.s32 @p2 $0x1  }
0x17: {  	s4 =	simm.s32 $0x1BF5;
	[smem:$0x3F9E] =	sst s0  }
0x18: {  	s0 =	sld [smem:$0x3F81];
	_ =	swait.ge [sflag:s4], $0x0  }
0x19: {  	s7 =	sld [smem:$0x3F82]  }
0x1a: {  	s8 =	sadd.s32 $0xFFFFE003, lr  }
0x1b: {  	s9 =	sadd.s32 $0xFFFFFEF7, lr;
	s5 =	simm.s32 $0xFFFFFFFF;
	p2 =	slt.u32 s8, $0xFFFFF086  }
0x1c: {  	p1 =	slt.u32 s9, $0xF7A;
	s5 =	simm.s32 @!p2 $0x0  }
0x1d: {  	s5 =	simm.s32 @p1 $0x1;
	p0 =	seq.s32 s7, s2  }
0x1e: {  	s7 =	smul.u32 @!p0 $0xF7A, s2;
	p2 =	seq.s32 @!p0 s5, $0x0  }
0x1f: {  	s9 =	smul.u32 $0xF7A, s1;
	s8 =	simm.s32 @!p0 $0x1BF5;
	p2 =	por !p2, p0  }
0x20: {  	[sflag:s8] =	ssyncset.s32 @!p0 $0xFFFFF086;
	s6 =	sadd.s32 @!p0 s3, s7;
	s7 =	simm.s32 @!p0 $0x108  }
0x21: {  	s3 =	sadd.s32 s3, s9;
	s6 =	sadd.s32 @!p0 $0x88, s6;
	s7 =	simm.s32 @p2 $0x1082  }
0x22: {  	[simem:s7], [sflag:s8] =	dma.local @!p0 [hbm:s6], $0xF7A  }
0x23: {  	s9 =	sor.u32 $0xD0000000, s2;
	s6 =	simm.s32 $0x108;
	_ =	swait.ge @!p0 [sflag:s8], $0x0  }
0x24: {  	s3 =	sadd.s32 $0x88, s3;
	s6 =	simm.s32 @!p1 $0x1082;
	[sflag:s4] =	ssyncset.s32 $0xFFFFF086  }
0x25: {  	[simem:s6], [sflag:s4] =	dma.local [hbm:s3], $0xF7A  }
0x26: {  	[smem:$0x3F82] =	sst s1;
	(tag) =	ssettag s2;
	_ =	strace s9  }
0x27: {  	s1 =	sld [smem:$0x3F92]  }
0x28: {  	s2 =	sld [smem:$0x3F93]  }
0x29: {  	s4 =	sld [smem:$0x3F95]  }
0x2a: {  	p0 =	seq.s32 s5, $0x0;
	s5 =	sld [smem:$0x3F96]  }
0x2b: {  	s6 =	sld [smem:$0x3F97]  }
0x2c: {  	s7 =	sld [smem:$0x3F98]  }
0x2d: {  	s3 =	simm.s32 $0x108;
	s8 =	sld [smem:$0x3F99]  }
0x2e: {  	s3 =	simm.s32 @!p0 $0x1082;
	s9 =	sld [smem:$0x3F9A]  }
0x2f: {  	lr =	sadd.s32 s0, s3;
	s0 =	sld [smem:$0x3F91]  }
0x30: {  	s3 =	sld [smem:$0x3F94]  }
0x31: {  	[smem:$0x3F9D] =	sst s10  }
0x32: {  	s10 =	sld [smem:$0x3F9B];
	_ =	sdelay $0x3  }
0x33: {  	p0 =	seq.s32 s10, $0x1;
	s10 =	sld [smem:$0x3F9D];
	_ =	sdelay $0x3  }
0x34: {  	[smem:$0x3F9D] =	sst s10  }
0x35: {  	s10 =	sld [smem:$0x3F9C];
	_ =	sdelay $0x3  }
0x36: {  	p1 =	seq.s32 s10, $0x1;
	s10 =	sld [smem:$0x3F9D];
	_ =	sdelay $0x3  }
0x37: {  	[smem:$0x3F9D] =	sst s10  }
0x38: {  	s10 =	sld [smem:$0x3F9E]  }
0x39: {  	_ = 	snop;
	(pc) =	sbr.ind lr, $3  }
0x3a: {  	_ = 	snop  }
0x3b: {  	_ = 	snop  }
0x3c: {  	p2 =	seq.s32 s10, $0x1;
	s10 =	sld [smem:$0x3F9D]  }
0x3d: {  	_ =	shalt  }
0x3e: {  	_ =	shalt  }
0x3f: {  	_ =	shalt  }
0x40: {  	_ =	shalt  }
0x41: {  	_ =	shalt  }
0x42: {  	_ =	shalt  }
0x43: {  	_ =	shalt  }
0x44: {  	_ =	shalt  }
0x45: {  	_ =	shalt  }
0x46: {  	_ =	shalt  }
0x47: {  	_ =	shalt  }
0x48: {  	_ =	shalt  }
0x49: {  	_ =	shalt  }
0x4a: {  	_ =	shalt  }
0x4b: {  	_ =	shalt  }
0x4c: {  	_ =	shalt  }
0x4d: {  	_ =	shalt  }
0x4e: {  	_ =	shalt  }
0x4f: {  	_ =	shalt  }
0x50: {  	_ =	shalt  }
0x51: {  	_ =	shalt  }
0x52: {  	_ =	shalt  }
0x53: {  	_ =	shalt  }
0x54: {  	_ =	shalt  }
0x55: {  	_ =	shalt  }
0x56: {  	_ =	shalt  }
0x57: {  	_ =	shalt  }
0x58: {  	_ =	shalt  }
0x59: {  	_ =	shalt  }
0x5a: {  	_ =	shalt  }
0x5b: {  	_ =	shalt  }
0x5c: {  	_ =	shalt  }
0x5d: {  	_ =	shalt  }
0x5e: {  	_ =	shalt  }
0x5f: {  	_ =	shalt  }
0x60: {  	_ =	shalt  }
0x61: {  	_ =	shalt  }
0x62: {  	_ =	shalt  }
0x63: {  	_ =	shalt  }
0x64: {  	_ =	shalt  }
0x65: {  	_ =	shalt  }
0x66: {  	_ =	shalt  }
0x67: {  	_ =	shalt  }
0x68: {  	_ =	shalt  }
0x69: {  	_ =	shalt  }
0x6a: {  	_ =	shalt  }
0x6b: {  	_ =	shalt  }
0x6c: {  	_ =	shalt  }
0x6d: {  	_ =	shalt  }
0x6e: {  	_ =	shalt  }
0x6f: {  	_ =	shalt  }
0x70: {  	_ =	shalt  }
0x71: {  	_ =	shalt  }
0x72: {  	_ =	shalt  }
0x73: {  	_ =	shalt  }
0x74: {  	_ =	shalt  }
0x75: {  	_ =	shalt  }
0x76: {  	_ =	shalt  }
0x77: {  	_ =	shalt  }
0x78: {  	_ =	shalt  }
0x79: {  	_ =	shalt  }
0x7a: {  	_ =	shalt  }
0x7b: {  	_ =	shalt  }
0x7c: {  	_ =	shalt  }
0x7d: {  	_ =	shalt  }
0x7e: {  	_ =	shalt  }
0x7f: {  	_ =	shalt  }
0x80: {  	_ =	shalt  }
0x81: {  	_ =	shalt  }
0x82: {  	_ =	shalt  }
0x83: {  	_ =	shalt  }
0x84: {  	_ =	shalt  }
0x85: {  	_ =	shalt  }
0x86: {  	_ =	shalt  }
0x87: {  	_ =	shalt  }
.Lfunc_end0:
.L_simem_size_0:
called_computation_lowered:
.L_overlay_start_0:
0x88: {  	s2 =	sld [smem:$0x3FD9]  }
0x89: {  	s3 =	sld [smem:$0x3FFE];
	_ =	sdelay $0x1  }
0x8a: {  	s1 =	srdreg.scid  }
0x8b: {  	s0 =	sand.u32 $0x1, s1  }
0x8c: {  	s16 =	sshll.u32 s0, $0xA;
	s2 =	sadd.s32 s3, s2  }
0x8d: {  	s2 =	sadd.s32 s2, s16  }
0x8e: {  	[smem:$0x3FA9] =	sst s2  }
0x8f: {  	_ = 	snop  }
0x90: {  	(tm) =	ssettm $0x1  }
0x91: {  	s17 =	sld [smem:$0x3FFB];
	_ =	sdelay $0x3  }
0x92: {  	_ =	strace s17  }
0x93: {  	s2 =	sld [smem:$0x3FFC];
	_ =	sdelay $0x3  }
0x94: {  	_ =	strace s2  }
0x95: {  	s2 =	sld [smem:$0x3FFD];
	_ =	sdelay $0x3  }
0x96: {  	_ =	strace s2  }
0x97: {  	_ =	strace $0x8FFFFFFF  }
0x98: {  	s18 =	sld [smem:$0x3FDB];
	_ =	sdelay $0x1  }
0x99: {  	s19 =	simm.s32 $_scs_section_size  }
0x9a: {  	s4 =	simm.s32 $_size__tile_overlayer_lowered;
	s5 =	simm.s32 $_tile_overlayer_lowered  }
0x9b: {  	s22 =	simm.s32 $0x1BFF;
	s21 =	sshll.u32 s5, $0x1;
	s2 =	sadd.s32 s19, s18  }
0x9c: {  	s6 =	simm.s32 $0x0;
	s20 =	sshll.u32 s4, $0x1;
	s4 =	sadd.s32 s21, s2  }
0x9d: {  	[timem:s6], [sflag:s22] =	dma.local [hbm:s4], s20  }
0x9e: {  	_ =	swait.ge [sflag:s22], s20  }
0x9f: {  	s3 =	ssub.s32 $0x0, s20;
	[sflag:s22] =	ssyncset.done $0x0  }
0xa0: {  	[sflag:s22] =	ssyncadd.s32 s3;
	_ =	sdelay $0x1  }
0xa1: {  	s23 =	simm.s32 $0x1B8B  }
0xa2: {  	_ =	swait.ge [sflag:s23], $0x1  }
0xa3: {  	[sflag:s23] =	ssyncset.done $0x0  }
0xa4: {  	s25 =	simm.s32 $0x1B8E;
	s24 =	sld [smem:$0x3FFE];
	[sflag:s23] =	ssyncadd.s32 $0xFFFFFFFF  }
0xa5: {  	s26 =	simm.s32 $execute0_lowered;
	[smem:$0x3FD2] =	sst s25  }
0xa6: {  	s4 =	sshll.u32 s26, $0x1;
	_ =	strace $0x80000046;
	[dreg:$0x1] =	wrdreg $0xFFFFFFFF  }
0xa7: {  	s28 =	simm.s32 $_size_execute0_lowered;
	s2 =	sadd.s32 s2, s4;
	[dreg:$0x0] =	wrdreg $0x0  }
0xa8: {  	s4 =	sshll.u32 s28, $0x1;
	[dreg:$0x2] =	wrdreg s2  }
0xa9: {  	[dreg:$0x3] =	wrdreg s4  }
0xaa: {  	[dreg:$0x4] =	wrdreg $0xC0  }
0xab: {  	_ =	task [dreg:s6], $0x5FFFF  }
0xac: {  	[dreg:$0x1] =	wrdreg $0xFFFFFFFF  }
0xad: {  	[dreg:$0x0] =	wrdreg $0x60  }
0xae: {  	[dreg:$0x2] =	wrdreg s24  }
0xaf: {  	[dreg:$0x3] =	wrdreg $0x9  }
0xb0: {  	_ =	task.clear_ibuf [dreg:s6], $0x4FFFF;
	_ =	strace $0x90000046  }
0xb1: {  	s29 =	simm.s32 $0x9;
	_ =	strace $0x80000048  }
0xb2: {  	_ =	swait.ge [sflag:s29], $0x1  }
0xb3: {  	[sflag:s29] =	ssyncadd.s32 $0xFFFFFFFF  }
0xb4: {  	_ =	strace $0x90000048  }
0xb5: {  	_ =	sfence  }
0xb6: {  	s30 =	sld [smem:$0x0];
	_ =	sdelay $0x2  }
0xb7: {  	s31 =	sshll.u32 s1, $0xD;
	s1 =	sshrl.u32 s1, $0x2  }
0xb8: {  	s3 =	sand.u32 $0x4000, s31;
	s1 =	sadd.s32 s1, s30  }
0xb9: {  	s0 =	sor.u32 s3, s0;
	s1 =	sshll.u32 s1, $0x11  }
0xba: {  	s0 =	sor.u32 s1, s0  }
0xbb: {  	s0 =	sadd.s32 $0x8F2B, s0  }
0xbc: {  	[sflag:s0] =	ssyncadd.remote.s32 $0x1  }
0xbd: {  	_ =	sfence.sel $0xFFFF  }
0xbe: {  	[dreg:$0x0] =	wrdreg $0xFFFFFFFF;
	(pc) =	sbr.abs _section_cstart, $3  }
0xbf: {  	[dreg:$0x1] =	wrdreg $0xFFFFFFFF  }
0xc0: {  	_ =	task.clear_ibuf [dreg:s6], $0x2FFFF;
	_ =	strace $0x9FFFFFFF  }
0xc1: {  	(tm) =	ssettm $0x7FFFFFFF  }
tec
execute0_lowered:
.L_overlay_start_1:
0x0: {  	(tag) =	ssettag $0x1  }
0x1: {  	s6 =	rddreg [dreg:$0x0]  }
0x2: {  	s0 =	rddreg [dreg:$0x1];
	s1 =	simm.s32 $0x0  }
0x3: {  	s4 =	srdreg.scid;
	s2 =	stileid.u32;
	s15 =	simm.s32 $0x5  }
0x4: {  	s16 =	simm.s32 $0x880;
	s17 =	simm.s32 $0x2;
	s18 =	simm.s32 $0x400  }
0x5: {  	s19 =	simm.s32 $0x0;
	[smem:$0x7FF] =	sst s1;
	s10 =	sadd.s32 $0x2000, s6  }
0x6: {  	s3 =	sadd.s32 $0x36200, s6;
	s9 =	sand.u32 $0x1, s4;
	s5 =	sshll.u32 s2, $0x1  }
0x7: {  	s4 =	sadd.s32 $0x34800, s6;
	s30 =	sshll.u32 s2, $0x5;
	_ =	strace $0x80000047  }
0x8: {  	s7 =	ssub.s32 $0x2, s9;
	s12 =	sor.u32 s9, s5;
	s5 =	sadd.s32 $0x32E00, s6  }
.Ltmp0:
0x9: {  	s6 =	sadd.s32 $0x37C00, s6;
	s14 =	sshll.u32 s9, $0x4;
	(pc) =	sbr.rel .LBB2_1-.Ltmp0, $4  }
0xa: {  	s31 =	sadd.s32 s30, s10;
	s8 =	sshrl.u32 s7, $0x1;
	s11 =	sshll.u32 s12, $0x4  }
0xb: {  	s12 =	sor.u32 $0x40, s12;
	s13 =	ssub.s32 s7, s8;
	s7 =	sadd.s32 s10, s11  }
0xc: {  	s10 =	sor.u32 s14, s30;
	s11 =	sadd.s32 s14, s31;
	s14 =	simm.s32 $0x80  }
0xd: {  	s8 =	sadd.s32 $0x186A0, s7;
	s9 =	smax.u32 s13, $0x1;
	s13 =	sadd.s32 s6, s10  }
.LBB2_7:
0xe: {  	s19 =	sadd.s32 $0x1, s19  }
0xf: {  	p0 =	sne.s32 s19, s9  }
.Ltmp1:
0x10: {  	_ = 	snop;
	(pc) =	sbr.rel @!p0 .LBB2_8-.Ltmp1, $1  }
0x11: {  	_ =	sdelay $0x3  }
.LBB2_1:
.Ltmp2:
0x12: {  	(pc) =	sbr.rel .LBB2_2-.Ltmp2, $4  }
0x13: {  	_ = 	snop  }
0x14: {  	[tilespmem:s1], [sflag:$0x1] =	stream.linear.gather [hbm4b:s7+s1], $0x80, $0x38;
	[tilespmem:$0x900] =	vst v63  }
0x15: {  	s20 =	smov.u32 s12;
	s21 =	simm.s32 $0x0  }
0x16: {  	[tilespmem:s14], [sflag:$0x1] =	stream.linear.gather [hbm4b:s8+s1], $0x80, $0x38;
	[tilespmem:$0x900] =	vst v63  }
.LBB2_6:
0x17: {  	p0 =	sgt.u32 s20, $0x1869  }
0x18: {  	s22 =	sadd.s32 @!p0 s21, s11  }
0x19: {  	s24 =	simm.s32 @!p0 $0x0;
	s23 =	sadd.s32 @!p0 $0x400, s22  }
0x1a: {  	[tilespmem:s24], [sflag:$0x1] =	stream.linear.gather @!p0 [hbm4b:s23+s24], $0x80, $0x38;
	[tilespmem:$0x900] =	vst v63  }
0x1b: {  	s21 =	sadd.s32 $0x400, s21;
	s22 =	sadd.s32 @!p0 $0x18AA0, s22;
	s23 =	simm.s32 @!p0 $0x80  }
0x1c: {  	[tilespmem:s23], [sflag:$0x1] =	stream.linear.gather @!p0 [hbm4b:s22+s24], $0x80, $0x38;
	[tilespmem:$0x900] =	vst v63  }
0x1d: {  	p0 =	sne.s32 s21, $0x18C00  }
.Ltmp3:
0x1e: {  	_ = 	snop;
	(pc) =	sbr.rel @!p0 .LBB2_7-.Ltmp3, $2  }
0x1f: {  	_ =	sdelay $0x2  }
0x20: {  	s20 =	sadd.s32 $0x40, s20  }
.LBB2_2:
0x21: {  	s22 =	sadd.s32 $0xFFFFFFC0, s20  }
0x22: {  	p0 =	sgt.u32 s22, $0x1869  }
0x23: {  	s22 =	simm.s32 @!p0 $0x1  }
0x24: {  	_ =	swait.ge @!p0 [sflag:s22], $0x80  }
0x25: {  	[sflag:s22] =	ssyncset.done @!p0 $0x0  }
0x26: {  	[sflag:s22] =	ssyncadd.s32 @!p0 $0xFFFFFF80  }
0x27: {  	_ =	swait.ge @!p0 [sflag:s22], $0x80  }
0x28: {  	p1 =	seq.s32 s21, $0x0;
	[sflag:s22] =	ssyncset.done @!p0 $0x0  }
0x29: {  	[sflag:s22] =	ssyncadd.s32 @!p0 $0xFFFFFF80;
	s22 =	simm.s32 @!p1 $0x3  }
0x2a: {  	_ =	swait.ge @!p1 [sflag:s22], $0x80  }
0x2b: {  	s31 =	sadd.s32 $0xFFFFFFA0, s20;
	s23 =	simm.s32 @!p0 $0x0;
	[sflag:s22] =	ssyncset.done @!p1 $0x0  }
0x2c: {  	s24 =	simm.s32 @!p0 $0x100;
	[sflag:s22] =	ssyncadd.s32 @!p1 $0xFFFFFF80;
	s22 =	simm.s32 @!p0 $0x80  }
0x2d: {  	[tilespmem:s24], [sflag:$0x2] =	stream.indirect.gather @!p0 [hbm4b:s3+s22], $0x1, s23, s22, $0xb8;
	[tilespmem:$0x900] =	vst v63  }
0x2e: {  	p6 =	sne.s32 s21, $0x0;
	p2 =	slt.s32 s31, $0x186A;
	s24 =	simm.s32 @!p0 $0x180  }
0x2f: {  	[tilespmem:s24], [sflag:$0x2] =	stream.indirect.gather @!p0 [hbm4b:s4+s22], $0x1, s23, s22, $0xb8;
	[tilespmem:$0x900] =	vst v63  }
0x30: {  	p1 =	por !p6, !p2;
	s24 =	simm.s32 @!p0 $0x200  }
0x31: {  	[tilespmem:s24], [sflag:$0x2] =	stream.indirect.gather @!p0 [hbm4b:s5+s22], $0x1, s23, s22, $0xb8;
	[tilespmem:$0x900] =	vst v63  }
0x32: {  	p1 =	por !p1, !p1;
	s23 =	simm.s32 @!p0 $0x280  }
0x33: {  	[tilespmem:s23], [sflag:$0x2] =	stream.indirect.gather @!p0 [hbm4b:s3+s22], $0x1, s22, s22, $0xb8;
	[tilespmem:$0x900] =	vst v63  }
.Ltmp4:
0x34: {  	_ = 	snop;
	(pc) =	sbr.rel @!p1 .LBB2_4-.Ltmp4, $4  }
0x35: {  	s23 =	simm.s32 @!p0 $0x300  }
0x36: {  	[tilespmem:s23], [sflag:$0x2] =	stream.indirect.gather @!p0 [hbm4b:s4+s22], $0x1, s22, s22, $0xb8;
	[tilespmem:$0x900] =	vst v63  }
0x37: {  	s23 =	simm.s32 @!p0 $0x380  }
0x38: {  	[tilespmem:s23], [sflag:$0x2] =	stream.indirect.gather @!p0 [hbm4b:s5+s22], $0x1, s22, s22, $0xb8;
	[tilespmem:$0x900] =	vst v63  }
0x39: {  	_ =	swait.ge [sflag:s15], $0x80  }
0x3a: {  	[sflag:s15] =	ssyncset.done $0x0  }
0x3b: {  	[sflag:s15] =	ssyncadd.s32 $0xFFFFFF80  }
0x3c: {  	_ =	swait.ge [sflag:s15], $0x80  }
0x3d: {  	[sflag:s15] =	ssyncset.done $0x0  }
0x3e: {  	[sflag:s15] =	ssyncadd.s32 $0xFFFFFF80  }
0x3f: {  	_ =	swait.ge [sflag:s15], $0x80  }
0x40: {  	[sflag:s15] =	ssyncset.done $0x0  }
0x41: {  	[sflag:s15] =	ssyncadd.s32 $0xFFFFFF80  }
0x42: {  	_ =	swait.ge [sflag:s15], $0x80  }
0x43: {  	[sflag:s15] =	ssyncset.done $0x0  }
0x44: {  	[sflag:s15] =	ssyncadd.s32 $0xFFFFFF80  }
0x45: {  	_ =	swait.ge [sflag:s15], $0x80  }
0x46: {  	[sflag:s15] =	ssyncset.done $0x0  }
0x47: {  	[sflag:s15] =	ssyncadd.s32 $0xFFFFFF80  }
0x48: {  	_ =	swait.ge [sflag:s15], $0x80  }
0x49: {  	[sflag:s15] =	ssyncset.done $0x0  }
0x4a: {  	[sflag:s15] =	ssyncadd.s32 $0xFFFFFF80  }
0x4b: {  	v0 =	vld [tilespmem:$0x580]  }
0x4c: {  	v1 =	vld [tilespmem:$0x700]  }
0x4d: {  	v2 =	vld [tilespmem:$0x600]  }
0x4e: {  	v3 =	vld [tilespmem:$0x780]  }
0x4f: {  	v4 =	vld [tilespmem:$0x680]  }
0x50: {  	v5 =	vld [tilespmem:$0x800]  }
0x51: {  	v6 =	vld [tilespmem:$0x590]  }
0x52: {  	v7 =	vld [tilespmem:$0x710]  }
0x53: {  	v8 =	vld [tilespmem:$0x610]  }
0x54: {  	v9 =	vld [tilespmem:$0x790]  }
0x55: {  	v10 =	vld [tilespmem:$0x690]  }
0x56: {  	v11 =	vld [tilespmem:$0x810]  }
0x57: {  	v12 =	vld [tilespmem:$0x5A0]  }
0x58: {  	v13 =	vld [tilespmem:$0x720]  }
0x59: {  	v14 =	vld [tilespmem:$0x620]  }
0x5a: {  	v15 =	vld [tilespmem:$0x7A0]  }
0x5b: {  	v16 =	vld [tilespmem:$0x6A0]  }
0x5c: {  	v17 =	vld [tilespmem:$0x820]  }
0x5d: {  	v18 =	vld [tilespmem:$0x5B0]  }
0x5e: {  	v19 =	vld [tilespmem:$0x730]  }
0x5f: {  	v20 =	vld [tilespmem:$0x630]  }
0x60: {  	v21 =	vld [tilespmem:$0x7B0]  }
0x61: {  	v22 =	vld [tilespmem:$0x6B0]  }
0x62: {  	v23 =	vld [tilespmem:$0x830]  }
0x63: {  	v24 =	vld [tilespmem:$0x5C0]  }
0x64: {  	v25 =	vld [tilespmem:$0x740]  }
0x65: {  	v26 =	vld [tilespmem:$0x640]  }
0x66: {  	v55 =	vld [tilespmem:$0x7C0]  }
0x67: {  	v56 =	vld [tilespmem:$0x6C0]  }
0x68: {  	v57 =	vld [tilespmem:$0x840]  }
0x69: {  	v27 =	vld [tilespmem:$0x5D0]  }
0x6a: {  	v59 =	vld [tilespmem:$0x750]  }
0x6b: {  	v62 =	vld [tilespmem:$0x6D0];
	v0 =	vsub.f32 v0, v1  }
0x6c: {  	v30 =	vld [tilespmem:$0x850];
	v54 =	vsub.f32 v2, v3;
	v4 =	vsub.f32 v4, v5  }
0x6d: {  	v33 =	vld [tilespmem:$0x5E0];
	v6 =	vsub.f32 v6, v7;
	v61 =	vsub.f32 v8, v9  }
0x6e: {  	v35 =	vld [tilespmem:$0x760];
	v63 =	vsub.f32 v10, v11;
	v29 =	vsub.f32 v12, v13  }
0x6f: {  	v37 =	vld [tilespmem:$0x660];
	v31 =	vsub.f32 v14, v15;
	v32 =	vsub.f32 v16, v17  }
0x70: {  	v40 =	vld [tilespmem:$0x7E0];
	v34 =	vsub.f32 v18, v19;
	v36 =	vsub.f32 v20, v21  }
0x71: {  	v50 =	vld [tilespmem:$0x670];
	v44 =	vsub.f32 v22, v23;
	v48 =	vsub.f32 v24, v25;
	v0 =	vmul.f32 v0, v0  }
0x72: {  	v52 =	vld [tilespmem:$0x7F0];
	v2 =	vsub.f32 v26, v55;
	v1 =	vmul.f32 v54, v54;
	v58 =	vmul.f32 v4, v4  }
0x73: {  	v28 =	vld [tilespmem:$0x650];
	v3 =	vsub.f32 v56, v57;
	v6 =	vmul.f32 v6, v6;
	v7 =	vmul.f32 v61, v61  }
0x74: {  	v60 =	vld [tilespmem:$0x7D0];
	v8 =	vsub.f32 v62, v30;
	v10 =	vmul.f32 v29, v29;
	v12 =	vmul.f32 v31, v31  }
0x75: {  	v43 =	vld [tilespmem:$0x6E0];
	v55 =	vsub.f32 v33, v35;
	v38 =	vmul.f32 v63, v63;
	v39 =	vmul.f32 v32, v32  }
0x76: {  	v47 =	vld [tilespmem:$0x5F0];
	v56 =	vsub.f32 v37, v40;
	v41 =	vmul.f32 v34, v34;
	v42 =	vmul.f32 v36, v36  }
0x77: {  	v49 =	vld [tilespmem:$0x770];
	v57 =	vsub.f32 v50, v52;
	v51 =	vmul.f32 v48, v48;
	v2 =	vmul.f32 v2, v2  }
0x78: {  	v53 =	vld [tilespmem:$0x6F0];
	v4 =	vsub.f32 v27, v59;
	v3 =	vmul.f32 v3, v3;
	v8 =	vmul.f32 v8, v8  }
0x79: {  	v54 =	vld [tilespmem:$0x870];
	v11 =	vmul.f32 v56, v56;
	v0 =	vadd.f32 v1, v0;
	v6 =	vadd.f32 v7, v6  }
0x7a: {  	v45 =	vld [tilespmem:$0x860];
	v10 =	vadd.f32 v12, v10;
	v46 =	vadd.f32 v42, v41;
	v7 =	vmul.f32 v44, v44  }
0x7b: {  	v1 =	vsub.f32 v28, v60;
	v4 =	vmul.f32 v4, v4;
	v2 =	vadd.f32 v2, v51  }
0x7c: {  	v12 =	vsub.f32 v47, v49;
	v60 =	vmul.f32 v57, v57;
	v0 =	vadd.f32 v58, v0  }
0x7d: {  	v6 =	vadd.f32 v38, v6;
	v9 =	vadd.f32 v39, v10;
	v1 =	vmul.f32 v1, v1  }
0x7e: {  	v7 =	vadd.f32 v7, v46;
	v59 =	vmul.f32 v12, v12;
	v5 =	vsub.f32 v53, v54;
	[tilespmem:$0x880] =	vst v0  }
0x7f: {  	v58 =	vsub.f32 v43, v45;
	v1 =	vadd.f32 v1, v4;
	v4 =	vmul.f32 v55, v55;
	[tilespmem:$0x890] =	vst v6  }
0x80: {  	v2 =	vadd.f32 v3, v2;
	[tilespmem:$0x8A0] =	vst v9;
	v62 =	vadd.f32 v60, v59;
	v5 =	vmul.f32 v5, v5  }
0x81: {  	v0 =	vmul.f32 v58, v58;
	[tilespmem:$0x8B0] =	vst v7;
	v61 =	vadd.f32 v11, v4;
	v1 =	vadd.f32 v8, v1  }
0x82: {  	s22 =	sadd.s32 s21, s10;
	[tilespmem:$0x8C0] =	vst v2;
	v63 =	vadd.f32 v5, v62  }
0x83: {  	s22 =	sadd.s32 $0xFFFFFE00, s22;
	v0 =	vadd.f32 v0, v61;
	[tilespmem:$0x8D0] =	vst v1  }
0x84: {  	s22 =	sand.u32 $0x1FFFFFF0, s22;
	[tilespmem:$0x8F0] =	vst v63  }
0x85: {  	s22 =	sadd.s32 s6, s22;
	[tilespmem:$0x8E0] =	vst v0  }
0x86: {  	[hbm4b:s22+s1] =	stream.linear.scatter [tilespmem:s16], [sflag:$0x6], $0x80, $0x38;
	[tilespmem:$0x900] =	vst v63  }
.LBB2_4:
0x87: {  	s22 =	sadd.s32 $0xFFFFFFE0, s20  }
0x88: {  	p2 =	sgt.u32 s22, $0x1869  }
0x89: {  	s22 =	sadd.s32 @!p2 s21, s11  }
0x8a: {  	s24 =	simm.s32 @!p2 $0x0;
	s25 =	simm.s32 @!p2 $0x480;
	s23 =	sadd.s32 @!p2 $0x200, s22  }
0x8b: {  	[tilespmem:s25], [sflag:$0x4] =	stream.linear.gather @!p2 [hbm4b:s23+s24], $0x80, $0x38;
	[tilespmem:$0x900] =	vst v63  }
0x8c: {  	s22 =	sadd.s32 @!p2 $0x188A0, s22;
	s23 =	simm.s32 @!p2 $0x500  }
0x8d: {  	[tilespmem:s23], [sflag:$0x4] =	stream.linear.gather @!p2 [hbm4b:s22+s24], $0x80, $0x38;
	[tilespmem:$0x900] =	vst v63  }
0x8e: {  	s22 =	simm.s32 @!p2 $0x4  }
0x8f: {  	_ =	swait.ge @!p2 [sflag:s22], $0x80  }
0x90: {  	[sflag:s22] =	ssyncset.done @!p2 $0x0  }
0x91: {  	[sflag:s22] =	ssyncadd.s32 @!p2 $0xFFFFFF80  }
0x92: {  	_ =	swait.ge @!p2 [sflag:s22], $0x80  }
0x93: {  	[sflag:s22] =	ssyncset.done @!p2 $0x0  }
0x94: {  	[sflag:s22] =	ssyncadd.s32 @!p2 $0xFFFFFF80;
	s22 =	simm.s32 @p1 $0x6  }
0x95: {  	_ =	swait.ge @p1 [sflag:s22], $0x80  }
0x96: {  	[sflag:s22] =	ssyncset.done @p1 $0x0  }
0x97: {  	s24 =	simm.s32 @!p2 $0x580;
	[sflag:s22] =	ssyncadd.s32 @p1 $0xFFFFFF80;
	s22 =	simm.s32 @!p2 $0x80  }
0x98: {  	[tilespmem:s24], [sflag:$0x5] =	stream.indirect.gather @!p2 [hbm4b:s3+s22], $0x1, s25, s22, $0xb8;
	[tilespmem:$0x900] =	vst v63  }
0x99: {  	s24 =	simm.s32 @!p2 $0x600  }
0x9a: {  	[tilespmem:s24], [sflag:$0x5] =	stream.indirect.gather @!p2 [hbm4b:s4+s22], $0x1, s25, s22, $0xb8;
	[tilespmem:$0x900] =	vst v63  }
0x9b: {  	s24 =	simm.s32 @!p2 $0x680  }
0x9c: {  	[tilespmem:s24], [sflag:$0x5] =	stream.indirect.gather @!p2 [hbm4b:s5+s22], $0x1, s25, s22, $0xb8;
	[tilespmem:$0x900] =	vst v63  }
0x9d: {  	s24 =	simm.s32 @!p2 $0x700  }
0x9e: {  	[tilespmem:s24], [sflag:$0x5] =	stream.indirect.gather @!p2 [hbm4b:s3+s22], $0x1, s23, s22, $0xb8;
	[tilespmem:$0x900] =	vst v63  }
.Ltmp5:
0x9f: {  	_ = 	snop;
	(pc) =	sbr.rel @p0 .LBB2_6-.Ltmp5, $4  }
0xa0: {  	s24 =	simm.s32 @!p2 $0x780  }
0xa1: {  	[tilespmem:s24], [sflag:$0x5] =	stream.indirect.gather @!p2 [hbm4b:s4+s22], $0x1, s23, s22, $0xb8;
	[tilespmem:$0x900] =	vst v63  }
0xa2: {  	s24 =	simm.s32 @!p2 $0x800  }
0xa3: {  	[tilespmem:s24], [sflag:$0x5] =	stream.indirect.gather @!p2 [hbm4b:s5+s22], $0x1, s23, s22, $0xb8;
	[tilespmem:$0x900] =	vst v63  }
0xa4: {  	_ =	swait.ge [sflag:s17], $0x80  }
0xa5: {  	[sflag:s17] =	ssyncset.done $0x0  }
0xa6: {  	[sflag:s17] =	ssyncadd.s32 $0xFFFFFF80  }
0xa7: {  	_ =	swait.ge [sflag:s17], $0x80  }
0xa8: {  	[sflag:s17] =	ssyncset.done $0x0  }
0xa9: {  	[sflag:s17] =	ssyncadd.s32 $0xFFFFFF80  }
0xaa: {  	_ =	swait.ge [sflag:s17], $0x80  }
0xab: {  	[sflag:s17] =	ssyncset.done $0x0  }
0xac: {  	[sflag:s17] =	ssyncadd.s32 $0xFFFFFF80  }
0xad: {  	_ =	swait.ge [sflag:s17], $0x80  }
0xae: {  	[sflag:s17] =	ssyncset.done $0x0  }
0xaf: {  	[sflag:s17] =	ssyncadd.s32 $0xFFFFFF80  }
0xb0: {  	_ =	swait.ge [sflag:s17], $0x80  }
0xb1: {  	[sflag:s17] =	ssyncset.done $0x0  }
0xb2: {  	[sflag:s17] =	ssyncadd.s32 $0xFFFFFF80  }
0xb3: {  	_ =	swait.ge [sflag:s17], $0x80  }
0xb4: {  	[sflag:s17] =	ssyncset.done $0x0  }
0xb5: {  	[sflag:s17] =	ssyncadd.s32 $0xFFFFFF80  }
0xb6: {  	v0 =	vld [tilespmem:$0x100]  }
0xb7: {  	v1 =	vld [tilespmem:$0x280]  }
0xb8: {  	v2 =	vld [tilespmem:$0x180]  }
0xb9: {  	v3 =	vld [tilespmem:$0x300]  }
0xba: {  	v4 =	vld [tilespmem:$0x200]  }
0xbb: {  	v5 =	vld [tilespmem:$0x380]  }
0xbc: {  	v6 =	vld [tilespmem:$0x110]  }
0xbd: {  	v7 =	vld [tilespmem:$0x290]  }
0xbe: {  	v8 =	vld [tilespmem:$0x190]  }
0xbf: {  	v9 =	vld [tilespmem:$0x310]  }
0xc0: {  	v10 =	vld [tilespmem:$0x210]  }
0xc1: {  	v11 =	vld [tilespmem:$0x390]  }
0xc2: {  	v12 =	vld [tilespmem:$0x120]  }
0xc3: {  	v13 =	vld [tilespmem:$0x2A0]  }
0xc4: {  	v14 =	vld [tilespmem:$0x1A0]  }
0xc5: {  	v15 =	vld [tilespmem:$0x320]  }
0xc6: {  	v16 =	vld [tilespmem:$0x220]  }
0xc7: {  	v17 =	vld [tilespmem:$0x3A0]  }
0xc8: {  	v18 =	vld [tilespmem:$0x130]  }
0xc9: {  	v19 =	vld [tilespmem:$0x2B0]  }
0xca: {  	v20 =	vld [tilespmem:$0x1B0]  }
0xcb: {  	v21 =	vld [tilespmem:$0x330]  }
0xcc: {  	v22 =	vld [tilespmem:$0x230]  }
0xcd: {  	v23 =	vld [tilespmem:$0x3B0]  }
0xce: {  	v24 =	vld [tilespmem:$0x140]  }
0xcf: {  	v25 =	vld [tilespmem:$0x2C0]  }
0xd0: {  	v26 =	vld [tilespmem:$0x1C0]  }
0xd1: {  	v55 =	vld [tilespmem:$0x340]  }
0xd2: {  	v56 =	vld [tilespmem:$0x240]  }
0xd3: {  	v57 =	vld [tilespmem:$0x3C0]  }
0xd4: {  	v27 =	vld [tilespmem:$0x150]  }
0xd5: {  	v59 =	vld [tilespmem:$0x2D0]  }
0xd6: {  	v62 =	vld [tilespmem:$0x250];
	v0 =	vsub.f32 v0, v1  }
0xd7: {  	v30 =	vld [tilespmem:$0x3D0];
	v54 =	vsub.f32 v2, v3;
	v4 =	vsub.f32 v4, v5  }
0xd8: {  	v33 =	vld [tilespmem:$0x160];
	v6 =	vsub.f32 v6, v7;
	v61 =	vsub.f32 v8, v9  }
0xd9: {  	v35 =	vld [tilespmem:$0x2E0];
	v63 =	vsub.f32 v10, v11;
	v29 =	vsub.f32 v12, v13  }
0xda: {  	v37 =	vld [tilespmem:$0x1E0];
	v31 =	vsub.f32 v14, v15;
	v32 =	vsub.f32 v16, v17  }
0xdb: {  	v40 =	vld [tilespmem:$0x360];
	v34 =	vsub.f32 v18, v19;
	v36 =	vsub.f32 v20, v21  }
0xdc: {  	v50 =	vld [tilespmem:$0x1F0];
	v44 =	vsub.f32 v22, v23;
	v48 =	vsub.f32 v24, v25;
	v0 =	vmul.f32 v0, v0  }
0xdd: {  	v52 =	vld [tilespmem:$0x370];
	v2 =	vsub.f32 v26, v55;
	v1 =	vmul.f32 v54, v54;
	v58 =	vmul.f32 v4, v4  }
0xde: {  	v28 =	vld [tilespmem:$0x1D0];
	v3 =	vsub.f32 v56, v57;
	v6 =	vmul.f32 v6, v6;
	v7 =	vmul.f32 v61, v61  }
0xdf: {  	v60 =	vld [tilespmem:$0x350];
	v8 =	vsub.f32 v62, v30;
	v10 =	vmul.f32 v29, v29;
	v12 =	vmul.f32 v31, v31  }
0xe0: {  	v43 =	vld [tilespmem:$0x260];
	v55 =	vsub.f32 v33, v35;
	v38 =	vmul.f32 v63, v63;
	v39 =	vmul.f32 v32, v32  }
0xe1: {  	v47 =	vld [tilespmem:$0x170];
	v56 =	vsub.f32 v37, v40;
	v41 =	vmul.f32 v34, v34;
	v42 =	vmul.f32 v36, v36  }
0xe2: {  	v49 =	vld [tilespmem:$0x2F0];
	v57 =	vsub.f32 v50, v52;
	v51 =	vmul.f32 v48, v48;
	v2 =	vmul.f32 v2, v2  }
0xe3: {  	v53 =	vld [tilespmem:$0x270];
	v4 =	vsub.f32 v27, v59;
	v3 =	vmul.f32 v3, v3;
	v8 =	vmul.f32 v8, v8  }
0xe4: {  	v54 =	vld [tilespmem:$0x3F0];
	v11 =	vmul.f32 v56, v56;
	v0 =	vadd.f32 v1, v0;
	v6 =	vadd.f32 v7, v6  }
0xe5: {  	v45 =	vld [tilespmem:$0x3E0];
	v10 =	vadd.f32 v12, v10;
	v46 =	vadd.f32 v42, v41;
	v7 =	vmul.f32 v44, v44  }
0xe6: {  	v1 =	vsub.f32 v28, v60;
	v4 =	vmul.f32 v4, v4;
	v2 =	vadd.f32 v2, v51  }
0xe7: {  	v12 =	vsub.f32 v47, v49;
	v60 =	vmul.f32 v57, v57;
	v0 =	vadd.f32 v58, v0  }
0xe8: {  	v6 =	vadd.f32 v38, v6;
	v9 =	vadd.f32 v39, v10;
	v1 =	vmul.f32 v1, v1  }
0xe9: {  	v7 =	vadd.f32 v7, v46;
	v59 =	vmul.f32 v12, v12;
	v5 =	vsub.f32 v53, v54;
	[tilespmem:$0x400] =	vst v0  }
0xea: {  	v58 =	vsub.f32 v43, v45;
	v1 =	vadd.f32 v1, v4;
	v4 =	vmul.f32 v55, v55;
	[tilespmem:$0x410] =	vst v6  }
0xeb: {  	v2 =	vadd.f32 v3, v2;
	[tilespmem:$0x420] =	vst v9;
	v62 =	vadd.f32 v60, v59;
	v5 =	vmul.f32 v5, v5  }
0xec: {  	v0 =	vmul.f32 v58, v58;
	[tilespmem:$0x430] =	vst v7;
	v61 =	vadd.f32 v11, v4;
	v1 =	vadd.f32 v8, v1  }
.Ltmp6:
0xed: {  	[tilespmem:$0x440] =	vst v2;
	v63 =	vadd.f32 v5, v62;
	(pc) =	sbr.rel .LBB2_6-.Ltmp6, $4  }
0xee: {  	v0 =	vadd.f32 v0, v61;
	[tilespmem:$0x450] =	vst v1  }
0xef: {  	[tilespmem:$0x470] =	vst v63  }
0xf0: {  	s22 =	sadd.s32 s21, s13;
	[tilespmem:$0x460] =	vst v0  }
0xf1: {  	[hbm4b:s22+s1] =	stream.linear.scatter [tilespmem:s18], [sflag:$0x3], $0x80, $0x38;
	[tilespmem:$0x900] =	vst v63  }
.LBB2_8:
0xf2: {  	_ =	sfence.sel $0x180000  }
0xf3: {  	[bflag:$0x0] =	sbarrier.arrive $0xFFFF  }
0xf4: {  	p0 =	sne.s32 s2, $0x0;
	_ =	strace $0x90000047  }
0xf5: {  	s0 =	sadd.s32 @!p0 $0x100000, s0;
	[bflag:$0x2] =	sbarrier.arrive $0xFFFF  }
0xf6: {  	[sflag:s0] =	ssyncadd.tile.s32 @!p0 $0x1;
	_ =	shalt  }
.Lfunc_end2:
_tile_overlayer_lowered:
.L_overlay_start_2:
0xf7: {  	(tag) =	ssettag $0x2  }
0xf8: {  	s0 =	rddreg [dreg:$0x0];
	s2 =	stileid.u32  }
0xf9: {  	s1 =	rddreg [dreg:$0x1];
	p0 =	sne.s32 s2, $0x0  }
0xfa: {  	s3 =	rddreg [dreg:$0x2];
	[bflag:$0x3] =	sbarrier.arrive $0xFFFF;
	s2 =	simm.s32 @!p0 $0x1C07  }
0xfb: {  	[timem:s3], [sflag:s2] =	dma.local @!p0 [hbm:s0], s1  }
0xfc: {  	s0 =	simm.s32 @!p0 $0x7  }
0xfd: {  	_ =	swait.ge @!p0 [sflag:s0], s1  }
0xfe: {  	s1 =	ssub.s32 @!p0 $0x0, s1;
	[sflag:s0] =	ssyncset.done @!p0 $0x0  }
0xff: {  	[sflag:s0] =	ssyncadd.s32 @!p0 s1  }
0x100: {  	[bflag:$0x3] =	sbarrier.arrive $0xFFFF  }
0x101: {  	_ =	shalt  }

// kernel: kernel.14.cloned.1.call-start
scs
__scs_entry_jumppad:
0x0: {  	(pc) =	sbr.rel $0x88, $3  }
0x1: {  	(tag) =	ssettag $0x0;
	lr =	simm.s32 $0x1  }
0x2: {  	[smem:$0x3F82] =	sst lr;
	_ =	strace $0xD0000000  }
0x3: {  	_ = 	snop  }
0x4: {  	_ = 	snop  }
0x5: {  	_ = 	snop  }
0x6: {  	_ = 	snop  }
0x7: {  	_ = 	snop  }
__scs_overlays_trampoline_lowered:
0x8: {  	[smem:$0x3F91] =	sst s0  }
0x9: {  	[smem:$0x3F92] =	sst s1  }
0xa: {  	[smem:$0x3F93] =	sst s2  }
0xb: {  	[smem:$0x3F94] =	sst s3  }
0xc: {  	[smem:$0x3F95] =	sst s4  }
0xd: {  	[smem:$0x3F96] =	sst s5  }
0xe: {  	[smem:$0x3F97] =	sst s6  }
0xf: {  	[smem:$0x3F98] =	sst s7  }
0x10: {  	[smem:$0x3F99] =	sst s8  }
0x11: {  	[smem:$0x3F9A] =	sst s9;
	s0 =	simm.s32 @!p0 $0x0  }
0x12: {  	s1 =	sld [smem:$0x3F80];
	s0 =	simm.s32 @p0 $0x1  }
0x13: {  	[smem:$0x3F9B] =	sst s0;
	s0 =	simm.s32 @!p1 $0x0  }
0x14: {  	s2 =	sld [smem:$0x3F7F];
	s0 =	simm.s32 @p1 $0x1  }
0x15: {  	[smem:$0x3F9C] =	sst s0;
	s0 =	simm.s32 @!p2 $0x0  }
0x16: {  	s3 =	sld [smem:$0x3FDB];
	s0 =	simm.s32 @p2 $0x1  }
0x17: {  	s4 =	simm.s32 $0x1BF5;
	[smem:$0x3F9E] =	sst s0  }
0x18: {  	s0 =	sld [smem:$0x3F81];
	_ =	swait.ge [sflag:s4], $0x0  }
0x19: {  	s7 =	sld [smem:$0x3F82]  }
0x1a: {  	s8 =	sadd.s32 $0xFFFFE003, lr  }
0x1b: {  	s9 =	sadd.s32 $0xFFFFFEF7, lr;
	s5 =	simm.s32 $0xFFFFFFFF;
	p2 =	slt.u32 s8, $0xFFFFF086  }
0x1c: {  	p1 =	slt.u32 s9, $0xF7A;
	s5 =	simm.s32 @!p2 $0x0  }
0x1d: {  	s5 =	simm.s32 @p1 $0x1;
	p0 =	seq.s32 s7, s2  }
0x1e: {  	s7 =	smul.u32 @!p0 $0xF7A, s2;
	p2 =	seq.s32 @!p0 s5, $0x0  }
0x1f: {  	s9 =	smul.u32 $0xF7A, s1;
	s8 =	simm.s32 @!p0 $0x1BF5;
	p2 =	por !p2, p0  }
0x20: {  	[sflag:s8] =	ssyncset.s32 @!p0 $0xFFFFF086;
	s6 =	sadd.s32 @!p0 s3, s7;
	s7 =	simm.s32 @!p0 $0x108  }
0x21: {  	s3 =	sadd.s32 s3, s9;
	s6 =	sadd.s32 @!p0 $0x88, s6;
	s7 =	simm.s32 @p2 $0x1082  }
0x22: {  	[simem:s7], [sflag:s8] =	dma.local @!p0 [hbm:s6], $0xF7A  }
0x23: {  	s9 =	sor.u32 $0xD0000000, s2;
	s6 =	simm.s32 $0x108;
	_ =	swait.ge @!p0 [sflag:s8], $0x0  }
0x24: {  	s3 =	sadd.s32 $0x88, s3;
	s6 =	simm.s32 @!p1 $0x1082;
	[sflag:s4] =	ssyncset.s32 $0xFFFFF086  }
0x25: {  	[simem:s6], [sflag:s4] =	dma.local [hbm:s3], $0xF7A  }
0x26: {  	[smem:$0x3F82] =	sst s1;
	(tag) =	ssettag s2;
	_ =	strace s9  }
0x27: {  	s1 =	sld [smem:$0x3F92]  }
0x28: {  	s2 =	sld [smem:$0x3F93]  }
0x29: {  	s4 =	sld [smem:$0x3F95]  }
0x2a: {  	p0 =	seq.s32 s5, $0x0;
	s5 =	sld [smem:$0x3F96]  }
0x2b: {  	s6 =	sld [smem:$0x3F97]  }
0x2c: {  	s7 =	sld [smem:$0x3F98]  }
0x2d: {  	s3 =	simm.s32 $0x108;
	s8 =	sld [smem:$0x3F99]  }
0x2e: {  	s3 =	simm.s32 @!p0 $0x1082;
	s9 =	sld [smem:$0x3F9A]  }
0x2f: {  	lr =	sadd.s32 s0, s3;
	s0 =	sld [smem:$0x3F91]  }
0x30: {  	s3 =	sld [smem:$0x3F94]  }
0x31: {  	[smem:$0x3F9D] =	sst s10  }
0x32: {  	s10 =	sld [smem:$0x3F9B];
	_ =	sdelay $0x3  }
0x33: {  	p0 =	seq.s32 s10, $0x1;
	s10 =	sld [smem:$0x3F9D];
	_ =	sdelay $0x3  }
0x34: {  	[smem:$0x3F9D] =	sst s10  }
0x35: {  	s10 =	sld [smem:$0x3F9C];
	_ =	sdelay $0x3  }
0x36: {  	p1 =	seq.s32 s10, $0x1;
	s10 =	sld [smem:$0x3F9D];
	_ =	sdelay $0x3  }
0x37: {  	[smem:$0x3F9D] =	sst s10  }
0x38: {  	s10 =	sld [smem:$0x3F9E]  }
0x39: {  	_ = 	snop;
	(pc) =	sbr.ind lr, $3  }
0x3a: {  	_ = 	snop  }
0x3b: {  	_ = 	snop  }
0x3c: {  	p2 =	seq.s32 s10, $0x1;
	s10 =	sld [smem:$0x3F9D]  }
0x3d: {  	_ =	shalt  }
0x3e: {  	_ =	shalt  }
0x3f: {  	_ =	shalt  }
0x40: {  	_ =	shalt  }
0x41: {  	_ =	shalt  }
0x42: {  	_ =	shalt  }
0x43: {  	_ =	shalt  }
0x44: {  	_ =	shalt  }
0x45: {  	_ =	shalt  }
0x46: {  	_ =	shalt  }
0x47: {  	_ =	shalt  }
0x48: {  	_ =	shalt  }
0x49: {  	_ =	shalt  }
0x4a: {  	_ =	shalt  }
0x4b: {  	_ =	shalt  }
0x4c: {  	_ =	shalt  }
0x4d: {  	_ =	shalt  }
0x4e: {  	_ =	shalt  }
0x4f: {  	_ =	shalt  }
0x50: {  	_ =	shalt  }
0x51: {  	_ =	shalt  }
0x52: {  	_ =	shalt  }
0x53: {  	_ =	shalt  }
0x54: {  	_ =	shalt  }
0x55: {  	_ =	shalt  }
0x56: {  	_ =	shalt  }
0x57: {  	_ =	shalt  }
0x58: {  	_ =	shalt  }
0x59: {  	_ =	shalt  }
0x5a: {  	_ =	shalt  }
0x5b: {  	_ =	shalt  }
0x5c: {  	_ =	shalt  }
0x5d: {  	_ =	shalt  }
0x5e: {  	_ =	shalt  }
0x5f: {  	_ =	shalt  }
0x60: {  	_ =	shalt  }
0x61: {  	_ =	shalt  }
0x62: {  	_ =	shalt  }
0x63: {  	_ =	shalt  }
0x64: {  	_ =	shalt  }
0x65: {  	_ =	shalt  }
0x66: {  	_ =	shalt  }
0x67: {  	_ =	shalt  }
0x68: {  	_ =	shalt  }
0x69: {  	_ =	shalt  }
0x6a: {  	_ =	shalt  }
0x6b: {  	_ =	shalt  }
0x6c: {  	_ =	shalt  }
0x6d: {  	_ =	shalt  }
0x6e: {  	_ =	shalt  }
0x6f: {  	_ =	shalt  }
0x70: {  	_ =	shalt  }
0x71: {  	_ =	shalt  }
0x72: {  	_ =	shalt  }
0x73: {  	_ =	shalt  }
0x74: {  	_ =	shalt  }
0x75: {  	_ =	shalt  }
0x76: {  	_ =	shalt  }
0x77: {  	_ =	shalt  }
0x78: {  	_ =	shalt  }
0x79: {  	_ =	shalt  }
0x7a: {  	_ =	shalt  }
0x7b: {  	_ =	shalt  }
0x7c: {  	_ =	shalt  }
0x7d: {  	_ =	shalt  }
0x7e: {  	_ =	shalt  }
0x7f: {  	_ =	shalt  }
0x80: {  	_ =	shalt  }
0x81: {  	_ =	shalt  }
0x82: {  	_ =	shalt  }
0x83: {  	_ =	shalt  }
0x84: {  	_ =	shalt  }
0x85: {  	_ =	shalt  }
0x86: {  	_ =	shalt  }
0x87: {  	_ =	shalt  }
.Lfunc_end0:
.L_simem_size_0:
called_computation.1_lowered:
.L_overlay_start_0:
0x88: {  	s2 =	sld [smem:$0x3FD9]  }
0x89: {  	s3 =	sld [smem:$0x3FFE];
	_ =	sdelay $0x1  }
0x8a: {  	s1 =	srdreg.scid  }
0x8b: {  	s0 =	sand.u32 $0x1, s1  }
0x8c: {  	s16 =	sshll.u32 s0, $0xA;
	s2 =	sadd.s32 s3, s2  }
0x8d: {  	s2 =	sadd.s32 s2, s16  }
0x8e: {  	[smem:$0x3FA9] =	sst s2  }
0x8f: {  	_ = 	snop  }
0x90: {  	(tm) =	ssettm $0x1  }
0x91: {  	s17 =	sld [smem:$0x3FFB];
	_ =	sdelay $0x3  }
0x92: {  	_ =	strace s17  }
0x93: {  	s2 =	sld [smem:$0x3FFC];
	_ =	sdelay $0x3  }
0x94: {  	_ =	strace s2  }
0x95: {  	s2 =	sld [smem:$0x3FFD];
	_ =	sdelay $0x3  }
0x96: {  	_ =	strace s2  }
0x97: {  	_ =	strace $0x8FFFFFFF  }
0x98: {  	s18 =	sld [smem:$0x3FDB];
	_ =	sdelay $0x1  }
0x99: {  	s19 =	simm.s32 $_scs_section_size  }
0x9a: {  	s4 =	simm.s32 $_size__tile_overlayer_lowered;
	s5 =	simm.s32 $_tile_overlayer_lowered  }
0x9b: {  	s22 =	simm.s32 $0x1BFF;
	s21 =	sshll.u32 s5, $0x1;
	s2 =	sadd.s32 s19, s18  }
0x9c: {  	s6 =	simm.s32 $0x0;
	s20 =	sshll.u32 s4, $0x1;
	s4 =	sadd.s32 s21, s2  }
0x9d: {  	[timem:s6], [sflag:s22] =	dma.local [hbm:s4], s20  }
0x9e: {  	_ =	swait.ge [sflag:s22], s20  }
0x9f: {  	s3 =	ssub.s32 $0x0, s20;
	[sflag:s22] =	ssyncset.done $0x0  }
0xa0: {  	[sflag:s22] =	ssyncadd.s32 s3;
	_ =	sdelay $0x1  }
0xa1: {  	s23 =	simm.s32 $0x1B8B  }
0xa2: {  	_ =	swait.ge [sflag:s23], $0x1  }
0xa3: {  	[sflag:s23] =	ssyncset.done $0x0  }
0xa4: {  	s25 =	simm.s32 $0x1B8E;
	s24 =	sld [smem:$0x3FFE];
	[sflag:s23] =	ssyncadd.s32 $0xFFFFFFFF  }
0xa5: {  	s26 =	simm.s32 $execute0_lowered;
	[smem:$0x3FD2] =	sst s25  }
0xa6: {  	s4 =	sshll.u32 s26, $0x1;
	_ =	strace $0x80000049;
	[dreg:$0x1] =	wrdreg $0xFFFFFFFF  }
0xa7: {  	s28 =	simm.s32 $_size_execute0_lowered;
	s2 =	sadd.s32 s2, s4;
	[dreg:$0x0] =	wrdreg $0x0  }
0xa8: {  	s4 =	sshll.u32 s28, $0x1;
	[dreg:$0x2] =	wrdreg s2  }
0xa9: {  	[dreg:$0x3] =	wrdreg s4  }
0xaa: {  	[dreg:$0x4] =	wrdreg $0xC0  }
0xab: {  	_ =	task [dreg:s6], $0x5FFFF  }
0xac: {  	[dreg:$0x1] =	wrdreg $0xFFFFFFFF  }
0xad: {  	[dreg:$0x0] =	wrdreg $0x60  }
0xae: {  	[dreg:$0x2] =	wrdreg s24  }
0xaf: {  	[dreg:$0x3] =	wrdreg $0x43000  }
0xb0: {  	[dreg:$0x4] =	wrdreg $0x9  }
0xb1: {  	_ =	task.clear_ibuf [dreg:s6], $0x5FFFF;
	_ =	strace $0x90000049  }
0xb2: {  	s29 =	simm.s32 $0x9;
	_ =	strace $0x8000004B  }
0xb3: {  	_ =	swait.ge [sflag:s29], $0x1  }
0xb4: {  	[sflag:s29] =	ssyncadd.s32 $0xFFFFFFFF  }
0xb5: {  	_ =	strace $0x9000004B  }
0xb6: {  	_ =	sfence  }
0xb7: {  	s30 =	sld [smem:$0x0];
	_ =	sdelay $0x2  }
0xb8: {  	s31 =	sshll.u32 s1, $0xD;
	s1 =	sshrl.u32 s1, $0x2  }
0xb9: {  	s3 =	sand.u32 $0x4000, s31;
	s1 =	sadd.s32 s1, s30  }
0xba: {  	s0 =	sor.u32 s3, s0;
	s1 =	sshll.u32 s1, $0x11  }
0xbb: {  	s0 =	sor.u32 s1, s0  }
0xbc: {  	s0 =	sadd.s32 $0x8F2B, s0  }
0xbd: {  	[sflag:s0] =	ssyncadd.remote.s32 $0x1  }
0xbe: {  	_ =	sfence.sel $0xFFFF  }
0xbf: {  	[dreg:$0x0] =	wrdreg $0xFFFFFFFF;
	(pc) =	sbr.abs _section_cstart, $3  }
0xc0: {  	[dreg:$0x1] =	wrdreg $0xFFFFFFFF  }
0xc1: {  	_ =	task.clear_ibuf [dreg:s6], $0x2FFFF;
	_ =	strace $0x9FFFFFFF  }
0xc2: {  	(tm) =	ssettm $0x7FFFFFFF  }
0xc3: {  	_ =	shalt  }
tec
execute0_lowered:
.L_overlay_start_1:
0x0: {  	(tag) =	ssettag $0x1  }
0x1: {  	s0 =	rddreg [dreg:$0x0]  }
0x2: {  	s1 =	rddreg [dreg:$0x1]  }
0x3: {  	s2 =	srdreg.scid;
	s3 =	simm.s32 $0x0;
	s20 =	simm.s32 $0x6  }
0x4: {  	s21 =	simm.s32 $0x7;
	s22 =	simm.s32 $0x80;
	s23 =	simm.s32 $0x2200  }
0x5: {  	s28 =	simm.s32 $0x2;
	s29 =	simm.s32 $0x3;
	s30 =	simm.s32 $0x180  }
0x6: {  	s31 =	simm.s32 $0x0;
	s2 =	sand.u32 $0x1, s2;
	[smem:$0x7FF] =	sst s3  }
0x7: {  	s3 =	stileid.u32;
	s16 =	sadd.s32 $0x16E900, s1;
	s5 =	smul.u32 $0x320000, s2  }
0x8: {  	s4 =	sadd.s32 $0x2000, s0;
	_ =	strace $0x8000004A;
	s6 =	smul.u32 $0x30D40, s2  }
0x9: {  	s2 =	ssub.s32 $0x2, s2;
	s7 =	smul.u32 $0x61C00, s3;
	s24 =	sshll.u32 s3, $0x4  }
0xa: {  	s26 =	smul.u32 $0x18700, s3;
	p0 =	seq.s32 s3, $0xF;
	s14 =	ssub.s32 $0x188A, s3  }
0xb: {  	s15 =	ssub.s32 $0x187A, s3;
	s9 =	sshrl.u32 s2, $0x1;
	s25 =	sadd.s32 s4, s24  }
0xc: {  	s16 =	sshrl.u32 @p0 s16, $0x3;
	s8 =	sadd.s32 s5, s0;
	s5 =	sadd.s32 $0x32E00, s0  }
0xd: {  	s6 =	sadd.s32 s6, s0;
	s2 =	ssub.s32 s2, s9;
	s7 =	sshrl.u32 s7, $0x2  }
0xe: {  	s13 =	sadd.s32 s7, s1;
	s7 =	sadd.s32 $0x1A6A0, s0;
	s10 =	sadd.s32 $0x29AC00, s6  }
0xf: {  	[dreg:$0x3] =	wrdreg s25;
	s11 =	sadd.s32 $0x1BFC800, s8;
	s12 =	sadd.s32 $0x2FC800, s6  }
.Ltmp0:
0x10: {  	s6 =	sshrl.u32 s26, $0x3;
	s0 =	sadd.s32 s26, s1;
	(pc) =	sbr.rel .LBB2_1-.Ltmp0, $4  }
0x11: {  	s2 =	smax.u32 s2, $0x1;
	s26 =	simm.s32 $0x2300;
	s9 =	sadd.s32 s24, s7  }
0x12: {  	[dreg:$0x5] =	wrdreg s2;
	s2 =	sshll.u32 @!p0 s3, $0x6;
	s24 =	sadd.s32 @!p0 s6, s12  }
0x13: {  	[dreg:$0x4] =	wrdreg s9;
	s17 =	sor.u32 @!p0 $0x1C09, s2;
	s2 =	sshrl.u32 @!p0 s13, $0x3  }
0x14: {  	s25 =	sshrl.u32 @!p0 s0, $0x3;
	s9 =	sor.u32 $0x20, s3;
	[dreg:$0x6] =	wrdreg s2  }
.LBB2_11:
0x15: {  	[bflag:$0x0] =	sbarrier.arrive $0xFFFF;
	s0 =	sadd.s32 @p0 $0x2DD20, s12;
	s2 =	simm.s32 @p0 $0x1FC9  }
0x16: {  	[hbm:s0], [sflag:s2] =	dma.local @p0 [spmem:s16], $0x3020  }
0x17: {  	s0 =	simm.s32 @p0 $0x9  }
0x18: {  	_ =	swait.ge @p0 [sflag:s0], $0x3020  }
0x19: {  	[sflag:s0] =	ssyncset.done @p0 $0x0  }
0x1a: {  	[sflag:s0] =	ssyncadd.s32 @p0 $0xFFFFCFE0;
	s0 =	simm.s32 @!p0 $0x9  }
0x1b: {  	[hbm:s24], [sflag:s17] =	dma.local @!p0 [spmem:s25], $0x30E0  }
0x1c: {  	_ =	swait.ge @!p0 [sflag:s0], $0x30E0  }
0x1d: {  	s31 =	sadd.s32 $0x1, s31;
	s19 =	rddreg [dreg:$0x5]  }
0x1e: {  	p1 =	sne.s32 s31, s19  }
.Ltmp1:
0x1f: {  	_ = 	snop;
	(pc) =	sbr.rel @!p1 .LBB2_12-.Ltmp1, $3  }
0x20: {  	_ =	sdelay $0x1  }
0x21: {  	[sflag:s0] =	ssyncset.done @!p0 $0x0  }
0x22: {  	[sflag:s0] =	ssyncadd.s32 @!p0 $0xFFFFCF20  }
.LBB2_1:
0x23: {  	s0 =	simm.s32 @p0 $0x1FC9  }
0x24: {  	[spmem:s16], [sflag:s0] =	dma.local @p0 [hbm:s5], $0x3020  }
0x25: {  	s0 =	simm.s32 @p0 $0x9  }
0x26: {  	_ =	swait.ge @p0 [sflag:s0], $0x3020  }
0x27: {  	[sflag:s0] =	ssyncset.done @p0 $0x0  }
0x28: {  	[sflag:s0] =	ssyncadd.s32 @p0 $0xFFFFCFE0;
	s0 =	rddreg [dreg:$0x6]  }
0x29: {  	[spmem:s0], [sflag:s17] =	dma.local @!p0 [hbm:s5], $0x30E0  }
0x2a: {  	s0 =	simm.s32 @!p0 $0x9  }
0x2b: {  	_ =	swait.ge @!p0 [sflag:s0], $0x30E0  }
0x2c: {  	[sflag:s0] =	ssyncset.done @!p0 $0x0  }
0x2d: {  	[sflag:s0] =	ssyncadd.s32 @!p0 $0xFFFFCF20  }
.Ltmp2:
0x2e: {  	[bflag:$0x0] =	sbarrier.arrive $0xFFFF;
	(pc) =	sbr.rel .LBB2_2-.Ltmp2, $4  }
0x2f: {  	s18 =	simm.s32 $0x0;
	s2 =	rddreg [dreg:$0x3]  }
0x30: {  	[tilespmem:s18], [sflag:$0x1] =	stream.linear.gather [hbm4b:s2+s18], $0x80, $0x38;
	[tilespmem:$0x1C9A0] =	vst v63  }
0x31: {  	s6 =	simm.s32 $0x100;
	s0 =	simm.s32 $0x0;
	s19 =	rddreg [dreg:$0x4]  }
0x32: {  	[tilespmem:s6], [sflag:$0x1] =	stream.linear.gather [hbm4b:s19+s18], $0x80, $0x38;
	[tilespmem:$0x1C9A0] =	vst v63  }
.LBB2_10:
0x33: {  	s2 =	sadd.s32 s9, s19  }
0x34: {  	p1 =	sgt.u32 s2, $0x1869  }
0x35: {  	s2 =	sshll.u32 @!p1 s2, $0x4  }
0x36: {  	s8 =	simm.s32 @!p1 $0x0;
	s6 =	sadd.s32 @!p1 s4, s2  }
0x37: {  	[tilespmem:s8], [sflag:$0x1] =	stream.linear.gather @!p1 [hbm4b:s6+s8], $0x80, $0x38;
	[tilespmem:$0x1C9A0] =	vst v63  }
0x38: {  	s0 =	sadd.s32 $0x1, s0;
	s2 =	sadd.s32 @!p1 s2, s7;
	s6 =	simm.s32 @!p1 $0x100  }
0x39: {  	[tilespmem:s6], [sflag:$0x1] =	stream.linear.gather @!p1 [hbm4b:s2+s8], $0x80, $0x38;
	[tilespmem:$0x1C9A0] =	vst v63  }
0x3a: {  	p1 =	sne.s32 s0, $0xC5  }
.Ltmp3:
0x3b: {  	_ = 	snop;
	(pc) =	sbr.rel @!p1 .LBB2_11-.Ltmp3, $1  }
0x3c: {  	_ =	sdelay $0x3  }
.LBB2_2:
0x3d: {  	s19 =	sshll.u32 s0, $0x5  }
0x3e: {  	s2 =	sor.u32 s3, s19  }
0x3f: {  	p1 =	sgt.u32 s2, $0x1869  }
0x40: {  	s6 =	simm.s32 @!p1 $0x1  }
0x41: {  	_ =	swait.ge @!p1 [sflag:s6], $0x80  }
0x42: {  	[sflag:s6] =	ssyncset.done @!p1 $0x0  }
0x43: {  	p2 =	seq.s32 s0, $0x0;
	[sflag:s6] =	ssyncadd.s32 @!p1 $0xFFFFFF80  }
0x44: {  	p3 =	sge.u32 @!p2 s19, s14;
	_ =	swait.ge @!p1 [sflag:s6], $0x80  }
0x45: {  	p2 =	por p3, p2;
	[sflag:s6] =	ssyncset.done @!p1 $0x0  }
0x46: {  	[sflag:s6] =	ssyncadd.s32 @!p1 $0xFFFFFF80;
	s6 =	simm.s32 @!p2 $0x4  }
0x47: {  	_ =	swait.ge @!p2 [sflag:s6], $0x1000  }
0x48: {  	p5 =	sne.s32 s0, $0x0;
	p6 =	slt.u32 s19, s15;
	[sflag:s6] =	ssyncset.done @!p2 $0x0  }
0x49: {  	[sflag:s6] =	ssyncadd.s32 @!p2 $0xFFFFF000;
	p2 =	por !p5, !p6  }
0x4a: {  	s8 =	simm.s32 @!p1 $0x100;
	p2 =	por !p2, !p2  }
.Ltmp4:
0x4b: {  	s13 =	simm.s32 @!p1 $0x180;
	s6 =	simm.s32 @!p1 $0x80;
	(pc) =	sbr.rel @!p2 .LBB2_6-.Ltmp4, $4  }
0x4c: {  	[tilespmem:s13], [sflag:$0x2] =	stream.indirect.gather @!p1 [hbm4b:s10+s6], $0x20, s8, s6, $0xb8;
	[tilespmem:$0x1C9A0] =	vst v63  }
0x4d: {  	s6 =	sshll.u32 @!p1 s2, $0x9  }
0x4e: {  	s8 =	simm.s32 @!p1 $0x0;
	s13 =	simm.s32 @!p1 $0x1180;
	s6 =	sadd.s32 @!p1 s6, s11  }
0x4f: {  	[tilespmem:s13], [sflag:$0x3] =	stream.linear.gather @!p1 [hbm4b:s6+s8], $0x1000, $0x38;
	[tilespmem:$0x1C9A0] =	vst v63  }
0x50: {  	_ =	swait.ge [sflag:s20], $0x1000  }
0x51: {  	[sflag:s20] =	ssyncset.done $0x0  }
0x52: {  	[sflag:s20] =	ssyncadd.s32 $0xFFFFF000  }
0x53: {  	_ =	swait.ge [sflag:s21], $0x1000  }
0x54: {  	[sflag:s21] =	ssyncset.done $0x0  }
0x55: {  	s6 =	simm.s32 $0x2380;
	[sflag:s21] =	ssyncadd.s32 $0xFFFFF000  }
0x56: {  	s8 =	simm.s32 $0x3380;
	v0 =	vld [tilespmem:s6+$0xFFFFFF80]  }
0x57: {  	v1 =	vld [tilespmem:s8+$0xFFFFFF80];
	_ =	sdelay $0x4  }
0x58: {  	v0 =	vmul.f32 v1, v0;
	_ =	sdelay $0x1  }
0x59: {  	[tilespmem:s6+$0xFFFFFF80] =	vst v0;
	v0 =	vld [tilespmem:s6+$0xFFFFFF90]  }
0x5a: {  	v1 =	vld [tilespmem:s8+$0xFFFFFF90];
	_ =	sdelay $0x4  }
0x5b: {  	v0 =	vmul.f32 v1, v0;
	_ =	sdelay $0x1  }
0x5c: {  	[tilespmem:s6+$0xFFFFFF90] =	vst v0;
	v0 =	vld [tilespmem:s6+$0xFFFFFFA0]  }
0x5d: {  	v1 =	vld [tilespmem:s8+$0xFFFFFFA0];
	_ =	sdelay $0x4  }
0x5e: {  	v0 =	vmul.f32 v1, v0;
	_ =	sdelay $0x1  }
0x5f: {  	[tilespmem:s6+$0xFFFFFFA0] =	vst v0;
	v0 =	vld [tilespmem:s6+$0xFFFFFFB0]  }
0x60: {  	v1 =	vld [tilespmem:s8+$0xFFFFFFB0];
	_ =	sdelay $0x4  }
0x61: {  	v0 =	vmul.f32 v1, v0;
	_ =	sdelay $0x1  }
0x62: {  	[tilespmem:s6+$0xFFFFFFB0] =	vst v0;
	v0 =	vld [tilespmem:s6+$0xFFFFFFC0]  }
0x63: {  	v1 =	vld [tilespmem:s8+$0xFFFFFFC0];
	_ =	sdelay $0x4  }
0x64: {  	v0 =	vmul.f32 v1, v0;
	_ =	sdelay $0x1  }
0x65: {  	[tilespmem:s6+$0xFFFFFFC0] =	vst v0;
	v0 =	vld [tilespmem:s6+$0xFFFFFFD0]  }
0x66: {  	v1 =	vld [tilespmem:s8+$0xFFFFFFD0];
	_ =	sdelay $0x4  }
0x67: {  	v0 =	vmul.f32 v1, v0;
	_ =	sdelay $0x1  }
0x68: {  	[tilespmem:s6+$0xFFFFFFD0] =	vst v0;
	v0 =	vld [tilespmem:s6+$0xFFFFFFE0]  }
0x69: {  	v1 =	vld [tilespmem:s8+$0xFFFFFFE0];
	_ =	sdelay $0x4  }
0x6a: {  	v0 =	vmul.f32 v1, v0;
	_ =	sdelay $0x1  }
0x6b: {  	[tilespmem:s6+$0xFFFFFFE0] =	vst v0;
	v0 =	vld [tilespmem:s6+$0xFFFFFFF0]  }
0x6c: {  	v1 =	vld [tilespmem:s8+$0xFFFFFFF0];
	_ =	sdelay $0x4  }
0x6d: {  	v0 =	vmul.f32 v1, v0;
	_ =	sdelay $0x1  }
0x6e: {  	[tilespmem:s6+$0xFFFFFFF0] =	vst v0;
	v0 =	vld [tilespmem:s6+$0x0]  }
0x6f: {  	v1 =	vld [tilespmem:s8+$0x0];
	_ =	sdelay $0x4  }
0x70: {  	v0 =	vmul.f32 v1, v0;
	_ =	sdelay $0x1  }
0x71: {  	[tilespmem:s6+$0x0] =	vst v0;
	v0 =	vld [tilespmem:s6+$0x10]  }
0x72: {  	v1 =	vld [tilespmem:s8+$0x10];
	_ =	sdelay $0x4  }
0x73: {  	v0 =	vmul.f32 v1, v0;
	_ =	sdelay $0x1  }
0x74: {  	[tilespmem:s6+$0x10] =	vst v0;
	v0 =	vld [tilespmem:s6+$0x20]  }
0x75: {  	v1 =	vld [tilespmem:s8+$0x20];
	_ =	sdelay $0x4  }
0x76: {  	v0 =	vmul.f32 v1, v0;
	_ =	sdelay $0x1  }
0x77: {  	[tilespmem:s6+$0x20] =	vst v0;
	v0 =	vld [tilespmem:s6+$0x30]  }
0x78: {  	v1 =	vld [tilespmem:s8+$0x30];
	_ =	sdelay $0x4  }
0x79: {  	v0 =	vmul.f32 v1, v0;
	_ =	sdelay $0x1  }
0x7a: {  	[tilespmem:s6+$0x30] =	vst v0;
	v0 =	vld [tilespmem:s6+$0x40]  }
0x7b: {  	v1 =	vld [tilespmem:s8+$0x40];
	_ =	sdelay $0x4  }
0x7c: {  	v0 =	vmul.f32 v1, v0;
	_ =	sdelay $0x1  }
0x7d: {  	[tilespmem:s6+$0x40] =	vst v0;
	v0 =	vld [tilespmem:s6+$0x50]  }
0x7e: {  	v1 =	vld [tilespmem:s8+$0x50];
	_ =	sdelay $0x4  }
0x7f: {  	v0 =	vmul.f32 v1, v0;
	_ =	sdelay $0x1  }
0x80: {  	[tilespmem:s6+$0x50] =	vst v0;
	v0 =	vld [tilespmem:s6+$0x60]  }
0x81: {  	v1 =	vld [tilespmem:s8+$0x60];
	_ =	sdelay $0x4  }
0x82: {  	v0 =	vmul.f32 v1, v0;
	_ =	sdelay $0x1  }
0x83: {  	[tilespmem:s6+$0x60] =	vst v0;
	v0 =	vld [tilespmem:s6+$0x70]  }
0x84: {  	v1 =	vld [tilespmem:s8+$0x70];
	_ =	sdelay $0x4  }
0x85: {  	v0 =	vmul.f32 v1, v0  }
0x86: {  	s13 =	simm.s32 $0x0;
	s18 =	simm.s32 $0x2480  }
.LBB2_4:
0x87: {  	v1 =	vld [tilespmem:s18+$0xFFFFFF80];
	[tilespmem:s6+$0x70] =	vst v0;
	s8 =	sadd.s32 $0x100, s8;
	s6 =	smov.u32 s18  }
0x88: {  	s13 =	sadd.s32 $0x8, s13;
	v0 =	vld [tilespmem:s8+$0xFFFFFF80]  }
0x89: {  	p3 =	slt.u32 s13, $0x78;
	_ =	sdelay $0x3  }
0x8a: {  	v0 =	vmul.f32 v0, v1;
	_ =	sdelay $0x1  }
0x8b: {  	[tilespmem:s18+$0xFFFFFF80] =	vst v0;
	v0 =	vld [tilespmem:s18+$0xFFFFFF90]  }
0x8c: {  	v1 =	vld [tilespmem:s8+$0xFFFFFF90];
	_ =	sdelay $0x4  }
0x8d: {  	v0 =	vmul.f32 v1, v0;
	_ =	sdelay $0x1  }
0x8e: {  	[tilespmem:s18+$0xFFFFFF90] =	vst v0;
	v0 =	vld [tilespmem:s18+$0xFFFFFFA0]  }
0x8f: {  	v1 =	vld [tilespmem:s8+$0xFFFFFFA0];
	_ =	sdelay $0x4  }
0x90: {  	v0 =	vmul.f32 v1, v0;
	_ =	sdelay $0x1  }
0x91: {  	[tilespmem:s18+$0xFFFFFFA0] =	vst v0;
	v0 =	vld [tilespmem:s18+$0xFFFFFFB0]  }
0x92: {  	v1 =	vld [tilespmem:s8+$0xFFFFFFB0];
	_ =	sdelay $0x4  }
0x93: {  	v0 =	vmul.f32 v1, v0;
	_ =	sdelay $0x1  }
0x94: {  	[tilespmem:s18+$0xFFFFFFB0] =	vst v0;
	v0 =	vld [tilespmem:s18+$0xFFFFFFC0]  }
0x95: {  	v1 =	vld [tilespmem:s8+$0xFFFFFFC0];
	_ =	sdelay $0x4  }
0x96: {  	v0 =	vmul.f32 v1, v0;
	_ =	sdelay $0x1  }
0x97: {  	[tilespmem:s18+$0xFFFFFFC0] =	vst v0;
	v0 =	vld [tilespmem:s18+$0xFFFFFFD0]  }
0x98: {  	v1 =	vld [tilespmem:s8+$0xFFFFFFD0];
	_ =	sdelay $0x4  }
0x99: {  	v0 =	vmul.f32 v1, v0;
	_ =	sdelay $0x1  }
0x9a: {  	[tilespmem:s18+$0xFFFFFFD0] =	vst v0;
	v0 =	vld [tilespmem:s18+$0xFFFFFFE0]  }
0x9b: {  	v1 =	vld [tilespmem:s8+$0xFFFFFFE0];
	_ =	sdelay $0x4  }
0x9c: {  	v0 =	vmul.f32 v1, v0;
	_ =	sdelay $0x1  }
0x9d: {  	[tilespmem:s18+$0xFFFFFFE0] =	vst v0;
	v0 =	vld [tilespmem:s18+$0xFFFFFFF0]  }
0x9e: {  	v1 =	vld [tilespmem:s8+$0xFFFFFFF0];
	_ =	sdelay $0x4  }
0x9f: {  	v0 =	vmul.f32 v1, v0;
	_ =	sdelay $0x1  }
0xa0: {  	[tilespmem:s18+$0xFFFFFFF0] =	vst v0;
	v0 =	vld [tilespmem:s18+$0x0]  }
0xa1: {  	v1 =	vld [tilespmem:s8+$0x0];
	_ =	sdelay $0x4  }
0xa2: {  	v0 =	vmul.f32 v1, v0;
	_ =	sdelay $0x1  }
0xa3: {  	[tilespmem:s18+$0x0] =	vst v0;
	v0 =	vld [tilespmem:s18+$0x10]  }
0xa4: {  	v1 =	vld [tilespmem:s8+$0x10];
	_ =	sdelay $0x4  }
0xa5: {  	v0 =	vmul.f32 v1, v0;
	_ =	sdelay $0x1  }
0xa6: {  	[tilespmem:s18+$0x10] =	vst v0;
	v0 =	vld [tilespmem:s18+$0x20]  }
0xa7: {  	v1 =	vld [tilespmem:s8+$0x20];
	_ =	sdelay $0x4  }
0xa8: {  	v0 =	vmul.f32 v1, v0;
	_ =	sdelay $0x1  }
0xa9: {  	[tilespmem:s18+$0x20] =	vst v0;
	v0 =	vld [tilespmem:s18+$0x30]  }
0xaa: {  	v1 =	vld [tilespmem:s8+$0x30];
	_ =	sdelay $0x4  }
0xab: {  	v0 =	vmul.f32 v1, v0;
	_ =	sdelay $0x1  }
0xac: {  	[tilespmem:s18+$0x30] =	vst v0;
	v0 =	vld [tilespmem:s18+$0x40]  }
0xad: {  	v1 =	vld [tilespmem:s8+$0x40];
	_ =	sdelay $0x4  }
0xae: {  	v0 =	vmul.f32 v1, v0;
	_ =	sdelay $0x1  }
0xaf: {  	[tilespmem:s18+$0x40] =	vst v0;
	v0 =	vld [tilespmem:s18+$0x50]  }
0xb0: {  	v1 =	vld [tilespmem:s8+$0x50];
	_ =	sdelay $0x4  }
0xb1: {  	v0 =	vmul.f32 v1, v0;
	_ =	sdelay $0x1  }
0xb2: {  	[tilespmem:s18+$0x50] =	vst v0;
	v0 =	vld [tilespmem:s18+$0x60]  }
0xb3: {  	v1 =	vld [tilespmem:s8+$0x60];
	_ =	sdelay $0x4  }
0xb4: {  	v0 =	vmul.f32 v1, v0;
	_ =	sdelay $0x1  }
0xb5: {  	[tilespmem:s18+$0x60] =	vst v0;
	v0 =	vld [tilespmem:s18+$0x70]  }
0xb6: {  	v1 =	vld [tilespmem:s8+$0x70];
	_ =	sdelay $0x1  }
.Ltmp5:
0xb7: {  	(pc) =	sbr.rel @p3 .LBB2_4-.Ltmp5, $3  }
0xb8: {  	_ =	sdelay $0x1  }
0xb9: {  	v0 =	vmul.f32 v1, v0  }
0xba: {  	s18 =	sadd.s32 $0x100, s18  }
0xbb: {  	[tilespmem:s6+$0x70] =	vst v0  }
0xbc: {  	v0 =	vld [tilespmem:$0x2180]  }
0xbd: {  	v1 =	vld [tilespmem:$0x2190]  }
0xbe: {  	v2 =	vld [tilespmem:$0x21A0]  }
0xbf: {  	v3 =	vld [tilespmem:$0x21B0]  }
0xc0: {  	v4 =	vld [tilespmem:$0x21C0]  }
0xc1: {  	v61 =	vld [tilespmem:$0x21D0];
	[tilespmem:$0x2200] =	vst v0  }
0xc2: {  	v62 =	vld [tilespmem:$0x21E0];
	[tilespmem:$0x2210] =	vst v1  }
0xc3: {  	v63 =	vld [tilespmem:$0x21F0];
	[tilespmem:$0x2220] =	vst v2  }
0xc4: {  	[tilespmem:$0x2230] =	vst v3  }
0xc5: {  	[tilespmem:$0x2240] =	vst v4  }
0xc6: {  	[tilespmem:$0x2250] =	vst v61  }
0xc7: {  	[tilespmem:$0x2260] =	vst v62  }
0xc8: {  	[tilespmem:$0x2270] =	vst v63  }
0xc9: {  	[spmem:s1] =	stream.indirect.scatter.add.f32 [tilespmem:s26], [sflag:$0x8], $0x20, s23, s22, $0xb8;
	[tilespmem:$0x1C9A0] =	vst v63  }
.LBB2_6:
0xca: {  	s2 =	sor.u32 $0x10, s2  }
0xcb: {  	p3 =	sgt.u32 s2, $0x1869  }
0xcc: {  	s6 =	sshll.u32 @!p3 s2, $0x4  }
0xcd: {  	s13 =	simm.s32 @!p3 $0x0;
	s18 =	simm.s32 @!p3 $0x2180;
	s8 =	sadd.s32 @!p3 s4, s6  }
0xce: {  	[tilespmem:s18], [sflag:$0x5] =	stream.linear.gather @!p3 [hbm4b:s8+s13], $0x80, $0x38;
	[tilespmem:$0x1C9A0] =	vst v63  }
0xcf: {  	s6 =	sadd.s32 @!p3 s6, s7;
	s8 =	simm.s32 @!p3 $0x2280  }
0xd0: {  	[tilespmem:s8], [sflag:$0x5] =	stream.linear.gather @!p3 [hbm4b:s6+s13], $0x80, $0x38;
	[tilespmem:$0x1C9A0] =	vst v63  }
0xd1: {  	s6 =	simm.s32 @!p3 $0x5  }
0xd2: {  	_ =	swait.ge @!p3 [sflag:s6], $0x80  }
0xd3: {  	[sflag:s6] =	ssyncset.done @!p3 $0x0  }
0xd4: {  	[sflag:s6] =	ssyncadd.s32 @!p3 $0xFFFFFF80  }
0xd5: {  	_ =	swait.ge @!p3 [sflag:s6], $0x80  }
0xd6: {  	[sflag:s6] =	ssyncset.done @!p3 $0x0  }
0xd7: {  	[sflag:s6] =	ssyncadd.s32 @!p3 $0xFFFFFF80;
	s6 =	simm.s32 @p2 $0x8  }
0xd8: {  	_ =	swait.ge @p2 [sflag:s6], $0x1000  }
.Ltmp6:
0xd9: {  	s2 =	sshll.u32 @!p3 s2, $0x9;
	[sflag:s6] =	ssyncset.done @p2 $0x0;
	(pc) =	sbr.rel @p1 .LBB2_10-.Ltmp6, $4  }
0xda: {  	s18 =	simm.s32 @!p3 $0x2300;
	[sflag:s6] =	ssyncadd.s32 @p2 $0xFFFFF000;
	s6 =	simm.s32 @!p3 $0x80  }
0xdb: {  	[tilespmem:s18], [sflag:$0x6] =	stream.indirect.gather @!p3 [hbm4b:s10+s6], $0x20, s8, s6, $0xb8;
	[tilespmem:$0x1C9A0] =	vst v63  }
0xdc: {  	s2 =	sadd.s32 @!p3 s2, s11;
	s6 =	simm.s32 @!p3 $0x3300  }
0xdd: {  	[tilespmem:s6], [sflag:$0x7] =	stream.linear.gather @!p3 [hbm4b:s2+s13], $0x1000, $0x38;
	[tilespmem:$0x1C9A0] =	vst v63  }
0xde: {  	_ =	swait.ge [sflag:s28], $0x1000  }
0xdf: {  	[sflag:s28] =	ssyncset.done $0x0  }
0xe0: {  	[sflag:s28] =	ssyncadd.s32 $0xFFFFF000  }
0xe1: {  	_ =	swait.ge [sflag:s29], $0x1000  }
0xe2: {  	[sflag:s29] =	ssyncset.done $0x0  }
0xe3: {  	s2 =	simm.s32 $0x200;
	[sflag:s29] =	ssyncadd.s32 $0xFFFFF000  }
0xe4: {  	s6 =	simm.s32 $0x1200;
	v0 =	vld [tilespmem:s2+$0xFFFFFF80]  }
0xe5: {  	v1 =	vld [tilespmem:s6+$0xFFFFFF80];
	_ =	sdelay $0x4  }
0xe6: {  	v0 =	vmul.f32 v1, v0;
	_ =	sdelay $0x1  }
0xe7: {  	[tilespmem:s2+$0xFFFFFF80] =	vst v0;
	v0 =	vld [tilespmem:s2+$0xFFFFFF90]  }
0xe8: {  	v1 =	vld [tilespmem:s6+$0xFFFFFF90];
	_ =	sdelay $0x4  }
0xe9: {  	v0 =	vmul.f32 v1, v0;
	_ =	sdelay $0x1  }
0xea: {  	[tilespmem:s2+$0xFFFFFF90] =	vst v0;
	v0 =	vld [tilespmem:s2+$0xFFFFFFA0]  }
0xeb: {  	v1 =	vld [tilespmem:s6+$0xFFFFFFA0];
	_ =	sdelay $0x4  }
0xec: {  	v0 =	vmul.f32 v1, v0;
	_ =	sdelay $0x1  }
0xed: {  	[tilespmem:s2+$0xFFFFFFA0] =	vst v0;
	v0 =	vld [tilespmem:s2+$0xFFFFFFB0]  }
0xee: {  	v1 =	vld [tilespmem:s6+$0xFFFFFFB0];
	_ =	sdelay $0x4  }
0xef: {  	v0 =	vmul.f32 v1, v0;
	_ =	sdelay $0x1  }
0xf0: {  	[tilespmem:s2+$0xFFFFFFB0] =	vst v0;
	v0 =	vld [tilespmem:s2+$0xFFFFFFC0]  }
0xf1: {  	v1 =	vld [tilespmem:s6+$0xFFFFFFC0];
	_ =	sdelay $0x4  }
0xf2: {  	v0 =	vmul.f32 v1, v0;
	_ =	sdelay $0x1  }
0xf3: {  	[tilespmem:s2+$0xFFFFFFC0] =	vst v0;
	v0 =	vld [tilespmem:s2+$0xFFFFFFD0]  }
0xf4: {  	v1 =	vld [tilespmem:s6+$0xFFFFFFD0];
	_ =	sdelay $0x4  }
0xf5: {  	v0 =	vmul.f32 v1, v0;
	_ =	sdelay $0x1  }
0xf6: {  	[tilespmem:s2+$0xFFFFFFD0] =	vst v0;
	v0 =	vld [tilespmem:s2+$0xFFFFFFE0]  }
0xf7: {  	v1 =	vld [tilespmem:s6+$0xFFFFFFE0];
	_ =	sdelay $0x4  }
0xf8: {  	v0 =	vmul.f32 v1, v0;
	_ =	sdelay $0x1  }
0xf9: {  	[tilespmem:s2+$0xFFFFFFE0] =	vst v0;
	v0 =	vld [tilespmem:s2+$0xFFFFFFF0]  }
0xfa: {  	v1 =	vld [tilespmem:s6+$0xFFFFFFF0];
	_ =	sdelay $0x4  }
0xfb: {  	v0 =	vmul.f32 v1, v0;
	_ =	sdelay $0x1  }
0xfc: {  	[tilespmem:s2+$0xFFFFFFF0] =	vst v0;
	v0 =	vld [tilespmem:s2+$0x0]  }
0xfd: {  	v1 =	vld [tilespmem:s6+$0x0];
	_ =	sdelay $0x4  }
0xfe: {  	v0 =	vmul.f32 v1, v0;
	_ =	sdelay $0x1  }
0xff: {  	[tilespmem:s2+$0x0] =	vst v0;
	v0 =	vld [tilespmem:s2+$0x10]  }
0x100: {  	v1 =	vld [tilespmem:s6+$0x10];
	_ =	sdelay $0x4  }
0x101: {  	v0 =	vmul.f32 v1, v0;
	_ =	sdelay $0x1  }
0x102: {  	[tilespmem:s2+$0x10] =	vst v0;
	v0 =	vld [tilespmem:s2+$0x20]  }
0x103: {  	v1 =	vld [tilespmem:s6+$0x20];
	_ =	sdelay $0x4  }
0x104: {  	v0 =	vmul.f32 v1, v0;
	_ =	sdelay $0x1  }
0x105: {  	[tilespmem:s2+$0x20] =	vst v0;
	v0 =	vld [tilespmem:s2+$0x30]  }
0x106: {  	v1 =	vld [tilespmem:s6+$0x30];
	_ =	sdelay $0x4  }
0x107: {  	v0 =	vmul.f32 v1, v0;
	_ =	sdelay $0x1  }
0x108: {  	[tilespmem:s2+$0x30] =	vst v0;
	v0 =	vld [tilespmem:s2+$0x40]  }
0x109: {  	v1 =	vld [tilespmem:s6+$0x40];
	_ =	sdelay $0x4  }
0x10a: {  	v0 =	vmul.f32 v1, v0;
	_ =	sdelay $0x1  }
0x10b: {  	[tilespmem:s2+$0x40] =	vst v0;
	v0 =	vld [tilespmem:s2+$0x50]  }
0x10c: {  	v1 =	vld [tilespmem:s6+$0x50];
	_ =	sdelay $0x4  }
0x10d: {  	v0 =	vmul.f32 v1, v0;
	_ =	sdelay $0x1  }
0x10e: {  	[tilespmem:s2+$0x50] =	vst v0;
	v0 =	vld [tilespmem:s2+$0x60]  }
0x10f: {  	v1 =	vld [tilespmem:s6+$0x60];
	_ =	sdelay $0x4  }
0x110: {  	v0 =	vmul.f32 v1, v0;
	_ =	sdelay $0x1  }
0x111: {  	[tilespmem:s2+$0x60] =	vst v0;
	v0 =	vld [tilespmem:s2+$0x70]  }
0x112: {  	v1 =	vld [tilespmem:s6+$0x70];
	_ =	sdelay $0x4  }
0x113: {  	v0 =	vmul.f32 v1, v0  }
0x114: {  	s8 =	simm.s32 $0x0;
	s13 =	simm.s32 $0x300  }
.LBB2_8:
0x115: {  	v1 =	vld [tilespmem:s13+$0xFFFFFF80];
	[tilespmem:s2+$0x70] =	vst v0;
	s6 =	sadd.s32 $0x100, s6;
	s2 =	smov.u32 s13  }
0x116: {  	s8 =	sadd.s32 $0x8, s8;
	v0 =	vld [tilespmem:s6+$0xFFFFFF80]  }
0x117: {  	p1 =	slt.u32 s8, $0x78;
	_ =	sdelay $0x3  }
0x118: {  	v0 =	vmul.f32 v0, v1;
	_ =	sdelay $0x1  }
0x119: {  	[tilespmem:s13+$0xFFFFFF80] =	vst v0;
	v0 =	vld [tilespmem:s13+$0xFFFFFF90]  }
0x11a: {  	v1 =	vld [tilespmem:s6+$0xFFFFFF90];
	_ =	sdelay $0x4  }
0x11b: {  	v0 =	vmul.f32 v1, v0;
	_ =	sdelay $0x1  }
0x11c: {  	[tilespmem:s13+$0xFFFFFF90] =	vst v0;
	v0 =	vld [tilespmem:s13+$0xFFFFFFA0]  }
0x11d: {  	v1 =	vld [tilespmem:s6+$0xFFFFFFA0];
	_ =	sdelay $0x4  }
0x11e: {  	v0 =	vmul.f32 v1, v0;
	_ =	sdelay $0x1  }
0x11f: {  	[tilespmem:s13+$0xFFFFFFA0] =	vst v0;
	v0 =	vld [tilespmem:s13+$0xFFFFFFB0]  }
0x120: {  	v1 =	vld [tilespmem:s6+$0xFFFFFFB0];
	_ =	sdelay $0x4  }
0x121: {  	v0 =	vmul.f32 v1, v0;
	_ =	sdelay $0x1  }
0x122: {  	[tilespmem:s13+$0xFFFFFFB0] =	vst v0;
	v0 =	vld [tilespmem:s13+$0xFFFFFFC0]  }
0x123: {  	v1 =	vld [tilespmem:s6+$0xFFFFFFC0];
	_ =	sdelay $0x4  }
0x124: {  	v0 =	vmul.f32 v1, v0;
	_ =	sdelay $0x1  }
0x125: {  	[tilespmem:s13+$0xFFFFFFC0] =	vst v0;
	v0 =	vld [tilespmem:s13+$0xFFFFFFD0]  }
0x126: {  	v1 =	vld [tilespmem:s6+$0xFFFFFFD0];
	_ =	sdelay $0x4  }
0x127: {  	v0 =	vmul.f32 v1, v0;
	_ =	sdelay $0x1  }
0x128: {  	[tilespmem:s13+$0xFFFFFFD0] =	vst v0;
	v0 =	vld [tilespmem:s13+$0xFFFFFFE0]  }
0x129: {  	v1 =	vld [tilespmem:s6+$0xFFFFFFE0];
	_ =	sdelay $0x4  }
0x12a: {  	v0 =	vmul.f32 v1, v0;
	_ =	sdelay $0x1  }
0x12b: {  	[tilespmem:s13+$0xFFFFFFE0] =	vst v0;
	v0 =	vld [tilespmem:s13+$0xFFFFFFF0]  }
0x12c: {  	v1 =	vld [tilespmem:s6+$0xFFFFFFF0];
	_ =	sdelay $0x4  }
0x12d: {  	v0 =	vmul.f32 v1, v0;
	_ =	sdelay $0x1  }
0x12e: {  	[tilespmem:s13+$0xFFFFFFF0] =	vst v0;
	v0 =	vld [tilespmem:s13+$0x0]  }
0x12f: {  	v1 =	vld [tilespmem:s6+$0x0];
	_ =	sdelay $0x4  }
0x130: {  	v0 =	vmul.f32 v1, v0;
	_ =	sdelay $0x1  }
0x131: {  	[tilespmem:s13+$0x0] =	vst v0;
	v0 =	vld [tilespmem:s13+$0x10]  }
0x132: {  	v1 =	vld [tilespmem:s6+$0x10];
	_ =	sdelay $0x4  }
0x133: {  	v0 =	vmul.f32 v1, v0;
	_ =	sdelay $0x1  }
0x134: {  	[tilespmem:s13+$0x10] =	vst v0;
	v0 =	vld [tilespmem:s13+$0x20]  }
0x135: {  	v1 =	vld [tilespmem:s6+$0x20];
	_ =	sdelay $0x4  }
0x136: {  	v0 =	vmul.f32 v1, v0;
	_ =	sdelay $0x1  }
0x137: {  	[tilespmem:s13+$0x20] =	vst v0;
	v0 =	vld [tilespmem:s13+$0x30]  }
0x138: {  	v1 =	vld [tilespmem:s6+$0x30];
	_ =	sdelay $0x4  }
0x139: {  	v0 =	vmul.f32 v1, v0;
	_ =	sdelay $0x1  }
0x13a: {  	[tilespmem:s13+$0x30] =	vst v0;
	v0 =	vld [tilespmem:s13+$0x40]  }
0x13b: {  	v1 =	vld [tilespmem:s6+$0x40];
	_ =	sdelay $0x4  }
0x13c: {  	v0 =	vmul.f32 v1, v0;
	_ =	sdelay $0x1  }
0x13d: {  	[tilespmem:s13+$0x40] =	vst v0;
	v0 =	vld [tilespmem:s13+$0x50]  }
0x13e: {  	v1 =	vld [tilespmem:s6+$0x50];
	_ =	sdelay $0x4  }
0x13f: {  	v0 =	vmul.f32 v1, v0;
	_ =	sdelay $0x1  }
0x140: {  	[tilespmem:s13+$0x50] =	vst v0;
	v0 =	vld [tilespmem:s13+$0x60]  }
0x141: {  	v1 =	vld [tilespmem:s6+$0x60];
	_ =	sdelay $0x4  }
0x142: {  	v0 =	vmul.f32 v1, v0;
	_ =	sdelay $0x1  }
0x143: {  	[tilespmem:s13+$0x60] =	vst v0;
	v0 =	vld [tilespmem:s13+$0x70]  }
0x144: {  	v1 =	vld [tilespmem:s6+$0x70];
	_ =	sdelay $0x1  }
.Ltmp7:
0x145: {  	(pc) =	sbr.rel @p1 .LBB2_8-.Ltmp7, $3  }
0x146: {  	_ =	sdelay $0x1  }
0x147: {  	v0 =	vmul.f32 v1, v0  }
0x148: {  	s13 =	sadd.s32 $0x100, s13  }
0x149: {  	[tilespmem:s2+$0x70] =	vst v0  }
0x14a: {  	v0 =	vld [tilespmem:$0x0]  }
0x14b: {  	v1 =	vld [tilespmem:$0x10]  }
0x14c: {  	v2 =	vld [tilespmem:$0x20]  }
0x14d: {  	v3 =	vld [tilespmem:$0x30]  }
0x14e: {  	v4 =	vld [tilespmem:$0x40]  }
0x14f: {  	v61 =	vld [tilespmem:$0x50];
	[tilespmem:$0x80] =	vst v0  }
0x150: {  	v62 =	vld [tilespmem:$0x60];
	[tilespmem:$0x90] =	vst v1  }
0x151: {  	v63 =	vld [tilespmem:$0x70];
	[tilespmem:$0xA0] =	vst v2  }
0x152: {  	[tilespmem:$0xB0] =	vst v3  }
.Ltmp8:
0x153: {  	[tilespmem:$0xC0] =	vst v4;
	(pc) =	sbr.rel .LBB2_10-.Ltmp8, $4  }
0x154: {  	[tilespmem:$0xD0] =	vst v61  }
0x155: {  	[tilespmem:$0xE0] =	vst v62  }
0x156: {  	[tilespmem:$0xF0] =	vst v63  }
0x157: {  	[spmem:s1] =	stream.indirect.scatter.add.f32 [tilespmem:s30], [sflag:$0x4], $0x20, s22, s22, $0xb8;
	[tilespmem:$0x1C9A0] =	vst v63  }
.LBB2_12:
0x158: {  	_ =	sfence.sel $0x180000  }
0x159: {  	[bflag:$0x0] =	sbarrier.arrive $0xFFFF  }
0x15a: {  	_ =	strace $0x9000004A  }
0x15b: {  	[bflag:$0x2] =	sbarrier.arrive $0xFFFF  }
0x15c: {  	p0 =	sne.s32 s3, $0x0;
	s0 =	rddreg [dreg:$0x2]  }
0x15d: {  	s0 =	sadd.s32 @!p0 $0x100000, s0  }
0x15e: {  	[sflag:s0] =	ssyncadd.tile.s32 @!p0 $0x1;
	_ =	shalt  }
.Lfunc_end2:
_tile_overlayer_lowered:
.L_overlay_start_2:
0x15f: {  	(tag) =	ssettag $0x2  }
0x160: {  	s0 =	rddreg [dreg:$0x0];
	s2 =	stileid.u32  }
0x161: {  	s1 =	rddreg [dreg:$0x1];
	p0 =	sne.s32 s2, $0x0  }
0x162: {  	s3 =	rddreg [dreg:$0x2];
	[bflag:$0x3] =	sbarrier.arrive $0xFFFF;
	s2 =	simm.s32 @!p0 $0x1C09  }
0x163: {  	[timem:s3], [sflag:s2] =	dma.local @!p0 [hbm:s0], s1  }
0x164: {  	s0 =	simm.s32 @!p0 $0x9  }
0x165: {  	_ =	swait.ge @!p0 [sflag:s0], s1  }
0x166: {  	s1 =	ssub.s32 @!p0 $0x0, s1;
	[sflag:s0] =	ssyncset.done @!p0 $0x0  }
0x167: {  	[sflag:s0] =	ssyncadd.s32 @!p0 s1  }
0x168: {  	[bflag:$0x3] =	sbarrier.arrive $0xFFFF  }
0x169: {  	_ =	shalt  }

// kernel: kernel.17.cloned.1.call-start
scs
__scs_entry_jumppad:
0x0: {  	(pc) =	sbr.rel $0x88, $3  }
0x1: {  	(tag) =	ssettag $0x0;
	lr =	simm.s32 $0x1  }
0x2: {  	[smem:$0x3F82] =	sst lr;
	_ =	strace $0xD0000000  }
0x3: {  	_ = 	snop  }
0x4: {  	_ = 	snop  }
0x5: {  	_ = 	snop  }
0x6: {  	_ = 	snop  }
0x7: {  	_ = 	snop  }
__scs_overlays_trampoline_lowered:
0x8: {  	[smem:$0x3F91] =	sst s0  }
0x9: {  	[smem:$0x3F92] =	sst s1  }
0xa: {  	[smem:$0x3F93] =	sst s2  }
0xb: {  	[smem:$0x3F94] =	sst s3  }
0xc: {  	[smem:$0x3F95] =	sst s4  }
0xd: {  	[smem:$0x3F96] =	sst s5  }
0xe: {  	[smem:$0x3F97] =	sst s6  }
0xf: {  	[smem:$0x3F98] =	sst s7  }
0x10: {  	[smem:$0x3F99] =	sst s8  }
0x11: {  	[smem:$0x3F9A] =	sst s9;
	s0 =	simm.s32 @!p0 $0x0  }
0x12: {  	s1 =	sld [smem:$0x3F80];
	s0 =	simm.s32 @p0 $0x1  }
0x13: {  	[smem:$0x3F9B] =	sst s0;
	s0 =	simm.s32 @!p1 $0x0  }
0x14: {  	s2 =	sld [smem:$0x3F7F];
	s0 =	simm.s32 @p1 $0x1  }
0x15: {  	[smem:$0x3F9C] =	sst s0;
	s0 =	simm.s32 @!p2 $0x0  }
0x16: {  	s3 =	sld [smem:$0x3FDB];
	s0 =	simm.s32 @p2 $0x1  }
0x17: {  	s4 =	simm.s32 $0x1BF5;
	[smem:$0x3F9E] =	sst s0  }
0x18: {  	s0 =	sld [smem:$0x3F81];
	_ =	swait.ge [sflag:s4], $0x0  }
0x19: {  	s7 =	sld [smem:$0x3F82]  }
0x1a: {  	s8 =	sadd.s32 $0xFFFFE003, lr  }
0x1b: {  	s9 =	sadd.s32 $0xFFFFFEF7, lr;
	s5 =	simm.s32 $0xFFFFFFFF;
	p2 =	slt.u32 s8, $0xFFFFF086  }
0x1c: {  	p1 =	slt.u32 s9, $0xF7A;
	s5 =	simm.s32 @!p2 $0x0  }
0x1d: {  	s5 =	simm.s32 @p1 $0x1;
	p0 =	seq.s32 s7, s2  }
0x1e: {  	s7 =	smul.u32 @!p0 $0xF7A, s2;
	p2 =	seq.s32 @!p0 s5, $0x0  }
0x1f: {  	s9 =	smul.u32 $0xF7A, s1;
	s8 =	simm.s32 @!p0 $0x1BF5;
	p2 =	por !p2, p0  }
0x20: {  	[sflag:s8] =	ssyncset.s32 @!p0 $0xFFFFF086;
	s6 =	sadd.s32 @!p0 s3, s7;
	s7 =	simm.s32 @!p0 $0x108  }
0x21: {  	s3 =	sadd.s32 s3, s9;
	s6 =	sadd.s32 @!p0 $0x88, s6;
	s7 =	simm.s32 @p2 $0x1082  }
0x22: {  	[simem:s7], [sflag:s8] =	dma.local @!p0 [hbm:s6], $0xF7A  }
0x23: {  	s9 =	sor.u32 $0xD0000000, s2;
	s6 =	simm.s32 $0x108;
	_ =	swait.ge @!p0 [sflag:s8], $0x0  }
0x24: {  	s3 =	sadd.s32 $0x88, s3;
	s6 =	simm.s32 @!p1 $0x1082;
	[sflag:s4] =	ssyncset.s32 $0xFFFFF086  }
0x25: {  	[simem:s6], [sflag:s4] =	dma.local [hbm:s3], $0xF7A  }
0x26: {  	[smem:$0x3F82] =	sst s1;
	(tag) =	ssettag s2;
	_ =	strace s9  }
0x27: {  	s1 =	sld [smem:$0x3F92]  }
0x28: {  	s2 =	sld [smem:$0x3F93]  }
0x29: {  	s4 =	sld [smem:$0x3F95]  }
0x2a: {  	p0 =	seq.s32 s5, $0x0;
	s5 =	sld [smem:$0x3F96]  }
0x2b: {  	s6 =	sld [smem:$0x3F97]  }
0x2c: {  	s7 =	sld [smem:$0x3F98]  }
0x2d: {  	s3 =	simm.s32 $0x108;
	s8 =	sld [smem:$0x3F99]  }
0x2e: {  	s3 =	simm.s32 @!p0 $0x1082;
	s9 =	sld [smem:$0x3F9A]  }
0x2f: {  	lr =	sadd.s32 s0, s3;
	s0 =	sld [smem:$0x3F91]  }
0x30: {  	s3 =	sld [smem:$0x3F94]  }
0x31: {  	[smem:$0x3F9D] =	sst s10  }
0x32: {  	s10 =	sld [smem:$0x3F9B];
	_ =	sdelay $0x3  }
0x33: {  	p0 =	seq.s32 s10, $0x1;
	s10 =	sld [smem:$0x3F9D];
	_ =	sdelay $0x3  }
0x34: {  	[smem:$0x3F9D] =	sst s10  }
0x35: {  	s10 =	sld [smem:$0x3F9C];
	_ =	sdelay $0x3  }
0x36: {  	p1 =	seq.s32 s10, $0x1;
	s10 =	sld [smem:$0x3F9D];
	_ =	sdelay $0x3  }
0x37: {  	[smem:$0x3F9D] =	sst s10  }
0x38: {  	s10 =	sld [smem:$0x3F9E]  }
0x39: {  	_ = 	snop;
	(pc) =	sbr.ind lr, $3  }
0x3a: {  	_ = 	snop  }
0x3b: {  	_ = 	snop  }
0x3c: {  	p2 =	seq.s32 s10, $0x1;
	s10 =	sld [smem:$0x3F9D]  }
0x3d: {  	_ =	shalt  }
0x3e: {  	_ =	shalt  }
0x3f: {  	_ =	shalt  }
0x40: {  	_ =	shalt  }
0x41: {  	_ =	shalt  }
0x42: {  	_ =	shalt  }
0x43: {  	_ =	shalt  }
0x44: {  	_ =	shalt  }
0x45: {  	_ =	shalt  }
0x46: {  	_ =	shalt  }
0x47: {  	_ =	shalt  }
0x48: {  	_ =	shalt  }
0x49: {  	_ =	shalt  }
0x4a: {  	_ =	shalt  }
0x4b: {  	_ =	shalt  }
0x4c: {  	_ =	shalt  }
0x4d: {  	_ =	shalt  }
0x4e: {  	_ =	shalt  }
0x4f: {  	_ =	shalt  }
0x50: {  	_ =	shalt  }
0x51: {  	_ =	shalt  }
0x52: {  	_ =	shalt  }
0x53: {  	_ =	shalt  }
0x54: {  	_ =	shalt  }
0x55: {  	_ =	shalt  }
0x56: {  	_ =	shalt  }
0x57: {  	_ =	shalt  }
0x58: {  	_ =	shalt  }
0x59: {  	_ =	shalt  }
0x5a: {  	_ =	shalt  }
0x5b: {  	_ =	shalt  }
0x5c: {  	_ =	shalt  }
0x5d: {  	_ =	shalt  }
0x5e: {  	_ =	shalt  }
0x5f: {  	_ =	shalt  }
0x60: {  	_ =	shalt  }
0x61: {  	_ =	shalt  }
0x62: {  	_ =	shalt  }
0x63: {  	_ =	shalt  }
0x64: {  	_ =	shalt  }
0x65: {  	_ =	shalt  }
0x66: {  	_ =	shalt  }
0x67: {  	_ =	shalt  }
0x68: {  	_ =	shalt  }
0x69: {  	_ =	shalt  }
0x6a: {  	_ =	shalt  }
0x6b: {  	_ =	shalt  }
0x6c: {  	_ =	shalt  }
0x6d: {  	_ =	shalt  }
0x6e: {  	_ =	shalt  }
0x6f: {  	_ =	shalt  }
0x70: {  	_ =	shalt  }
0x71: {  	_ =	shalt  }
0x72: {  	_ =	shalt  }
0x73: {  	_ =	shalt  }
0x74: {  	_ =	shalt  }
0x75: {  	_ =	shalt  }
0x76: {  	_ =	shalt  }
0x77: {  	_ =	shalt  }
0x78: {  	_ =	shalt  }
0x79: {  	_ =	shalt  }
0x7a: {  	_ =	shalt  }
0x7b: {  	_ =	shalt  }
0x7c: {  	_ =	shalt  }
0x7d: {  	_ =	shalt  }
0x7e: {  	_ =	shalt  }
0x7f: {  	_ =	shalt  }
0x80: {  	_ =	shalt  }
0x81: {  	_ =	shalt  }
0x82: {  	_ =	shalt  }
0x83: {  	_ =	shalt  }
0x84: {  	_ =	shalt  }
0x85: {  	_ =	shalt  }
0x86: {  	_ =	shalt  }
0x87: {  	_ =	shalt  }
.Lfunc_end0:
.L_simem_size_0:
called_computation.2_lowered:
.L_overlay_start_0:
0x88: {  	s2 =	sld [smem:$0x3FD9]  }
0x89: {  	s3 =	sld [smem:$0x3FFE];
	_ =	sdelay $0x1  }
0x8a: {  	s1 =	srdreg.scid  }
0x8b: {  	s0 =	sand.u32 $0x1, s1  }
0x8c: {  	s16 =	sshll.u32 s0, $0xA;
	s2 =	sadd.s32 s3, s2  }
0x8d: {  	s2 =	sadd.s32 s2, s16  }
0x8e: {  	[smem:$0x3FA9] =	sst s2  }
0x8f: {  	_ = 	snop  }
0x90: {  	(tm) =	ssettm $0x1  }
0x91: {  	s17 =	sld [smem:$0x3FFB];
	_ =	sdelay $0x3  }
0x92: {  	_ =	strace s17  }
0x93: {  	s2 =	sld [smem:$0x3FFC];
	_ =	sdelay $0x3  }
0x94: {  	_ =	strace s2  }
0x95: {  	s2 =	sld [smem:$0x3FFD];
	_ =	sdelay $0x3  }
0x96: {  	_ =	strace s2  }
0x97: {  	_ =	strace $0x8FFFFFFF  }
0x98: {  	s18 =	sld [smem:$0x3FDB];
	_ =	sdelay $0x1  }
0x99: {  	s19 =	simm.s32 $_scs_section_size  }
0x9a: {  	s4 =	simm.s32 $_size__tile_overlayer_lowered;
	s5 =	simm.s32 $_tile_overlayer_lowered  }
0x9b: {  	s22 =	simm.s32 $0x1BFF;
	s21 =	sshll.u32 s5, $0x1;
	s2 =	sadd.s32 s19, s18  }
0x9c: {  	s6 =	simm.s32 $0x0;
	s20 =	sshll.u32 s4, $0x1;
	s4 =	sadd.s32 s21, s2  }
0x9d: {  	[timem:s6], [sflag:s22] =	dma.local [hbm:s4], s20  }
0x9e: {  	_ =	swait.ge [sflag:s22], s20  }
0x9f: {  	s3 =	ssub.s32 $0x0, s20;
	[sflag:s22] =	ssyncset.done $0x0  }
0xa0: {  	[sflag:s22] =	ssyncadd.s32 s3;
	_ =	sdelay $0x1  }
0xa1: {  	s23 =	simm.s32 $0x1B8B  }
0xa2: {  	_ =	swait.ge [sflag:s23], $0x1  }
0xa3: {  	[sflag:s23] =	ssyncset.done $0x0  }
0xa4: {  	s25 =	simm.s32 $0x1B8E;
	s24 =	sld [smem:$0x3FFE];
	[sflag:s23] =	ssyncadd.s32 $0xFFFFFFFF  }
0xa5: {  	s26 =	simm.s32 $execute0_lowered;
	[smem:$0x3FD2] =	sst s25  }
0xa6: {  	s4 =	sshll.u32 s26, $0x1;
	_ =	strace $0x8000004C;
	[dreg:$0x1] =	wrdreg $0xFFFFFFFF  }
0xa7: {  	s28 =	simm.s32 $_size_execute0_lowered;
	s2 =	sadd.s32 s2, s4;
	[dreg:$0x0] =	wrdreg $0x0  }
0xa8: {  	s4 =	sshll.u32 s28, $0x1;
	[dreg:$0x2] =	wrdreg s2  }
0xa9: {  	[dreg:$0x3] =	wrdreg s4  }
0xaa: {  	[dreg:$0x4] =	wrdreg $0xC0  }
0xab: {  	_ =	task [dreg:s6], $0x5FFFF  }
0xac: {  	[dreg:$0x1] =	wrdreg $0xFFFFFFFF  }
0xad: {  	[dreg:$0x0] =	wrdreg $0x60  }
0xae: {  	[dreg:$0x2] =	wrdreg s24  }
0xaf: {  	[dreg:$0x3] =	wrdreg $0x43000  }
0xb0: {  	[dreg:$0x4] =	wrdreg $0x9  }
0xb1: {  	_ =	task.clear_ibuf [dreg:s6], $0x5FFFF;
	_ =	strace $0x9000004C  }
0xb2: {  	s29 =	simm.s32 $0x9;
	_ =	strace $0x8000004E  }
0xb3: {  	_ =	swait.ge [sflag:s29], $0x1  }
0xb4: {  	[sflag:s29] =	ssyncadd.s32 $0xFFFFFFFF  }
0xb5: {  	_ =	strace $0x9000004E  }
0xb6: {  	_ =	sfence  }
0xb7: {  	s30 =	sld [smem:$0x0];
	_ =	sdelay $0x2  }
0xb8: {  	s31 =	sshll.u32 s1, $0xD;
	s1 =	sshrl.u32 s1, $0x2  }
0xb9: {  	s3 =	sand.u32 $0x4000, s31;
	s1 =	sadd.s32 s1, s30  }
0xba: {  	s0 =	sor.u32 s3, s0;
	s1 =	sshll.u32 s1, $0x11  }
0xbb: {  	s0 =	sor.u32 s1, s0  }
0xbc: {  	s0 =	sadd.s32 $0x8F2B, s0  }
0xbd: {  	[sflag:s0] =	ssyncadd.remote.s32 $0x1  }
0xbe: {  	_ =	sfence.sel $0xFFFF  }
0xbf: {  	[dreg:$0x0] =	wrdreg $0xFFFFFFFF;
	(pc) =	sbr.abs _section_cstart, $3  }
0xc0: {  	[dreg:$0x1] =	wrdreg $0xFFFFFFFF  }
0xc1: {  	_ =	task.clear_ibuf [dreg:s6], $0x2FFFF;
	_ =	strace $0x9FFFFFFF  }
0xc2: {  	(tm) =	ssettm $0x7FFFFFFF  }
0xc3: {  	_ =	shalt  }
tec
execute0_lowered:
.L_overlay_start_1:
0x0: {  	(tag) =	ssettag $0x1  }
0x1: {  	s0 =	rddreg [dreg:$0x0]  }
0x2: {  	s1 =	rddreg [dreg:$0x1]  }
0x3: {  	s2 =	srdreg.scid;
	s3 =	simm.s32 $0x0;
	s20 =	simm.s32 $0x6  }
0x4: {  	s21 =	simm.s32 $0x7;
	s22 =	simm.s32 $0x80;
	s23 =	simm.s32 $0x2200  }
0x5: {  	s28 =	simm.s32 $0x2;
	s29 =	simm.s32 $0x3;
	s30 =	simm.s32 $0x180  }
0x6: {  	s31 =	simm.s32 $0x0;
	s2 =	sand.u32 $0x1, s2;
	[smem:$0x7FF] =	sst s3  }
0x7: {  	s3 =	stileid.u32;
	s16 =	sadd.s32 $0x16E900, s1;
	s5 =	smul.u32 $0x320000, s2  }
0x8: {  	s4 =	sadd.s32 $0x2000, s0;
	_ =	strace $0x8000004D;
	s6 =	smul.u32 $0x30D40, s2  }
0x9: {  	s2 =	ssub.s32 $0x2, s2;
	s7 =	smul.u32 $0x61C00, s3;
	s24 =	sshll.u32 s3, $0x4  }
0xa: {  	s26 =	smul.u32 $0x18700, s3;
	p0 =	seq.s32 s3, $0xF;
	s14 =	ssub.s32 $0x188A, s3  }
0xb: {  	s15 =	ssub.s32 $0x187A, s3;
	s9 =	sshrl.u32 s2, $0x1;
	s25 =	sadd.s32 s4, s24  }
0xc: {  	s16 =	sshrl.u32 @p0 s16, $0x3;
	s8 =	sadd.s32 s5, s0;
	s5 =	sadd.s32 $0x32E00, s0  }
0xd: {  	s6 =	sadd.s32 s6, s0;
	s2 =	ssub.s32 s2, s9;
	s7 =	sshrl.u32 s7, $0x2  }
0xe: {  	[dreg:$0x3] =	wrdreg s25;
	s13 =	sadd.s32 s7, s1;
	s10 =	sadd.s32 $0x99E400, s6  }
0xf: {  	s7 =	sadd.s32 $0x1A6A0, s0;
	s11 =	sadd.s32 $0x35E400, s8;
	s12 =	sadd.s32 $0xA00000, s6  }
.Ltmp0:
0x10: {  	s6 =	sshrl.u32 s26, $0x3;
	s0 =	sadd.s32 s26, s1;
	(pc) =	sbr.rel .LBB2_1-.Ltmp0, $4  }
0x11: {  	s2 =	smax.u32 s2, $0x1;
	s26 =	simm.s32 $0x2300;
	s9 =	sadd.s32 s24, s7  }
0x12: {  	[dreg:$0x5] =	wrdreg s2;
	s2 =	sshll.u32 @!p0 s3, $0x6;
	s24 =	sadd.s32 @!p0 s6, s12  }
0x13: {  	[dreg:$0x4] =	wrdreg s9;
	s17 =	sor.u32 @!p0 $0x1C09, s2;
	s2 =	sshrl.u32 @!p0 s13, $0x3  }
0x14: {  	s25 =	sshrl.u32 @!p0 s0, $0x3;
	s9 =	sor.u32 $0x20, s3;
	[dreg:$0x6] =	wrdreg s2  }
.LBB2_11:
0x15: {  	[bflag:$0x0] =	sbarrier.arrive $0xFFFF;
	s0 =	sadd.s32 @p0 $0x2DD20, s12;
	s2 =	simm.s32 @p0 $0x1FC9  }
0x16: {  	[hbm:s0], [sflag:s2] =	dma.local @p0 [spmem:s16], $0x3020  }
0x17: {  	s0 =	simm.s32 @p0 $0x9  }
0x18: {  	_ =	swait.ge @p0 [sflag:s0], $0x3020  }
0x19: {  	[sflag:s0] =	ssyncset.done @p0 $0x0  }
0x1a: {  	[sflag:s0] =	ssyncadd.s32 @p0 $0xFFFFCFE0;
	s0 =	simm.s32 @!p0 $0x9  }
0x1b: {  	[hbm:s24], [sflag:s17] =	dma.local @!p0 [spmem:s25], $0x30E0  }
0x1c: {  	_ =	swait.ge @!p0 [sflag:s0], $0x30E0  }
0x1d: {  	s31 =	sadd.s32 $0x1, s31;
	s19 =	rddreg [dreg:$0x5]  }
0x1e: {  	p1 =	sne.s32 s31, s19  }
.Ltmp1:
0x1f: {  	_ = 	snop;
	(pc) =	sbr.rel @!p1 .LBB2_12-.Ltmp1, $3  }
0x20: {  	_ =	sdelay $0x1  }
0x21: {  	[sflag:s0] =	ssyncset.done @!p0 $0x0  }
0x22: {  	[sflag:s0] =	ssyncadd.s32 @!p0 $0xFFFFCF20  }
.LBB2_1:
0x23: {  	s0 =	simm.s32 @p0 $0x1FC9  }
0x24: {  	[spmem:s16], [sflag:s0] =	dma.local @p0 [hbm:s5], $0x3020  }
0x25: {  	s0 =	simm.s32 @p0 $0x9  }
0x26: {  	_ =	swait.ge @p0 [sflag:s0], $0x3020  }
0x27: {  	[sflag:s0] =	ssyncset.done @p0 $0x0  }
0x28: {  	[sflag:s0] =	ssyncadd.s32 @p0 $0xFFFFCFE0;
	s0 =	rddreg [dreg:$0x6]  }
0x29: {  	[spmem:s0], [sflag:s17] =	dma.local @!p0 [hbm:s5], $0x30E0  }
0x2a: {  	s0 =	simm.s32 @!p0 $0x9  }
0x2b: {  	_ =	swait.ge @!p0 [sflag:s0], $0x30E0  }
0x2c: {  	[sflag:s0] =	ssyncset.done @!p0 $0x0  }
0x2d: {  	[sflag:s0] =	ssyncadd.s32 @!p0 $0xFFFFCF20  }
.Ltmp2:
0x2e: {  	[bflag:$0x0] =	sbarrier.arrive $0xFFFF;
	(pc) =	sbr.rel .LBB2_2-.Ltmp2, $4  }
0x2f: {  	s18 =	simm.s32 $0x0;
	s2 =	rddreg [dreg:$0x3]  }
0x30: {  	[tilespmem:s18], [sflag:$0x1] =	stream.linear.gather [hbm4b:s2+s18], $0x80, $0x38;
	[tilespmem:$0x1C9A0] =	vst v63  }
0x31: {  	s6 =	simm.s32 $0x100;
	s0 =	simm.s32 $0x0;
	s19 =	rddreg [dreg:$0x4]  }
0x32: {  	[tilespmem:s6], [sflag:$0x1] =	stream.linear.gather [hbm4b:s19+s18], $0x80, $0x38;
	[tilespmem:$0x1C9A0] =	vst v63  }
.LBB2_10:
0x33: {  	s2 =	sadd.s32 s9, s19  }
0x34: {  	p1 =	sgt.u32 s2, $0x1869  }
0x35: {  	s2 =	sshll.u32 @!p1 s2, $0x4  }
0x36: {  	s8 =	simm.s32 @!p1 $0x0;
	s6 =	sadd.s32 @!p1 s4, s2  }
0x37: {  	[tilespmem:s8], [sflag:$0x1] =	stream.linear.gather @!p1 [hbm4b:s6+s8], $0x80, $0x38;
	[tilespmem:$0x1C9A0] =	vst v63  }
0x38: {  	s0 =	sadd.s32 $0x1, s0;
	s2 =	sadd.s32 @!p1 s2, s7;
	s6 =	simm.s32 @!p1 $0x100  }
0x39: {  	[tilespmem:s6], [sflag:$0x1] =	stream.linear.gather @!p1 [hbm4b:s2+s8], $0x80, $0x38;
	[tilespmem:$0x1C9A0] =	vst v63  }
0x3a: {  	p1 =	sne.s32 s0, $0xC5  }
.Ltmp3:
0x3b: {  	_ = 	snop;
	(pc) =	sbr.rel @!p1 .LBB2_11-.Ltmp3, $1  }
0x3c: {  	_ =	sdelay $0x3  }
.LBB2_2:
0x3d: {  	s19 =	sshll.u32 s0, $0x5  }
0x3e: {  	s2 =	sor.u32 s3, s19  }
0x3f: {  	p1 =	sgt.u32 s2, $0x1869  }
0x40: {  	s6 =	simm.s32 @!p1 $0x1  }
0x41: {  	_ =	swait.ge @!p1 [sflag:s6], $0x80  }
0x42: {  	[sflag:s6] =	ssyncset.done @!p1 $0x0  }
0x43: {  	p2 =	seq.s32 s0, $0x0;
	[sflag:s6] =	ssyncadd.s32 @!p1 $0xFFFFFF80  }
0x44: {  	p3 =	sge.u32 @!p2 s19, s14;
	_ =	swait.ge @!p1 [sflag:s6], $0x80  }
0x45: {  	p2 =	por p3, p2;
	[sflag:s6] =	ssyncset.done @!p1 $0x0  }
0x46: {  	[sflag:s6] =	ssyncadd.s32 @!p1 $0xFFFFFF80;
	s6 =	simm.s32 @!p2 $0x4  }
0x47: {  	_ =	swait.ge @!p2 [sflag:s6], $0x1000  }
0x48: {  	p5 =	sne.s32 s0, $0x0;
	p6 =	slt.u32 s19, s15;
	[sflag:s6] =	ssyncset.done @!p2 $0x0  }
0x49: {  	[sflag:s6] =	ssyncadd.s32 @!p2 $0xFFFFF000;
	p2 =	por !p5, !p6  }
0x4a: {  	s8 =	simm.s32 @!p1 $0x100;
	p2 =	por !p2, !p2  }
.Ltmp4:
0x4b: {  	s13 =	simm.s32 @!p1 $0x180;
	s6 =	simm.s32 @!p1 $0x80;
	(pc) =	sbr.rel @!p2 .LBB2_6-.Ltmp4, $4  }
0x4c: {  	[tilespmem:s13], [sflag:$0x2] =	stream.indirect.gather @!p1 [hbm4b:s10+s6], $0x20, s8, s6, $0xb8;
	[tilespmem:$0x1C9A0] =	vst v63  }
0x4d: {  	s6 =	sshll.u32 @!p1 s2, $0x9  }
0x4e: {  	s8 =	simm.s32 @!p1 $0x0;
	s13 =	simm.s32 @!p1 $0x1180;
	s6 =	sadd.s32 @!p1 s6, s11  }
0x4f: {  	[tilespmem:s13], [sflag:$0x3] =	stream.linear.gather @!p1 [hbm4b:s6+s8], $0x1000, $0x38;
	[tilespmem:$0x1C9A0] =	vst v63  }
0x50: {  	_ =	swait.ge [sflag:s20], $0x1000  }
0x51: {  	[sflag:s20] =	ssyncset.done $0x0  }
0x52: {  	[sflag:s20] =	ssyncadd.s32 $0xFFFFF000  }
0x53: {  	_ =	swait.ge [sflag:s21], $0x1000  }
0x54: {  	[sflag:s21] =	ssyncset.done $0x0  }
0x55: {  	s6 =	simm.s32 $0x2380;
	[sflag:s21] =	ssyncadd.s32 $0xFFFFF000  }
0x56: {  	s8 =	simm.s32 $0x3380;
	v0 =	vld [tilespmem:s6+$0xFFFFFF80]  }
0x57: {  	v1 =	vld [tilespmem:s8+$0xFFFFFF80];
	_ =	sdelay $0x4  }
0x58: {  	v0 =	vmul.f32 v1, v0;
	_ =	sdelay $0x1  }
0x59: {  	[tilespmem:s6+$0xFFFFFF80] =	vst v0;
	v0 =	vld [tilespmem:s6+$0xFFFFFF90]  }
0x5a: {  	v1 =	vld [tilespmem:s8+$0xFFFFFF90];
	_ =	sdelay $0x4  }
0x5b: {  	v0 =	vmul.f32 v1, v0;
	_ =	sdelay $0x1  }
0x5c: {  	[tilespmem:s6+$0xFFFFFF90] =	vst v0;
	v0 =	vld [tilespmem:s6+$0xFFFFFFA0]  }
0x5d: {  	v1 =	vld [tilespmem:s8+$0xFFFFFFA0];
	_ =	sdelay $0x4  }
0x5e: {  	v0 =	vmul.f32 v1, v0;
	_ =	sdelay $0x1  }
0x5f: {  	[tilespmem:s6+$0xFFFFFFA0] =	vst v0;
	v0 =	vld [tilespmem:s6+$0xFFFFFFB0]  }
0x60: {  	v1 =	vld [tilespmem:s8+$0xFFFFFFB0];
	_ =	sdelay $0x4  }
0x61: {  	v0 =	vmul.f32 v1, v0;
	_ =	sdelay $0x1  }
0x62: {  	[tilespmem:s6+$0xFFFFFFB0] =	vst v0;
	v0 =	vld [tilespmem:s6+$0xFFFFFFC0]  }
0x63: {  	v1 =	vld [tilespmem:s8+$0xFFFFFFC0];
	_ =	sdelay $0x4  }
0x64: {  	v0 =	vmul.f32 v1, v0;
	_ =	sdelay $0x1  }
0x65: {  	[tilespmem:s6+$0xFFFFFFC0] =	vst v0;
	v0 =	vld [tilespmem:s6+$0xFFFFFFD0]  }
0x66: {  	v1 =	vld [tilespmem:s8+$0xFFFFFFD0];
	_ =	sdelay $0x4  }
0x67: {  	v0 =	vmul.f32 v1, v0;
	_ =	sdelay $0x1  }
0x68: {  	[tilespmem:s6+$0xFFFFFFD0] =	vst v0;
	v0 =	vld [tilespmem:s6+$0xFFFFFFE0]  }
0x69: {  	v1 =	vld [tilespmem:s8+$0xFFFFFFE0];
	_ =	sdelay $0x4  }
0x6a: {  	v0 =	vmul.f32 v1, v0;
	_ =	sdelay $0x1  }
0x6b: {  	[tilespmem:s6+$0xFFFFFFE0] =	vst v0;
	v0 =	vld [tilespmem:s6+$0xFFFFFFF0]  }
0x6c: {  	v1 =	vld [tilespmem:s8+$0xFFFFFFF0];
	_ =	sdelay $0x4  }
0x6d: {  	v0 =	vmul.f32 v1, v0;
	_ =	sdelay $0x1  }
0x6e: {  	[tilespmem:s6+$0xFFFFFFF0] =	vst v0;
	v0 =	vld [tilespmem:s6+$0x0]  }
0x6f: {  	v1 =	vld [tilespmem:s8+$0x0];
	_ =	sdelay $0x4  }
0x70: {  	v0 =	vmul.f32 v1, v0;
	_ =	sdelay $0x1  }
0x71: {  	[tilespmem:s6+$0x0] =	vst v0;
	v0 =	vld [tilespmem:s6+$0x10]  }
0x72: {  	v1 =	vld [tilespmem:s8+$0x10];
	_ =	sdelay $0x4  }
0x73: {  	v0 =	vmul.f32 v1, v0;
	_ =	sdelay $0x1  }
0x74: {  	[tilespmem:s6+$0x10] =	vst v0;
	v0 =	vld [tilespmem:s6+$0x20]  }
0x75: {  	v1 =	vld [tilespmem:s8+$0x20];
	_ =	sdelay $0x4  }
0x76: {  	v0 =	vmul.f32 v1, v0;
	_ =	sdelay $0x1  }
0x77: {  	[tilespmem:s6+$0x20] =	vst v0;
	v0 =	vld [tilespmem:s6+$0x30]  }
0x78: {  	v1 =	vld [tilespmem:s8+$0x30];
	_ =	sdelay $0x4  }
0x79: {  	v0 =	vmul.f32 v1, v0;
	_ =	sdelay $0x1  }
0x7a: {  	[tilespmem:s6+$0x30] =	vst v0;
	v0 =	vld [tilespmem:s6+$0x40]  }
0x7b: {  	v1 =	vld [tilespmem:s8+$0x40];
	_ =	sdelay $0x4  }
0x7c: {  	v0 =	vmul.f32 v1, v0;
	_ =	sdelay $0x1  }
0x7d: {  	[tilespmem:s6+$0x40] =	vst v0;
	v0 =	vld [tilespmem:s6+$0x50]  }
0x7e: {  	v1 =	vld [tilespmem:s8+$0x50];
	_ =	sdelay $0x4  }
0x7f: {  	v0 =	vmul.f32 v1, v0;
	_ =	sdelay $0x1  }
0x80: {  	[tilespmem:s6+$0x50] =	vst v0;
	v0 =	vld [tilespmem:s6+$0x60]  }
0x81: {  	v1 =	vld [tilespmem:s8+$0x60];
	_ =	sdelay $0x4  }
0x82: {  	v0 =	vmul.f32 v1, v0;
	_ =	sdelay $0x1  }
0x83: {  	[tilespmem:s6+$0x60] =	vst v0;
	v0 =	vld [tilespmem:s6+$0x70]  }
0x84: {  	v1 =	vld [tilespmem:s8+$0x70];
	_ =	sdelay $0x4  }
0x85: {  	v0 =	vmul.f32 v1, v0  }
0x86: {  	s13 =	simm.s32 $0x0;
	s18 =	simm.s32 $0x2480  }
.LBB2_4:
0x87: {  	v1 =	vld [tilespmem:s18+$0xFFFFFF80];
	[tilespmem:s6+$0x70] =	vst v0;
	s8 =	sadd.s32 $0x100, s8;
	s6 =	smov.u32 s18  }
0x88: {  	s13 =	sadd.s32 $0x8, s13;
	v0 =	vld [tilespmem:s8+$0xFFFFFF80]  }
0x89: {  	p3 =	slt.u32 s13, $0x78;
	_ =	sdelay $0x3  }
0x8a: {  	v0 =	vmul.f32 v0, v1;
	_ =	sdelay $0x1  }
0x8b: {  	[tilespmem:s18+$0xFFFFFF80] =	vst v0;
	v0 =	vld [tilespmem:s18+$0xFFFFFF90]  }
0x8c: {  	v1 =	vld [tilespmem:s8+$0xFFFFFF90];
	_ =	sdelay $0x4  }
0x8d: {  	v0 =	vmul.f32 v1, v0;
	_ =	sdelay $0x1  }
0x8e: {  	[tilespmem:s18+$0xFFFFFF90] =	vst v0;
	v0 =	vld [tilespmem:s18+$0xFFFFFFA0]  }
0x8f: {  	v1 =	vld [tilespmem:s8+$0xFFFFFFA0];
	_ =	sdelay $0x4  }
0x90: {  	v0 =	vmul.f32 v1, v0;
	_ =	sdelay $0x1  }
0x91: {  	[tilespmem:s18+$0xFFFFFFA0] =	vst v0;
	v0 =	vld [tilespmem:s18+$0xFFFFFFB0]  }
0x92: {  	v1 =	vld [tilespmem:s8+$0xFFFFFFB0];
	_ =	sdelay $0x4  }
0x93: {  	v0 =	vmul.f32 v1, v0;
	_ =	sdelay $0x1  }
0x94: {  	[tilespmem:s18+$0xFFFFFFB0] =	vst v0;
	v0 =	vld [tilespmem:s18+$0xFFFFFFC0]  }
0x95: {  	v1 =	vld [tilespmem:s8+$0xFFFFFFC0];
	_ =	sdelay $0x4  }
0x96: {  	v0 =	vmul.f32 v1, v0;
	_ =	sdelay $0x1  }
0x97: {  	[tilespmem:s18+$0xFFFFFFC0] =	vst v0;
	v0 =	vld [tilespmem:s18+$0xFFFFFFD0]  }
0x98: {  	v1 =	vld [tilespmem:s8+$0xFFFFFFD0];
	_ =	sdelay $0x4  }
0x99: {  	v0 =	vmul.f32 v1, v0;
	_ =	sdelay $0x1  }
0x9a: {  	[tilespmem:s18+$0xFFFFFFD0] =	vst v0;
	v0 =	vld [tilespmem:s18+$0xFFFFFFE0]  }
0x9b: {  	v1 =	vld [tilespmem:s8+$0xFFFFFFE0];
	_ =	sdelay $0x4  }
0x9c: {  	v0 =	vmul.f32 v1, v0;
	_ =	sdelay $0x1  }
0x9d: {  	[tilespmem:s18+$0xFFFFFFE0] =	vst v0;
	v0 =	vld [tilespmem:s18+$0xFFFFFFF0]  }
0x9e: {  	v1 =	vld [tilespmem:s8+$0xFFFFFFF0];
	_ =	sdelay $0x4  }
0x9f: {  	v0 =	vmul.f32 v1, v0;
	_ =	sdelay $0x1  }
0xa0: {  	[tilespmem:s18+$0xFFFFFFF0] =	vst v0;
	v0 =	vld [tilespmem:s18+$0x0]  }
0xa1: {  	v1 =	vld [tilespmem:s8+$0x0];
	_ =	sdelay $0x4  }
0xa2: {  	v0 =	vmul.f32 v1, v0;
	_ =	sdelay $0x1  }
0xa3: {  	[tilespmem:s18+$0x0] =	vst v0;
	v0 =	vld [tilespmem:s18+$0x10]  }
0xa4: {  	v1 =	vld [tilespmem:s8+$0x10];
	_ =	sdelay $0x4  }
0xa5: {  	v0 =	vmul.f32 v1, v0;
	_ =	sdelay $0x1  }
0xa6: {  	[tilespmem:s18+$0x10] =	vst v0;
	v0 =	vld [tilespmem:s18+$0x20]  }
0xa7: {  	v1 =	vld [tilespmem:s8+$0x20];
	_ =	sdelay $0x4  }
0xa8: {  	v0 =	vmul.f32 v1, v0;
	_ =	sdelay $0x1  }
0xa9: {  	[tilespmem:s18+$0x20] =	vst v0;
	v0 =	vld [tilespmem:s18+$0x30]  }
0xaa: {  	v1 =	vld [tilespmem:s8+$0x30];
	_ =	sdelay $0x4  }
0xab: {  	v0 =	vmul.f32 v1, v0;
	_ =	sdelay $0x1  }
0xac: {  	[tilespmem:s18+$0x30] =	vst v0;
	v0 =	vld [tilespmem:s18+$0x40]  }
0xad: {  	v1 =	vld [tilespmem:s8+$0x40];
	_ =	sdelay $0x4  }
0xae: {  	v0 =	vmul.f32 v1, v0;
	_ =	sdelay $0x1  }
0xaf: {  	[tilespmem:s18+$0x40] =	vst v0;
	v0 =	vld [tilespmem:s18+$0x50]  }
0xb0: {  	v1 =	vld [tilespmem:s8+$0x50];
	_ =	sdelay $0x4  }
0xb1: {  	v0 =	vmul.f32 v1, v0;
	_ =	sdelay $0x1  }
0xb2: {  	[tilespmem:s18+$0x50] =	vst v0;
	v0 =	vld [tilespmem:s18+$0x60]  }
0xb3: {  	v1 =	vld [tilespmem:s8+$0x60];
	_ =	sdelay $0x4  }
0xb4: {  	v0 =	vmul.f32 v1, v0;
	_ =	sdelay $0x1  }
0xb5: {  	[tilespmem:s18+$0x60] =	vst v0;
	v0 =	vld [tilespmem:s18+$0x70]  }
0xb6: {  	v1 =	vld [tilespmem:s8+$0x70];
	_ =	sdelay $0x1  }
.Ltmp5:
0xb7: {  	(pc) =	sbr.rel @p3 .LBB2_4-.Ltmp5, $3  }
0xb8: {  	_ =	sdelay $0x1  }
0xb9: {  	v0 =	vmul.f32 v1, v0  }
0xba: {  	s18 =	sadd.s32 $0x100, s18  }
0xbb: {  	[tilespmem:s6+$0x70] =	vst v0  }
0xbc: {  	v0 =	vld [tilespmem:$0x2180]  }
0xbd: {  	v1 =	vld [tilespmem:$0x2190]  }
0xbe: {  	v2 =	vld [tilespmem:$0x21A0]  }
0xbf: {  	v3 =	vld [tilespmem:$0x21B0]  }
0xc0: {  	v4 =	vld [tilespmem:$0x21C0]  }
0xc1: {  	v61 =	vld [tilespmem:$0x21D0];
	[tilespmem:$0x2200] =	vst v0  }
0xc2: {  	v62 =	vld [tilespmem:$0x21E0];
	[tilespmem:$0x2210] =	vst v1  }
0xc3: {  	v63 =	vld [tilespmem:$0x21F0];
	[tilespmem:$0x2220] =	vst v2  }
0xc4: {  	[tilespmem:$0x2230] =	vst v3  }
0xc5: {  	[tilespmem:$0x2240] =	vst v4  }
0xc6: {  	[tilespmem:$0x2250] =	vst v61  }
0xc7: {  	[tilespmem:$0x2260] =	vst v62  }
0xc8: {  	[tilespmem:$0x2270] =	vst v63  }
0xc9: {  	[spmem:s1] =	stream.indirect.scatter.add.f32 [tilespmem:s26], [sflag:$0x8], $0x20, s23, s22, $0xb8;
	[tilespmem:$0x1C9A0] =	vst v63  }
.LBB2_6:
0xca: {  	s2 =	sor.u32 $0x10, s2  }
0xcb: {  	p3 =	sgt.u32 s2, $0x1869  }
0xcc: {  	s6 =	sshll.u32 @!p3 s2, $0x4  }
0xcd: {  	s13 =	simm.s32 @!p3 $0x0;
	s18 =	simm.s32 @!p3 $0x2180;
	s8 =	sadd.s32 @!p3 s4, s6  }
0xce: {  	[tilespmem:s18], [sflag:$0x5] =	stream.linear.gather @!p3 [hbm4b:s8+s13], $0x80, $0x38;
	[tilespmem:$0x1C9A0] =	vst v63  }
0xcf: {  	s6 =	sadd.s32 @!p3 s6, s7;
	s8 =	simm.s32 @!p3 $0x2280  }
0xd0: {  	[tilespmem:s8], [sflag:$0x5] =	stream.linear.gather @!p3 [hbm4b:s6+s13], $0x80, $0x38;
	[tilespmem:$0x1C9A0] =	vst v63  }
0xd1: {  	s6 =	simm.s32 @!p3 $0x5  }
0xd2: {  	_ =	swait.ge @!p3 [sflag:s6], $0x80  }
0xd3: {  	[sflag:s6] =	ssyncset.done @!p3 $0x0  }
0xd4: {  	[sflag:s6] =	ssyncadd.s32 @!p3 $0xFFFFFF80  }
0xd5: {  	_ =	swait.ge @!p3 [sflag:s6], $0x80  }
0xd6: {  	[sflag:s6] =	ssyncset.done @!p3 $0x0  }
0xd7: {  	[sflag:s6] =	ssyncadd.s32 @!p3 $0xFFFFFF80;
	s6 =	simm.s32 @p2 $0x8  }
0xd8: {  	_ =	swait.ge @p2 [sflag:s6], $0x1000  }
.Ltmp6:
0xd9: {  	s2 =	sshll.u32 @!p3 s2, $0x9;
	[sflag:s6] =	ssyncset.done @p2 $0x0;
	(pc) =	sbr.rel @p1 .LBB2_10-.Ltmp6, $4  }
0xda: {  	s18 =	simm.s32 @!p3 $0x2300;
	[sflag:s6] =	ssyncadd.s32 @p2 $0xFFFFF000;
	s6 =	simm.s32 @!p3 $0x80  }
0xdb: {  	[tilespmem:s18], [sflag:$0x6] =	stream.indirect.gather @!p3 [hbm4b:s10+s6], $0x20, s8, s6, $0xb8;
	[tilespmem:$0x1C9A0] =	vst v63  }
0xdc: {  	s2 =	sadd.s32 @!p3 s2, s11;
	s6 =	simm.s32 @!p3 $0x3300  }
0xdd: {  	[tilespmem:s6], [sflag:$0x7] =	stream.linear.gather @!p3 [hbm4b:s2+s13], $0x1000, $0x38;
	[tilespmem:$0x1C9A0] =	vst v63  }
0xde: {  	_ =	swait.ge [sflag:s28], $0x1000  }
0xdf: {  	[sflag:s28] =	ssyncset.done $0x0  }
0xe0: {  	[sflag:s28] =	ssyncadd.s32 $0xFFFFF000  }
0xe1: {  	_ =	swait.ge [sflag:s29], $0x1000  }
0xe2: {  	[sflag:s29] =	ssyncset.done $0x0  }
0xe3: {  	s2 =	simm.s32 $0x200;
	[sflag:s29] =	ssyncadd.s32 $0xFFFFF000  }
0xe4: {  	s6 =	simm.s32 $0x1200;
	v0 =	vld [tilespmem:s2+$0xFFFFFF80]  }
0xe5: {  	v1 =	vld [tilespmem:s6+$0xFFFFFF80];
	_ =	sdelay $0x4  }
0xe6: {  	v0 =	vmul.f32 v1, v0;
	_ =	sdelay $0x1  }
0xe7: {  	[tilespmem:s2+$0xFFFFFF80] =	vst v0;
	v0 =	vld [tilespmem:s2+$0xFFFFFF90]  }
0xe8: {  	v1 =	vld [tilespmem:s6+$0xFFFFFF90];
	_ =	sdelay $0x4  }
0xe9: {  	v0 =	vmul.f32 v1, v0;
	_ =	sdelay $0x1  }
0xea: {  	[tilespmem:s2+$0xFFFFFF90] =	vst v0;
	v0 =	vld [tilespmem:s2+$0xFFFFFFA0]  }
0xeb: {  	v1 =	vld [tilespmem:s6+$0xFFFFFFA0];
	_ =	sdelay $0x4  }
0xec: {  	v0 =	vmul.f32 v1, v0;
	_ =	sdelay $0x1  }
0xed: {  	[tilespmem:s2+$0xFFFFFFA0] =	vst v0;
	v0 =	vld [tilespmem:s2+$0xFFFFFFB0]  }
0xee: {  	v1 =	vld [tilespmem:s6+$0xFFFFFFB0];
	_ =	sdelay $0x4  }
0xef: {  	v0 =	vmul.f32 v1, v0;
	_ =	sdelay $0x1  }
0xf0: {  	[tilespmem:s2+$0xFFFFFFB0] =	vst v0;
	v0 =	vld [tilespmem:s2+$0xFFFFFFC0]  }
0xf1: {  	v1 =	vld [tilespmem:s6+$0xFFFFFFC0];
	_ =	sdelay $0x4  }
0xf2: {  	v0 =	vmul.f32 v1, v0;
	_ =	sdelay $0x1  }
0xf3: {  	[tilespmem:s2+$0xFFFFFFC0] =	vst v0;
	v0 =	vld [tilespmem:s2+$0xFFFFFFD0]  }
0xf4: {  	v1 =	vld [tilespmem:s6+$0xFFFFFFD0];
	_ =	sdelay $0x4  }
0xf5: {  	v0 =	vmul.f32 v1, v0;
	_ =	sdelay $0x1  }
0xf6: {  	[tilespmem:s2+$0xFFFFFFD0] =	vst v0;
	v0 =	vld [tilespmem:s2+$0xFFFFFFE0]  }
0xf7: {  	v1 =	vld [tilespmem:s6+$0xFFFFFFE0];
	_ =	sdelay $0x4  }
0xf8: {  	v0 =	vmul.f32 v1, v0;
	_ =	sdelay $0x1  }
0xf9: {  	[tilespmem:s2+$0xFFFFFFE0] =	vst v0;
	v0 =	vld [tilespmem:s2+$0xFFFFFFF0]  }
0xfa: {  	v1 =	vld [tilespmem:s6+$0xFFFFFFF0];
	_ =	sdelay $0x4  }
0xfb: {  	v0 =	vmul.f32 v1, v0;
	_ =	sdelay $0x1  }
0xfc: {  	[tilespmem:s2+$0xFFFFFFF0] =	vst v0;
	v0 =	vld [tilespmem:s2+$0x0]  }
0xfd: {  	v1 =	vld [tilespmem:s6+$0x0];
	_ =	sdelay $0x4  }
0xfe: {  	v0 =	vmul.f32 v1, v0;
	_ =	sdelay $0x1  }
0xff: {  	[tilespmem:s2+$0x0] =	vst v0;
	v0 =	vld [tilespmem:s2+$0x10]  }
0x100: {  	v1 =	vld [tilespmem:s6+$0x10];
	_ =	sdelay $0x4  }
0x101: {  	v0 =	vmul.f32 v1, v0;
	_ =	sdelay $0x1  }
0x102: {  	[tilespmem:s2+$0x10] =	vst v0;
	v0 =	vld [tilespmem:s2+$0x20]  }
0x103: {  	v1 =	vld [tilespmem:s6+$0x20];
	_ =	sdelay $0x4  }
0x104: {  	v0 =	vmul.f32 v1, v0;
	_ =	sdelay $0x1  }
0x105: {  	[tilespmem:s2+$0x20] =	vst v0;
	v0 =	vld [tilespmem:s2+$0x30]  }
0x106: {  	v1 =	vld [tilespmem:s6+$0x30];
	_ =	sdelay $0x4  }
0x107: {  	v0 =	vmul.f32 v1, v0;
	_ =	sdelay $0x1  }
0x108: {  	[tilespmem:s2+$0x30] =	vst v0;
	v0 =	vld [tilespmem:s2+$0x40]  }
0x109: {  	v1 =	vld [tilespmem:s6+$0x40];
	_ =	sdelay $0x4  }
0x10a: {  	v0 =	vmul.f32 v1, v0;
	_ =	sdelay $0x1  }
0x10b: {  	[tilespmem:s2+$0x40] =	vst v0;
	v0 =	vld [tilespmem:s2+$0x50]  }
0x10c: {  	v1 =	vld [tilespmem:s6+$0x50];
	_ =	sdelay $0x4  }
0x10d: {  	v0 =	vmul.f32 v1, v0;
	_ =	sdelay $0x1  }
0x10e: {  	[tilespmem:s2+$0x50] =	vst v0;
	v0 =	vld [tilespmem:s2+$0x60]  }
0x10f: {  	v1 =	vld [tilespmem:s6+$0x60];
	_ =	sdelay $0x4  }
0x110: {  	v0 =	vmul.f32 v1, v0;
	_ =	sdelay $0x1  }
0x111: {  	[tilespmem:s2+$0x60] =	vst v0;
	v0 =	vld [tilespmem:s2+$0x70]  }
0x112: {  	v1 =	vld [tilespmem:s6+$0x70];
	_ =	sdelay $0x4  }
0x113: {  	v0 =	vmul.f32 v1, v0  }
0x114: {  	s8 =	simm.s32 $0x0;
	s13 =	simm.s32 $0x300  }
.LBB2_8:
0x115: {  	v1 =	vld [tilespmem:s13+$0xFFFFFF80];
	[tilespmem:s2+$0x70] =	vst v0;
	s6 =	sadd.s32 $0x100, s6;
	s2 =	smov.u32 s13  }
0x116: {  	s8 =	sadd.s32 $0x8, s8;
	v0 =	vld [tilespmem:s6+$0xFFFFFF80]  }
0x117: {  	p1 =	slt.u32 s8, $0x78;
	_ =	sdelay $0x3  }
0x118: {  	v0 =	vmul.f32 v0, v1;
	_ =	sdelay $0x1  }
0x119: {  	[tilespmem:s13+$0xFFFFFF80] =	vst v0;
	v0 =	vld [tilespmem:s13+$0xFFFFFF90]  }
0x11a: {  	v1 =	vld [tilespmem:s6+$0xFFFFFF90];
	_ =	sdelay $0x4  }
0x11b: {  	v0 =	vmul.f32 v1, v0;
	_ =	sdelay $0x1  }
0x11c: {  	[tilespmem:s13+$0xFFFFFF90] =	vst v0;
	v0 =	vld [tilespmem:s13+$0xFFFFFFA0]  }
0x11d: {  	v1 =	vld [tilespmem:s6+$0xFFFFFFA0];
	_ =	sdelay $0x4  }
0x11e: {  	v0 =	vmul.f32 v1, v0;
	_ =	sdelay $0x1  }
0x11f: {  	[tilespmem:s13+$0xFFFFFFA0] =	vst v0;
	v0 =	vld [tilespmem:s13+$0xFFFFFFB0]  }
0x120: {  	v1 =	vld [tilespmem:s6+$0xFFFFFFB0];
	_ =	sdelay $0x4  }
0x121: {  	v0 =	vmul.f32 v1, v0;
	_ =	sdelay $0x1  }
0x122: {  	[tilespmem:s13+$0xFFFFFFB0] =	vst v0;
	v0 =	vld [tilespmem:s13+$0xFFFFFFC0]  }
0x123: {  	v1 =	vld [tilespmem:s6+$0xFFFFFFC0];
	_ =	sdelay $0x4  }
0x124: {  	v0 =	vmul.f32 v1, v0;
	_ =	sdelay $0x1  }
0x125: {  	[tilespmem:s13+$0xFFFFFFC0] =	vst v0;
	v0 =	vld [tilespmem:s13+$0xFFFFFFD0]  }
0x126: {  	v1 =	vld [tilespmem:s6+$0xFFFFFFD0];
	_ =	sdelay $0x4  }
0x127: {  	v0 =	vmul.f32 v1, v0;
	_ =	sdelay $0x1  }
0x128: {  	[tilespmem:s13+$0xFFFFFFD0] =	vst v0;
	v0 =	vld [tilespmem:s13+$0xFFFFFFE0]  }
0x129: {  	v1 =	vld [tilespmem:s6+$0xFFFFFFE0];
	_ =	sdelay $0x4  }
0x12a: {  	v0 =	vmul.f32 v1, v0;
	_ =	sdelay $0x1  }
0x12b: {  	[tilespmem:s13+$0xFFFFFFE0] =	vst v0;
	v0 =	vld [tilespmem:s13+$0xFFFFFFF0]  }
0x12c: {  	v1 =	vld [tilespmem:s6+$0xFFFFFFF0];
	_ =	sdelay $0x4  }
0x12d: {  	v0 =	vmul.f32 v1, v0;
	_ =	sdelay $0x1  }
0x12e: {  	[tilespmem:s13+$0xFFFFFFF0] =	vst v0;
	v0 =	vld [tilespmem:s13+$0x0]  }
0x12f: {  	v1 =	vld [tilespmem:s6+$0x0];
	_ =	sdelay $0x4  }
0x130: {  	v0 =	vmul.f32 v1, v0;
	_ =	sdelay $0x1  }
0x131: {  	[tilespmem:s13+$0x0] =	vst v0;
	v0 =	vld [tilespmem:s13+$0x10]  }
0x132: {  	v1 =	vld [tilespmem:s6+$0x10];
	_ =	sdelay $0x4  }
0x133: {  	v0 =	vmul.f32 v1, v0;
	_ =	sdelay $0x1  }
0x134: {  	[tilespmem:s13+$0x10] =	vst v0;
	v0 =	vld [tilespmem:s13+$0x20]  }
0x135: {  	v1 =	vld [tilespmem:s6+$0x20];
	_ =	sdelay $0x4  }
0x136: {  	v0 =	vmul.f32 v1, v0;
	_ =	sdelay $0x1  }
0x137: {  	[tilespmem:s13+$0x20] =	vst v0;
	v0 =	vld [tilespmem:s13+$0x30]  }
0x138: {  	v1 =	vld [tilespmem:s6+$0x30];
	_ =	sdelay $0x4  }
0x139: {  	v0 =	vmul.f32 v1, v0;
	_ =	sdelay $0x1  }
0x13a: {  	[tilespmem:s13+$0x30] =	vst v0;
	v0 =	vld [tilespmem:s13+$0x40]  }
0x13b: {  	v1 =	vld [tilespmem:s6+$0x40];
	_ =	sdelay $0x4  }
0x13c: {  	v0 =	vmul.f32 v1, v0;
	_ =	sdelay $0x1  }
0x13d: {  	[tilespmem:s13+$0x40] =	vst v0;
	v0 =	vld [tilespmem:s13+$0x50]  }
0x13e: {  	v1 =	vld [tilespmem:s6+$0x50];
	_ =	sdelay $0x4  }
0x13f: {  	v0 =	vmul.f32 v1, v0;
	_ =	sdelay $0x1  }
0x140: {  	[tilespmem:s13+$0x50] =	vst v0;
	v0 =	vld [tilespmem:s13+$0x60]  }
0x141: {  	v1 =	vld [tilespmem:s6+$0x60];
	_ =	sdelay $0x4  }
0x142: {  	v0 =	vmul.f32 v1, v0;
	_ =	sdelay $0x1  }
0x143: {  	[tilespmem:s13+$0x60] =	vst v0;
	v0 =	vld [tilespmem:s13+$0x70]  }
0x144: {  	v1 =	vld [tilespmem:s6+$0x70];
	_ =	sdelay $0x1  }
.Ltmp7:
0x145: {  	(pc) =	sbr.rel @p1 .LBB2_8-.Ltmp7, $3  }
0x146: {  	_ =	sdelay $0x1  }
0x147: {  	v0 =	vmul.f32 v1, v0  }
0x148: {  	s13 =	sadd.s32 $0x100, s13  }
0x149: {  	[tilespmem:s2+$0x70] =	vst v0  }
0x14a: {  	v0 =	vld [tilespmem:$0x0]  }
0x14b: {  	v1 =	vld [tilespmem:$0x10]  }
0x14c: {  	v2 =	vld [tilespmem:$0x20]  }
0x14d: {  	v3 =	vld [tilespmem:$0x30]  }
0x14e: {  	v4 =	vld [tilespmem:$0x40]  }
0x14f: {  	v61 =	vld [tilespmem:$0x50];
	[tilespmem:$0x80] =	vst v0  }
0x150: {  	v62 =	vld [tilespmem:$0x60];
	[tilespmem:$0x90] =	vst v1  }
0x151: {  	v63 =	vld [tilespmem:$0x70];
	[tilespmem:$0xA0] =	vst v2  }
0x152: {  	[tilespmem:$0xB0] =	vst v3  }
.Ltmp8:
0x153: {  	[tilespmem:$0xC0] =	vst v4;
	(pc) =	sbr.rel .LBB2_10-.Ltmp8, $4  }
0x154: {  	[tilespmem:$0xD0] =	vst v61  }
0x155: {  	[tilespmem:$0xE0] =	vst v62  }
0x156: {  	[tilespmem:$0xF0] =	vst v63  }
0x157: {  	[spmem:s1] =	stream.indirect.scatter.add.f32 [tilespmem:s30], [sflag:$0x4], $0x20, s22, s22, $0xb8;
	[tilespmem:$0x1C9A0] =	vst v63  }
.LBB2_12:
0x158: {  	_ =	sfence.sel $0x180000  }
0x159: {  	[bflag:$0x0] =	sbarrier.arrive $0xFFFF  }
0x15a: {  	_ =	strace $0x9000004D  }
0x15b: {  	[bflag:$0x2] =	sbarrier.arrive $0xFFFF  }
0x15c: {  	p0 =	sne.s32 s3, $0x0;
	s0 =	rddreg [dreg:$0x2]  }
0x15d: {  	s0 =	sadd.s32 @!p0 $0x100000, s0  }
0x15e: {  	[sflag:s0] =	ssyncadd.tile.s32 @!p0 $0x1;
	_ =	shalt  }
.Lfunc_end2:
_tile_overlayer_lowered:
.L_overlay_start_2:
0x15f: {  	(tag) =	ssettag $0x2  }
0x160: {  	s0 =	rddreg [dreg:$0x0];
	s2 =	stileid.u32  }
0x161: {  	s1 =	rddreg [dreg:$0x1];
	p0 =	sne.s32 s2, $0x0  }
0x162: {  	s3 =	rddreg [dreg:$0x2];
	[bflag:$0x3] =	sbarrier.arrive $0xFFFF;
	s2 =	simm.s32 @!p0 $0x1C09  }
0x163: {  	[timem:s3], [sflag:s2] =	dma.local @!p0 [hbm:s0], s1  }
0x164: {  	s0 =	simm.s32 @!p0 $0x9  }
0x165: {  	_ =	swait.ge @!p0 [sflag:s0], s1  }
0x166: {  	s1 =	ssub.s32 @!p0 $0x0, s1;
	[sflag:s0] =	ssyncset.done @!p0 $0x0  }
0x167: {  	[sflag:s0] =	ssyncadd.s32 @!p0 s1  }
0x168: {  	[bflag:$0x3] =	sbarrier.arrive $0xFFFF  }
0x169: {  	_ =	shalt  }

</sc_bundles>
